<compile_context>
chip_gen: v7x
topology: tpu7x:2x2x1
jax: 0.10.2.dev20260603
libtpu: 0.0.44.dev20260713+nightly
codegen_flags: <defaults>
</compile_context>

<pallas_src>
import dataclasses

import jax
import jax.numpy as jnp
from jax import lax
from jax.experimental import pallas as pl
from jax.experimental.pallas import tpu as pltpu
from jax.experimental.pallas import tpu_sc as plsc

NC = 2
NS = 16
NW = NC * NS
L = 16
CH = 128

_HIGH = lax.Precision.HIGHEST


def _mesh():
    return plsc.VectorSubcoreMesh(core_axis_name="c", subcore_axis_name="s")


def _sc_params():
    cp = pltpu.CompilerParams()
    if "needs_layout_passes" in pltpu.CompilerParams.__dataclass_fields__:
        cp = dataclasses.replace(cp, needs_layout_passes=False)
    return cp


def _pad(nn):
    return -(-nn // (NS * CH)) * (NS * CH)


def _deg_sc(dst, nn):
    E = dst.shape[0]
    EW = E // NW
    nnp = _pad(nn)
    assert E % (NW * L) == 0

    def body(dst_hbm, out_hbm, idx_v, acc_v):
        cid = lax.axis_index("c")
        sid = lax.axis_index("s")
        wid = sid * NC + cid
        pltpu.sync_copy(dst_hbm.at[pl.ds(wid * EW, EW)], idx_v)

        @pl.loop(0, nnp, step=L)
        def _(i):
            acc_v[0, pl.ds(i, L)] = jnp.zeros((L,), jnp.float32)

        ones = jnp.ones((L,), jnp.float32)
        z16 = jnp.zeros((L,), jnp.int32)

        @pl.loop(0, EW, step=L)
        def _(i):
            d16 = idx_v[pl.ds(i, L)]
            plsc.addupdate_scatter(acc_v, [z16, d16], ones)

        pltpu.sync_copy(acc_v, out_hbm.at[wid])

    k = pl.kernel(
        body,
        out_type=jax.ShapeDtypeStruct((NW, 1, nnp), jnp.float32),
        mesh=_mesh(),
        scratch_types=[
            pltpu.VMEM((EW,), jnp.int32),
            pltpu.VMEM((1, nnp), jnp.float32),
        ],
        compiler_params=_sc_params(),
    )
    return k(dst)


def _w_sc(src, dst, norm_row, nn):
    E = src.shape[0]
    EW = E // NW
    nnp = _pad(nn)
    assert E % (NW * L) == 0

    def body(src_hbm, dst_hbm, nr_hbm, out_hbm, sidx, didx, norm_v, w_v,
             sem):
        cid = lax.axis_index("c")
        sid = lax.axis_index("s")
        wid = sid * NC + cid
        base = wid * EW
        pltpu.async_copy(src_hbm.at[pl.ds(base, EW)], sidx, sem)
        pltpu.async_copy(dst_hbm.at[pl.ds(base, EW)], didx, sem)
        pltpu.async_copy(nr_hbm, norm_v, sem)

        @pl.loop(0, nnp, step=L)
        def _(i):
            w_v[0, pl.ds(i, L)] = jnp.zeros((L,), jnp.float32)

        pltpu.make_async_copy(src_hbm.at[pl.ds(0, EW)], sidx, sem).wait()
        pltpu.make_async_copy(dst_hbm.at[pl.ds(0, EW)], didx, sem).wait()
        pltpu.make_async_copy(nr_hbm, norm_v, sem).wait()

        z16 = jnp.zeros((L,), jnp.int32)

        @pl.loop(0, EW, step=L)
        def _(i):
            s16 = sidx[pl.ds(i, L)]
            d16 = didx[pl.ds(i, L)]
            vals = plsc.load_gather(norm_v, [z16, d16])
            plsc.addupdate_scatter(w_v, [z16, s16], vals)

        pltpu.sync_copy(w_v, out_hbm.at[wid])

    k = pl.kernel(
        body,
        out_type=jax.ShapeDtypeStruct((NW, 1, nnp), jnp.float32),
        mesh=_mesh(),
        scratch_types=[
            pltpu.VMEM((EW,), jnp.int32),
            pltpu.VMEM((EW,), jnp.int32),
            pltpu.VMEM((1, nnp), jnp.float32),
            pltpu.VMEM((1, nnp), jnp.float32),
            pltpu.SemaphoreType.DMA,
        ],
        compiler_params=_sc_params(),
    )
    return k(src, dst, norm_row)


def _agg_sc(hn, src_p, dst2, n_full):
    nn, D = hn.shape
    nnp = _pad(nn)
    RT = nnp // NS
    ZR = 32
    assert RT % ZR == 0 and n_full >= 6 and n_full % 4 == 0

    def body(hn_hbm, src_hbm, dst_hbm, agg_hbm,
             srci, didx, rows, agg_sh,
             semi0, semi1, semi2, semi3, semg0, semg1, sems0, sems1):
        semi = (semi0, semi1, semi2, semi3)
        semg = (semg0, semg1)
        sems = (sems0, sems1)
        cid = lax.axis_index("c")
        sid = lax.axis_index("s")
        wid = sid * NC + cid
        ebase = wid * n_full * CH

        pltpu.async_copy(dst_hbm.at[pl.ds(wid * n_full, n_full)], didx,
                         semg0)

        @pl.loop(0, ZR)
        def _(r):
            @pl.loop(0, D, step=L)
            def _(j):
                rows[0, r, pl.ds(j, L)] = jnp.zeros((L,), jnp.float32)

        @pl.loop(0, RT, step=ZR)
        def _(r):
            pltpu.async_copy(rows.at[0, pl.ds(0, ZR)],
                             agg_sh.at[pl.ds(sid * RT + r, ZR)], semg1)

        @pl.loop(0, RT, step=ZR)
        def _(r):
            pltpu.make_async_copy(rows.at[0, pl.ds(0, ZR)],
                                  agg_sh.at[pl.ds(0, ZR)], semg1).wait()

        pltpu.make_async_copy(dst_hbm.at[pl.ds(0, n_full)], didx,
                              semg0).wait()

        plsc.subcore_barrier()

        def idx_issue(c, s4):
            pltpu.async_copy(src_hbm.at[pl.ds(ebase + c * CH, CH)],
                             srci.at[s4], semi[s4])

        def idx_wait(s4):
            pltpu.make_async_copy(src_hbm.at[pl.ds(0, CH)],
                                  srci.at[s4], semi[s4]).wait()

        def gat_issue(s4, s2):
            pltpu.async_copy(hn_hbm.at[srci.at[s4]], rows.at[s2], semg[s2])

        def gat_wait(s2):
            pltpu.make_async_copy(
                hn_hbm.at[srci.at[0]], rows.at[s2], semg[s2]).wait()

        def sct_issue(c, s2):
            pltpu.async_copy(
                rows.at[s2], agg_sh.at[didx.at[c]], sems[s2], add=True)

        def sct_wait(s2):
            pltpu.make_async_copy(
                rows.at[s2], agg_sh.at[didx.at[0]], sems[s2]).wait()

        def step(c, s4, s2, do_wait2, do_prev, do_pref):
            if do_wait2:
                sct_wait(s2)
            idx_wait(s4)
            if do_prev:
                gat_wait(1 - s2)
                sct_issue(c - 1, 1 - s2)
            gat_issue(s4, s2)
            if do_pref:
                idx_issue(c + 2, (s4 + 2) % 4)

        idx_issue(0, 0)
        idx_issue(1, 1)
        for k4 in range(4):
            step(k4, k4, k4 % 2, k4 >= 2, k4 >= 1, True)

        @pl.loop(4, n_full - 4, step=4)
        def _(g):
            for k4 in range(4):
                step(g + k4, k4, k4 % 2, True, True, True)

        for k4 in range(4):
            c = n_full - 4 + k4
            step(c, k4, k4 % 2, True, True, c + 2 < n_full)

        gat_wait(1)
        sct_issue(n_full - 1, 1)
        sct_wait(0)
        sct_wait(1)

        plsc.subcore_barrier()

        @pl.loop(0, RT, step=ZR)
        def _(r):
            pltpu.async_copy(agg_sh.at[pl.ds(sid * RT + r, ZR)],
                             agg_hbm.at[cid, pl.ds(sid * RT + r, ZR)],
                             semg0)

        @pl.loop(0, RT, step=ZR)
        def _(r):
            pltpu.make_async_copy(agg_sh.at[pl.ds(0, ZR)],
                                  agg_hbm.at[cid, pl.ds(0, ZR)],
                                  semg0).wait()

    k = pl.kernel(
        body,
        out_type=jax.ShapeDtypeStruct((NC, nnp, D), jnp.float32),
        mesh=_mesh(),
        scratch_types=[
            pltpu.VMEM((4, CH), jnp.int32),
            pltpu.VMEM((n_full, CH), jnp.int32),
            pltpu.VMEM((2, CH, D), jnp.float32),
            pltpu.VMEM_SHARED((nnp, D), jnp.float32),
            pltpu.SemaphoreType.DMA,
            pltpu.SemaphoreType.DMA,
            pltpu.SemaphoreType.DMA,
            pltpu.SemaphoreType.DMA,
            pltpu.SemaphoreType.DMA,
            pltpu.SemaphoreType.DMA,
            pltpu.SemaphoreType.DMA,
            pltpu.SemaphoreType.DMA,
        ],
        compiler_params=_sc_params(),
    )
    return k(hn, src_p, dst2)


def _tc_prolog(deg_part, x, W_in, b_in):
    nn, D = x.shape
    nnp = deg_part.shape[1]

    def body(dp_ref, x_ref, w_ref, b_ref, h_ref, nc_ref, nr_ref):
        deg = jnp.sum(dp_ref[...], axis=0, keepdims=True)
        norm_r = lax.rsqrt(jnp.maximum(deg, 1.0))
        nr_ref[...] = norm_r
        norm_c = jnp.transpose(norm_r)
        nc_ref[...] = norm_c
        h = jnp.dot(x_ref[...], w_ref[...],
                    preferred_element_type=jnp.float32, precision=_HIGH)
        h_ref[...] = (h + b_ref[...]) * norm_c[:nn]

    return pl.pallas_call(
        body,
        out_shape=[
            jax.ShapeDtypeStruct((nn, D), jnp.float32),
            jax.ShapeDtypeStruct((nnp, 1), jnp.float32),
            jax.ShapeDtypeStruct((1, nnp), jnp.float32),
        ],
    )(deg_part, x, W_in, b_in)


def _tc_mid(agg_part, norm_col, W, b, nn):
    D = agg_part.shape[2]

    def body(a_ref, nc_ref, w_ref, b_ref, o_ref):
        norm = nc_ref[...][:nn]
        a = a_ref[...]
        agg = (a[0, :nn] + a[1, :nn]) * norm
        h = jnp.dot(agg, w_ref[...],
                    preferred_element_type=jnp.float32, precision=_HIGH)
        o_ref[...] = jnp.maximum(h + b_ref[...], 0.0) * norm

    return pl.pallas_call(
        body, out_shape=jax.ShapeDtypeStruct((nn, D), jnp.float32),
    )(agg_part, norm_col, W, b)


def _tc_final(agg_part, norm_col, norm_row, w_part, W1, b1, W2, b2,
              W_out, b_out, nn):
    D = agg_part.shape[2]

    def body(a_ref, nc_ref, nr_ref, wp_ref, w1_ref, b1_ref, w2_ref, b2_ref,
             wo_ref, bo_ref, o_ref):
        norm = nc_ref[...][:nn]
        a = a_ref[...]
        agg = (a[0, :nn] + a[1, :nn]) * norm
        hc = jnp.maximum(
            jnp.dot(agg, w1_ref[...],
                    preferred_element_type=jnp.float32, precision=_HIGH)
            + b1_ref[...], 0.0)
        w_row = jnp.sum(wp_ref[...], axis=0, keepdims=True)
        c_col = jnp.transpose(w_row * nr_ref[...])[:nn]
        v = jnp.sum(hc * c_col, axis=0, keepdims=True)
        t = jnp.dot(v, w2_ref[...],
                    preferred_element_type=jnp.float32, precision=_HIGH)
        t = t + jnp.float32(nn) * b2_ref[...]
        o_ref[...] = jnp.dot(t, wo_ref[...],
                             preferred_element_type=jnp.float32,
                             precision=_HIGH) + bo_ref[...]

    return pl.pallas_call(
        body, out_shape=jax.ShapeDtypeStruct((1, D), jnp.float32),
    )(agg_part, norm_col, norm_row, w_part, W1, b1, W2, b2, W_out, b_out)


def kernel(x, edge_index, W_in, b_in, W0, b0, W1, b1, W2, b2, W_out, b_out):
    nn, D = x.shape
    nnp = _pad(nn)
    b_in2 = b_in.reshape(1, D)
    b02 = b0.reshape(1, D)
    b12 = b1.reshape(1, D)
    b22 = b2.reshape(1, D)
    b_out2 = b_out.reshape(1, D)
    src = edge_index[0]
    dst = edge_index[1]

    E = src.shape[0]
    EW = E // NW
    n_full = -(-EW // CH)
    n_full = -(-n_full // 4) * 4
    EWp = n_full * CH
    assert E % NW == 0 and nn < nnp
    npad = EWp - EW
    pad_src = jnp.broadcast_to(jnp.arange(npad, dtype=src.dtype) % nn,
                               (NW, npad))
    pad_dst = jnp.broadcast_to(
        nn + jnp.arange(npad, dtype=dst.dtype) % (nnp - nn), (NW, npad))
    src_p = jnp.concatenate([src.reshape(NW, EW), pad_src],
                            axis=1).reshape(NW * EWp)
    dst2 = jnp.concatenate([dst.reshape(NW, EW), pad_dst],
                           axis=1).reshape(NW * n_full, CH)

    deg_part = _deg_sc(dst, nn).reshape(NW, nnp)
    h0n, norm_col, norm_row = _tc_prolog(deg_part, x, W_in, b_in2)
    w_part = _w_sc(src, dst, norm_row, nn).reshape(NW, nnp)
    agg0 = _agg_sc(h0n, src_p, dst2, n_full)
    h1n = _tc_mid(agg0, norm_col, W0, b02, nn)
    agg1 = _agg_sc(h1n, src_p, dst2, n_full)
    return _tc_final(agg1, norm_col, norm_row, w_part, W1, b12, W2, b22,
                     W_out, b_out2, nn)

# --- scband reference (transcript-rebuilt; emitter-appended) ---
"""Pipeline reference for scband-feed-forward-dgl-61400852464087 (READ-ONLY COPY).

The authoritative reference and input builder live on the scoring server;
editing this copy changes nothing except your own understanding.
"""

import jax, jax.numpy as jnp
import numpy as np

N = 10000
E = 320000
D = 128


def setup_inputs(seed: int = 0) -> dict:
    key = jax.random.key(seed)
    ks = jax.random.split(key, 12)
    s = 1.0 / np.sqrt(D)
    x = jax.random.normal(ks[0], (N, D), dtype=jnp.float32)
    edge_index = jax.random.randint(ks[1], (2, E), 0, N, dtype=jnp.int32)
    W_in = jax.random.normal(ks[2], (D, D), dtype=jnp.float32) * s
    b_in = jnp.zeros((D,), dtype=jnp.float32)
    W0 = jax.random.normal(ks[3], (D, D), dtype=jnp.float32) * s
    b0 = jnp.zeros((D,), dtype=jnp.float32)
    W1 = jax.random.normal(ks[4], (D, D), dtype=jnp.float32) * s
    b1 = jnp.zeros((D,), dtype=jnp.float32)
    W2 = jax.random.normal(ks[5], (D, D), dtype=jnp.float32) * s
    b2 = jnp.zeros((D,), dtype=jnp.float32)
    W_out = jax.random.normal(ks[6], (D, D), dtype=jnp.float32) * s
    b_out = jnp.zeros((D,), dtype=jnp.float32)
    return {"x": x, "edge_index": edge_index, "W_in": W_in, "b_in": b_in,
            "W0": W0, "b0": b0, "W1": W1, "b1": b1, "W2": W2, "b2": b2,
            "W_out": W_out, "b_out": b_out}


def reference(x, edge_index, W_in, b_in, W0, b0, W1, b1, W2, b2, W_out, b_out):
    # FeedForwardDGL forward: in_linear -> 3 GCN layers (relu, relu, none) -> sum pool -> out_linear
    src = edge_index[0]
    dst = edge_index[1]
    n = x.shape[0]
    deg = jax.ops.segment_sum(jnp.ones(src.shape[0], dtype=jnp.float32), dst, num_segments=n)
    norm = jax.lax.rsqrt(jnp.maximum(deg, 1.0))[:, None]

    def gcn(h, W, b):
        # symmetric-normalized graph convolution: D^-1/2 A D^-1/2 h W + b
        hn = h * norm
        msg = jnp.take(hn, src, axis=0)
        agg = jax.ops.segment_sum(msg, dst, num_segments=n)
        return (agg * norm) @ W + b

    h = x @ W_in + b_in
    h = jax.nn.relu(gcn(h, W0, b0))
    h = jax.nn.relu(gcn(h, W1, b1))
    h = gcn(h, W2, b2)  # last_activation='none'
    pooled = jnp.sum(h, axis=0, keepdims=True)  # SumPooling over the single graph
    out = pooled @ W_out + b_out
    return out

if __name__ == "__main__":
    import jax
    _d = setup_inputs()
    print(jax.jit(kernel)(*tuple(_d.values())))

</pallas_src>

<mosaic_0001>
#map = affine_map<(d0, d1) -> (0)>
#map1 = affine_map<(d0, d1) -> (0, 0, 0)>
module attributes {stable_mosaic.version = 14 : i64} {
  func.func @body(%arg0: i32, %arg1: i32, %arg2: memref<320000xi32, #tpu.memory_space<hbm>>, %arg3: memref<32x1x10240xf32, #tpu.memory_space<hbm>>, %arg4: memref<10000xi32, #tpu.memory_space<vmem>>, %arg5: memref<1x10240xf32, #tpu.memory_space<vmem>>) attributes {dimension_semantics = [#tpu.dimension_semantics<core_parallel>, #tpu.dimension_semantics<subcore_parallel>], iteration_bounds = array<i64: 2, 16>, scalar_prefetch = 0 : i64, scratch_operands = 2 : i64, tpu.core_type = #tpu.core_type<sc_vector_subcore>, window_params = [{transform_indices = #map}, {transform_indices = #map1}]} {
    %mul3A = arith.constant 2 : i32
    %mul3A_0 = arith.muli %arg1, %mul3A : i32
    %add3A = arith.addi %mul3A_0, %arg0 : i32
    %mul3A_1 = arith.constant 10000 : i32
    %mul3A_2 = arith.muli %add3A, %mul3A_1 : i32
    "tpu.region"() ({
      %run_scoped3A = tpu.sem_alloc : memref<!tpu.dma_semaphore, #tpu.memory_space<semaphore_mem>>
      %dma_start3A = tpu.memref_slice %arg2[%mul3A_2] : memref<320000xi32, #tpu.memory_space<hbm>> -> memref<10000xi32, #tpu.memory_space<hbm>>
      %dma_start3A_15 = tpu.memref_slice %arg2[%mul3A_2] : memref<320000xi32, #tpu.memory_space<hbm>> -> memref<10000xi32, #tpu.memory_space<hbm>>
      tpu.enqueue_dma source(%dma_start3A_15 : memref<10000xi32, #tpu.memory_space<hbm>>) target(%arg4 : memref<10000xi32, #tpu.memory_space<vmem>>) target_semaphore(%run_scoped3A : memref<!tpu.dma_semaphore, #tpu.memory_space<semaphore_mem>>)
      %dma_wait3A = tpu.memref_slice %arg2[%mul3A_2] : memref<320000xi32, #tpu.memory_space<hbm>> -> memref<10000xi32, #tpu.memory_space<hbm>>
      %dma_wait3A_16 = tpu.memref_slice %arg2[%mul3A_2] : memref<320000xi32, #tpu.memory_space<hbm>> -> memref<10000xi32, #tpu.memory_space<hbm>>
      tpu.wait_dma2 semaphore(%run_scoped3A : memref<!tpu.dma_semaphore, #tpu.memory_space<semaphore_mem>>) src(%dma_wait3A_16 : memref<10000xi32, #tpu.memory_space<hbm>>) dst(%arg4 : memref<10000xi32, #tpu.memory_space<vmem>>)
      tpu.yield
    }) : () -> ()
    %scan3A = arith.constant 0 : i32
    %scan3A_3 = arith.constant 640 : i32
    %scan3A_4 = arith.addi %scan3A, %scan3A_3 : i32
    %scan3A_5 = arith.constant 1 : i32
    scf.for %scan3A_15 = %scan3A to %scan3A_4 step %scan3A_5  : i32 {
      %mul3A_16 = arith.constant 16 : i32
      %mul3A_17 = arith.muli %scan3A_15, %mul3A_16 : i32
      %add3A_18 = arith.constant 0 : i32
      %add3A_19 = arith.addi %add3A_18, %mul3A_17 : i32
      %broadcast_in_dim3A_20 = arith.constant 0.000000e+00 : f32
      %broadcast_in_dim3A_21 = vector.broadcast %broadcast_in_dim3A_20 : f32 to vector<16xf32>
      %swap3A = arith.constant 0 : i32
      %swap3A_22 = arith.index_cast %swap3A : i32 to index
      %swap3A_23 = arith.index_cast %add3A_19 : i32 to index
      %swap3A_24 = tpu.vector_load %arg5[%swap3A_22, %swap3A_23] {strides = array<i32>} : memref<1x10240xf32, #tpu.memory_space<vmem>>, vector<16xf32>,
      tpu.vector_store %arg5[%swap3A_22, %swap3A_23], %broadcast_in_dim3A_21 {strides = array<i32>} : memref<1x10240xf32, #tpu.memory_space<vmem>>, vector<16xf32>,
    }
    %scan3A_6 = arith.constant 640 : i32
    %broadcast_in_dim3A = arith.constant 1.000000e+00 : f32
    %broadcast_in_dim3A_7 = vector.broadcast %broadcast_in_dim3A : f32 to vector<16xf32>
    %broadcast_in_dim3A_8 = arith.constant 0 : i32
    %broadcast_in_dim3A_9 = vector.broadcast %broadcast_in_dim3A_8 : i32 to vector<16xi32>
    %scan3A_10 = arith.constant 0 : i32
    %scan3A_11 = arith.constant 625 : i32
    %scan3A_12 = arith.addi %scan3A_10, %scan3A_11 : i32
    %scan3A_13 = arith.constant 1 : i32
    scf.for %scan3A_15 = %scan3A_10 to %scan3A_12 step %scan3A_13  : i32 {
      %mul3A_16 = arith.constant 16 : i32
      %mul3A_17 = arith.muli %scan3A_15, %mul3A_16 : i32
      %add3A_18 = arith.constant 0 : i32
      %add3A_19 = arith.addi %add3A_18, %mul3A_17 : i32
      %get3A = arith.index_cast %add3A_19 : i32 to index
      %get3A_20 = tpu.vector_load %arg4[%get3A] {strides = array<i32>} : memref<10000xi32, #tpu.memory_space<vmem>>, vector<16xi32>,
      tpu.vector_store_idx %arg5[%broadcast_in_dim3A_9, %get3A_20], %broadcast_in_dim3A_7 {add = true} : memref<1x10240xf32, #tpu.memory_space<vmem>>[vector<16xi32>, vector<16xi32>], vector<16xf32>,
    }
    %scan3A_14 = arith.constant 625 : i32
    "tpu.region"() ({
      %run_scoped3A = tpu.sem_alloc : memref<!tpu.dma_semaphore, #tpu.memory_space<semaphore_mem>>
      %dma_start3A = arith.constant 0 : i32
      %dma_start3A_15 = arith.constant 0 : i32
      %dma_start3A_16 = tpu.memref_slice %arg3[%add3A, %dma_start3A, %dma_start3A_15] : memref<32x1x10240xf32, #tpu.memory_space<hbm>> -> memref<1x1x10240xf32, #tpu.memory_space<hbm>>
      %dma_start3A_17 = tpu.memref_squeeze %dma_start3A_16 : memref<1x1x10240xf32, #tpu.memory_space<hbm>> -> memref<1x10240xf32, #tpu.memory_space<hbm>>
      %dma_start3A_18 = arith.constant 0 : i32
      %dma_start3A_19 = arith.constant 0 : i32
      %dma_start3A_20 = tpu.memref_slice %arg3[%add3A, %dma_start3A_18, %dma_start3A_19] : memref<32x1x10240xf32, #tpu.memory_space<hbm>> -> memref<1x1x10240xf32, #tpu.memory_space<hbm>>
      %dma_start3A_21 = tpu.memref_squeeze %dma_start3A_20 : memref<1x1x10240xf32, #tpu.memory_space<hbm>> -> memref<1x10240xf32, #tpu.memory_space<hbm>>
      tpu.enqueue_dma source(%arg5 : memref<1x10240xf32, #tpu.memory_space<vmem>>) target(%dma_start3A_21 : memref<1x10240xf32, #tpu.memory_space<hbm>>) target_semaphore(%run_scoped3A : memref<!tpu.dma_semaphore, #tpu.memory_space<semaphore_mem>>)
      %dma_wait3A = arith.constant 0 : i32
      %dma_wait3A_22 = arith.constant 0 : i32
      %dma_wait3A_23 = tpu.memref_slice %arg3[%add3A, %dma_wait3A, %dma_wait3A_22] : memref<32x1x10240xf32, #tpu.memory_space<hbm>> -> memref<1x1x10240xf32, #tpu.memory_space<hbm>>
      %dma_wait3A_24 = tpu.memref_squeeze %dma_wait3A_23 : memref<1x1x10240xf32, #tpu.memory_space<hbm>> -> memref<1x10240xf32, #tpu.memory_space<hbm>>
      %dma_wait3A_25 = arith.constant 0 : i32
      %dma_wait3A_26 = arith.constant 0 : i32
      %dma_wait3A_27 = tpu.memref_slice %arg3[%add3A, %dma_wait3A_25, %dma_wait3A_26] : memref<32x1x10240xf32, #tpu.memory_space<hbm>> -> memref<1x1x10240xf32, #tpu.memory_space<hbm>>
      %dma_wait3A_28 = tpu.memref_squeeze %dma_wait3A_27 : memref<1x1x10240xf32, #tpu.memory_space<hbm>> -> memref<1x10240xf32, #tpu.memory_space<hbm>>
      tpu.wait_dma2 semaphore(%run_scoped3A : memref<!tpu.dma_semaphore, #tpu.memory_space<semaphore_mem>>) src(%arg5 : memref<1x10240xf32, #tpu.memory_space<vmem>>) dst(%dma_wait3A_28 : memref<1x10240xf32, #tpu.memory_space<hbm>>)
      tpu.yield
    }) : () -> ()
    return
  }
}

#map = affine_map<(d0, d1) -> (0, 0)>
#map1 = affine_map<(d0, d1) -> (0)>
#map2 = affine_map<(d0, d1) -> (0, 0, 0)>
module attributes {stable_mosaic.version = 14 : i64} {
  func.func @body(%arg0: i32, %arg1: i32, %arg2: memref<10000x128xf32, #tpu.memory_space<hbm>>, %arg3: memref<327680xi32, #tpu.memory_space<hbm>>, %arg4: memref<2560x128xi32, #tpu.memory_space<hbm>>, %arg5: memref<2x10240x128xf32, #tpu.memory_space<hbm>>, %arg6: memref<4x128xi32, #tpu.memory_space<vmem>>, %arg7: memref<80x128xi32, #tpu.memory_space<vmem>>, %arg8: memref<2x128x128xf32, #tpu.memory_space<vmem>>, %arg9: memref<10240x128xf32, #tpu.memory_space<vmem_shared>>, %arg10: memref<!tpu.dma_semaphore, #tpu.memory_space<semaphore_mem>>, %arg11: memref<!tpu.dma_semaphore, #tpu.memory_space<semaphore_mem>>, %arg12: memref<!tpu.dma_semaphore, #tpu.memory_space<semaphore_mem>>, %arg13: memref<!tpu.dma_semaphore, #tpu.memory_space<semaphore_mem>>, %arg14: memref<!tpu.dma_semaphore, #tpu.memory_space<semaphore_mem>>, %arg15: memref<!tpu.dma_semaphore, #tpu.memory_space<semaphore_mem>>, %arg16: memref<!tpu.dma_semaphore, #tpu.memory_space<semaphore_mem>>, %arg17: memref<!tpu.dma_semaphore, #tpu.memory_space<semaphore_mem>>) attributes {dimension_semantics = [#tpu.dimension_semantics<core_parallel>, #tpu.dimension_semantics<subcore_parallel>], iteration_bounds = array<i64: 2, 16>, scalar_prefetch = 0 : i64, scratch_operands = 12 : i64, tpu.core_type = #tpu.core_type<sc_vector_subcore>, window_params = [{transform_indices = #map}, {transform_indices = #map1}, {transform_indices = #map}, {transform_indices = #map2}]} {
    %mul3A = arith.constant 2 : i32
    %mul3A_0 = arith.muli %arg1, %mul3A : i32
    %add3A = arith.addi %mul3A_0, %arg0 : i32
    %mul3A_1 = arith.constant 80 : i32
    %mul3A_2 = arith.muli %add3A, %mul3A_1 : i32
    %mul3A_3 = arith.constant 128 : i32
    %mul3A_4 = arith.muli %mul3A_2, %mul3A_3 : i32
    %mul3A_5 = arith.constant 80 : i32
    %mul3A_6 = arith.muli %add3A, %mul3A_5 : i32
    %dma_start3A = arith.constant 0 : i32
    %dma_start3A_7 = tpu.memref_slice %arg4[%mul3A_6, %dma_start3A] : memref<2560x128xi32, #tpu.memory_space<hbm>> -> memref<80x128xi32, #tpu.memory_space<hbm>>
    %dma_start3A_8 = arith.constant 0 : i32
    %dma_start3A_9 = tpu.memref_slice %arg4[%mul3A_6, %dma_start3A_8] : memref<2560x128xi32, #tpu.memory_space<hbm>> -> memref<80x128xi32, #tpu.memory_space<hbm>>
    tpu.enqueue_dma source(%dma_start3A_9 : memref<80x128xi32, #tpu.memory_space<hbm>>) target(%arg7 : memref<80x128xi32, #tpu.memory_space<vmem>>) target_semaphore(%arg14 : memref<!tpu.dma_semaphore, #tpu.memory_space<semaphore_mem>>)
    %scan3A = arith.constant 0 : i32
    %scan3A_10 = arith.constant 32 : i32
    %scan3A_11 = arith.addi %scan3A, %scan3A_10 : i32
    %scan3A_12 = arith.constant 1 : i32
    scf.for %scan3A_605 = %scan3A to %scan3A_11 step %scan3A_12  : i32 {
      %mul3A_606 = arith.constant 1 : i32
      %mul3A_607 = arith.muli %scan3A_605, %mul3A_606 : i32
      %add3A_608 = arith.constant 0 : i32
      %add3A_609 = arith.addi %add3A_608, %mul3A_607 : i32
      %scan3A_610 = arith.constant 0 : i32
      %scan3A_611 = arith.constant 8 : i32
      %scan3A_612 = arith.addi %scan3A_610, %scan3A_611 : i32
      %scan3A_613 = arith.constant 1 : i32
      scf.for %scan3A_615 = %scan3A_610 to %scan3A_612 step %scan3A_613  : i32 {
        %mul3A_616 = arith.constant 16 : i32
        %mul3A_617 = arith.muli %scan3A_615, %mul3A_616 : i32
        %add3A_618 = arith.constant 0 : i32
        %add3A_619 = arith.addi %add3A_618, %mul3A_617 : i32
        %broadcast_in_dim3A = arith.constant 0.000000e+00 : f32
        %broadcast_in_dim3A_620 = vector.broadcast %broadcast_in_dim3A : f32 to vector<16xf32>
        %swap3A = arith.constant 0 : i32
        %swap3A_621 = arith.index_cast %swap3A : i32 to index
        %swap3A_622 = arith.index_cast %add3A_609 : i32 to index
        %swap3A_623 = arith.index_cast %add3A_619 : i32 to index
        %swap3A_624 = tpu.vector_load %arg8[%swap3A_621, %swap3A_622, %swap3A_623] {strides = array<i32>} : memref<2x128x128xf32, #tpu.memory_space<vmem>>, vector<16xf32>,
        tpu.vector_store %arg8[%swap3A_621, %swap3A_622, %swap3A_623], %broadcast_in_dim3A_620 {strides = array<i32>} : memref<2x128x128xf32, #tpu.memory_space<vmem>>, vector<16xf32>,
      }
      %scan3A_614 = arith.constant 8 : i32
    }
    %scan3A_13 = arith.constant 32 : i32
    %scan3A_14 = arith.constant 0 : i32
    %scan3A_15 = arith.constant 20 : i32
    %scan3A_16 = arith.addi %scan3A_14, %scan3A_15 : i32
    %scan3A_17 = arith.constant 1 : i32
    scf.for %scan3A_605 = %scan3A_14 to %scan3A_16 step %scan3A_17  : i32 {
      %mul3A_606 = arith.constant 32 : i32
      %mul3A_607 = arith.muli %scan3A_605, %mul3A_606 : i32
      %add3A_608 = arith.constant 0 : i32
      %add3A_609 = arith.addi %add3A_608, %mul3A_607 : i32
      %mul3A_610 = arith.constant 640 : i32
      %mul3A_611 = arith.muli %arg1, %mul3A_610 : i32
      %add3A_612 = arith.addi %mul3A_611, %add3A_609 : i32
      %dma_start3A_613 = arith.constant 0 : i32
      %dma_start3A_614 = arith.constant 0 : i32
      %dma_start3A_615 = arith.constant 0 : i32
      %dma_start3A_616 = tpu.memref_slice %arg8[%dma_start3A_613, %dma_start3A_614, %dma_start3A_615] : memref<2x128x128xf32, #tpu.memory_space<vmem>> -> memref<1x32x128xf32, #tpu.memory_space<vmem>>
      %dma_start3A_617 = tpu.memref_squeeze %dma_start3A_616 : memref<1x32x128xf32, #tpu.memory_space<vmem>> -> memref<32x128xf32, #tpu.memory_space<vmem>>
      %dma_start3A_618 = arith.constant 0 : i32
      %dma_start3A_619 = tpu.memref_slice %arg9[%add3A_612, %dma_start3A_618] : memref<10240x128xf32, #tpu.memory_space<vmem_shared>> -> memref<32x128xf32, #tpu.memory_space<vmem_shared>>
      %dma_start3A_620 = arith.constant 0 : i32
      %dma_start3A_621 = tpu.memref_slice %arg9[%add3A_612, %dma_start3A_620] : memref<10240x128xf32, #tpu.memory_space<vmem_shared>> -> memref<32x128xf32, #tpu.memory_space<vmem_shared>>
      %dma_start3A_622 = arith.constant 0 : i32
      %dma_start3A_623 = arith.constant 0 : i32
      %dma_start3A_624 = tpu.memref_slice %arg8[%dma_start3A_613, %dma_start3A_622, %dma_start3A_623] : memref<2x128x128xf32, #tpu.memory_space<vmem>> -> memref<1x32x128xf32, #tpu.memory_space<vmem>>
      %dma_start3A_625 = tpu.memref_squeeze %dma_start3A_624 : memref<1x32x128xf32, #tpu.memory_space<vmem>> -> memref<32x128xf32, #tpu.memory_space<vmem>>
      tpu.enqueue_dma source(%dma_start3A_625 : memref<32x128xf32, #tpu.memory_space<vmem>>) target(%dma_start3A_621 : memref<32x128xf32, #tpu.memory_space<vmem_shared>>) target_semaphore(%arg15 : memref<!tpu.dma_semaphore, #tpu.memory_space<semaphore_mem>>)
    }
    %scan3A_18 = arith.constant 20 : i32
    %scan3A_19 = arith.constant 0 : i32
    %scan3A_20 = arith.constant 20 : i32
    %scan3A_21 = arith.addi %scan3A_19, %scan3A_20 : i32
    %scan3A_22 = arith.constant 1 : i32
    scf.for %scan3A_605 = %scan3A_19 to %scan3A_21 step %scan3A_22  : i32 {
      %mul3A_606 = arith.constant 32 : i32
      %mul3A_607 = arith.muli %scan3A_605, %mul3A_606 : i32
      %add3A_608 = arith.constant 0 : i32
      %add3A_609 = arith.addi %add3A_608, %mul3A_607 : i32
      %dma_wait3A_610 = arith.constant 0 : i32
      %dma_wait3A_611 = arith.constant 0 : i32
      %dma_wait3A_612 = arith.constant 0 : i32
      %dma_wait3A_613 = tpu.memref_slice %arg8[%dma_wait3A_610, %dma_wait3A_611, %dma_wait3A_612] : memref<2x128x128xf32, #tpu.memory_space<vmem>> -> memref<1x32x128xf32, #tpu.memory_space<vmem>>
      %dma_wait3A_614 = tpu.memref_squeeze %dma_wait3A_613 : memref<1x32x128xf32, #tpu.memory_space<vmem>> -> memref<32x128xf32, #tpu.memory_space<vmem>>
      %dma_wait3A_615 = arith.constant 0 : i32
      %dma_wait3A_616 = arith.constant 0 : i32
      %dma_wait3A_617 = tpu.memref_slice %arg9[%dma_wait3A_615, %dma_wait3A_616] : memref<10240x128xf32, #tpu.memory_space<vmem_shared>> -> memref<32x128xf32, #tpu.memory_space<vmem_shared>>
      %dma_wait3A_618 = arith.constant 0 : i32
      %dma_wait3A_619 = arith.constant 0 : i32
      %dma_wait3A_620 = tpu.memref_slice %arg9[%dma_wait3A_618, %dma_wait3A_619] : memref<10240x128xf32, #tpu.memory_space<vmem_shared>> -> memref<32x128xf32, #tpu.memory_space<vmem_shared>>
      %dma_wait3A_621 = arith.constant 0 : i32
      %dma_wait3A_622 = arith.constant 0 : i32
      %dma_wait3A_623 = tpu.memref_slice %arg8[%dma_wait3A_610, %dma_wait3A_621, %dma_wait3A_622] : memref<2x128x128xf32, #tpu.memory_space<vmem>> -> memref<1x32x128xf32, #tpu.memory_space<vmem>>
      %dma_wait3A_624 = tpu.memref_squeeze %dma_wait3A_623 : memref<1x32x128xf32, #tpu.memory_space<vmem>> -> memref<32x128xf32, #tpu.memory_space<vmem>>
      tpu.wait_dma2 semaphore(%arg15 : memref<!tpu.dma_semaphore, #tpu.memory_space<semaphore_mem>>) src(%dma_wait3A_624 : memref<32x128xf32, #tpu.memory_space<vmem>>) dst(%dma_wait3A_620 : memref<32x128xf32, #tpu.memory_space<vmem_shared>>)
    }
    %scan3A_23 = arith.constant 20 : i32
    %dma_wait3A = arith.constant 0 : i32
    %dma_wait3A_24 = arith.constant 0 : i32
    %dma_wait3A_25 = tpu.memref_slice %arg4[%dma_wait3A, %dma_wait3A_24] : memref<2560x128xi32, #tpu.memory_space<hbm>> -> memref<80x128xi32, #tpu.memory_space<hbm>>
    %dma_wait3A_26 = arith.constant 0 : i32
    %dma_wait3A_27 = arith.constant 0 : i32
    %dma_wait3A_28 = tpu.memref_slice %arg4[%dma_wait3A_26, %dma_wait3A_27] : memref<2560x128xi32, #tpu.memory_space<hbm>> -> memref<80x128xi32, #tpu.memory_space<hbm>>
    tpu.wait_dma2 semaphore(%arg14 : memref<!tpu.dma_semaphore, #tpu.memory_space<semaphore_mem>>) src(%dma_wait3A_28 : memref<80x128xi32, #tpu.memory_space<hbm>>) dst(%arg7 : memref<80x128xi32, #tpu.memory_space<vmem>>)
    %barrier3A = arith.constant 0 : index
    tpu.barrier barrier_id(%barrier3A)
    %add3A_29 = arith.constant 0 : i32
    %add3A_30 = arith.addi %mul3A_4, %add3A_29 : i32
    %dma_start3A_31 = arith.constant 0 : i32
    %dma_start3A_32 = arith.constant 0 : i32
    %dma_start3A_33 = tpu.memref_slice %arg6[%dma_start3A_31, %dma_start3A_32] : memref<4x128xi32, #tpu.memory_space<vmem>> -> memref<1x128xi32, #tpu.memory_space<vmem>>
    %dma_start3A_34 = tpu.memref_squeeze %dma_start3A_33 : memref<1x128xi32, #tpu.memory_space<vmem>> -> memref<128xi32, #tpu.memory_space<vmem>>
    %dma_start3A_35 = tpu.memref_slice %arg3[%add3A_30] : memref<327680xi32, #tpu.memory_space<hbm>> -> memref<128xi32, #tpu.memory_space<hbm>>
    %dma_start3A_36 = arith.constant 0 : i32
    %dma_start3A_37 = tpu.memref_slice %arg6[%dma_start3A_31, %dma_start3A_36] : memref<4x128xi32, #tpu.memory_space<vmem>> -> memref<1x128xi32, #tpu.memory_space<vmem>>
    %dma_start3A_38 = tpu.memref_squeeze %dma_start3A_37 : memref<1x128xi32, #tpu.memory_space<vmem>> -> memref<128xi32, #tpu.memory_space<vmem>>
    %dma_start3A_39 = tpu.memref_slice %arg3[%add3A_30] : memref<327680xi32, #tpu.memory_space<hbm>> -> memref<128xi32, #tpu.memory_space<hbm>>
    tpu.enqueue_dma source(%dma_start3A_39 : memref<128xi32, #tpu.memory_space<hbm>>) target(%dma_start3A_38 : memref<128xi32, #tpu.memory_space<vmem>>) target_semaphore(%arg10 : memref<!tpu.dma_semaphore, #tpu.memory_space<semaphore_mem>>)
    %add3A_40 = arith.constant 128 : i32
    %add3A_41 = arith.addi %mul3A_4, %add3A_40 : i32
    %dma_start3A_42 = arith.constant 1 : i32
    %dma_start3A_43 = arith.constant 0 : i32
    %dma_start3A_44 = tpu.memref_slice %arg6[%dma_start3A_42, %dma_start3A_43] : memref<4x128xi32, #tpu.memory_space<vmem>> -> memref<1x128xi32, #tpu.memory_space<vmem>>
    %dma_start3A_45 = tpu.memref_squeeze %dma_start3A_44 : memref<1x128xi32, #tpu.memory_space<vmem>> -> memref<128xi32, #tpu.memory_space<vmem>>
    %dma_start3A_46 = tpu.memref_slice %arg3[%add3A_41] : memref<327680xi32, #tpu.memory_space<hbm>> -> memref<128xi32, #tpu.memory_space<hbm>>
    %dma_start3A_47 = arith.constant 0 : i32
    %dma_start3A_48 = tpu.memref_slice %arg6[%dma_start3A_42, %dma_start3A_47] : memref<4x128xi32, #tpu.memory_space<vmem>> -> memref<1x128xi32, #tpu.memory_space<vmem>>
    %dma_start3A_49 = tpu.memref_squeeze %dma_start3A_48 : memref<1x128xi32, #tpu.memory_space<vmem>> -> memref<128xi32, #tpu.memory_space<vmem>>
    %dma_start3A_50 = tpu.memref_slice %arg3[%add3A_41] : memref<327680xi32, #tpu.memory_space<hbm>> -> memref<128xi32, #tpu.memory_space<hbm>>
    tpu.enqueue_dma source(%dma_start3A_50 : memref<128xi32, #tpu.memory_space<hbm>>) target(%dma_start3A_49 : memref<128xi32, #tpu.memory_space<vmem>>) target_semaphore(%arg11 : memref<!tpu.dma_semaphore, #tpu.memory_space<semaphore_mem>>)
    %dma_wait3A_51 = arith.constant 0 : i32
    %dma_wait3A_52 = arith.constant 0 : i32
    %dma_wait3A_53 = tpu.memref_slice %arg6[%dma_wait3A_51, %dma_wait3A_52] : memref<4x128xi32, #tpu.memory_space<vmem>> -> memref<1x128xi32, #tpu.memory_space<vmem>>
    %dma_wait3A_54 = tpu.memref_squeeze %dma_wait3A_53 : memref<1x128xi32, #tpu.memory_space<vmem>> -> memref<128xi32, #tpu.memory_space<vmem>>
    %dma_wait3A_55 = arith.constant 0 : i32
    %dma_wait3A_56 = tpu.memref_slice %arg3[%dma_wait3A_55] : memref<327680xi32, #tpu.memory_space<hbm>> -> memref<128xi32, #tpu.memory_space<hbm>>
    %dma_wait3A_57 = arith.constant 0 : i32
    %dma_wait3A_58 = tpu.memref_slice %arg6[%dma_wait3A_51, %dma_wait3A_57] : memref<4x128xi32, #tpu.memory_space<vmem>> -> memref<1x128xi32, #tpu.memory_space<vmem>>
    %dma_wait3A_59 = tpu.memref_squeeze %dma_wait3A_58 : memref<1x128xi32, #tpu.memory_space<vmem>> -> memref<128xi32, #tpu.memory_space<vmem>>
    %dma_wait3A_60 = arith.constant 0 : i32
    %dma_wait3A_61 = tpu.memref_slice %arg3[%dma_wait3A_60] : memref<327680xi32, #tpu.memory_space<hbm>> -> memref<128xi32, #tpu.memory_space<hbm>>
    tpu.wait_dma2 semaphore(%arg10 : memref<!tpu.dma_semaphore, #tpu.memory_space<semaphore_mem>>) src(%dma_wait3A_61 : memref<128xi32, #tpu.memory_space<hbm>>) dst(%dma_wait3A_59 : memref<128xi32, #tpu.memory_space<vmem>>)
    %dma_start3A_62 = arith.constant 0 : i32
    %dma_start3A_63 = arith.constant 0 : i32
    %dma_start3A_64 = arith.constant 0 : i32
    %dma_start3A_65 = arith.constant 0 : i32
    %dma_start3A_66 = tpu.memref_slice %arg8[%dma_start3A_63, %dma_start3A_64, %dma_start3A_65] : memref<2x128x128xf32, #tpu.memory_space<vmem>> -> memref<1x128x128xf32, #tpu.memory_space<vmem>>
    %dma_start3A_67 = tpu.memref_squeeze %dma_start3A_66 : memref<1x128x128xf32, #tpu.memory_space<vmem>> -> memref<128x128xf32, #tpu.memory_space<vmem>>
    %dma_start3A_68 = arith.constant 0 : i32
    %dma_start3A_69 = tpu.memref_slice %arg6[%dma_start3A_62, %dma_start3A_68] : memref<4x128xi32, #tpu.memory_space<vmem>> -> memref<1x128xi32, #tpu.memory_space<vmem>>
    %dma_start3A_70 = tpu.memref_squeeze %dma_start3A_69 : memref<1x128xi32, #tpu.memory_space<vmem>> -> memref<128xi32, #tpu.memory_space<vmem>>
    %dma_start3A_71 = arith.constant 0 : i32
    %dma_start3A_72 = arith.constant 0 : i32
    %dma_start3A_73 = tpu.memref_slice %arg2[%dma_start3A_71, %dma_start3A_72] : memref<10000x128xf32, #tpu.memory_space<hbm>> -> memref<10000x128xf32, #tpu.memory_space<hbm>>
    tpu.enqueue_indirect_dma source(%dma_start3A_73 : memref<10000x128xf32, #tpu.memory_space<hbm>>) target(%dma_start3A_67 : memref<128x128xf32, #tpu.memory_space<vmem>>) offsets(%dma_start3A_70 : memref<128xi32, #tpu.memory_space<vmem>>) semaphore(%arg14 : memref<!tpu.dma_semaphore, #tpu.memory_space<semaphore_mem>>)
    %add3A_74 = arith.constant 256 : i32
    %add3A_75 = arith.addi %mul3A_4, %add3A_74 : i32
    %dma_start3A_76 = arith.constant 2 : i32
    %dma_start3A_77 = arith.constant 0 : i32
    %dma_start3A_78 = tpu.memref_slice %arg6[%dma_start3A_76, %dma_start3A_77] : memref<4x128xi32, #tpu.memory_space<vmem>> -> memref<1x128xi32, #tpu.memory_space<vmem>>
    %dma_start3A_79 = tpu.memref_squeeze %dma_start3A_78 : memref<1x128xi32, #tpu.memory_space<vmem>> -> memref<128xi32, #tpu.memory_space<vmem>>
    %dma_start3A_80 = tpu.memref_slice %arg3[%add3A_75] : memref<327680xi32, #tpu.memory_space<hbm>> -> memref<128xi32, #tpu.memory_space<hbm>>
    %dma_start3A_81 = arith.constant 0 : i32
    %dma_start3A_82 = tpu.memref_slice %arg6[%dma_start3A_76, %dma_start3A_81] : memref<4x128xi32, #tpu.memory_space<vmem>> -> memref<1x128xi32, #tpu.memory_space<vmem>>
    %dma_start3A_83 = tpu.memref_squeeze %dma_start3A_82 : memref<1x128xi32, #tpu.memory_space<vmem>> -> memref<128xi32, #tpu.memory_space<vmem>>
    %dma_start3A_84 = tpu.memref_slice %arg3[%add3A_75] : memref<327680xi32, #tpu.memory_space<hbm>> -> memref<128xi32, #tpu.memory_space<hbm>>
    tpu.enqueue_dma source(%dma_start3A_84 : memref<128xi32, #tpu.memory_space<hbm>>) target(%dma_start3A_83 : memref<128xi32, #tpu.memory_space<vmem>>) target_semaphore(%arg12 : memref<!tpu.dma_semaphore, #tpu.memory_space<semaphore_mem>>)
    %dma_wait3A_85 = arith.constant 1 : i32
    %dma_wait3A_86 = arith.constant 0 : i32
    %dma_wait3A_87 = tpu.memref_slice %arg6[%dma_wait3A_85, %dma_wait3A_86] : memref<4x128xi32, #tpu.memory_space<vmem>> -> memref<1x128xi32, #tpu.memory_space<vmem>>
    %dma_wait3A_88 = tpu.memref_squeeze %dma_wait3A_87 : memref<1x128xi32, #tpu.memory_space<vmem>> -> memref<128xi32, #tpu.memory_space<vmem>>
    %dma_wait3A_89 = arith.constant 0 : i32
    %dma_wait3A_90 = tpu.memref_slice %arg3[%dma_wait3A_89] : memref<327680xi32, #tpu.memory_space<hbm>> -> memref<128xi32, #tpu.memory_space<hbm>>
    %dma_wait3A_91 = arith.constant 0 : i32
    %dma_wait3A_92 = tpu.memref_slice %arg6[%dma_wait3A_85, %dma_wait3A_91] : memref<4x128xi32, #tpu.memory_space<vmem>> -> memref<1x128xi32, #tpu.memory_space<vmem>>
    %dma_wait3A_93 = tpu.memref_squeeze %dma_wait3A_92 : memref<1x128xi32, #tpu.memory_space<vmem>> -> memref<128xi32, #tpu.memory_space<vmem>>
    %dma_wait3A_94 = arith.constant 0 : i32
    %dma_wait3A_95 = tpu.memref_slice %arg3[%dma_wait3A_94] : memref<327680xi32, #tpu.memory_space<hbm>> -> memref<128xi32, #tpu.memory_space<hbm>>
    tpu.wait_dma2 semaphore(%arg11 : memref<!tpu.dma_semaphore, #tpu.memory_space<semaphore_mem>>) src(%dma_wait3A_95 : memref<128xi32, #tpu.memory_space<hbm>>) dst(%dma_wait3A_93 : memref<128xi32, #tpu.memory_space<vmem>>)
    %dma_wait3A_96 = arith.constant 0 : i32
    %dma_wait3A_97 = arith.constant 0 : i32
    %dma_wait3A_98 = arith.constant 0 : i32
    %dma_wait3A_99 = arith.constant 0 : i32
    %dma_wait3A_100 = tpu.memref_slice %arg8[%dma_wait3A_97, %dma_wait3A_98, %dma_wait3A_99] : memref<2x128x128xf32, #tpu.memory_space<vmem>> -> memref<1x128x128xf32, #tpu.memory_space<vmem>>
    %dma_wait3A_101 = tpu.memref_squeeze %dma_wait3A_100 : memref<1x128x128xf32, #tpu.memory_space<vmem>> -> memref<128x128xf32, #tpu.memory_space<vmem>>
    %dma_wait3A_102 = arith.constant 0 : i32
    %dma_wait3A_103 = tpu.memref_slice %arg6[%dma_wait3A_96, %dma_wait3A_102] : memref<4x128xi32, #tpu.memory_space<vmem>> -> memref<1x128xi32, #tpu.memory_space<vmem>>
    %dma_wait3A_104 = tpu.memref_squeeze %dma_wait3A_103 : memref<1x128xi32, #tpu.memory_space<vmem>> -> memref<128xi32, #tpu.memory_space<vmem>>
    %dma_wait3A_105 = arith.constant 0 : i32
    %dma_wait3A_106 = arith.constant 0 : i32
    %dma_wait3A_107 = tpu.memref_slice %arg2[%dma_wait3A_105, %dma_wait3A_106] : memref<10000x128xf32, #tpu.memory_space<hbm>> -> memref<10000x128xf32, #tpu.memory_space<hbm>>
    tpu.wait_indirect_dma semaphore(%arg14 : memref<!tpu.dma_semaphore, #tpu.memory_space<semaphore_mem>>) src(%dma_wait3A_107 : memref<10000x128xf32, #tpu.memory_space<hbm>>) dst(%dma_wait3A_101 : memref<128x128xf32, #tpu.memory_space<vmem>>)
    %dma_start3A_108 = arith.constant 0 : i32
    %dma_start3A_109 = arith.constant 0 : i32
    %dma_start3A_110 = arith.constant 0 : i32
    %dma_start3A_111 = arith.constant 0 : i32
    %dma_start3A_112 = tpu.memref_slice %arg8[%dma_start3A_108, %dma_start3A_110, %dma_start3A_111] : memref<2x128x128xf32, #tpu.memory_space<vmem>> -> memref<1x128x128xf32, #tpu.memory_space<vmem>>
    %dma_start3A_113 = tpu.memref_squeeze %dma_start3A_112 : memref<1x128x128xf32, #tpu.memory_space<vmem>> -> memref<128x128xf32, #tpu.memory_space<vmem>>
    %dma_start3A_114 = arith.constant 0 : i32
    %dma_start3A_115 = tpu.memref_slice %arg7[%dma_start3A_109, %dma_start3A_114] : memref<80x128xi32, #tpu.memory_space<vmem>> -> memref<1x128xi32, #tpu.memory_space<vmem>>
    %dma_start3A_116 = tpu.memref_squeeze %dma_start3A_115 : memref<1x128xi32, #tpu.memory_space<vmem>> -> memref<128xi32, #tpu.memory_space<vmem>>
    %dma_start3A_117 = arith.constant 0 : i32
    %dma_start3A_118 = arith.constant 0 : i32
    %dma_start3A_119 = tpu.memref_slice %arg9[%dma_start3A_117, %dma_start3A_118] : memref<10240x128xf32, #tpu.memory_space<vmem_shared>> -> memref<10240x128xf32, #tpu.memory_space<vmem_shared>>
    tpu.enqueue_indirect_dma source(%dma_start3A_113 : memref<128x128xf32, #tpu.memory_space<vmem>>) target(%dma_start3A_119 : memref<10240x128xf32, #tpu.memory_space<vmem_shared>>) offsets(%dma_start3A_116 : memref<128xi32, #tpu.memory_space<vmem>>) semaphore(%arg16 : memref<!tpu.dma_semaphore, #tpu.memory_space<semaphore_mem>>) {add = true}
    %dma_start3A_120 = arith.constant 1 : i32
    %dma_start3A_121 = arith.constant 1 : i32
    %dma_start3A_122 = arith.constant 0 : i32
    %dma_start3A_123 = arith.constant 0 : i32
    %dma_start3A_124 = tpu.memref_slice %arg8[%dma_start3A_121, %dma_start3A_122, %dma_start3A_123] : memref<2x128x128xf32, #tpu.memory_space<vmem>> -> memref<1x128x128xf32, #tpu.memory_space<vmem>>
    %dma_start3A_125 = tpu.memref_squeeze %dma_start3A_124 : memref<1x128x128xf32, #tpu.memory_space<vmem>> -> memref<128x128xf32, #tpu.memory_space<vmem>>
    %dma_start3A_126 = arith.constant 0 : i32
    %dma_start3A_127 = tpu.memref_slice %arg6[%dma_start3A_120, %dma_start3A_126] : memref<4x128xi32, #tpu.memory_space<vmem>> -> memref<1x128xi32, #tpu.memory_space<vmem>>
    %dma_start3A_128 = tpu.memref_squeeze %dma_start3A_127 : memref<1x128xi32, #tpu.memory_space<vmem>> -> memref<128xi32, #tpu.memory_space<vmem>>
    %dma_start3A_129 = arith.constant 0 : i32
    %dma_start3A_130 = arith.constant 0 : i32
    %dma_start3A_131 = tpu.memref_slice %arg2[%dma_start3A_129, %dma_start3A_130] : memref<10000x128xf32, #tpu.memory_space<hbm>> -> memref<10000x128xf32, #tpu.memory_space<hbm>>
    tpu.enqueue_indirect_dma source(%dma_start3A_131 : memref<10000x128xf32, #tpu.memory_space<hbm>>) target(%dma_start3A_125 : memref<128x128xf32, #tpu.memory_space<vmem>>) offsets(%dma_start3A_128 : memref<128xi32, #tpu.memory_space<vmem>>) semaphore(%arg15 : memref<!tpu.dma_semaphore, #tpu.memory_space<semaphore_mem>>)
    %add3A_132 = arith.constant 384 : i32
    %add3A_133 = arith.addi %mul3A_4, %add3A_132 : i32
    %dma_start3A_134 = arith.constant 3 : i32
    %dma_start3A_135 = arith.constant 0 : i32
    %dma_start3A_136 = tpu.memref_slice %arg6[%dma_start3A_134, %dma_start3A_135] : memref<4x128xi32, #tpu.memory_space<vmem>> -> memref<1x128xi32, #tpu.memory_space<vmem>>
    %dma_start3A_137 = tpu.memref_squeeze %dma_start3A_136 : memref<1x128xi32, #tpu.memory_space<vmem>> -> memref<128xi32, #tpu.memory_space<vmem>>
    %dma_start3A_138 = tpu.memref_slice %arg3[%add3A_133] : memref<327680xi32, #tpu.memory_space<hbm>> -> memref<128xi32, #tpu.memory_space<hbm>>
    %dma_start3A_139 = arith.constant 0 : i32
    %dma_start3A_140 = tpu.memref_slice %arg6[%dma_start3A_134, %dma_start3A_139] : memref<4x128xi32, #tpu.memory_space<vmem>> -> memref<1x128xi32, #tpu.memory_space<vmem>>
    %dma_start3A_141 = tpu.memref_squeeze %dma_start3A_140 : memref<1x128xi32, #tpu.memory_space<vmem>> -> memref<128xi32, #tpu.memory_space<vmem>>
    %dma_start3A_142 = tpu.memref_slice %arg3[%add3A_133] : memref<327680xi32, #tpu.memory_space<hbm>> -> memref<128xi32, #tpu.memory_space<hbm>>
    tpu.enqueue_dma source(%dma_start3A_142 : memref<128xi32, #tpu.memory_space<hbm>>) target(%dma_start3A_141 : memref<128xi32, #tpu.memory_space<vmem>>) target_semaphore(%arg13 : memref<!tpu.dma_semaphore, #tpu.memory_space<semaphore_mem>>)
    %dma_wait3A_143 = arith.constant 0 : i32
    %dma_wait3A_144 = arith.constant 0 : i32
    %dma_wait3A_145 = arith.constant 0 : i32
    %dma_wait3A_146 = arith.constant 0 : i32
    %dma_wait3A_147 = tpu.memref_slice %arg8[%dma_wait3A_143, %dma_wait3A_145, %dma_wait3A_146] : memref<2x128x128xf32, #tpu.memory_space<vmem>> -> memref<1x128x128xf32, #tpu.memory_space<vmem>>
    %dma_wait3A_148 = tpu.memref_squeeze %dma_wait3A_147 : memref<1x128x128xf32, #tpu.memory_space<vmem>> -> memref<128x128xf32, #tpu.memory_space<vmem>>
    %dma_wait3A_149 = arith.constant 0 : i32
    %dma_wait3A_150 = tpu.memref_slice %arg7[%dma_wait3A_144, %dma_wait3A_149] : memref<80x128xi32, #tpu.memory_space<vmem>> -> memref<1x128xi32, #tpu.memory_space<vmem>>
    %dma_wait3A_151 = tpu.memref_squeeze %dma_wait3A_150 : memref<1x128xi32, #tpu.memory_space<vmem>> -> memref<128xi32, #tpu.memory_space<vmem>>
    %dma_wait3A_152 = arith.constant 0 : i32
    %dma_wait3A_153 = arith.constant 0 : i32
    %dma_wait3A_154 = tpu.memref_slice %arg9[%dma_wait3A_152, %dma_wait3A_153] : memref<10240x128xf32, #tpu.memory_space<vmem_shared>> -> memref<10240x128xf32, #tpu.memory_space<vmem_shared>>
    tpu.wait_indirect_dma semaphore(%arg16 : memref<!tpu.dma_semaphore, #tpu.memory_space<semaphore_mem>>) src(%dma_wait3A_148 : memref<128x128xf32, #tpu.memory_space<vmem>>) dst(%dma_wait3A_154 : memref<10240x128xf32, #tpu.memory_space<vmem_shared>>)
    %dma_wait3A_155 = arith.constant 2 : i32
    %dma_wait3A_156 = arith.constant 0 : i32
    %dma_wait3A_157 = tpu.memref_slice %arg6[%dma_wait3A_155, %dma_wait3A_156] : memref<4x128xi32, #tpu.memory_space<vmem>> -> memref<1x128xi32, #tpu.memory_space<vmem>>
    %dma_wait3A_158 = tpu.memref_squeeze %dma_wait3A_157 : memref<1x128xi32, #tpu.memory_space<vmem>> -> memref<128xi32, #tpu.memory_space<vmem>>
    %dma_wait3A_159 = arith.constant 0 : i32
    %dma_wait3A_160 = tpu.memref_slice %arg3[%dma_wait3A_159] : memref<327680xi32, #tpu.memory_space<hbm>> -> memref<128xi32, #tpu.memory_space<hbm>>
    %dma_wait3A_161 = arith.constant 0 : i32
    %dma_wait3A_162 = tpu.memref_slice %arg6[%dma_wait3A_155, %dma_wait3A_161] : memref<4x128xi32, #tpu.memory_space<vmem>> -> memref<1x128xi32, #tpu.memory_space<vmem>>
    %dma_wait3A_163 = tpu.memref_squeeze %dma_wait3A_162 : memref<1x128xi32, #tpu.memory_space<vmem>> -> memref<128xi32, #tpu.memory_space<vmem>>
    %dma_wait3A_164 = arith.constant 0 : i32
    %dma_wait3A_165 = tpu.memref_slice %arg3[%dma_wait3A_164] : memref<327680xi32, #tpu.memory_space<hbm>> -> memref<128xi32, #tpu.memory_space<hbm>>
    tpu.wait_dma2 semaphore(%arg12 : memref<!tpu.dma_semaphore, #tpu.memory_space<semaphore_mem>>) src(%dma_wait3A_165 : memref<128xi32, #tpu.memory_space<hbm>>) dst(%dma_wait3A_163 : memref<128xi32, #tpu.memory_space<vmem>>)
    %dma_wait3A_166 = arith.constant 0 : i32
    %dma_wait3A_167 = arith.constant 1 : i32
    %dma_wait3A_168 = arith.constant 0 : i32
    %dma_wait3A_169 = arith.constant 0 : i32
    %dma_wait3A_170 = tpu.memref_slice %arg8[%dma_wait3A_167, %dma_wait3A_168, %dma_wait3A_169] : memref<2x128x128xf32, #tpu.memory_space<vmem>> -> memref<1x128x128xf32, #tpu.memory_space<vmem>>
    %dma_wait3A_171 = tpu.memref_squeeze %dma_wait3A_170 : memref<1x128x128xf32, #tpu.memory_space<vmem>> -> memref<128x128xf32, #tpu.memory_space<vmem>>
    %dma_wait3A_172 = arith.constant 0 : i32
    %dma_wait3A_173 = tpu.memref_slice %arg6[%dma_wait3A_166, %dma_wait3A_172] : memref<4x128xi32, #tpu.memory_space<vmem>> -> memref<1x128xi32, #tpu.memory_space<vmem>>
    %dma_wait3A_174 = tpu.memref_squeeze %dma_wait3A_173 : memref<1x128xi32, #tpu.memory_space<vmem>> -> memref<128xi32, #tpu.memory_space<vmem>>
    %dma_wait3A_175 = arith.constant 0 : i32
    %dma_wait3A_176 = arith.constant 0 : i32
    %dma_wait3A_177 = tpu.memref_slice %arg2[%dma_wait3A_175, %dma_wait3A_176] : memref<10000x128xf32, #tpu.memory_space<hbm>> -> memref<10000x128xf32, #tpu.memory_space<hbm>>
    tpu.wait_indirect_dma semaphore(%arg15 : memref<!tpu.dma_semaphore, #tpu.memory_space<semaphore_mem>>) src(%dma_wait3A_177 : memref<10000x128xf32, #tpu.memory_space<hbm>>) dst(%dma_wait3A_171 : memref<128x128xf32, #tpu.memory_space<vmem>>)
    %dma_start3A_178 = arith.constant 1 : i32
    %dma_start3A_179 = arith.constant 1 : i32
    %dma_start3A_180 = arith.constant 0 : i32
    %dma_start3A_181 = arith.constant 0 : i32
    %dma_start3A_182 = tpu.memref_slice %arg8[%dma_start3A_178, %dma_start3A_180, %dma_start3A_181] : memref<2x128x128xf32, #tpu.memory_space<vmem>> -> memref<1x128x128xf32, #tpu.memory_space<vmem>>
    %dma_start3A_183 = tpu.memref_squeeze %dma_start3A_182 : memref<1x128x128xf32, #tpu.memory_space<vmem>> -> memref<128x128xf32, #tpu.memory_space<vmem>>
    %dma_start3A_184 = arith.constant 0 : i32
    %dma_start3A_185 = tpu.memref_slice %arg7[%dma_start3A_179, %dma_start3A_184] : memref<80x128xi32, #tpu.memory_space<vmem>> -> memref<1x128xi32, #tpu.memory_space<vmem>>
    %dma_start3A_186 = tpu.memref_squeeze %dma_start3A_185 : memref<1x128xi32, #tpu.memory_space<vmem>> -> memref<128xi32, #tpu.memory_space<vmem>>
    %dma_start3A_187 = arith.constant 0 : i32
    %dma_start3A_188 = arith.constant 0 : i32
    %dma_start3A_189 = tpu.memref_slice %arg9[%dma_start3A_187, %dma_start3A_188] : memref<10240x128xf32, #tpu.memory_space<vmem_shared>> -> memref<10240x128xf32, #tpu.memory_space<vmem_shared>>
    tpu.enqueue_indirect_dma source(%dma_start3A_183 : memref<128x128xf32, #tpu.memory_space<vmem>>) target(%dma_start3A_189 : memref<10240x128xf32, #tpu.memory_space<vmem_shared>>) offsets(%dma_start3A_186 : memref<128xi32, #tpu.memory_space<vmem>>) semaphore(%arg17 : memref<!tpu.dma_semaphore, #tpu.memory_space<semaphore_mem>>) {add = true}
    %dma_start3A_190 = arith.constant 2 : i32
    %dma_start3A_191 = arith.constant 0 : i32
    %dma_start3A_192 = arith.constant 0 : i32
    %dma_start3A_193 = arith.constant 0 : i32
    %dma_start3A_194 = tpu.memref_slice %arg8[%dma_start3A_191, %dma_start3A_192, %dma_start3A_193] : memref<2x128x128xf32, #tpu.memory_space<vmem>> -> memref<1x128x128xf32, #tpu.memory_space<vmem>>
    %dma_start3A_195 = tpu.memref_squeeze %dma_start3A_194 : memref<1x128x128xf32, #tpu.memory_space<vmem>> -> memref<128x128xf32, #tpu.memory_space<vmem>>
    %dma_start3A_196 = arith.constant 0 : i32
    %dma_start3A_197 = tpu.memref_slice %arg6[%dma_start3A_190, %dma_start3A_196] : memref<4x128xi32, #tpu.memory_space<vmem>> -> memref<1x128xi32, #tpu.memory_space<vmem>>
    %dma_start3A_198 = tpu.memref_squeeze %dma_start3A_197 : memref<1x128xi32, #tpu.memory_space<vmem>> -> memref<128xi32, #tpu.memory_space<vmem>>
    %dma_start3A_199 = arith.constant 0 : i32
    %dma_start3A_200 = arith.constant 0 : i32
    %dma_start3A_201 = tpu.memref_slice %arg2[%dma_start3A_199, %dma_start3A_200] : memref<10000x128xf32, #tpu.memory_space<hbm>> -> memref<10000x128xf32, #tpu.memory_space<hbm>>
    tpu.enqueue_indirect_dma source(%dma_start3A_201 : memref<10000x128xf32, #tpu.memory_space<hbm>>) target(%dma_start3A_195 : memref<128x128xf32, #tpu.memory_space<vmem>>) offsets(%dma_start3A_198 : memref<128xi32, #tpu.memory_space<vmem>>) semaphore(%arg14 : memref<!tpu.dma_semaphore, #tpu.memory_space<semaphore_mem>>)
    %add3A_202 = arith.constant 512 : i32
    %add3A_203 = arith.addi %mul3A_4, %add3A_202 : i32
    %dma_start3A_204 = arith.constant 0 : i32
    %dma_start3A_205 = arith.constant 0 : i32
    %dma_start3A_206 = tpu.memref_slice %arg6[%dma_start3A_204, %dma_start3A_205] : memref<4x128xi32, #tpu.memory_space<vmem>> -> memref<1x128xi32, #tpu.memory_space<vmem>>
    %dma_start3A_207 = tpu.memref_squeeze %dma_start3A_206 : memref<1x128xi32, #tpu.memory_space<vmem>> -> memref<128xi32, #tpu.memory_space<vmem>>
    %dma_start3A_208 = tpu.memref_slice %arg3[%add3A_203] : memref<327680xi32, #tpu.memory_space<hbm>> -> memref<128xi32, #tpu.memory_space<hbm>>
    %dma_start3A_209 = arith.constant 0 : i32
    %dma_start3A_210 = tpu.memref_slice %arg6[%dma_start3A_204, %dma_start3A_209] : memref<4x128xi32, #tpu.memory_space<vmem>> -> memref<1x128xi32, #tpu.memory_space<vmem>>
    %dma_start3A_211 = tpu.memref_squeeze %dma_start3A_210 : memref<1x128xi32, #tpu.memory_space<vmem>> -> memref<128xi32, #tpu.memory_space<vmem>>
    %dma_start3A_212 = tpu.memref_slice %arg3[%add3A_203] : memref<327680xi32, #tpu.memory_space<hbm>> -> memref<128xi32, #tpu.memory_space<hbm>>
    tpu.enqueue_dma source(%dma_start3A_212 : memref<128xi32, #tpu.memory_space<hbm>>) target(%dma_start3A_211 : memref<128xi32, #tpu.memory_space<vmem>>) target_semaphore(%arg10 : memref<!tpu.dma_semaphore, #tpu.memory_space<semaphore_mem>>)
    %dma_wait3A_213 = arith.constant 1 : i32
    %dma_wait3A_214 = arith.constant 0 : i32
    %dma_wait3A_215 = arith.constant 0 : i32
    %dma_wait3A_216 = arith.constant 0 : i32
    %dma_wait3A_217 = tpu.memref_slice %arg8[%dma_wait3A_213, %dma_wait3A_215, %dma_wait3A_216] : memref<2x128x128xf32, #tpu.memory_space<vmem>> -> memref<1x128x128xf32, #tpu.memory_space<vmem>>
    %dma_wait3A_218 = tpu.memref_squeeze %dma_wait3A_217 : memref<1x128x128xf32, #tpu.memory_space<vmem>> -> memref<128x128xf32, #tpu.memory_space<vmem>>
    %dma_wait3A_219 = arith.constant 0 : i32
    %dma_wait3A_220 = tpu.memref_slice %arg7[%dma_wait3A_214, %dma_wait3A_219] : memref<80x128xi32, #tpu.memory_space<vmem>> -> memref<1x128xi32, #tpu.memory_space<vmem>>
    %dma_wait3A_221 = tpu.memref_squeeze %dma_wait3A_220 : memref<1x128xi32, #tpu.memory_space<vmem>> -> memref<128xi32, #tpu.memory_space<vmem>>
    %dma_wait3A_222 = arith.constant 0 : i32
    %dma_wait3A_223 = arith.constant 0 : i32
    %dma_wait3A_224 = tpu.memref_slice %arg9[%dma_wait3A_222, %dma_wait3A_223] : memref<10240x128xf32, #tpu.memory_space<vmem_shared>> -> memref<10240x128xf32, #tpu.memory_space<vmem_shared>>
    tpu.wait_indirect_dma semaphore(%arg17 : memref<!tpu.dma_semaphore, #tpu.memory_space<semaphore_mem>>) src(%dma_wait3A_218 : memref<128x128xf32, #tpu.memory_space<vmem>>) dst(%dma_wait3A_224 : memref<10240x128xf32, #tpu.memory_space<vmem_shared>>)
    %dma_wait3A_225 = arith.constant 3 : i32
    %dma_wait3A_226 = arith.constant 0 : i32
    %dma_wait3A_227 = tpu.memref_slice %arg6[%dma_wait3A_225, %dma_wait3A_226] : memref<4x128xi32, #tpu.memory_space<vmem>> -> memref<1x128xi32, #tpu.memory_space<vmem>>
    %dma_wait3A_228 = tpu.memref_squeeze %dma_wait3A_227 : memref<1x128xi32, #tpu.memory_space<vmem>> -> memref<128xi32, #tpu.memory_space<vmem>>
    %dma_wait3A_229 = arith.constant 0 : i32
    %dma_wait3A_230 = tpu.memref_slice %arg3[%dma_wait3A_229] : memref<327680xi32, #tpu.memory_space<hbm>> -> memref<128xi32, #tpu.memory_space<hbm>>
    %dma_wait3A_231 = arith.constant 0 : i32
    %dma_wait3A_232 = tpu.memref_slice %arg6[%dma_wait3A_225, %dma_wait3A_231] : memref<4x128xi32, #tpu.memory_space<vmem>> -> memref<1x128xi32, #tpu.memory_space<vmem>>
    %dma_wait3A_233 = tpu.memref_squeeze %dma_wait3A_232 : memref<1x128xi32, #tpu.memory_space<vmem>> -> memref<128xi32, #tpu.memory_space<vmem>>
    %dma_wait3A_234 = arith.constant 0 : i32
    %dma_wait3A_235 = tpu.memref_slice %arg3[%dma_wait3A_234] : memref<327680xi32, #tpu.memory_space<hbm>> -> memref<128xi32, #tpu.memory_space<hbm>>
    tpu.wait_dma2 semaphore(%arg13 : memref<!tpu.dma_semaphore, #tpu.memory_space<semaphore_mem>>) src(%dma_wait3A_235 : memref<128xi32, #tpu.memory_space<hbm>>) dst(%dma_wait3A_233 : memref<128xi32, #tpu.memory_space<vmem>>)
    %dma_wait3A_236 = arith.constant 0 : i32
    %dma_wait3A_237 = arith.constant 0 : i32
    %dma_wait3A_238 = arith.constant 0 : i32
    %dma_wait3A_239 = arith.constant 0 : i32
    %dma_wait3A_240 = tpu.memref_slice %arg8[%dma_wait3A_237, %dma_wait3A_238, %dma_wait3A_239] : memref<2x128x128xf32, #tpu.memory_space<vmem>> -> memref<1x128x128xf32, #tpu.memory_space<vmem>>
    %dma_wait3A_241 = tpu.memref_squeeze %dma_wait3A_240 : memref<1x128x128xf32, #tpu.memory_space<vmem>> -> memref<128x128xf32, #tpu.memory_space<vmem>>
    %dma_wait3A_242 = arith.constant 0 : i32
    %dma_wait3A_243 = tpu.memref_slice %arg6[%dma_wait3A_236, %dma_wait3A_242] : memref<4x128xi32, #tpu.memory_space<vmem>> -> memref<1x128xi32, #tpu.memory_space<vmem>>
    %dma_wait3A_244 = tpu.memref_squeeze %dma_wait3A_243 : memref<1x128xi32, #tpu.memory_space<vmem>> -> memref<128xi32, #tpu.memory_space<vmem>>
    %dma_wait3A_245 = arith.constant 0 : i32
    %dma_wait3A_246 = arith.constant 0 : i32
    %dma_wait3A_247 = tpu.memref_slice %arg2[%dma_wait3A_245, %dma_wait3A_246] : memref<10000x128xf32, #tpu.memory_space<hbm>> -> memref<10000x128xf32, #tpu.memory_space<hbm>>
    tpu.wait_indirect_dma semaphore(%arg14 : memref<!tpu.dma_semaphore, #tpu.memory_space<semaphore_mem>>) src(%dma_wait3A_247 : memref<10000x128xf32, #tpu.memory_space<hbm>>) dst(%dma_wait3A_241 : memref<128x128xf32, #tpu.memory_space<vmem>>)
    %dma_start3A_248 = arith.constant 0 : i32
    %dma_start3A_249 = arith.constant 2 : i32
    %dma_start3A_250 = arith.constant 0 : i32
    %dma_start3A_251 = arith.constant 0 : i32
    %dma_start3A_252 = tpu.memref_slice %arg8[%dma_start3A_248, %dma_start3A_250, %dma_start3A_251] : memref<2x128x128xf32, #tpu.memory_space<vmem>> -> memref<1x128x128xf32, #tpu.memory_space<vmem>>
    %dma_start3A_253 = tpu.memref_squeeze %dma_start3A_252 : memref<1x128x128xf32, #tpu.memory_space<vmem>> -> memref<128x128xf32, #tpu.memory_space<vmem>>
    %dma_start3A_254 = arith.constant 0 : i32
    %dma_start3A_255 = tpu.memref_slice %arg7[%dma_start3A_249, %dma_start3A_254] : memref<80x128xi32, #tpu.memory_space<vmem>> -> memref<1x128xi32, #tpu.memory_space<vmem>>
    %dma_start3A_256 = tpu.memref_squeeze %dma_start3A_255 : memref<1x128xi32, #tpu.memory_space<vmem>> -> memref<128xi32, #tpu.memory_space<vmem>>
    %dma_start3A_257 = arith.constant 0 : i32
    %dma_start3A_258 = arith.constant 0 : i32
    %dma_start3A_259 = tpu.memref_slice %arg9[%dma_start3A_257, %dma_start3A_258] : memref<10240x128xf32, #tpu.memory_space<vmem_shared>> -> memref<10240x128xf32, #tpu.memory_space<vmem_shared>>
    tpu.enqueue_indirect_dma source(%dma_start3A_253 : memref<128x128xf32, #tpu.memory_space<vmem>>) target(%dma_start3A_259 : memref<10240x128xf32, #tpu.memory_space<vmem_shared>>) offsets(%dma_start3A_256 : memref<128xi32, #tpu.memory_space<vmem>>) semaphore(%arg16 : memref<!tpu.dma_semaphore, #tpu.memory_space<semaphore_mem>>) {add = true}
    %dma_start3A_260 = arith.constant 3 : i32
    %dma_start3A_261 = arith.constant 1 : i32
    %dma_start3A_262 = arith.constant 0 : i32
    %dma_start3A_263 = arith.constant 0 : i32
    %dma_start3A_264 = tpu.memref_slice %arg8[%dma_start3A_261, %dma_start3A_262, %dma_start3A_263] : memref<2x128x128xf32, #tpu.memory_space<vmem>> -> memref<1x128x128xf32, #tpu.memory_space<vmem>>
    %dma_start3A_265 = tpu.memref_squeeze %dma_start3A_264 : memref<1x128x128xf32, #tpu.memory_space<vmem>> -> memref<128x128xf32, #tpu.memory_space<vmem>>
    %dma_start3A_266 = arith.constant 0 : i32
    %dma_start3A_267 = tpu.memref_slice %arg6[%dma_start3A_260, %dma_start3A_266] : memref<4x128xi32, #tpu.memory_space<vmem>> -> memref<1x128xi32, #tpu.memory_space<vmem>>
    %dma_start3A_268 = tpu.memref_squeeze %dma_start3A_267 : memref<1x128xi32, #tpu.memory_space<vmem>> -> memref<128xi32, #tpu.memory_space<vmem>>
    %dma_start3A_269 = arith.constant 0 : i32
    %dma_start3A_270 = arith.constant 0 : i32
    %dma_start3A_271 = tpu.memref_slice %arg2[%dma_start3A_269, %dma_start3A_270] : memref<10000x128xf32, #tpu.memory_space<hbm>> -> memref<10000x128xf32, #tpu.memory_space<hbm>>
    tpu.enqueue_indirect_dma source(%dma_start3A_271 : memref<10000x128xf32, #tpu.memory_space<hbm>>) target(%dma_start3A_265 : memref<128x128xf32, #tpu.memory_space<vmem>>) offsets(%dma_start3A_268 : memref<128xi32, #tpu.memory_space<vmem>>) semaphore(%arg15 : memref<!tpu.dma_semaphore, #tpu.memory_space<semaphore_mem>>)
    %add3A_272 = arith.constant 640 : i32
    %add3A_273 = arith.addi %mul3A_4, %add3A_272 : i32
    %dma_start3A_274 = arith.constant 1 : i32
    %dma_start3A_275 = arith.constant 0 : i32
    %dma_start3A_276 = tpu.memref_slice %arg6[%dma_start3A_274, %dma_start3A_275] : memref<4x128xi32, #tpu.memory_space<vmem>> -> memref<1x128xi32, #tpu.memory_space<vmem>>
    %dma_start3A_277 = tpu.memref_squeeze %dma_start3A_276 : memref<1x128xi32, #tpu.memory_space<vmem>> -> memref<128xi32, #tpu.memory_space<vmem>>
    %dma_start3A_278 = tpu.memref_slice %arg3[%add3A_273] : memref<327680xi32, #tpu.memory_space<hbm>> -> memref<128xi32, #tpu.memory_space<hbm>>
    %dma_start3A_279 = arith.constant 0 : i32
    %dma_start3A_280 = tpu.memref_slice %arg6[%dma_start3A_274, %dma_start3A_279] : memref<4x128xi32, #tpu.memory_space<vmem>> -> memref<1x128xi32, #tpu.memory_space<vmem>>
    %dma_start3A_281 = tpu.memref_squeeze %dma_start3A_280 : memref<1x128xi32, #tpu.memory_space<vmem>> -> memref<128xi32, #tpu.memory_space<vmem>>
    %dma_start3A_282 = tpu.memref_slice %arg3[%add3A_273] : memref<327680xi32, #tpu.memory_space<hbm>> -> memref<128xi32, #tpu.memory_space<hbm>>
    tpu.enqueue_dma source(%dma_start3A_282 : memref<128xi32, #tpu.memory_space<hbm>>) target(%dma_start3A_281 : memref<128xi32, #tpu.memory_space<vmem>>) target_semaphore(%arg11 : memref<!tpu.dma_semaphore, #tpu.memory_space<semaphore_mem>>)
    %scan3A_283 = arith.constant 0 : i32
    %scan3A_284 = arith.constant 18 : i32
    %scan3A_285 = arith.addi %scan3A_283, %scan3A_284 : i32
    %scan3A_286 = arith.constant 1 : i32
    scf.for %scan3A_605 = %scan3A_283 to %scan3A_285 step %scan3A_286  : i32 {
      %mul3A_606 = arith.constant 4 : i32
      %mul3A_607 = arith.muli %scan3A_605, %mul3A_606 : i32
      %add3A_608 = arith.constant 4 : i32
      %add3A_609 = arith.addi %add3A_608, %mul3A_607 : i32
      %add3A_610 = arith.constant 0 : i32
      %add3A_611 = arith.addi %add3A_609, %add3A_610 : i32
      %dma_wait3A_612 = arith.constant 0 : i32
      %dma_wait3A_613 = arith.constant 0 : i32
      %dma_wait3A_614 = arith.constant 0 : i32
      %dma_wait3A_615 = arith.constant 0 : i32
      %dma_wait3A_616 = tpu.memref_slice %arg8[%dma_wait3A_612, %dma_wait3A_614, %dma_wait3A_615] : memref<2x128x128xf32, #tpu.memory_space<vmem>> -> memref<1x128x128xf32, #tpu.memory_space<vmem>>
      %dma_wait3A_617 = tpu.memref_squeeze %dma_wait3A_616 : memref<1x128x128xf32, #tpu.memory_space<vmem>> -> memref<128x128xf32, #tpu.memory_space<vmem>>
      %dma_wait3A_618 = arith.constant 0 : i32
      %dma_wait3A_619 = tpu.memref_slice %arg7[%dma_wait3A_613, %dma_wait3A_618] : memref<80x128xi32, #tpu.memory_space<vmem>> -> memref<1x128xi32, #tpu.memory_space<vmem>>
      %dma_wait3A_620 = tpu.memref_squeeze %dma_wait3A_619 : memref<1x128xi32, #tpu.memory_space<vmem>> -> memref<128xi32, #tpu.memory_space<vmem>>
      %dma_wait3A_621 = arith.constant 0 : i32
      %dma_wait3A_622 = arith.constant 0 : i32
      %dma_wait3A_623 = tpu.memref_slice %arg9[%dma_wait3A_621, %dma_wait3A_622] : memref<10240x128xf32, #tpu.memory_space<vmem_shared>> -> memref<10240x128xf32, #tpu.memory_space<vmem_shared>>
      tpu.wait_indirect_dma semaphore(%arg16 : memref<!tpu.dma_semaphore, #tpu.memory_space<semaphore_mem>>) src(%dma_wait3A_617 : memref<128x128xf32, #tpu.memory_space<vmem>>) dst(%dma_wait3A_623 : memref<10240x128xf32, #tpu.memory_space<vmem_shared>>)
      %dma_wait3A_624 = arith.constant 0 : i32
      %dma_wait3A_625 = arith.constant 0 : i32
      %dma_wait3A_626 = tpu.memref_slice %arg6[%dma_wait3A_624, %dma_wait3A_625] : memref<4x128xi32, #tpu.memory_space<vmem>> -> memref<1x128xi32, #tpu.memory_space<vmem>>
      %dma_wait3A_627 = tpu.memref_squeeze %dma_wait3A_626 : memref<1x128xi32, #tpu.memory_space<vmem>> -> memref<128xi32, #tpu.memory_space<vmem>>
      %dma_wait3A_628 = arith.constant 0 : i32
      %dma_wait3A_629 = tpu.memref_slice %arg3[%dma_wait3A_628] : memref<327680xi32, #tpu.memory_space<hbm>> -> memref<128xi32, #tpu.memory_space<hbm>>
      %dma_wait3A_630 = arith.constant 0 : i32
      %dma_wait3A_631 = tpu.memref_slice %arg6[%dma_wait3A_624, %dma_wait3A_630] : memref<4x128xi32, #tpu.memory_space<vmem>> -> memref<1x128xi32, #tpu.memory_space<vmem>>
      %dma_wait3A_632 = tpu.memref_squeeze %dma_wait3A_631 : memref<1x128xi32, #tpu.memory_space<vmem>> -> memref<128xi32, #tpu.memory_space<vmem>>
      %dma_wait3A_633 = arith.constant 0 : i32
      %dma_wait3A_634 = tpu.memref_slice %arg3[%dma_wait3A_633] : memref<327680xi32, #tpu.memory_space<hbm>> -> memref<128xi32, #tpu.memory_space<hbm>>
      tpu.wait_dma2 semaphore(%arg10 : memref<!tpu.dma_semaphore, #tpu.memory_space<semaphore_mem>>) src(%dma_wait3A_634 : memref<128xi32, #tpu.memory_space<hbm>>) dst(%dma_wait3A_632 : memref<128xi32, #tpu.memory_space<vmem>>)
      %dma_wait3A_635 = arith.constant 0 : i32
      %dma_wait3A_636 = arith.constant 1 : i32
      %dma_wait3A_637 = arith.constant 0 : i32
      %dma_wait3A_638 = arith.constant 0 : i32
      %dma_wait3A_639 = tpu.memref_slice %arg8[%dma_wait3A_636, %dma_wait3A_637, %dma_wait3A_638] : memref<2x128x128xf32, #tpu.memory_space<vmem>> -> memref<1x128x128xf32, #tpu.memory_space<vmem>>
      %dma_wait3A_640 = tpu.memref_squeeze %dma_wait3A_639 : memref<1x128x128xf32, #tpu.memory_space<vmem>> -> memref<128x128xf32, #tpu.memory_space<vmem>>
      %dma_wait3A_641 = arith.constant 0 : i32
      %dma_wait3A_642 = tpu.memref_slice %arg6[%dma_wait3A_635, %dma_wait3A_641] : memref<4x128xi32, #tpu.memory_space<vmem>> -> memref<1x128xi32, #tpu.memory_space<vmem>>
      %dma_wait3A_643 = tpu.memref_squeeze %dma_wait3A_642 : memref<1x128xi32, #tpu.memory_space<vmem>> -> memref<128xi32, #tpu.memory_space<vmem>>
      %dma_wait3A_644 = arith.constant 0 : i32
      %dma_wait3A_645 = arith.constant 0 : i32
      %dma_wait3A_646 = tpu.memref_slice %arg2[%dma_wait3A_644, %dma_wait3A_645] : memref<10000x128xf32, #tpu.memory_space<hbm>> -> memref<10000x128xf32, #tpu.memory_space<hbm>>
      tpu.wait_indirect_dma semaphore(%arg15 : memref<!tpu.dma_semaphore, #tpu.memory_space<semaphore_mem>>) src(%dma_wait3A_646 : memref<10000x128xf32, #tpu.memory_space<hbm>>) dst(%dma_wait3A_640 : memref<128x128xf32, #tpu.memory_space<vmem>>)
      %sub3A = arith.constant 1 : i32
      %sub3A_647 = arith.subi %add3A_611, %sub3A : i32
      %dma_start3A_648 = arith.constant 1 : i32
      %dma_start3A_649 = arith.constant 0 : i32
      %dma_start3A_650 = arith.constant 0 : i32
      %dma_start3A_651 = tpu.memref_slice %arg8[%dma_start3A_648, %dma_start3A_649, %dma_start3A_650] : memref<2x128x128xf32, #tpu.memory_space<vmem>> -> memref<1x128x128xf32, #tpu.memory_space<vmem>>
      %dma_start3A_652 = tpu.memref_squeeze %dma_start3A_651 : memref<1x128x128xf32, #tpu.memory_space<vmem>> -> memref<128x128xf32, #tpu.memory_space<vmem>>
      %dma_start3A_653 = arith.constant 0 : i32
      %dma_start3A_654 = tpu.memref_slice %arg7[%sub3A_647, %dma_start3A_653] : memref<80x128xi32, #tpu.memory_space<vmem>> -> memref<1x128xi32, #tpu.memory_space<vmem>>
      %dma_start3A_655 = tpu.memref_squeeze %dma_start3A_654 : memref<1x128xi32, #tpu.memory_space<vmem>> -> memref<128xi32, #tpu.memory_space<vmem>>
      %dma_start3A_656 = arith.constant 0 : i32
      %dma_start3A_657 = arith.constant 0 : i32
      %dma_start3A_658 = tpu.memref_slice %arg9[%dma_start3A_656, %dma_start3A_657] : memref<10240x128xf32, #tpu.memory_space<vmem_shared>> -> memref<10240x128xf32, #tpu.memory_space<vmem_shared>>
      tpu.enqueue_indirect_dma source(%dma_start3A_652 : memref<128x128xf32, #tpu.memory_space<vmem>>) target(%dma_start3A_658 : memref<10240x128xf32, #tpu.memory_space<vmem_shared>>) offsets(%dma_start3A_655 : memref<128xi32, #tpu.memory_space<vmem>>) semaphore(%arg17 : memref<!tpu.dma_semaphore, #tpu.memory_space<semaphore_mem>>) {add = true}
      %dma_start3A_659 = arith.constant 0 : i32
      %dma_start3A_660 = arith.constant 0 : i32
      %dma_start3A_661 = arith.constant 0 : i32
      %dma_start3A_662 = arith.constant 0 : i32
      %dma_start3A_663 = tpu.memref_slice %arg8[%dma_start3A_660, %dma_start3A_661, %dma_start3A_662] : memref<2x128x128xf32, #tpu.memory_space<vmem>> -> memref<1x128x128xf32, #tpu.memory_space<vmem>>
      %dma_start3A_664 = tpu.memref_squeeze %dma_start3A_663 : memref<1x128x128xf32, #tpu.memory_space<vmem>> -> memref<128x128xf32, #tpu.memory_space<vmem>>
      %dma_start3A_665 = arith.constant 0 : i32
      %dma_start3A_666 = tpu.memref_slice %arg6[%dma_start3A_659, %dma_start3A_665] : memref<4x128xi32, #tpu.memory_space<vmem>> -> memref<1x128xi32, #tpu.memory_space<vmem>>
      %dma_start3A_667 = tpu.memref_squeeze %dma_start3A_666 : memref<1x128xi32, #tpu.memory_space<vmem>> -> memref<128xi32, #tpu.memory_space<vmem>>
      %dma_start3A_668 = arith.constant 0 : i32
      %dma_start3A_669 = arith.constant 0 : i32
      %dma_start3A_670 = tpu.memref_slice %arg2[%dma_start3A_668, %dma_start3A_669] : memref<10000x128xf32, #tpu.memory_space<hbm>> -> memref<10000x128xf32, #tpu.memory_space<hbm>>
      tpu.enqueue_indirect_dma source(%dma_start3A_670 : memref<10000x128xf32, #tpu.memory_space<hbm>>) target(%dma_start3A_664 : memref<128x128xf32, #tpu.memory_space<vmem>>) offsets(%dma_start3A_667 : memref<128xi32, #tpu.memory_space<vmem>>) semaphore(%arg14 : memref<!tpu.dma_semaphore, #tpu.memory_space<semaphore_mem>>)
      %add3A_671 = arith.constant 2 : i32
      %add3A_672 = arith.addi %add3A_611, %add3A_671 : i32
      %mul3A_673 = arith.constant 128 : i32
      %mul3A_674 = arith.muli %add3A_672, %mul3A_673 : i32
      %add3A_675 = arith.addi %mul3A_4, %mul3A_674 : i32
      %dma_start3A_676 = arith.constant 2 : i32
      %dma_start3A_677 = arith.constant 0 : i32
      %dma_start3A_678 = tpu.memref_slice %arg6[%dma_start3A_676, %dma_start3A_677] : memref<4x128xi32, #tpu.memory_space<vmem>> -> memref<1x128xi32, #tpu.memory_space<vmem>>
      %dma_start3A_679 = tpu.memref_squeeze %dma_start3A_678 : memref<1x128xi32, #tpu.memory_space<vmem>> -> memref<128xi32, #tpu.memory_space<vmem>>
      %dma_start3A_680 = tpu.memref_slice %arg3[%add3A_675] : memref<327680xi32, #tpu.memory_space<hbm>> -> memref<128xi32, #tpu.memory_space<hbm>>
      %dma_start3A_681 = arith.constant 0 : i32
      %dma_start3A_682 = tpu.memref_slice %arg6[%dma_start3A_676, %dma_start3A_681] : memref<4x128xi32, #tpu.memory_space<vmem>> -> memref<1x128xi32, #tpu.memory_space<vmem>>
      %dma_start3A_683 = tpu.memref_squeeze %dma_start3A_682 : memref<1x128xi32, #tpu.memory_space<vmem>> -> memref<128xi32, #tpu.memory_space<vmem>>
      %dma_start3A_684 = tpu.memref_slice %arg3[%add3A_675] : memref<327680xi32, #tpu.memory_space<hbm>> -> memref<128xi32, #tpu.memory_space<hbm>>
      tpu.enqueue_dma source(%dma_start3A_684 : memref<128xi32, #tpu.memory_space<hbm>>) target(%dma_start3A_683 : memref<128xi32, #tpu.memory_space<vmem>>) target_semaphore(%arg12 : memref<!tpu.dma_semaphore, #tpu.memory_space<semaphore_mem>>)
      %add3A_685 = arith.constant 1 : i32
      %add3A_686 = arith.addi %add3A_609, %add3A_685 : i32
      %dma_wait3A_687 = arith.constant 1 : i32
      %dma_wait3A_688 = arith.constant 0 : i32
      %dma_wait3A_689 = arith.constant 0 : i32
      %dma_wait3A_690 = arith.constant 0 : i32
      %dma_wait3A_691 = tpu.memref_slice %arg8[%dma_wait3A_687, %dma_wait3A_689, %dma_wait3A_690] : memref<2x128x128xf32, #tpu.memory_space<vmem>> -> memref<1x128x128xf32, #tpu.memory_space<vmem>>
      %dma_wait3A_692 = tpu.memref_squeeze %dma_wait3A_691 : memref<1x128x128xf32, #tpu.memory_space<vmem>> -> memref<128x128xf32, #tpu.memory_space<vmem>>
      %dma_wait3A_693 = arith.constant 0 : i32
      %dma_wait3A_694 = tpu.memref_slice %arg7[%dma_wait3A_688, %dma_wait3A_693] : memref<80x128xi32, #tpu.memory_space<vmem>> -> memref<1x128xi32, #tpu.memory_space<vmem>>
      %dma_wait3A_695 = tpu.memref_squeeze %dma_wait3A_694 : memref<1x128xi32, #tpu.memory_space<vmem>> -> memref<128xi32, #tpu.memory_space<vmem>>
      %dma_wait3A_696 = arith.constant 0 : i32
      %dma_wait3A_697 = arith.constant 0 : i32
      %dma_wait3A_698 = tpu.memref_slice %arg9[%dma_wait3A_696, %dma_wait3A_697] : memref<10240x128xf32, #tpu.memory_space<vmem_shared>> -> memref<10240x128xf32, #tpu.memory_space<vmem_shared>>
      tpu.wait_indirect_dma semaphore(%arg17 : memref<!tpu.dma_semaphore, #tpu.memory_space<semaphore_mem>>) src(%dma_wait3A_692 : memref<128x128xf32, #tpu.memory_space<vmem>>) dst(%dma_wait3A_698 : memref<10240x128xf32, #tpu.memory_space<vmem_shared>>)
      %dma_wait3A_699 = arith.constant 1 : i32
      %dma_wait3A_700 = arith.constant 0 : i32
      %dma_wait3A_701 = tpu.memref_slice %arg6[%dma_wait3A_699, %dma_wait3A_700] : memref<4x128xi32, #tpu.memory_space<vmem>> -> memref<1x128xi32, #tpu.memory_space<vmem>>
      %dma_wait3A_702 = tpu.memref_squeeze %dma_wait3A_701 : memref<1x128xi32, #tpu.memory_space<vmem>> -> memref<128xi32, #tpu.memory_space<vmem>>
      %dma_wait3A_703 = arith.constant 0 : i32
      %dma_wait3A_704 = tpu.memref_slice %arg3[%dma_wait3A_703] : memref<327680xi32, #tpu.memory_space<hbm>> -> memref<128xi32, #tpu.memory_space<hbm>>
      %dma_wait3A_705 = arith.constant 0 : i32
      %dma_wait3A_706 = tpu.memref_slice %arg6[%dma_wait3A_699, %dma_wait3A_705] : memref<4x128xi32, #tpu.memory_space<vmem>> -> memref<1x128xi32, #tpu.memory_space<vmem>>
      %dma_wait3A_707 = tpu.memref_squeeze %dma_wait3A_706 : memref<1x128xi32, #tpu.memory_space<vmem>> -> memref<128xi32, #tpu.memory_space<vmem>>
      %dma_wait3A_708 = arith.constant 0 : i32
      %dma_wait3A_709 = tpu.memref_slice %arg3[%dma_wait3A_708] : memref<327680xi32, #tpu.memory_space<hbm>> -> memref<128xi32, #tpu.memory_space<hbm>>
      tpu.wait_dma2 semaphore(%arg11 : memref<!tpu.dma_semaphore, #tpu.memory_space<semaphore_mem>>) src(%dma_wait3A_709 : memref<128xi32, #tpu.memory_space<hbm>>) dst(%dma_wait3A_707 : memref<128xi32, #tpu.memory_space<vmem>>)
      %dma_wait3A_710 = arith.constant 0 : i32
      %dma_wait3A_711 = arith.constant 0 : i32
      %dma_wait3A_712 = arith.constant 0 : i32
      %dma_wait3A_713 = arith.constant 0 : i32
      %dma_wait3A_714 = tpu.memref_slice %arg8[%dma_wait3A_711, %dma_wait3A_712, %dma_wait3A_713] : memref<2x128x128xf32, #tpu.memory_space<vmem>> -> memref<1x128x128xf32, #tpu.memory_space<vmem>>
      %dma_wait3A_715 = tpu.memref_squeeze %dma_wait3A_714 : memref<1x128x128xf32, #tpu.memory_space<vmem>> -> memref<128x128xf32, #tpu.memory_space<vmem>>
      %dma_wait3A_716 = arith.constant 0 : i32
      %dma_wait3A_717 = tpu.memref_slice %arg6[%dma_wait3A_710, %dma_wait3A_716] : memref<4x128xi32, #tpu.memory_space<vmem>> -> memref<1x128xi32, #tpu.memory_space<vmem>>
      %dma_wait3A_718 = tpu.memref_squeeze %dma_wait3A_717 : memref<1x128xi32, #tpu.memory_space<vmem>> -> memref<128xi32, #tpu.memory_space<vmem>>
      %dma_wait3A_719 = arith.constant 0 : i32
      %dma_wait3A_720 = arith.constant 0 : i32
      %dma_wait3A_721 = tpu.memref_slice %arg2[%dma_wait3A_719, %dma_wait3A_720] : memref<10000x128xf32, #tpu.memory_space<hbm>> -> memref<10000x128xf32, #tpu.memory_space<hbm>>
      tpu.wait_indirect_dma semaphore(%arg14 : memref<!tpu.dma_semaphore, #tpu.memory_space<semaphore_mem>>) src(%dma_wait3A_721 : memref<10000x128xf32, #tpu.memory_space<hbm>>) dst(%dma_wait3A_715 : memref<128x128xf32, #tpu.memory_space<vmem>>)
      %sub3A_722 = arith.constant 1 : i32
      %sub3A_723 = arith.subi %add3A_686, %sub3A_722 : i32
      %dma_start3A_724 = arith.constant 0 : i32
      %dma_start3A_725 = arith.constant 0 : i32
      %dma_start3A_726 = arith.constant 0 : i32
      %dma_start3A_727 = tpu.memref_slice %arg8[%dma_start3A_724, %dma_start3A_725, %dma_start3A_726] : memref<2x128x128xf32, #tpu.memory_space<vmem>> -> memref<1x128x128xf32, #tpu.memory_space<vmem>>
      %dma_start3A_728 = tpu.memref_squeeze %dma_start3A_727 : memref<1x128x128xf32, #tpu.memory_space<vmem>> -> memref<128x128xf32, #tpu.memory_space<vmem>>
      %dma_start3A_729 = arith.constant 0 : i32
      %dma_start3A_730 = tpu.memref_slice %arg7[%sub3A_723, %dma_start3A_729] : memref<80x128xi32, #tpu.memory_space<vmem>> -> memref<1x128xi32, #tpu.memory_space<vmem>>
      %dma_start3A_731 = tpu.memref_squeeze %dma_start3A_730 : memref<1x128xi32, #tpu.memory_space<vmem>> -> memref<128xi32, #tpu.memory_space<vmem>>
      %dma_start3A_732 = arith.constant 0 : i32
      %dma_start3A_733 = arith.constant 0 : i32
      %dma_start3A_734 = tpu.memref_slice %arg9[%dma_start3A_732, %dma_start3A_733] : memref<10240x128xf32, #tpu.memory_space<vmem_shared>> -> memref<10240x128xf32, #tpu.memory_space<vmem_shared>>
      tpu.enqueue_indirect_dma source(%dma_start3A_728 : memref<128x128xf32, #tpu.memory_space<vmem>>) target(%dma_start3A_734 : memref<10240x128xf32, #tpu.memory_space<vmem_shared>>) offsets(%dma_start3A_731 : memref<128xi32, #tpu.memory_space<vmem>>) semaphore(%arg16 : memref<!tpu.dma_semaphore, #tpu.memory_space<semaphore_mem>>) {add = true}
      %dma_start3A_735 = arith.constant 1 : i32
      %dma_start3A_736 = arith.constant 1 : i32
      %dma_start3A_737 = arith.constant 0 : i32
      %dma_start3A_738 = arith.constant 0 : i32
      %dma_start3A_739 = tpu.memref_slice %arg8[%dma_start3A_736, %dma_start3A_737, %dma_start3A_738] : memref<2x128x128xf32, #tpu.memory_space<vmem>> -> memref<1x128x128xf32, #tpu.memory_space<vmem>>
      %dma_start3A_740 = tpu.memref_squeeze %dma_start3A_739 : memref<1x128x128xf32, #tpu.memory_space<vmem>> -> memref<128x128xf32, #tpu.memory_space<vmem>>
      %dma_start3A_741 = arith.constant 0 : i32
      %dma_start3A_742 = tpu.memref_slice %arg6[%dma_start3A_735, %dma_start3A_741] : memref<4x128xi32, #tpu.memory_space<vmem>> -> memref<1x128xi32, #tpu.memory_space<vmem>>
      %dma_start3A_743 = tpu.memref_squeeze %dma_start3A_742 : memref<1x128xi32, #tpu.memory_space<vmem>> -> memref<128xi32, #tpu.memory_space<vmem>>
      %dma_start3A_744 = arith.constant 0 : i32
      %dma_start3A_745 = arith.constant 0 : i32
      %dma_start3A_746 = tpu.memref_slice %arg2[%dma_start3A_744, %dma_start3A_745] : memref<10000x128xf32, #tpu.memory_space<hbm>> -> memref<10000x128xf32, #tpu.memory_space<hbm>>
      tpu.enqueue_indirect_dma source(%dma_start3A_746 : memref<10000x128xf32, #tpu.memory_space<hbm>>) target(%dma_start3A_740 : memref<128x128xf32, #tpu.memory_space<vmem>>) offsets(%dma_start3A_743 : memref<128xi32, #tpu.memory_space<vmem>>) semaphore(%arg15 : memref<!tpu.dma_semaphore, #tpu.memory_space<semaphore_mem>>)
      %add3A_747 = arith.constant 2 : i32
      %add3A_748 = arith.addi %add3A_686, %add3A_747 : i32
      %mul3A_749 = arith.constant 128 : i32
      %mul3A_750 = arith.muli %add3A_748, %mul3A_749 : i32
      %add3A_751 = arith.addi %mul3A_4, %mul3A_750 : i32
      %dma_start3A_752 = arith.constant 3 : i32
      %dma_start3A_753 = arith.constant 0 : i32
      %dma_start3A_754 = tpu.memref_slice %arg6[%dma_start3A_752, %dma_start3A_753] : memref<4x128xi32, #tpu.memory_space<vmem>> -> memref<1x128xi32, #tpu.memory_space<vmem>>
      %dma_start3A_755 = tpu.memref_squeeze %dma_start3A_754 : memref<1x128xi32, #tpu.memory_space<vmem>> -> memref<128xi32, #tpu.memory_space<vmem>>
      %dma_start3A_756 = tpu.memref_slice %arg3[%add3A_751] : memref<327680xi32, #tpu.memory_space<hbm>> -> memref<128xi32, #tpu.memory_space<hbm>>
      %dma_start3A_757 = arith.constant 0 : i32
      %dma_start3A_758 = tpu.memref_slice %arg6[%dma_start3A_752, %dma_start3A_757] : memref<4x128xi32, #tpu.memory_space<vmem>> -> memref<1x128xi32, #tpu.memory_space<vmem>>
      %dma_start3A_759 = tpu.memref_squeeze %dma_start3A_758 : memref<1x128xi32, #tpu.memory_space<vmem>> -> memref<128xi32, #tpu.memory_space<vmem>>
      %dma_start3A_760 = tpu.memref_slice %arg3[%add3A_751] : memref<327680xi32, #tpu.memory_space<hbm>> -> memref<128xi32, #tpu.memory_space<hbm>>
      tpu.enqueue_dma source(%dma_start3A_760 : memref<128xi32, #tpu.memory_space<hbm>>) target(%dma_start3A_759 : memref<128xi32, #tpu.memory_space<vmem>>) target_semaphore(%arg13 : memref<!tpu.dma_semaphore, #tpu.memory_space<semaphore_mem>>)
      %add3A_761 = arith.constant 2 : i32
      %add3A_762 = arith.addi %add3A_609, %add3A_761 : i32
      %dma_wait3A_763 = arith.constant 0 : i32
      %dma_wait3A_764 = arith.constant 0 : i32
      %dma_wait3A_765 = arith.constant 0 : i32
      %dma_wait3A_766 = arith.constant 0 : i32
      %dma_wait3A_767 = tpu.memref_slice %arg8[%dma_wait3A_763, %dma_wait3A_765, %dma_wait3A_766] : memref<2x128x128xf32, #tpu.memory_space<vmem>> -> memref<1x128x128xf32, #tpu.memory_space<vmem>>
      %dma_wait3A_768 = tpu.memref_squeeze %dma_wait3A_767 : memref<1x128x128xf32, #tpu.memory_space<vmem>> -> memref<128x128xf32, #tpu.memory_space<vmem>>
      %dma_wait3A_769 = arith.constant 0 : i32
      %dma_wait3A_770 = tpu.memref_slice %arg7[%dma_wait3A_764, %dma_wait3A_769] : memref<80x128xi32, #tpu.memory_space<vmem>> -> memref<1x128xi32, #tpu.memory_space<vmem>>
      %dma_wait3A_771 = tpu.memref_squeeze %dma_wait3A_770 : memref<1x128xi32, #tpu.memory_space<vmem>> -> memref<128xi32, #tpu.memory_space<vmem>>
      %dma_wait3A_772 = arith.constant 0 : i32
      %dma_wait3A_773 = arith.constant 0 : i32
      %dma_wait3A_774 = tpu.memref_slice %arg9[%dma_wait3A_772, %dma_wait3A_773] : memref<10240x128xf32, #tpu.memory_space<vmem_shared>> -> memref<10240x128xf32, #tpu.memory_space<vmem_shared>>
      tpu.wait_indirect_dma semaphore(%arg16 : memref<!tpu.dma_semaphore, #tpu.memory_space<semaphore_mem>>) src(%dma_wait3A_768 : memref<128x128xf32, #tpu.memory_space<vmem>>) dst(%dma_wait3A_774 : memref<10240x128xf32, #tpu.memory_space<vmem_shared>>)
      %dma_wait3A_775 = arith.constant 2 : i32
      %dma_wait3A_776 = arith.constant 0 : i32
      %dma_wait3A_777 = tpu.memref_slice %arg6[%dma_wait3A_775, %dma_wait3A_776] : memref<4x128xi32, #tpu.memory_space<vmem>> -> memref<1x128xi32, #tpu.memory_space<vmem>>
      %dma_wait3A_778 = tpu.memref_squeeze %dma_wait3A_777 : memref<1x128xi32, #tpu.memory_space<vmem>> -> memref<128xi32, #tpu.memory_space<vmem>>
      %dma_wait3A_779 = arith.constant 0 : i32
      %dma_wait3A_780 = tpu.memref_slice %arg3[%dma_wait3A_779] : memref<327680xi32, #tpu.memory_space<hbm>> -> memref<128xi32, #tpu.memory_space<hbm>>
      %dma_wait3A_781 = arith.constant 0 : i32
      %dma_wait3A_782 = tpu.memref_slice %arg6[%dma_wait3A_775, %dma_wait3A_781] : memref<4x128xi32, #tpu.memory_space<vmem>> -> memref<1x128xi32, #tpu.memory_space<vmem>>
      %dma_wait3A_783 = tpu.memref_squeeze %dma_wait3A_782 : memref<1x128xi32, #tpu.memory_space<vmem>> -> memref<128xi32, #tpu.memory_space<vmem>>
      %dma_wait3A_784 = arith.constant 0 : i32
      %dma_wait3A_785 = tpu.memref_slice %arg3[%dma_wait3A_784] : memref<327680xi32, #tpu.memory_space<hbm>> -> memref<128xi32, #tpu.memory_space<hbm>>
      tpu.wait_dma2 semaphore(%arg12 : memref<!tpu.dma_semaphore, #tpu.memory_space<semaphore_mem>>) src(%dma_wait3A_785 : memref<128xi32, #tpu.memory_space<hbm>>) dst(%dma_wait3A_783 : memref<128xi32, #tpu.memory_space<vmem>>)
      %dma_wait3A_786 = arith.constant 0 : i32
      %dma_wait3A_787 = arith.constant 1 : i32
      %dma_wait3A_788 = arith.constant 0 : i32
      %dma_wait3A_789 = arith.constant 0 : i32
      %dma_wait3A_790 = tpu.memref_slice %arg8[%dma_wait3A_787, %dma_wait3A_788, %dma_wait3A_789] : memref<2x128x128xf32, #tpu.memory_space<vmem>> -> memref<1x128x128xf32, #tpu.memory_space<vmem>>
      %dma_wait3A_791 = tpu.memref_squeeze %dma_wait3A_790 : memref<1x128x128xf32, #tpu.memory_space<vmem>> -> memref<128x128xf32, #tpu.memory_space<vmem>>
      %dma_wait3A_792 = arith.constant 0 : i32
      %dma_wait3A_793 = tpu.memref_slice %arg6[%dma_wait3A_786, %dma_wait3A_792] : memref<4x128xi32, #tpu.memory_space<vmem>> -> memref<1x128xi32, #tpu.memory_space<vmem>>
      %dma_wait3A_794 = tpu.memref_squeeze %dma_wait3A_793 : memref<1x128xi32, #tpu.memory_space<vmem>> -> memref<128xi32, #tpu.memory_space<vmem>>
      %dma_wait3A_795 = arith.constant 0 : i32
      %dma_wait3A_796 = arith.constant 0 : i32
      %dma_wait3A_797 = tpu.memref_slice %arg2[%dma_wait3A_795, %dma_wait3A_796] : memref<10000x128xf32, #tpu.memory_space<hbm>> -> memref<10000x128xf32, #tpu.memory_space<hbm>>
      tpu.wait_indirect_dma semaphore(%arg15 : memref<!tpu.dma_semaphore, #tpu.memory_space<semaphore_mem>>) src(%dma_wait3A_797 : memref<10000x128xf32, #tpu.memory_space<hbm>>) dst(%dma_wait3A_791 : memref<128x128xf32, #tpu.memory_space<vmem>>)
      %sub3A_798 = arith.constant 1 : i32
      %sub3A_799 = arith.subi %add3A_762, %sub3A_798 : i32
      %dma_start3A_800 = arith.constant 1 : i32
      %dma_start3A_801 = arith.constant 0 : i32
      %dma_start3A_802 = arith.constant 0 : i32
      %dma_start3A_803 = tpu.memref_slice %arg8[%dma_start3A_800, %dma_start3A_801, %dma_start3A_802] : memref<2x128x128xf32, #tpu.memory_space<vmem>> -> memref<1x128x128xf32, #tpu.memory_space<vmem>>
      %dma_start3A_804 = tpu.memref_squeeze %dma_start3A_803 : memref<1x128x128xf32, #tpu.memory_space<vmem>> -> memref<128x128xf32, #tpu.memory_space<vmem>>
      %dma_start3A_805 = arith.constant 0 : i32
      %dma_start3A_806 = tpu.memref_slice %arg7[%sub3A_799, %dma_start3A_805] : memref<80x128xi32, #tpu.memory_space<vmem>> -> memref<1x128xi32, #tpu.memory_space<vmem>>
      %dma_start3A_807 = tpu.memref_squeeze %dma_start3A_806 : memref<1x128xi32, #tpu.memory_space<vmem>> -> memref<128xi32, #tpu.memory_space<vmem>>
      %dma_start3A_808 = arith.constant 0 : i32
      %dma_start3A_809 = arith.constant 0 : i32
      %dma_start3A_810 = tpu.memref_slice %arg9[%dma_start3A_808, %dma_start3A_809] : memref<10240x128xf32, #tpu.memory_space<vmem_shared>> -> memref<10240x128xf32, #tpu.memory_space<vmem_shared>>
      tpu.enqueue_indirect_dma source(%dma_start3A_804 : memref<128x128xf32, #tpu.memory_space<vmem>>) target(%dma_start3A_810 : memref<10240x128xf32, #tpu.memory_space<vmem_shared>>) offsets(%dma_start3A_807 : memref<128xi32, #tpu.memory_space<vmem>>) semaphore(%arg17 : memref<!tpu.dma_semaphore, #tpu.memory_space<semaphore_mem>>) {add = true}
      %dma_start3A_811 = arith.constant 2 : i32
      %dma_start3A_812 = arith.constant 0 : i32
      %dma_start3A_813 = arith.constant 0 : i32
      %dma_start3A_814 = arith.constant 0 : i32
      %dma_start3A_815 = tpu.memref_slice %arg8[%dma_start3A_812, %dma_start3A_813, %dma_start3A_814] : memref<2x128x128xf32, #tpu.memory_space<vmem>> -> memref<1x128x128xf32, #tpu.memory_space<vmem>>
      %dma_start3A_816 = tpu.memref_squeeze %dma_start3A_815 : memref<1x128x128xf32, #tpu.memory_space<vmem>> -> memref<128x128xf32, #tpu.memory_space<vmem>>
      %dma_start3A_817 = arith.constant 0 : i32
      %dma_start3A_818 = tpu.memref_slice %arg6[%dma_start3A_811, %dma_start3A_817] : memref<4x128xi32, #tpu.memory_space<vmem>> -> memref<1x128xi32, #tpu.memory_space<vmem>>
      %dma_start3A_819 = tpu.memref_squeeze %dma_start3A_818 : memref<1x128xi32, #tpu.memory_space<vmem>> -> memref<128xi32, #tpu.memory_space<vmem>>
      %dma_start3A_820 = arith.constant 0 : i32
      %dma_start3A_821 = arith.constant 0 : i32
      %dma_start3A_822 = tpu.memref_slice %arg2[%dma_start3A_820, %dma_start3A_821] : memref<10000x128xf32, #tpu.memory_space<hbm>> -> memref<10000x128xf32, #tpu.memory_space<hbm>>
      tpu.enqueue_indirect_dma source(%dma_start3A_822 : memref<10000x128xf32, #tpu.memory_space<hbm>>) target(%dma_start3A_816 : memref<128x128xf32, #tpu.memory_space<vmem>>) offsets(%dma_start3A_819 : memref<128xi32, #tpu.memory_space<vmem>>) semaphore(%arg14 : memref<!tpu.dma_semaphore, #tpu.memory_space<semaphore_mem>>)
      %add3A_823 = arith.constant 2 : i32
      %add3A_824 = arith.addi %add3A_762, %add3A_823 : i32
      %mul3A_825 = arith.constant 128 : i32
      %mul3A_826 = arith.muli %add3A_824, %mul3A_825 : i32
      %add3A_827 = arith.addi %mul3A_4, %mul3A_826 : i32
      %dma_start3A_828 = arith.constant 0 : i32
      %dma_start3A_829 = arith.constant 0 : i32
      %dma_start3A_830 = tpu.memref_slice %arg6[%dma_start3A_828, %dma_start3A_829] : memref<4x128xi32, #tpu.memory_space<vmem>> -> memref<1x128xi32, #tpu.memory_space<vmem>>
      %dma_start3A_831 = tpu.memref_squeeze %dma_start3A_830 : memref<1x128xi32, #tpu.memory_space<vmem>> -> memref<128xi32, #tpu.memory_space<vmem>>
      %dma_start3A_832 = tpu.memref_slice %arg3[%add3A_827] : memref<327680xi32, #tpu.memory_space<hbm>> -> memref<128xi32, #tpu.memory_space<hbm>>
      %dma_start3A_833 = arith.constant 0 : i32
      %dma_start3A_834 = tpu.memref_slice %arg6[%dma_start3A_828, %dma_start3A_833] : memref<4x128xi32, #tpu.memory_space<vmem>> -> memref<1x128xi32, #tpu.memory_space<vmem>>
      %dma_start3A_835 = tpu.memref_squeeze %dma_start3A_834 : memref<1x128xi32, #tpu.memory_space<vmem>> -> memref<128xi32, #tpu.memory_space<vmem>>
      %dma_start3A_836 = tpu.memref_slice %arg3[%add3A_827] : memref<327680xi32, #tpu.memory_space<hbm>> -> memref<128xi32, #tpu.memory_space<hbm>>
      tpu.enqueue_dma source(%dma_start3A_836 : memref<128xi32, #tpu.memory_space<hbm>>) target(%dma_start3A_835 : memref<128xi32, #tpu.memory_space<vmem>>) target_semaphore(%arg10 : memref<!tpu.dma_semaphore, #tpu.memory_space<semaphore_mem>>)
      %add3A_837 = arith.constant 3 : i32
      %add3A_838 = arith.addi %add3A_609, %add3A_837 : i32
      %dma_wait3A_839 = arith.constant 1 : i32
      %dma_wait3A_840 = arith.constant 0 : i32
      %dma_wait3A_841 = arith.constant 0 : i32
      %dma_wait3A_842 = arith.constant 0 : i32
      %dma_wait3A_843 = tpu.memref_slice %arg8[%dma_wait3A_839, %dma_wait3A_841, %dma_wait3A_842] : memref<2x128x128xf32, #tpu.memory_space<vmem>> -> memref<1x128x128xf32, #tpu.memory_space<vmem>>
      %dma_wait3A_844 = tpu.memref_squeeze %dma_wait3A_843 : memref<1x128x128xf32, #tpu.memory_space<vmem>> -> memref<128x128xf32, #tpu.memory_space<vmem>>
      %dma_wait3A_845 = arith.constant 0 : i32
      %dma_wait3A_846 = tpu.memref_slice %arg7[%dma_wait3A_840, %dma_wait3A_845] : memref<80x128xi32, #tpu.memory_space<vmem>> -> memref<1x128xi32, #tpu.memory_space<vmem>>
      %dma_wait3A_847 = tpu.memref_squeeze %dma_wait3A_846 : memref<1x128xi32, #tpu.memory_space<vmem>> -> memref<128xi32, #tpu.memory_space<vmem>>
      %dma_wait3A_848 = arith.constant 0 : i32
      %dma_wait3A_849 = arith.constant 0 : i32
      %dma_wait3A_850 = tpu.memref_slice %arg9[%dma_wait3A_848, %dma_wait3A_849] : memref<10240x128xf32, #tpu.memory_space<vmem_shared>> -> memref<10240x128xf32, #tpu.memory_space<vmem_shared>>
      tpu.wait_indirect_dma semaphore(%arg17 : memref<!tpu.dma_semaphore, #tpu.memory_space<semaphore_mem>>) src(%dma_wait3A_844 : memref<128x128xf32, #tpu.memory_space<vmem>>) dst(%dma_wait3A_850 : memref<10240x128xf32, #tpu.memory_space<vmem_shared>>)
      %dma_wait3A_851 = arith.constant 3 : i32
      %dma_wait3A_852 = arith.constant 0 : i32
      %dma_wait3A_853 = tpu.memref_slice %arg6[%dma_wait3A_851, %dma_wait3A_852] : memref<4x128xi32, #tpu.memory_space<vmem>> -> memref<1x128xi32, #tpu.memory_space<vmem>>
      %dma_wait3A_854 = tpu.memref_squeeze %dma_wait3A_853 : memref<1x128xi32, #tpu.memory_space<vmem>> -> memref<128xi32, #tpu.memory_space<vmem>>
      %dma_wait3A_855 = arith.constant 0 : i32
      %dma_wait3A_856 = tpu.memref_slice %arg3[%dma_wait3A_855] : memref<327680xi32, #tpu.memory_space<hbm>> -> memref<128xi32, #tpu.memory_space<hbm>>
      %dma_wait3A_857 = arith.constant 0 : i32
      %dma_wait3A_858 = tpu.memref_slice %arg6[%dma_wait3A_851, %dma_wait3A_857] : memref<4x128xi32, #tpu.memory_space<vmem>> -> memref<1x128xi32, #tpu.memory_space<vmem>>
      %dma_wait3A_859 = tpu.memref_squeeze %dma_wait3A_858 : memref<1x128xi32, #tpu.memory_space<vmem>> -> memref<128xi32, #tpu.memory_space<vmem>>
      %dma_wait3A_860 = arith.constant 0 : i32
      %dma_wait3A_861 = tpu.memref_slice %arg3[%dma_wait3A_860] : memref<327680xi32, #tpu.memory_space<hbm>> -> memref<128xi32, #tpu.memory_space<hbm>>
      tpu.wait_dma2 semaphore(%arg13 : memref<!tpu.dma_semaphore, #tpu.memory_space<semaphore_mem>>) src(%dma_wait3A_861 : memref<128xi32, #tpu.memory_space<hbm>>) dst(%dma_wait3A_859 : memref<128xi32, #tpu.memory_space<vmem>>)
      %dma_wait3A_862 = arith.constant 0 : i32
      %dma_wait3A_863 = arith.constant 0 : i32
      %dma_wait3A_864 = arith.constant 0 : i32
      %dma_wait3A_865 = arith.constant 0 : i32
      %dma_wait3A_866 = tpu.memref_slice %arg8[%dma_wait3A_863, %dma_wait3A_864, %dma_wait3A_865] : memref<2x128x128xf32, #tpu.memory_space<vmem>> -> memref<1x128x128xf32, #tpu.memory_space<vmem>>
      %dma_wait3A_867 = tpu.memref_squeeze %dma_wait3A_866 : memref<1x128x128xf32, #tpu.memory_space<vmem>> -> memref<128x128xf32, #tpu.memory_space<vmem>>
      %dma_wait3A_868 = arith.constant 0 : i32
      %dma_wait3A_869 = tpu.memref_slice %arg6[%dma_wait3A_862, %dma_wait3A_868] : memref<4x128xi32, #tpu.memory_space<vmem>> -> memref<1x128xi32, #tpu.memory_space<vmem>>
      %dma_wait3A_870 = tpu.memref_squeeze %dma_wait3A_869 : memref<1x128xi32, #tpu.memory_space<vmem>> -> memref<128xi32, #tpu.memory_space<vmem>>
      %dma_wait3A_871 = arith.constant 0 : i32
      %dma_wait3A_872 = arith.constant 0 : i32
      %dma_wait3A_873 = tpu.memref_slice %arg2[%dma_wait3A_871, %dma_wait3A_872] : memref<10000x128xf32, #tpu.memory_space<hbm>> -> memref<10000x128xf32, #tpu.memory_space<hbm>>
      tpu.wait_indirect_dma semaphore(%arg14 : memref<!tpu.dma_semaphore, #tpu.memory_space<semaphore_mem>>) src(%dma_wait3A_873 : memref<10000x128xf32, #tpu.memory_space<hbm>>) dst(%dma_wait3A_867 : memref<128x128xf32, #tpu.memory_space<vmem>>)
      %sub3A_874 = arith.constant 1 : i32
      %sub3A_875 = arith.subi %add3A_838, %sub3A_874 : i32
      %dma_start3A_876 = arith.constant 0 : i32
      %dma_start3A_877 = arith.constant 0 : i32
      %dma_start3A_878 = arith.constant 0 : i32
      %dma_start3A_879 = tpu.memref_slice %arg8[%dma_start3A_876, %dma_start3A_877, %dma_start3A_878] : memref<2x128x128xf32, #tpu.memory_space<vmem>> -> memref<1x128x128xf32, #tpu.memory_space<vmem>>
      %dma_start3A_880 = tpu.memref_squeeze %dma_start3A_879 : memref<1x128x128xf32, #tpu.memory_space<vmem>> -> memref<128x128xf32, #tpu.memory_space<vmem>>
      %dma_start3A_881 = arith.constant 0 : i32
      %dma_start3A_882 = tpu.memref_slice %arg7[%sub3A_875, %dma_start3A_881] : memref<80x128xi32, #tpu.memory_space<vmem>> -> memref<1x128xi32, #tpu.memory_space<vmem>>
      %dma_start3A_883 = tpu.memref_squeeze %dma_start3A_882 : memref<1x128xi32, #tpu.memory_space<vmem>> -> memref<128xi32, #tpu.memory_space<vmem>>
      %dma_start3A_884 = arith.constant 0 : i32
      %dma_start3A_885 = arith.constant 0 : i32
      %dma_start3A_886 = tpu.memref_slice %arg9[%dma_start3A_884, %dma_start3A_885] : memref<10240x128xf32, #tpu.memory_space<vmem_shared>> -> memref<10240x128xf32, #tpu.memory_space<vmem_shared>>
      tpu.enqueue_indirect_dma source(%dma_start3A_880 : memref<128x128xf32, #tpu.memory_space<vmem>>) target(%dma_start3A_886 : memref<10240x128xf32, #tpu.memory_space<vmem_shared>>) offsets(%dma_start3A_883 : memref<128xi32, #tpu.memory_space<vmem>>) semaphore(%arg16 : memref<!tpu.dma_semaphore, #tpu.memory_space<semaphore_mem>>) {add = true}
      %dma_start3A_887 = arith.constant 3 : i32
      %dma_start3A_888 = arith.constant 1 : i32
      %dma_start3A_889 = arith.constant 0 : i32
      %dma_start3A_890 = arith.constant 0 : i32
      %dma_start3A_891 = tpu.memref_slice %arg8[%dma_start3A_888, %dma_start3A_889, %dma_start3A_890] : memref<2x128x128xf32, #tpu.memory_space<vmem>> -> memref<1x128x128xf32, #tpu.memory_space<vmem>>
      %dma_start3A_892 = tpu.memref_squeeze %dma_start3A_891 : memref<1x128x128xf32, #tpu.memory_space<vmem>> -> memref<128x128xf32, #tpu.memory_space<vmem>>
      %dma_start3A_893 = arith.constant 0 : i32
      %dma_start3A_894 = tpu.memref_slice %arg6[%dma_start3A_887, %dma_start3A_893] : memref<4x128xi32, #tpu.memory_space<vmem>> -> memref<1x128xi32, #tpu.memory_space<vmem>>
      %dma_start3A_895 = tpu.memref_squeeze %dma_start3A_894 : memref<1x128xi32, #tpu.memory_space<vmem>> -> memref<128xi32, #tpu.memory_space<vmem>>
      %dma_start3A_896 = arith.constant 0 : i32
      %dma_start3A_897 = arith.constant 0 : i32
      %dma_start3A_898 = tpu.memref_slice %arg2[%dma_start3A_896, %dma_start3A_897] : memref<10000x128xf32, #tpu.memory_space<hbm>> -> memref<10000x128xf32, #tpu.memory_space<hbm>>
      tpu.enqueue_indirect_dma source(%dma_start3A_898 : memref<10000x128xf32, #tpu.memory_space<hbm>>) target(%dma_start3A_892 : memref<128x128xf32, #tpu.memory_space<vmem>>) offsets(%dma_start3A_895 : memref<128xi32, #tpu.memory_space<vmem>>) semaphore(%arg15 : memref<!tpu.dma_semaphore, #tpu.memory_space<semaphore_mem>>)
      %add3A_899 = arith.constant 2 : i32
      %add3A_900 = arith.addi %add3A_838, %add3A_899 : i32
      %mul3A_901 = arith.constant 128 : i32
      %mul3A_902 = arith.muli %add3A_900, %mul3A_901 : i32
      %add3A_903 = arith.addi %mul3A_4, %mul3A_902 : i32
      %dma_start3A_904 = arith.constant 1 : i32
      %dma_start3A_905 = arith.constant 0 : i32
      %dma_start3A_906 = tpu.memref_slice %arg6[%dma_start3A_904, %dma_start3A_905] : memref<4x128xi32, #tpu.memory_space<vmem>> -> memref<1x128xi32, #tpu.memory_space<vmem>>
      %dma_start3A_907 = tpu.memref_squeeze %dma_start3A_906 : memref<1x128xi32, #tpu.memory_space<vmem>> -> memref<128xi32, #tpu.memory_space<vmem>>
      %dma_start3A_908 = tpu.memref_slice %arg3[%add3A_903] : memref<327680xi32, #tpu.memory_space<hbm>> -> memref<128xi32, #tpu.memory_space<hbm>>
      %dma_start3A_909 = arith.constant 0 : i32
      %dma_start3A_910 = tpu.memref_slice %arg6[%dma_start3A_904, %dma_start3A_909] : memref<4x128xi32, #tpu.memory_space<vmem>> -> memref<1x128xi32, #tpu.memory_space<vmem>>
      %dma_start3A_911 = tpu.memref_squeeze %dma_start3A_910 : memref<1x128xi32, #tpu.memory_space<vmem>> -> memref<128xi32, #tpu.memory_space<vmem>>
      %dma_start3A_912 = tpu.memref_slice %arg3[%add3A_903] : memref<327680xi32, #tpu.memory_space<hbm>> -> memref<128xi32, #tpu.memory_space<hbm>>
      tpu.enqueue_dma source(%dma_start3A_912 : memref<128xi32, #tpu.memory_space<hbm>>) target(%dma_start3A_911 : memref<128xi32, #tpu.memory_space<vmem>>) target_semaphore(%arg11 : memref<!tpu.dma_semaphore, #tpu.memory_space<semaphore_mem>>)
    }
    %scan3A_287 = arith.constant 18 : i32
    %dma_wait3A_288 = arith.constant 0 : i32
    %dma_wait3A_289 = arith.constant 0 : i32
    %dma_wait3A_290 = arith.constant 0 : i32
    %dma_wait3A_291 = arith.constant 0 : i32
    %dma_wait3A_292 = tpu.memref_slice %arg8[%dma_wait3A_288, %dma_wait3A_290, %dma_wait3A_291] : memref<2x128x128xf32, #tpu.memory_space<vmem>> -> memref<1x128x128xf32, #tpu.memory_space<vmem>>
    %dma_wait3A_293 = tpu.memref_squeeze %dma_wait3A_292 : memref<1x128x128xf32, #tpu.memory_space<vmem>> -> memref<128x128xf32, #tpu.memory_space<vmem>>
    %dma_wait3A_294 = arith.constant 0 : i32
    %dma_wait3A_295 = tpu.memref_slice %arg7[%dma_wait3A_289, %dma_wait3A_294] : memref<80x128xi32, #tpu.memory_space<vmem>> -> memref<1x128xi32, #tpu.memory_space<vmem>>
    %dma_wait3A_296 = tpu.memref_squeeze %dma_wait3A_295 : memref<1x128xi32, #tpu.memory_space<vmem>> -> memref<128xi32, #tpu.memory_space<vmem>>
    %dma_wait3A_297 = arith.constant 0 : i32
    %dma_wait3A_298 = arith.constant 0 : i32
    %dma_wait3A_299 = tpu.memref_slice %arg9[%dma_wait3A_297, %dma_wait3A_298] : memref<10240x128xf32, #tpu.memory_space<vmem_shared>> -> memref<10240x128xf32, #tpu.memory_space<vmem_shared>>
    tpu.wait_indirect_dma semaphore(%arg16 : memref<!tpu.dma_semaphore, #tpu.memory_space<semaphore_mem>>) src(%dma_wait3A_293 : memref<128x128xf32, #tpu.memory_space<vmem>>) dst(%dma_wait3A_299 : memref<10240x128xf32, #tpu.memory_space<vmem_shared>>)
    %dma_wait3A_300 = arith.constant 0 : i32
    %dma_wait3A_301 = arith.constant 0 : i32
    %dma_wait3A_302 = tpu.memref_slice %arg6[%dma_wait3A_300, %dma_wait3A_301] : memref<4x128xi32, #tpu.memory_space<vmem>> -> memref<1x128xi32, #tpu.memory_space<vmem>>
    %dma_wait3A_303 = tpu.memref_squeeze %dma_wait3A_302 : memref<1x128xi32, #tpu.memory_space<vmem>> -> memref<128xi32, #tpu.memory_space<vmem>>
    %dma_wait3A_304 = arith.constant 0 : i32
    %dma_wait3A_305 = tpu.memref_slice %arg3[%dma_wait3A_304] : memref<327680xi32, #tpu.memory_space<hbm>> -> memref<128xi32, #tpu.memory_space<hbm>>
    %dma_wait3A_306 = arith.constant 0 : i32
    %dma_wait3A_307 = tpu.memref_slice %arg6[%dma_wait3A_300, %dma_wait3A_306] : memref<4x128xi32, #tpu.memory_space<vmem>> -> memref<1x128xi32, #tpu.memory_space<vmem>>
    %dma_wait3A_308 = tpu.memref_squeeze %dma_wait3A_307 : memref<1x128xi32, #tpu.memory_space<vmem>> -> memref<128xi32, #tpu.memory_space<vmem>>
    %dma_wait3A_309 = arith.constant 0 : i32
    %dma_wait3A_310 = tpu.memref_slice %arg3[%dma_wait3A_309] : memref<327680xi32, #tpu.memory_space<hbm>> -> memref<128xi32, #tpu.memory_space<hbm>>
    tpu.wait_dma2 semaphore(%arg10 : memref<!tpu.dma_semaphore, #tpu.memory_space<semaphore_mem>>) src(%dma_wait3A_310 : memref<128xi32, #tpu.memory_space<hbm>>) dst(%dma_wait3A_308 : memref<128xi32, #tpu.memory_space<vmem>>)
    %dma_wait3A_311 = arith.constant 0 : i32
    %dma_wait3A_312 = arith.constant 1 : i32
    %dma_wait3A_313 = arith.constant 0 : i32
    %dma_wait3A_314 = arith.constant 0 : i32
    %dma_wait3A_315 = tpu.memref_slice %arg8[%dma_wait3A_312, %dma_wait3A_313, %dma_wait3A_314] : memref<2x128x128xf32, #tpu.memory_space<vmem>> -> memref<1x128x128xf32, #tpu.memory_space<vmem>>
    %dma_wait3A_316 = tpu.memref_squeeze %dma_wait3A_315 : memref<1x128x128xf32, #tpu.memory_space<vmem>> -> memref<128x128xf32, #tpu.memory_space<vmem>>
    %dma_wait3A_317 = arith.constant 0 : i32
    %dma_wait3A_318 = tpu.memref_slice %arg6[%dma_wait3A_311, %dma_wait3A_317] : memref<4x128xi32, #tpu.memory_space<vmem>> -> memref<1x128xi32, #tpu.memory_space<vmem>>
    %dma_wait3A_319 = tpu.memref_squeeze %dma_wait3A_318 : memref<1x128xi32, #tpu.memory_space<vmem>> -> memref<128xi32, #tpu.memory_space<vmem>>
    %dma_wait3A_320 = arith.constant 0 : i32
    %dma_wait3A_321 = arith.constant 0 : i32
    %dma_wait3A_322 = tpu.memref_slice %arg2[%dma_wait3A_320, %dma_wait3A_321] : memref<10000x128xf32, #tpu.memory_space<hbm>> -> memref<10000x128xf32, #tpu.memory_space<hbm>>
    tpu.wait_indirect_dma semaphore(%arg15 : memref<!tpu.dma_semaphore, #tpu.memory_space<semaphore_mem>>) src(%dma_wait3A_322 : memref<10000x128xf32, #tpu.memory_space<hbm>>) dst(%dma_wait3A_316 : memref<128x128xf32, #tpu.memory_space<vmem>>)
    %dma_start3A_323 = arith.constant 1 : i32
    %dma_start3A_324 = arith.constant 75 : i32
    %dma_start3A_325 = arith.constant 0 : i32
    %dma_start3A_326 = arith.constant 0 : i32
    %dma_start3A_327 = tpu.memref_slice %arg8[%dma_start3A_323, %dma_start3A_325, %dma_start3A_326] : memref<2x128x128xf32, #tpu.memory_space<vmem>> -> memref<1x128x128xf32, #tpu.memory_space<vmem>>
    %dma_start3A_328 = tpu.memref_squeeze %dma_start3A_327 : memref<1x128x128xf32, #tpu.memory_space<vmem>> -> memref<128x128xf32, #tpu.memory_space<vmem>>
    %dma_start3A_329 = arith.constant 0 : i32
    %dma_start3A_330 = tpu.memref_slice %arg7[%dma_start3A_324, %dma_start3A_329] : memref<80x128xi32, #tpu.memory_space<vmem>> -> memref<1x128xi32, #tpu.memory_space<vmem>>
    %dma_start3A_331 = tpu.memref_squeeze %dma_start3A_330 : memref<1x128xi32, #tpu.memory_space<vmem>> -> memref<128xi32, #tpu.memory_space<vmem>>
    %dma_start3A_332 = arith.constant 0 : i32
    %dma_start3A_333 = arith.constant 0 : i32
    %dma_start3A_334 = tpu.memref_slice %arg9[%dma_start3A_332, %dma_start3A_333] : memref<10240x128xf32, #tpu.memory_space<vmem_shared>> -> memref<10240x128xf32, #tpu.memory_space<vmem_shared>>
    tpu.enqueue_indirect_dma source(%dma_start3A_328 : memref<128x128xf32, #tpu.memory_space<vmem>>) target(%dma_start3A_334 : memref<10240x128xf32, #tpu.memory_space<vmem_shared>>) offsets(%dma_start3A_331 : memref<128xi32, #tpu.memory_space<vmem>>) semaphore(%arg17 : memref<!tpu.dma_semaphore, #tpu.memory_space<semaphore_mem>>) {add = true}
    %dma_start3A_335 = arith.constant 0 : i32
    %dma_start3A_336 = arith.constant 0 : i32
    %dma_start3A_337 = arith.constant 0 : i32
    %dma_start3A_338 = arith.constant 0 : i32
    %dma_start3A_339 = tpu.memref_slice %arg8[%dma_start3A_336, %dma_start3A_337, %dma_start3A_338] : memref<2x128x128xf32, #tpu.memory_space<vmem>> -> memref<1x128x128xf32, #tpu.memory_space<vmem>>
    %dma_start3A_340 = tpu.memref_squeeze %dma_start3A_339 : memref<1x128x128xf32, #tpu.memory_space<vmem>> -> memref<128x128xf32, #tpu.memory_space<vmem>>
    %dma_start3A_341 = arith.constant 0 : i32
    %dma_start3A_342 = tpu.memref_slice %arg6[%dma_start3A_335, %dma_start3A_341] : memref<4x128xi32, #tpu.memory_space<vmem>> -> memref<1x128xi32, #tpu.memory_space<vmem>>
    %dma_start3A_343 = tpu.memref_squeeze %dma_start3A_342 : memref<1x128xi32, #tpu.memory_space<vmem>> -> memref<128xi32, #tpu.memory_space<vmem>>
    %dma_start3A_344 = arith.constant 0 : i32
    %dma_start3A_345 = arith.constant 0 : i32
    %dma_start3A_346 = tpu.memref_slice %arg2[%dma_start3A_344, %dma_start3A_345] : memref<10000x128xf32, #tpu.memory_space<hbm>> -> memref<10000x128xf32, #tpu.memory_space<hbm>>
    tpu.enqueue_indirect_dma source(%dma_start3A_346 : memref<10000x128xf32, #tpu.memory_space<hbm>>) target(%dma_start3A_340 : memref<128x128xf32, #tpu.memory_space<vmem>>) offsets(%dma_start3A_343 : memref<128xi32, #tpu.memory_space<vmem>>) semaphore(%arg14 : memref<!tpu.dma_semaphore, #tpu.memory_space<semaphore_mem>>)
    %add3A_347 = arith.constant 9984 : i32
    %add3A_348 = arith.addi %mul3A_4, %add3A_347 : i32
    %dma_start3A_349 = arith.constant 2 : i32
    %dma_start3A_350 = arith.constant 0 : i32
    %dma_start3A_351 = tpu.memref_slice %arg6[%dma_start3A_349, %dma_start3A_350] : memref<4x128xi32, #tpu.memory_space<vmem>> -> memref<1x128xi32, #tpu.memory_space<vmem>>
    %dma_start3A_352 = tpu.memref_squeeze %dma_start3A_351 : memref<1x128xi32, #tpu.memory_space<vmem>> -> memref<128xi32, #tpu.memory_space<vmem>>
    %dma_start3A_353 = tpu.memref_slice %arg3[%add3A_348] : memref<327680xi32, #tpu.memory_space<hbm>> -> memref<128xi32, #tpu.memory_space<hbm>>
    %dma_start3A_354 = arith.constant 0 : i32
    %dma_start3A_355 = tpu.memref_slice %arg6[%dma_start3A_349, %dma_start3A_354] : memref<4x128xi32, #tpu.memory_space<vmem>> -> memref<1x128xi32, #tpu.memory_space<vmem>>
    %dma_start3A_356 = tpu.memref_squeeze %dma_start3A_355 : memref<1x128xi32, #tpu.memory_space<vmem>> -> memref<128xi32, #tpu.memory_space<vmem>>
    %dma_start3A_357 = tpu.memref_slice %arg3[%add3A_348] : memref<327680xi32, #tpu.memory_space<hbm>> -> memref<128xi32, #tpu.memory_space<hbm>>
    tpu.enqueue_dma source(%dma_start3A_357 : memref<128xi32, #tpu.memory_space<hbm>>) target(%dma_start3A_356 : memref<128xi32, #tpu.memory_space<vmem>>) target_semaphore(%arg12 : memref<!tpu.dma_semaphore, #tpu.memory_space<semaphore_mem>>)
    %dma_wait3A_358 = arith.constant 1 : i32
    %dma_wait3A_359 = arith.constant 0 : i32
    %dma_wait3A_360 = arith.constant 0 : i32
    %dma_wait3A_361 = arith.constant 0 : i32
    %dma_wait3A_362 = tpu.memref_slice %arg8[%dma_wait3A_358, %dma_wait3A_360, %dma_wait3A_361] : memref<2x128x128xf32, #tpu.memory_space<vmem>> -> memref<1x128x128xf32, #tpu.memory_space<vmem>>
    %dma_wait3A_363 = tpu.memref_squeeze %dma_wait3A_362 : memref<1x128x128xf32, #tpu.memory_space<vmem>> -> memref<128x128xf32, #tpu.memory_space<vmem>>
    %dma_wait3A_364 = arith.constant 0 : i32
    %dma_wait3A_365 = tpu.memref_slice %arg7[%dma_wait3A_359, %dma_wait3A_364] : memref<80x128xi32, #tpu.memory_space<vmem>> -> memref<1x128xi32, #tpu.memory_space<vmem>>
    %dma_wait3A_366 = tpu.memref_squeeze %dma_wait3A_365 : memref<1x128xi32, #tpu.memory_space<vmem>> -> memref<128xi32, #tpu.memory_space<vmem>>
    %dma_wait3A_367 = arith.constant 0 : i32
    %dma_wait3A_368 = arith.constant 0 : i32
    %dma_wait3A_369 = tpu.memref_slice %arg9[%dma_wait3A_367, %dma_wait3A_368] : memref<10240x128xf32, #tpu.memory_space<vmem_shared>> -> memref<10240x128xf32, #tpu.memory_space<vmem_shared>>
    tpu.wait_indirect_dma semaphore(%arg17 : memref<!tpu.dma_semaphore, #tpu.memory_space<semaphore_mem>>) src(%dma_wait3A_363 : memref<128x128xf32, #tpu.memory_space<vmem>>) dst(%dma_wait3A_369 : memref<10240x128xf32, #tpu.memory_space<vmem_shared>>)
    %dma_wait3A_370 = arith.constant 1 : i32
    %dma_wait3A_371 = arith.constant 0 : i32
    %dma_wait3A_372 = tpu.memref_slice %arg6[%dma_wait3A_370, %dma_wait3A_371] : memref<4x128xi32, #tpu.memory_space<vmem>> -> memref<1x128xi32, #tpu.memory_space<vmem>>
    %dma_wait3A_373 = tpu.memref_squeeze %dma_wait3A_372 : memref<1x128xi32, #tpu.memory_space<vmem>> -> memref<128xi32, #tpu.memory_space<vmem>>
    %dma_wait3A_374 = arith.constant 0 : i32
    %dma_wait3A_375 = tpu.memref_slice %arg3[%dma_wait3A_374] : memref<327680xi32, #tpu.memory_space<hbm>> -> memref<128xi32, #tpu.memory_space<hbm>>
    %dma_wait3A_376 = arith.constant 0 : i32
    %dma_wait3A_377 = tpu.memref_slice %arg6[%dma_wait3A_370, %dma_wait3A_376] : memref<4x128xi32, #tpu.memory_space<vmem>> -> memref<1x128xi32, #tpu.memory_space<vmem>>
    %dma_wait3A_378 = tpu.memref_squeeze %dma_wait3A_377 : memref<1x128xi32, #tpu.memory_space<vmem>> -> memref<128xi32, #tpu.memory_space<vmem>>
    %dma_wait3A_379 = arith.constant 0 : i32
    %dma_wait3A_380 = tpu.memref_slice %arg3[%dma_wait3A_379] : memref<327680xi32, #tpu.memory_space<hbm>> -> memref<128xi32, #tpu.memory_space<hbm>>
    tpu.wait_dma2 semaphore(%arg11 : memref<!tpu.dma_semaphore, #tpu.memory_space<semaphore_mem>>) src(%dma_wait3A_380 : memref<128xi32, #tpu.memory_space<hbm>>) dst(%dma_wait3A_378 : memref<128xi32, #tpu.memory_space<vmem>>)
    %dma_wait3A_381 = arith.constant 0 : i32
    %dma_wait3A_382 = arith.constant 0 : i32
    %dma_wait3A_383 = arith.constant 0 : i32
    %dma_wait3A_384 = arith.constant 0 : i32
    %dma_wait3A_385 = tpu.memref_slice %arg8[%dma_wait3A_382, %dma_wait3A_383, %dma_wait3A_384] : memref<2x128x128xf32, #tpu.memory_space<vmem>> -> memref<1x128x128xf32, #tpu.memory_space<vmem>>
    %dma_wait3A_386 = tpu.memref_squeeze %dma_wait3A_385 : memref<1x128x128xf32, #tpu.memory_space<vmem>> -> memref<128x128xf32, #tpu.memory_space<vmem>>
    %dma_wait3A_387 = arith.constant 0 : i32
    %dma_wait3A_388 = tpu.memref_slice %arg6[%dma_wait3A_381, %dma_wait3A_387] : memref<4x128xi32, #tpu.memory_space<vmem>> -> memref<1x128xi32, #tpu.memory_space<vmem>>
    %dma_wait3A_389 = tpu.memref_squeeze %dma_wait3A_388 : memref<1x128xi32, #tpu.memory_space<vmem>> -> memref<128xi32, #tpu.memory_space<vmem>>
    %dma_wait3A_390 = arith.constant 0 : i32
    %dma_wait3A_391 = arith.constant 0 : i32
    %dma_wait3A_392 = tpu.memref_slice %arg2[%dma_wait3A_390, %dma_wait3A_391] : memref<10000x128xf32, #tpu.memory_space<hbm>> -> memref<10000x128xf32, #tpu.memory_space<hbm>>
    tpu.wait_indirect_dma semaphore(%arg14 : memref<!tpu.dma_semaphore, #tpu.memory_space<semaphore_mem>>) src(%dma_wait3A_392 : memref<10000x128xf32, #tpu.memory_space<hbm>>) dst(%dma_wait3A_386 : memref<128x128xf32, #tpu.memory_space<vmem>>)
    %dma_start3A_393 = arith.constant 0 : i32
    %dma_start3A_394 = arith.constant 76 : i32
    %dma_start3A_395 = arith.constant 0 : i32
    %dma_start3A_396 = arith.constant 0 : i32
    %dma_start3A_397 = tpu.memref_slice %arg8[%dma_start3A_393, %dma_start3A_395, %dma_start3A_396] : memref<2x128x128xf32, #tpu.memory_space<vmem>> -> memref<1x128x128xf32, #tpu.memory_space<vmem>>
    %dma_start3A_398 = tpu.memref_squeeze %dma_start3A_397 : memref<1x128x128xf32, #tpu.memory_space<vmem>> -> memref<128x128xf32, #tpu.memory_space<vmem>>
    %dma_start3A_399 = arith.constant 0 : i32
    %dma_start3A_400 = tpu.memref_slice %arg7[%dma_start3A_394, %dma_start3A_399] : memref<80x128xi32, #tpu.memory_space<vmem>> -> memref<1x128xi32, #tpu.memory_space<vmem>>
    %dma_start3A_401 = tpu.memref_squeeze %dma_start3A_400 : memref<1x128xi32, #tpu.memory_space<vmem>> -> memref<128xi32, #tpu.memory_space<vmem>>
    %dma_start3A_402 = arith.constant 0 : i32
    %dma_start3A_403 = arith.constant 0 : i32
    %dma_start3A_404 = tpu.memref_slice %arg9[%dma_start3A_402, %dma_start3A_403] : memref<10240x128xf32, #tpu.memory_space<vmem_shared>> -> memref<10240x128xf32, #tpu.memory_space<vmem_shared>>
    tpu.enqueue_indirect_dma source(%dma_start3A_398 : memref<128x128xf32, #tpu.memory_space<vmem>>) target(%dma_start3A_404 : memref<10240x128xf32, #tpu.memory_space<vmem_shared>>) offsets(%dma_start3A_401 : memref<128xi32, #tpu.memory_space<vmem>>) semaphore(%arg16 : memref<!tpu.dma_semaphore, #tpu.memory_space<semaphore_mem>>) {add = true}
    %dma_start3A_405 = arith.constant 1 : i32
    %dma_start3A_406 = arith.constant 1 : i32
    %dma_start3A_407 = arith.constant 0 : i32
    %dma_start3A_408 = arith.constant 0 : i32
    %dma_start3A_409 = tpu.memref_slice %arg8[%dma_start3A_406, %dma_start3A_407, %dma_start3A_408] : memref<2x128x128xf32, #tpu.memory_space<vmem>> -> memref<1x128x128xf32, #tpu.memory_space<vmem>>
    %dma_start3A_410 = tpu.memref_squeeze %dma_start3A_409 : memref<1x128x128xf32, #tpu.memory_space<vmem>> -> memref<128x128xf32, #tpu.memory_space<vmem>>
    %dma_start3A_411 = arith.constant 0 : i32
    %dma_start3A_412 = tpu.memref_slice %arg6[%dma_start3A_405, %dma_start3A_411] : memref<4x128xi32, #tpu.memory_space<vmem>> -> memref<1x128xi32, #tpu.memory_space<vmem>>
    %dma_start3A_413 = tpu.memref_squeeze %dma_start3A_412 : memref<1x128xi32, #tpu.memory_space<vmem>> -> memref<128xi32, #tpu.memory_space<vmem>>
    %dma_start3A_414 = arith.constant 0 : i32
    %dma_start3A_415 = arith.constant 0 : i32
    %dma_start3A_416 = tpu.memref_slice %arg2[%dma_start3A_414, %dma_start3A_415] : memref<10000x128xf32, #tpu.memory_space<hbm>> -> memref<10000x128xf32, #tpu.memory_space<hbm>>
    tpu.enqueue_indirect_dma source(%dma_start3A_416 : memref<10000x128xf32, #tpu.memory_space<hbm>>) target(%dma_start3A_410 : memref<128x128xf32, #tpu.memory_space<vmem>>) offsets(%dma_start3A_413 : memref<128xi32, #tpu.memory_space<vmem>>) semaphore(%arg15 : memref<!tpu.dma_semaphore, #tpu.memory_space<semaphore_mem>>)
    %add3A_417 = arith.constant 10112 : i32
    %add3A_418 = arith.addi %mul3A_4, %add3A_417 : i32
    %dma_start3A_419 = arith.constant 3 : i32
    %dma_start3A_420 = arith.constant 0 : i32
    %dma_start3A_421 = tpu.memref_slice %arg6[%dma_start3A_419, %dma_start3A_420] : memref<4x128xi32, #tpu.memory_space<vmem>> -> memref<1x128xi32, #tpu.memory_space<vmem>>
    %dma_start3A_422 = tpu.memref_squeeze %dma_start3A_421 : memref<1x128xi32, #tpu.memory_space<vmem>> -> memref<128xi32, #tpu.memory_space<vmem>>
    %dma_start3A_423 = tpu.memref_slice %arg3[%add3A_418] : memref<327680xi32, #tpu.memory_space<hbm>> -> memref<128xi32, #tpu.memory_space<hbm>>
    %dma_start3A_424 = arith.constant 0 : i32
    %dma_start3A_425 = tpu.memref_slice %arg6[%dma_start3A_419, %dma_start3A_424] : memref<4x128xi32, #tpu.memory_space<vmem>> -> memref<1x128xi32, #tpu.memory_space<vmem>>
    %dma_start3A_426 = tpu.memref_squeeze %dma_start3A_425 : memref<1x128xi32, #tpu.memory_space<vmem>> -> memref<128xi32, #tpu.memory_space<vmem>>
    %dma_start3A_427 = tpu.memref_slice %arg3[%add3A_418] : memref<327680xi32, #tpu.memory_space<hbm>> -> memref<128xi32, #tpu.memory_space<hbm>>
    tpu.enqueue_dma source(%dma_start3A_427 : memref<128xi32, #tpu.memory_space<hbm>>) target(%dma_start3A_426 : memref<128xi32, #tpu.memory_space<vmem>>) target_semaphore(%arg13 : memref<!tpu.dma_semaphore, #tpu.memory_space<semaphore_mem>>)
    %dma_wait3A_428 = arith.constant 0 : i32
    %dma_wait3A_429 = arith.constant 0 : i32
    %dma_wait3A_430 = arith.constant 0 : i32
    %dma_wait3A_431 = arith.constant 0 : i32
    %dma_wait3A_432 = tpu.memref_slice %arg8[%dma_wait3A_428, %dma_wait3A_430, %dma_wait3A_431] : memref<2x128x128xf32, #tpu.memory_space<vmem>> -> memref<1x128x128xf32, #tpu.memory_space<vmem>>
    %dma_wait3A_433 = tpu.memref_squeeze %dma_wait3A_432 : memref<1x128x128xf32, #tpu.memory_space<vmem>> -> memref<128x128xf32, #tpu.memory_space<vmem>>
    %dma_wait3A_434 = arith.constant 0 : i32
    %dma_wait3A_435 = tpu.memref_slice %arg7[%dma_wait3A_429, %dma_wait3A_434] : memref<80x128xi32, #tpu.memory_space<vmem>> -> memref<1x128xi32, #tpu.memory_space<vmem>>
    %dma_wait3A_436 = tpu.memref_squeeze %dma_wait3A_435 : memref<1x128xi32, #tpu.memory_space<vmem>> -> memref<128xi32, #tpu.memory_space<vmem>>
    %dma_wait3A_437 = arith.constant 0 : i32
    %dma_wait3A_438 = arith.constant 0 : i32
    %dma_wait3A_439 = tpu.memref_slice %arg9[%dma_wait3A_437, %dma_wait3A_438] : memref<10240x128xf32, #tpu.memory_space<vmem_shared>> -> memref<10240x128xf32, #tpu.memory_space<vmem_shared>>
    tpu.wait_indirect_dma semaphore(%arg16 : memref<!tpu.dma_semaphore, #tpu.memory_space<semaphore_mem>>) src(%dma_wait3A_433 : memref<128x128xf32, #tpu.memory_space<vmem>>) dst(%dma_wait3A_439 : memref<10240x128xf32, #tpu.memory_space<vmem_shared>>)
    %dma_wait3A_440 = arith.constant 2 : i32
    %dma_wait3A_441 = arith.constant 0 : i32
    %dma_wait3A_442 = tpu.memref_slice %arg6[%dma_wait3A_440, %dma_wait3A_441] : memref<4x128xi32, #tpu.memory_space<vmem>> -> memref<1x128xi32, #tpu.memory_space<vmem>>
    %dma_wait3A_443 = tpu.memref_squeeze %dma_wait3A_442 : memref<1x128xi32, #tpu.memory_space<vmem>> -> memref<128xi32, #tpu.memory_space<vmem>>
    %dma_wait3A_444 = arith.constant 0 : i32
    %dma_wait3A_445 = tpu.memref_slice %arg3[%dma_wait3A_444] : memref<327680xi32, #tpu.memory_space<hbm>> -> memref<128xi32, #tpu.memory_space<hbm>>
    %dma_wait3A_446 = arith.constant 0 : i32
    %dma_wait3A_447 = tpu.memref_slice %arg6[%dma_wait3A_440, %dma_wait3A_446] : memref<4x128xi32, #tpu.memory_space<vmem>> -> memref<1x128xi32, #tpu.memory_space<vmem>>
    %dma_wait3A_448 = tpu.memref_squeeze %dma_wait3A_447 : memref<1x128xi32, #tpu.memory_space<vmem>> -> memref<128xi32, #tpu.memory_space<vmem>>
    %dma_wait3A_449 = arith.constant 0 : i32
    %dma_wait3A_450 = tpu.memref_slice %arg3[%dma_wait3A_449] : memref<327680xi32, #tpu.memory_space<hbm>> -> memref<128xi32, #tpu.memory_space<hbm>>
    tpu.wait_dma2 semaphore(%arg12 : memref<!tpu.dma_semaphore, #tpu.memory_space<semaphore_mem>>) src(%dma_wait3A_450 : memref<128xi32, #tpu.memory_space<hbm>>) dst(%dma_wait3A_448 : memref<128xi32, #tpu.memory_space<vmem>>)
    %dma_wait3A_451 = arith.constant 0 : i32
    %dma_wait3A_452 = arith.constant 1 : i32
    %dma_wait3A_453 = arith.constant 0 : i32
    %dma_wait3A_454 = arith.constant 0 : i32
    %dma_wait3A_455 = tpu.memref_slice %arg8[%dma_wait3A_452, %dma_wait3A_453, %dma_wait3A_454] : memref<2x128x128xf32, #tpu.memory_space<vmem>> -> memref<1x128x128xf32, #tpu.memory_space<vmem>>
    %dma_wait3A_456 = tpu.memref_squeeze %dma_wait3A_455 : memref<1x128x128xf32, #tpu.memory_space<vmem>> -> memref<128x128xf32, #tpu.memory_space<vmem>>
    %dma_wait3A_457 = arith.constant 0 : i32
    %dma_wait3A_458 = tpu.memref_slice %arg6[%dma_wait3A_451, %dma_wait3A_457] : memref<4x128xi32, #tpu.memory_space<vmem>> -> memref<1x128xi32, #tpu.memory_space<vmem>>
    %dma_wait3A_459 = tpu.memref_squeeze %dma_wait3A_458 : memref<1x128xi32, #tpu.memory_space<vmem>> -> memref<128xi32, #tpu.memory_space<vmem>>
    %dma_wait3A_460 = arith.constant 0 : i32
    %dma_wait3A_461 = arith.constant 0 : i32
    %dma_wait3A_462 = tpu.memref_slice %arg2[%dma_wait3A_460, %dma_wait3A_461] : memref<10000x128xf32, #tpu.memory_space<hbm>> -> memref<10000x128xf32, #tpu.memory_space<hbm>>
    tpu.wait_indirect_dma semaphore(%arg15 : memref<!tpu.dma_semaphore, #tpu.memory_space<semaphore_mem>>) src(%dma_wait3A_462 : memref<10000x128xf32, #tpu.memory_space<hbm>>) dst(%dma_wait3A_456 : memref<128x128xf32, #tpu.memory_space<vmem>>)
    %dma_start3A_463 = arith.constant 1 : i32
    %dma_start3A_464 = arith.constant 77 : i32
    %dma_start3A_465 = arith.constant 0 : i32
    %dma_start3A_466 = arith.constant 0 : i32
    %dma_start3A_467 = tpu.memref_slice %arg8[%dma_start3A_463, %dma_start3A_465, %dma_start3A_466] : memref<2x128x128xf32, #tpu.memory_space<vmem>> -> memref<1x128x128xf32, #tpu.memory_space<vmem>>
    %dma_start3A_468 = tpu.memref_squeeze %dma_start3A_467 : memref<1x128x128xf32, #tpu.memory_space<vmem>> -> memref<128x128xf32, #tpu.memory_space<vmem>>
    %dma_start3A_469 = arith.constant 0 : i32
    %dma_start3A_470 = tpu.memref_slice %arg7[%dma_start3A_464, %dma_start3A_469] : memref<80x128xi32, #tpu.memory_space<vmem>> -> memref<1x128xi32, #tpu.memory_space<vmem>>
    %dma_start3A_471 = tpu.memref_squeeze %dma_start3A_470 : memref<1x128xi32, #tpu.memory_space<vmem>> -> memref<128xi32, #tpu.memory_space<vmem>>
    %dma_start3A_472 = arith.constant 0 : i32
    %dma_start3A_473 = arith.constant 0 : i32
    %dma_start3A_474 = tpu.memref_slice %arg9[%dma_start3A_472, %dma_start3A_473] : memref<10240x128xf32, #tpu.memory_space<vmem_shared>> -> memref<10240x128xf32, #tpu.memory_space<vmem_shared>>
    tpu.enqueue_indirect_dma source(%dma_start3A_468 : memref<128x128xf32, #tpu.memory_space<vmem>>) target(%dma_start3A_474 : memref<10240x128xf32, #tpu.memory_space<vmem_shared>>) offsets(%dma_start3A_471 : memref<128xi32, #tpu.memory_space<vmem>>) semaphore(%arg17 : memref<!tpu.dma_semaphore, #tpu.memory_space<semaphore_mem>>) {add = true}
    %dma_start3A_475 = arith.constant 2 : i32
    %dma_start3A_476 = arith.constant 0 : i32
    %dma_start3A_477 = arith.constant 0 : i32
    %dma_start3A_478 = arith.constant 0 : i32
    %dma_start3A_479 = tpu.memref_slice %arg8[%dma_start3A_476, %dma_start3A_477, %dma_start3A_478] : memref<2x128x128xf32, #tpu.memory_space<vmem>> -> memref<1x128x128xf32, #tpu.memory_space<vmem>>
    %dma_start3A_480 = tpu.memref_squeeze %dma_start3A_479 : memref<1x128x128xf32, #tpu.memory_space<vmem>> -> memref<128x128xf32, #tpu.memory_space<vmem>>
    %dma_start3A_481 = arith.constant 0 : i32
    %dma_start3A_482 = tpu.memref_slice %arg6[%dma_start3A_475, %dma_start3A_481] : memref<4x128xi32, #tpu.memory_space<vmem>> -> memref<1x128xi32, #tpu.memory_space<vmem>>
    %dma_start3A_483 = tpu.memref_squeeze %dma_start3A_482 : memref<1x128xi32, #tpu.memory_space<vmem>> -> memref<128xi32, #tpu.memory_space<vmem>>
    %dma_start3A_484 = arith.constant 0 : i32
    %dma_start3A_485 = arith.constant 0 : i32
    %dma_start3A_486 = tpu.memref_slice %arg2[%dma_start3A_484, %dma_start3A_485] : memref<10000x128xf32, #tpu.memory_space<hbm>> -> memref<10000x128xf32, #tpu.memory_space<hbm>>
    tpu.enqueue_indirect_dma source(%dma_start3A_486 : memref<10000x128xf32, #tpu.memory_space<hbm>>) target(%dma_start3A_480 : memref<128x128xf32, #tpu.memory_space<vmem>>) offsets(%dma_start3A_483 : memref<128xi32, #tpu.memory_space<vmem>>) semaphore(%arg14 : memref<!tpu.dma_semaphore, #tpu.memory_space<semaphore_mem>>)
    %dma_wait3A_487 = arith.constant 1 : i32
    %dma_wait3A_488 = arith.constant 0 : i32
    %dma_wait3A_489 = arith.constant 0 : i32
    %dma_wait3A_490 = arith.constant 0 : i32
    %dma_wait3A_491 = tpu.memref_slice %arg8[%dma_wait3A_487, %dma_wait3A_489, %dma_wait3A_490] : memref<2x128x128xf32, #tpu.memory_space<vmem>> -> memref<1x128x128xf32, #tpu.memory_space<vmem>>
    %dma_wait3A_492 = tpu.memref_squeeze %dma_wait3A_491 : memref<1x128x128xf32, #tpu.memory_space<vmem>> -> memref<128x128xf32, #tpu.memory_space<vmem>>
    %dma_wait3A_493 = arith.constant 0 : i32
    %dma_wait3A_494 = tpu.memref_slice %arg7[%dma_wait3A_488, %dma_wait3A_493] : memref<80x128xi32, #tpu.memory_space<vmem>> -> memref<1x128xi32, #tpu.memory_space<vmem>>
    %dma_wait3A_495 = tpu.memref_squeeze %dma_wait3A_494 : memref<1x128xi32, #tpu.memory_space<vmem>> -> memref<128xi32, #tpu.memory_space<vmem>>
    %dma_wait3A_496 = arith.constant 0 : i32
    %dma_wait3A_497 = arith.constant 0 : i32
    %dma_wait3A_498 = tpu.memref_slice %arg9[%dma_wait3A_496, %dma_wait3A_497] : memref<10240x128xf32, #tpu.memory_space<vmem_shared>> -> memref<10240x128xf32, #tpu.memory_space<vmem_shared>>
    tpu.wait_indirect_dma semaphore(%arg17 : memref<!tpu.dma_semaphore, #tpu.memory_space<semaphore_mem>>) src(%dma_wait3A_492 : memref<128x128xf32, #tpu.memory_space<vmem>>) dst(%dma_wait3A_498 : memref<10240x128xf32, #tpu.memory_space<vmem_shared>>)
    %dma_wait3A_499 = arith.constant 3 : i32
    %dma_wait3A_500 = arith.constant 0 : i32
    %dma_wait3A_501 = tpu.memref_slice %arg6[%dma_wait3A_499, %dma_wait3A_500] : memref<4x128xi32, #tpu.memory_space<vmem>> -> memref<1x128xi32, #tpu.memory_space<vmem>>
    %dma_wait3A_502 = tpu.memref_squeeze %dma_wait3A_501 : memref<1x128xi32, #tpu.memory_space<vmem>> -> memref<128xi32, #tpu.memory_space<vmem>>
    %dma_wait3A_503 = arith.constant 0 : i32
    %dma_wait3A_504 = tpu.memref_slice %arg3[%dma_wait3A_503] : memref<327680xi32, #tpu.memory_space<hbm>> -> memref<128xi32, #tpu.memory_space<hbm>>
    %dma_wait3A_505 = arith.constant 0 : i32
    %dma_wait3A_506 = tpu.memref_slice %arg6[%dma_wait3A_499, %dma_wait3A_505] : memref<4x128xi32, #tpu.memory_space<vmem>> -> memref<1x128xi32, #tpu.memory_space<vmem>>
    %dma_wait3A_507 = tpu.memref_squeeze %dma_wait3A_506 : memref<1x128xi32, #tpu.memory_space<vmem>> -> memref<128xi32, #tpu.memory_space<vmem>>
    %dma_wait3A_508 = arith.constant 0 : i32
    %dma_wait3A_509 = tpu.memref_slice %arg3[%dma_wait3A_508] : memref<327680xi32, #tpu.memory_space<hbm>> -> memref<128xi32, #tpu.memory_space<hbm>>
    tpu.wait_dma2 semaphore(%arg13 : memref<!tpu.dma_semaphore, #tpu.memory_space<semaphore_mem>>) src(%dma_wait3A_509 : memref<128xi32, #tpu.memory_space<hbm>>) dst(%dma_wait3A_507 : memref<128xi32, #tpu.memory_space<vmem>>)
    %dma_wait3A_510 = arith.constant 0 : i32
    %dma_wait3A_511 = arith.constant 0 : i32
    %dma_wait3A_512 = arith.constant 0 : i32
    %dma_wait3A_513 = arith.constant 0 : i32
    %dma_wait3A_514 = tpu.memref_slice %arg8[%dma_wait3A_511, %dma_wait3A_512, %dma_wait3A_513] : memref<2x128x128xf32, #tpu.memory_space<vmem>> -> memref<1x128x128xf32, #tpu.memory_space<vmem>>
    %dma_wait3A_515 = tpu.memref_squeeze %dma_wait3A_514 : memref<1x128x128xf32, #tpu.memory_space<vmem>> -> memref<128x128xf32, #tpu.memory_space<vmem>>
    %dma_wait3A_516 = arith.constant 0 : i32
    %dma_wait3A_517 = tpu.memref_slice %arg6[%dma_wait3A_510, %dma_wait3A_516] : memref<4x128xi32, #tpu.memory_space<vmem>> -> memref<1x128xi32, #tpu.memory_space<vmem>>
    %dma_wait3A_518 = tpu.memref_squeeze %dma_wait3A_517 : memref<1x128xi32, #tpu.memory_space<vmem>> -> memref<128xi32, #tpu.memory_space<vmem>>
    %dma_wait3A_519 = arith.constant 0 : i32
    %dma_wait3A_520 = arith.constant 0 : i32
    %dma_wait3A_521 = tpu.memref_slice %arg2[%dma_wait3A_519, %dma_wait3A_520] : memref<10000x128xf32, #tpu.memory_space<hbm>> -> memref<10000x128xf32, #tpu.memory_space<hbm>>
    tpu.wait_indirect_dma semaphore(%arg14 : memref<!tpu.dma_semaphore, #tpu.memory_space<semaphore_mem>>) src(%dma_wait3A_521 : memref<10000x128xf32, #tpu.memory_space<hbm>>) dst(%dma_wait3A_515 : memref<128x128xf32, #tpu.memory_space<vmem>>)
    %dma_start3A_522 = arith.constant 0 : i32
    %dma_start3A_523 = arith.constant 78 : i32
    %dma_start3A_524 = arith.constant 0 : i32
    %dma_start3A_525 = arith.constant 0 : i32
    %dma_start3A_526 = tpu.memref_slice %arg8[%dma_start3A_522, %dma_start3A_524, %dma_start3A_525] : memref<2x128x128xf32, #tpu.memory_space<vmem>> -> memref<1x128x128xf32, #tpu.memory_space<vmem>>
    %dma_start3A_527 = tpu.memref_squeeze %dma_start3A_526 : memref<1x128x128xf32, #tpu.memory_space<vmem>> -> memref<128x128xf32, #tpu.memory_space<vmem>>
    %dma_start3A_528 = arith.constant 0 : i32
    %dma_start3A_529 = tpu.memref_slice %arg7[%dma_start3A_523, %dma_start3A_528] : memref<80x128xi32, #tpu.memory_space<vmem>> -> memref<1x128xi32, #tpu.memory_space<vmem>>
    %dma_start3A_530 = tpu.memref_squeeze %dma_start3A_529 : memref<1x128xi32, #tpu.memory_space<vmem>> -> memref<128xi32, #tpu.memory_space<vmem>>
    %dma_start3A_531 = arith.constant 0 : i32
    %dma_start3A_532 = arith.constant 0 : i32
    %dma_start3A_533 = tpu.memref_slice %arg9[%dma_start3A_531, %dma_start3A_532] : memref<10240x128xf32, #tpu.memory_space<vmem_shared>> -> memref<10240x128xf32, #tpu.memory_space<vmem_shared>>
    tpu.enqueue_indirect_dma source(%dma_start3A_527 : memref<128x128xf32, #tpu.memory_space<vmem>>) target(%dma_start3A_533 : memref<10240x128xf32, #tpu.memory_space<vmem_shared>>) offsets(%dma_start3A_530 : memref<128xi32, #tpu.memory_space<vmem>>) semaphore(%arg16 : memref<!tpu.dma_semaphore, #tpu.memory_space<semaphore_mem>>) {add = true}
    %dma_start3A_534 = arith.constant 3 : i32
    %dma_start3A_535 = arith.constant 1 : i32
    %dma_start3A_536 = arith.constant 0 : i32
    %dma_start3A_537 = arith.constant 0 : i32
    %dma_start3A_538 = tpu.memref_slice %arg8[%dma_start3A_535, %dma_start3A_536, %dma_start3A_537] : memref<2x128x128xf32, #tpu.memory_space<vmem>> -> memref<1x128x128xf32, #tpu.memory_space<vmem>>
    %dma_start3A_539 = tpu.memref_squeeze %dma_start3A_538 : memref<1x128x128xf32, #tpu.memory_space<vmem>> -> memref<128x128xf32, #tpu.memory_space<vmem>>
    %dma_start3A_540 = arith.constant 0 : i32
    %dma_start3A_541 = tpu.memref_slice %arg6[%dma_start3A_534, %dma_start3A_540] : memref<4x128xi32, #tpu.memory_space<vmem>> -> memref<1x128xi32, #tpu.memory_space<vmem>>
    %dma_start3A_542 = tpu.memref_squeeze %dma_start3A_541 : memref<1x128xi32, #tpu.memory_space<vmem>> -> memref<128xi32, #tpu.memory_space<vmem>>
    %dma_start3A_543 = arith.constant 0 : i32
    %dma_start3A_544 = arith.constant 0 : i32
    %dma_start3A_545 = tpu.memref_slice %arg2[%dma_start3A_543, %dma_start3A_544] : memref<10000x128xf32, #tpu.memory_space<hbm>> -> memref<10000x128xf32, #tpu.memory_space<hbm>>
    tpu.enqueue_indirect_dma source(%dma_start3A_545 : memref<10000x128xf32, #tpu.memory_space<hbm>>) target(%dma_start3A_539 : memref<128x128xf32, #tpu.memory_space<vmem>>) offsets(%dma_start3A_542 : memref<128xi32, #tpu.memory_space<vmem>>) semaphore(%arg15 : memref<!tpu.dma_semaphore, #tpu.memory_space<semaphore_mem>>)
    %dma_wait3A_546 = arith.constant 0 : i32
    %dma_wait3A_547 = arith.constant 1 : i32
    %dma_wait3A_548 = arith.constant 0 : i32
    %dma_wait3A_549 = arith.constant 0 : i32
    %dma_wait3A_550 = tpu.memref_slice %arg8[%dma_wait3A_547, %dma_wait3A_548, %dma_wait3A_549] : memref<2x128x128xf32, #tpu.memory_space<vmem>> -> memref<1x128x128xf32, #tpu.memory_space<vmem>>
    %dma_wait3A_551 = tpu.memref_squeeze %dma_wait3A_550 : memref<1x128x128xf32, #tpu.memory_space<vmem>> -> memref<128x128xf32, #tpu.memory_space<vmem>>
    %dma_wait3A_552 = arith.constant 0 : i32
    %dma_wait3A_553 = tpu.memref_slice %arg6[%dma_wait3A_546, %dma_wait3A_552] : memref<4x128xi32, #tpu.memory_space<vmem>> -> memref<1x128xi32, #tpu.memory_space<vmem>>
    %dma_wait3A_554 = tpu.memref_squeeze %dma_wait3A_553 : memref<1x128xi32, #tpu.memory_space<vmem>> -> memref<128xi32, #tpu.memory_space<vmem>>
    %dma_wait3A_555 = arith.constant 0 : i32
    %dma_wait3A_556 = arith.constant 0 : i32
    %dma_wait3A_557 = tpu.memref_slice %arg2[%dma_wait3A_555, %dma_wait3A_556] : memref<10000x128xf32, #tpu.memory_space<hbm>> -> memref<10000x128xf32, #tpu.memory_space<hbm>>
    tpu.wait_indirect_dma semaphore(%arg15 : memref<!tpu.dma_semaphore, #tpu.memory_space<semaphore_mem>>) src(%dma_wait3A_557 : memref<10000x128xf32, #tpu.memory_space<hbm>>) dst(%dma_wait3A_551 : memref<128x128xf32, #tpu.memory_space<vmem>>)
    %dma_start3A_558 = arith.constant 1 : i32
    %dma_start3A_559 = arith.constant 79 : i32
    %dma_start3A_560 = arith.constant 0 : i32
    %dma_start3A_561 = arith.constant 0 : i32
    %dma_start3A_562 = tpu.memref_slice %arg8[%dma_start3A_558, %dma_start3A_560, %dma_start3A_561] : memref<2x128x128xf32, #tpu.memory_space<vmem>> -> memref<1x128x128xf32, #tpu.memory_space<vmem>>
    %dma_start3A_563 = tpu.memref_squeeze %dma_start3A_562 : memref<1x128x128xf32, #tpu.memory_space<vmem>> -> memref<128x128xf32, #tpu.memory_space<vmem>>
    %dma_start3A_564 = arith.constant 0 : i32
    %dma_start3A_565 = tpu.memref_slice %arg7[%dma_start3A_559, %dma_start3A_564] : memref<80x128xi32, #tpu.memory_space<vmem>> -> memref<1x128xi32, #tpu.memory_space<vmem>>
    %dma_start3A_566 = tpu.memref_squeeze %dma_start3A_565 : memref<1x128xi32, #tpu.memory_space<vmem>> -> memref<128xi32, #tpu.memory_space<vmem>>
    %dma_start3A_567 = arith.constant 0 : i32
    %dma_start3A_568 = arith.constant 0 : i32
    %dma_start3A_569 = tpu.memref_slice %arg9[%dma_start3A_567, %dma_start3A_568] : memref<10240x128xf32, #tpu.memory_space<vmem_shared>> -> memref<10240x128xf32, #tpu.memory_space<vmem_shared>>
    tpu.enqueue_indirect_dma source(%dma_start3A_563 : memref<128x128xf32, #tpu.memory_space<vmem>>) target(%dma_start3A_569 : memref<10240x128xf32, #tpu.memory_space<vmem_shared>>) offsets(%dma_start3A_566 : memref<128xi32, #tpu.memory_space<vmem>>) semaphore(%arg17 : memref<!tpu.dma_semaphore, #tpu.memory_space<semaphore_mem>>) {add = true}
    %dma_wait3A_570 = arith.constant 0 : i32
    %dma_wait3A_571 = arith.constant 0 : i32
    %dma_wait3A_572 = arith.constant 0 : i32
    %dma_wait3A_573 = arith.constant 0 : i32
    %dma_wait3A_574 = tpu.memref_slice %arg8[%dma_wait3A_570, %dma_wait3A_572, %dma_wait3A_573] : memref<2x128x128xf32, #tpu.memory_space<vmem>> -> memref<1x128x128xf32, #tpu.memory_space<vmem>>
    %dma_wait3A_575 = tpu.memref_squeeze %dma_wait3A_574 : memref<1x128x128xf32, #tpu.memory_space<vmem>> -> memref<128x128xf32, #tpu.memory_space<vmem>>
    %dma_wait3A_576 = arith.constant 0 : i32
    %dma_wait3A_577 = tpu.memref_slice %arg7[%dma_wait3A_571, %dma_wait3A_576] : memref<80x128xi32, #tpu.memory_space<vmem>> -> memref<1x128xi32, #tpu.memory_space<vmem>>
    %dma_wait3A_578 = tpu.memref_squeeze %dma_wait3A_577 : memref<1x128xi32, #tpu.memory_space<vmem>> -> memref<128xi32, #tpu.memory_space<vmem>>
    %dma_wait3A_579 = arith.constant 0 : i32
    %dma_wait3A_580 = arith.constant 0 : i32
    %dma_wait3A_581 = tpu.memref_slice %arg9[%dma_wait3A_579, %dma_wait3A_580] : memref<10240x128xf32, #tpu.memory_space<vmem_shared>> -> memref<10240x128xf32, #tpu.memory_space<vmem_shared>>
    tpu.wait_indirect_dma semaphore(%arg16 : memref<!tpu.dma_semaphore, #tpu.memory_space<semaphore_mem>>) src(%dma_wait3A_575 : memref<128x128xf32, #tpu.memory_space<vmem>>) dst(%dma_wait3A_581 : memref<10240x128xf32, #tpu.memory_space<vmem_shared>>)
    %dma_wait3A_582 = arith.constant 1 : i32
    %dma_wait3A_583 = arith.constant 0 : i32
    %dma_wait3A_584 = arith.constant 0 : i32
    %dma_wait3A_585 = arith.constant 0 : i32
    %dma_wait3A_586 = tpu.memref_slice %arg8[%dma_wait3A_582, %dma_wait3A_584, %dma_wait3A_585] : memref<2x128x128xf32, #tpu.memory_space<vmem>> -> memref<1x128x128xf32, #tpu.memory_space<vmem>>
    %dma_wait3A_587 = tpu.memref_squeeze %dma_wait3A_586 : memref<1x128x128xf32, #tpu.memory_space<vmem>> -> memref<128x128xf32, #tpu.memory_space<vmem>>
    %dma_wait3A_588 = arith.constant 0 : i32
    %dma_wait3A_589 = tpu.memref_slice %arg7[%dma_wait3A_583, %dma_wait3A_588] : memref<80x128xi32, #tpu.memory_space<vmem>> -> memref<1x128xi32, #tpu.memory_space<vmem>>
    %dma_wait3A_590 = tpu.memref_squeeze %dma_wait3A_589 : memref<1x128xi32, #tpu.memory_space<vmem>> -> memref<128xi32, #tpu.memory_space<vmem>>
    %dma_wait3A_591 = arith.constant 0 : i32
    %dma_wait3A_592 = arith.constant 0 : i32
    %dma_wait3A_593 = tpu.memref_slice %arg9[%dma_wait3A_591, %dma_wait3A_592] : memref<10240x128xf32, #tpu.memory_space<vmem_shared>> -> memref<10240x128xf32, #tpu.memory_space<vmem_shared>>
    tpu.wait_indirect_dma semaphore(%arg17 : memref<!tpu.dma_semaphore, #tpu.memory_space<semaphore_mem>>) src(%dma_wait3A_587 : memref<128x128xf32, #tpu.memory_space<vmem>>) dst(%dma_wait3A_593 : memref<10240x128xf32, #tpu.memory_space<vmem_shared>>)
    %barrier3A_594 = arith.constant 0 : index
    tpu.barrier barrier_id(%barrier3A_594)
    %scan3A_595 = arith.constant 0 : i32
    %scan3A_596 = arith.constant 20 : i32
    %scan3A_597 = arith.addi %scan3A_595, %scan3A_596 : i32
    %scan3A_598 = arith.constant 1 : i32
    scf.for %scan3A_605 = %scan3A_595 to %scan3A_597 step %scan3A_598  : i32 {
      %mul3A_606 = arith.constant 32 : i32
      %mul3A_607 = arith.muli %scan3A_605, %mul3A_606 : i32
      %add3A_608 = arith.constant 0 : i32
      %add3A_609 = arith.addi %add3A_608, %mul3A_607 : i32
      %mul3A_610 = arith.constant 640 : i32
      %mul3A_611 = arith.muli %arg1, %mul3A_610 : i32
      %add3A_612 = arith.addi %mul3A_611, %add3A_609 : i32
      %mul3A_613 = arith.constant 640 : i32
      %mul3A_614 = arith.muli %arg1, %mul3A_613 : i32
      %add3A_615 = arith.addi %mul3A_614, %add3A_609 : i32
      %dma_start3A_616 = arith.constant 0 : i32
      %dma_start3A_617 = tpu.memref_slice %arg5[%arg0, %add3A_615, %dma_start3A_616] : memref<2x10240x128xf32, #tpu.memory_space<hbm>> -> memref<1x32x128xf32, #tpu.memory_space<hbm>>
      %dma_start3A_618 = tpu.memref_squeeze %dma_start3A_617 : memref<1x32x128xf32, #tpu.memory_space<hbm>> -> memref<32x128xf32, #tpu.memory_space<hbm>>
      %dma_start3A_619 = arith.constant 0 : i32
      %dma_start3A_620 = tpu.memref_slice %arg9[%add3A_612, %dma_start3A_619] : memref<10240x128xf32, #tpu.memory_space<vmem_shared>> -> memref<32x128xf32, #tpu.memory_space<vmem_shared>>
      tpu.enqueue_dma source(%dma_start3A_620 : memref<32x128xf32, #tpu.memory_space<vmem_shared>>) target(%dma_start3A_618 : memref<32x128xf32, #tpu.memory_space<hbm>>) target_semaphore(%arg14 : memref<!tpu.dma_semaphore, #tpu.memory_space<semaphore_mem>>)
    }
    %scan3A_599 = arith.constant 20 : i32
    %scan3A_600 = arith.constant 0 : i32
    %scan3A_601 = arith.constant 20 : i32
    %scan3A_602 = arith.addi %scan3A_600, %scan3A_601 : i32
    %scan3A_603 = arith.constant 1 : i32
    scf.for %scan3A_605 = %scan3A_600 to %scan3A_602 step %scan3A_603  : i32 {
      %mul3A_606 = arith.constant 32 : i32
      %mul3A_607 = arith.muli %scan3A_605, %mul3A_606 : i32
      %add3A_608 = arith.constant 0 : i32
      %add3A_609 = arith.addi %add3A_608, %mul3A_607 : i32
      %dma_wait3A_610 = arith.constant 0 : i32
      %dma_wait3A_611 = arith.constant 0 : i32
      %dma_wait3A_612 = tpu.memref_slice %arg5[%arg0, %dma_wait3A_610, %dma_wait3A_611] : memref<2x10240x128xf32, #tpu.memory_space<hbm>> -> memref<1x32x128xf32, #tpu.memory_space<hbm>>
      %dma_wait3A_613 = tpu.memref_squeeze %dma_wait3A_612 : memref<1x32x128xf32, #tpu.memory_space<hbm>> -> memref<32x128xf32, #tpu.memory_space<hbm>>
      %dma_wait3A_614 = arith.constant 0 : i32
      %dma_wait3A_615 = arith.constant 0 : i32
      %dma_wait3A_616 = tpu.memref_slice %arg9[%dma_wait3A_614, %dma_wait3A_615] : memref<10240x128xf32, #tpu.memory_space<vmem_shared>> -> memref<32x128xf32, #tpu.memory_space<vmem_shared>>
      tpu.wait_dma2 semaphore(%arg14 : memref<!tpu.dma_semaphore, #tpu.memory_space<semaphore_mem>>) src(%dma_wait3A_616 : memref<32x128xf32, #tpu.memory_space<vmem_shared>>) dst(%dma_wait3A_613 : memref<32x128xf32, #tpu.memory_space<hbm>>)
    }
    %scan3A_604 = arith.constant 20 : i32
    return
  }
}

#map = affine_map<(d0, d1) -> (0)>
#map1 = affine_map<(d0, d1) -> (0, 0)>
#map2 = affine_map<(d0, d1) -> (0, 0, 0)>
module attributes {stable_mosaic.version = 14 : i64} {
  func.func @body(%arg0: i32, %arg1: i32, %arg2: memref<320000xi32, #tpu.memory_space<hbm>>, %arg3: memref<320000xi32, #tpu.memory_space<hbm>>, %arg4: memref<1x10240xf32, #tpu.memory_space<hbm>>, %arg5: memref<32x1x10240xf32, #tpu.memory_space<hbm>>, %arg6: memref<10000xi32, #tpu.memory_space<vmem>>, %arg7: memref<10000xi32, #tpu.memory_space<vmem>>, %arg8: memref<1x10240xf32, #tpu.memory_space<vmem>>, %arg9: memref<1x10240xf32, #tpu.memory_space<vmem>>, %arg10: memref<!tpu.dma_semaphore, #tpu.memory_space<semaphore_mem>>) attributes {dimension_semantics = [#tpu.dimension_semantics<core_parallel>, #tpu.dimension_semantics<subcore_parallel>], iteration_bounds = array<i64: 2, 16>, scalar_prefetch = 0 : i64, scratch_operands = 5 : i64, tpu.core_type = #tpu.core_type<sc_vector_subcore>, window_params = [{transform_indices = #map}, {transform_indices = #map}, {transform_indices = #map1}, {transform_indices = #map2}]} {
    %mul3A = arith.constant 2 : i32
    %mul3A_0 = arith.muli %arg1, %mul3A : i32
    %add3A = arith.addi %mul3A_0, %arg0 : i32
    %mul3A_1 = arith.constant 10000 : i32
    %mul3A_2 = arith.muli %add3A, %mul3A_1 : i32
    %dma_start3A = tpu.memref_slice %arg2[%mul3A_2] : memref<320000xi32, #tpu.memory_space<hbm>> -> memref<10000xi32, #tpu.memory_space<hbm>>
    %dma_start3A_3 = tpu.memref_slice %arg2[%mul3A_2] : memref<320000xi32, #tpu.memory_space<hbm>> -> memref<10000xi32, #tpu.memory_space<hbm>>
    tpu.enqueue_dma source(%dma_start3A_3 : memref<10000xi32, #tpu.memory_space<hbm>>) target(%arg6 : memref<10000xi32, #tpu.memory_space<vmem>>) target_semaphore(%arg10 : memref<!tpu.dma_semaphore, #tpu.memory_space<semaphore_mem>>)
    %dma_start3A_4 = tpu.memref_slice %arg3[%mul3A_2] : memref<320000xi32, #tpu.memory_space<hbm>> -> memref<10000xi32, #tpu.memory_space<hbm>>
    %dma_start3A_5 = tpu.memref_slice %arg3[%mul3A_2] : memref<320000xi32, #tpu.memory_space<hbm>> -> memref<10000xi32, #tpu.memory_space<hbm>>
    tpu.enqueue_dma source(%dma_start3A_5 : memref<10000xi32, #tpu.memory_space<hbm>>) target(%arg7 : memref<10000xi32, #tpu.memory_space<vmem>>) target_semaphore(%arg10 : memref<!tpu.dma_semaphore, #tpu.memory_space<semaphore_mem>>)
    tpu.enqueue_dma source(%arg4 : memref<1x10240xf32, #tpu.memory_space<hbm>>) target(%arg8 : memref<1x10240xf32, #tpu.memory_space<vmem>>) target_semaphore(%arg10 : memref<!tpu.dma_semaphore, #tpu.memory_space<semaphore_mem>>)
    %scan3A = arith.constant 0 : i32
    %scan3A_6 = arith.constant 640 : i32
    %scan3A_7 = arith.addi %scan3A, %scan3A_6 : i32
    %scan3A_8 = arith.constant 1 : i32
    scf.for %scan3A_23 = %scan3A to %scan3A_7 step %scan3A_8  : i32 {
      %mul3A_24 = arith.constant 16 : i32
      %mul3A_25 = arith.muli %scan3A_23, %mul3A_24 : i32
      %add3A_26 = arith.constant 0 : i32
      %add3A_27 = arith.addi %add3A_26, %mul3A_25 : i32
      %broadcast_in_dim3A_28 = arith.constant 0.000000e+00 : f32
      %broadcast_in_dim3A_29 = vector.broadcast %broadcast_in_dim3A_28 : f32 to vector<16xf32>
      %swap3A = arith.constant 0 : i32
      %swap3A_30 = arith.index_cast %swap3A : i32 to index
      %swap3A_31 = arith.index_cast %add3A_27 : i32 to index
      %swap3A_32 = tpu.vector_load %arg9[%swap3A_30, %swap3A_31] {strides = array<i32>} : memref<1x10240xf32, #tpu.memory_space<vmem>>, vector<16xf32>,
      tpu.vector_store %arg9[%swap3A_30, %swap3A_31], %broadcast_in_dim3A_29 {strides = array<i32>} : memref<1x10240xf32, #tpu.memory_space<vmem>>, vector<16xf32>,
    }
    %scan3A_9 = arith.constant 640 : i32
    %dma_wait3A = arith.constant 0 : i32
    %dma_wait3A_10 = tpu.memref_slice %arg2[%dma_wait3A] : memref<320000xi32, #tpu.memory_space<hbm>> -> memref<10000xi32, #tpu.memory_space<hbm>>
    %dma_wait3A_11 = arith.constant 0 : i32
    %dma_wait3A_12 = tpu.memref_slice %arg2[%dma_wait3A_11] : memref<320000xi32, #tpu.memory_space<hbm>> -> memref<10000xi32, #tpu.memory_space<hbm>>
    tpu.wait_dma2 semaphore(%arg10 : memref<!tpu.dma_semaphore, #tpu.memory_space<semaphore_mem>>) src(%dma_wait3A_12 : memref<10000xi32, #tpu.memory_space<hbm>>) dst(%arg6 : memref<10000xi32, #tpu.memory_space<vmem>>)
    %dma_wait3A_13 = arith.constant 0 : i32
    %dma_wait3A_14 = tpu.memref_slice %arg3[%dma_wait3A_13] : memref<320000xi32, #tpu.memory_space<hbm>> -> memref<10000xi32, #tpu.memory_space<hbm>>
    %dma_wait3A_15 = arith.constant 0 : i32
    %dma_wait3A_16 = tpu.memref_slice %arg3[%dma_wait3A_15] : memref<320000xi32, #tpu.memory_space<hbm>> -> memref<10000xi32, #tpu.memory_space<hbm>>
    tpu.wait_dma2 semaphore(%arg10 : memref<!tpu.dma_semaphore, #tpu.memory_space<semaphore_mem>>) src(%dma_wait3A_16 : memref<10000xi32, #tpu.memory_space<hbm>>) dst(%arg7 : memref<10000xi32, #tpu.memory_space<vmem>>)
    tpu.wait_dma2 semaphore(%arg10 : memref<!tpu.dma_semaphore, #tpu.memory_space<semaphore_mem>>) src(%arg4 : memref<1x10240xf32, #tpu.memory_space<hbm>>) dst(%arg8 : memref<1x10240xf32, #tpu.memory_space<vmem>>)
    %broadcast_in_dim3A = arith.constant 0 : i32
    %broadcast_in_dim3A_17 = vector.broadcast %broadcast_in_dim3A : i32 to vector<16xi32>
    %scan3A_18 = arith.constant 0 : i32
    %scan3A_19 = arith.constant 625 : i32
    %scan3A_20 = arith.addi %scan3A_18, %scan3A_19 : i32
    %scan3A_21 = arith.constant 1 : i32
    scf.for %scan3A_23 = %scan3A_18 to %scan3A_20 step %scan3A_21  : i32 {
      %mul3A_24 = arith.constant 16 : i32
      %mul3A_25 = arith.muli %scan3A_23, %mul3A_24 : i32
      %add3A_26 = arith.constant 0 : i32
      %add3A_27 = arith.addi %add3A_26, %mul3A_25 : i32
      %get3A = arith.index_cast %add3A_27 : i32 to index
      %get3A_28 = tpu.vector_load %arg6[%get3A] {strides = array<i32>} : memref<10000xi32, #tpu.memory_space<vmem>>, vector<16xi32>,
      %get3A_29 = arith.index_cast %add3A_27 : i32 to index
      %get3A_30 = tpu.vector_load %arg7[%get3A_29] {strides = array<i32>} : memref<10000xi32, #tpu.memory_space<vmem>>, vector<16xi32>,
      %gather3A = tpu.vector_load_idx %arg8[%broadcast_in_dim3A_17, %get3A_30] : memref<1x10240xf32, #tpu.memory_space<vmem>>[vector<16xi32>, vector<16xi32>], vector<16xf32>,
      tpu.vector_store_idx %arg9[%broadcast_in_dim3A_17, %get3A_28], %gather3A {add = true} : memref<1x10240xf32, #tpu.memory_space<vmem>>[vector<16xi32>, vector<16xi32>], vector<16xf32>,
    }
    %scan3A_22 = arith.constant 625 : i32
    "tpu.region"() ({
      %run_scoped3A = tpu.sem_alloc : memref<!tpu.dma_semaphore, #tpu.memory_space<semaphore_mem>>
      %dma_start3A_23 = arith.constant 0 : i32
      %dma_start3A_24 = arith.constant 0 : i32
      %dma_start3A_25 = tpu.memref_slice %arg5[%add3A, %dma_start3A_23, %dma_start3A_24] : memref<32x1x10240xf32, #tpu.memory_space<hbm>> -> memref<1x1x10240xf32, #tpu.memory_space<hbm>>
      %dma_start3A_26 = tpu.memref_squeeze %dma_start3A_25 : memref<1x1x10240xf32, #tpu.memory_space<hbm>> -> memref<1x10240xf32, #tpu.memory_space<hbm>>
      %dma_start3A_27 = arith.constant 0 : i32
      %dma_start3A_28 = arith.constant 0 : i32
      %dma_start3A_29 = tpu.memref_slice %arg5[%add3A, %dma_start3A_27, %dma_start3A_28] : memref<32x1x10240xf32, #tpu.memory_space<hbm>> -> memref<1x1x10240xf32, #tpu.memory_space<hbm>>
      %dma_start3A_30 = tpu.memref_squeeze %dma_start3A_29 : memref<1x1x10240xf32, #tpu.memory_space<hbm>> -> memref<1x10240xf32, #tpu.memory_space<hbm>>
      tpu.enqueue_dma source(%arg9 : memref<1x10240xf32, #tpu.memory_space<vmem>>) target(%dma_start3A_30 : memref<1x10240xf32, #tpu.memory_space<hbm>>) target_semaphore(%run_scoped3A : memref<!tpu.dma_semaphore, #tpu.memory_space<semaphore_mem>>)
      %dma_wait3A_31 = arith.constant 0 : i32
      %dma_wait3A_32 = arith.constant 0 : i32
      %dma_wait3A_33 = tpu.memref_slice %arg5[%add3A, %dma_wait3A_31, %dma_wait3A_32] : memref<32x1x10240xf32, #tpu.memory_space<hbm>> -> memref<1x1x10240xf32, #tpu.memory_space<hbm>>
      %dma_wait3A_34 = tpu.memref_squeeze %dma_wait3A_33 : memref<1x1x10240xf32, #tpu.memory_space<hbm>> -> memref<1x10240xf32, #tpu.memory_space<hbm>>
      %dma_wait3A_35 = arith.constant 0 : i32
      %dma_wait3A_36 = arith.constant 0 : i32
      %dma_wait3A_37 = tpu.memref_slice %arg5[%add3A, %dma_wait3A_35, %dma_wait3A_36] : memref<32x1x10240xf32, #tpu.memory_space<hbm>> -> memref<1x1x10240xf32, #tpu.memory_space<hbm>>
      %dma_wait3A_38 = tpu.memref_squeeze %dma_wait3A_37 : memref<1x1x10240xf32, #tpu.memory_space<hbm>> -> memref<1x10240xf32, #tpu.memory_space<hbm>>
      tpu.wait_dma2 semaphore(%run_scoped3A : memref<!tpu.dma_semaphore, #tpu.memory_space<semaphore_mem>>) src(%arg9 : memref<1x10240xf32, #tpu.memory_space<vmem>>) dst(%dma_wait3A_38 : memref<1x10240xf32, #tpu.memory_space<hbm>>)
      tpu.yield
    }) : () -> ()
    return
  }
}

#map = affine_map<(d0, d1) -> (0, 0)>
#map1 = affine_map<(d0, d1) -> (0)>
#map2 = affine_map<(d0, d1) -> (0, 0, 0)>
module attributes {stable_mosaic.version = 14 : i64} {
  func.func @body(%arg0: i32, %arg1: i32, %arg2: memref<10000x128xf32, #tpu.memory_space<hbm>>, %arg3: memref<327680xi32, #tpu.memory_space<hbm>>, %arg4: memref<2560x128xi32, #tpu.memory_space<hbm>>, %arg5: memref<2x10240x128xf32, #tpu.memory_space<hbm>>, %arg6: memref<4x128xi32, #tpu.memory_space<vmem>>, %arg7: memref<80x128xi32, #tpu.memory_space<vmem>>, %arg8: memref<2x128x128xf32, #tpu.memory_space<vmem>>, %arg9: memref<10240x128xf32, #tpu.memory_space<vmem_shared>>, %arg10: memref<!tpu.dma_semaphore, #tpu.memory_space<semaphore_mem>>, %arg11: memref<!tpu.dma_semaphore, #tpu.memory_space<semaphore_mem>>, %arg12: memref<!tpu.dma_semaphore, #tpu.memory_space<semaphore_mem>>, %arg13: memref<!tpu.dma_semaphore, #tpu.memory_space<semaphore_mem>>, %arg14: memref<!tpu.dma_semaphore, #tpu.memory_space<semaphore_mem>>, %arg15: memref<!tpu.dma_semaphore, #tpu.memory_space<semaphore_mem>>, %arg16: memref<!tpu.dma_semaphore, #tpu.memory_space<semaphore_mem>>, %arg17: memref<!tpu.dma_semaphore, #tpu.memory_space<semaphore_mem>>) attributes {dimension_semantics = [#tpu.dimension_semantics<core_parallel>, #tpu.dimension_semantics<subcore_parallel>], iteration_bounds = array<i64: 2, 16>, scalar_prefetch = 0 : i64, scratch_operands = 12 : i64, tpu.core_type = #tpu.core_type<sc_vector_subcore>, window_params = [{transform_indices = #map}, {transform_indices = #map1}, {transform_indices = #map}, {transform_indices = #map2}]} {
    %mul3A = arith.constant 2 : i32
    %mul3A_0 = arith.muli %arg1, %mul3A : i32
    %add3A = arith.addi %mul3A_0, %arg0 : i32
    %mul3A_1 = arith.constant 80 : i32
    %mul3A_2 = arith.muli %add3A, %mul3A_1 : i32
    %mul3A_3 = arith.constant 128 : i32
    %mul3A_4 = arith.muli %mul3A_2, %mul3A_3 : i32
    %mul3A_5 = arith.constant 80 : i32
    %mul3A_6 = arith.muli %add3A, %mul3A_5 : i32
    %dma_start3A = arith.constant 0 : i32
    %dma_start3A_7 = tpu.memref_slice %arg4[%mul3A_6, %dma_start3A] : memref<2560x128xi32, #tpu.memory_space<hbm>> -> memref<80x128xi32, #tpu.memory_space<hbm>>
    %dma_start3A_8 = arith.constant 0 : i32
    %dma_start3A_9 = tpu.memref_slice %arg4[%mul3A_6, %dma_start3A_8] : memref<2560x128xi32, #tpu.memory_space<hbm>> -> memref<80x128xi32, #tpu.memory_space<hbm>>
    tpu.enqueue_dma source(%dma_start3A_9 : memref<80x128xi32, #tpu.memory_space<hbm>>) target(%arg7 : memref<80x128xi32, #tpu.memory_space<vmem>>) target_semaphore(%arg14 : memref<!tpu.dma_semaphore, #tpu.memory_space<semaphore_mem>>)
    %scan3A = arith.constant 0 : i32
    %scan3A_10 = arith.constant 32 : i32
    %scan3A_11 = arith.addi %scan3A, %scan3A_10 : i32
    %scan3A_12 = arith.constant 1 : i32
    scf.for %scan3A_605 = %scan3A to %scan3A_11 step %scan3A_12  : i32 {
      %mul3A_606 = arith.constant 1 : i32
      %mul3A_607 = arith.muli %scan3A_605, %mul3A_606 : i32
      %add3A_608 = arith.constant 0 : i32
      %add3A_609 = arith.addi %add3A_608, %mul3A_607 : i32
      %scan3A_610 = arith.constant 0 : i32
      %scan3A_611 = arith.constant 8 : i32
      %scan3A_612 = arith.addi %scan3A_610, %scan3A_611 : i32
      %scan3A_613 = arith.constant 1 : i32
      scf.for %scan3A_615 = %scan3A_610 to %scan3A_612 step %scan3A_613  : i32 {
        %mul3A_616 = arith.constant 16 : i32
        %mul3A_617 = arith.muli %scan3A_615, %mul3A_616 : i32
        %add3A_618 = arith.constant 0 : i32
        %add3A_619 = arith.addi %add3A_618, %mul3A_617 : i32
        %broadcast_in_dim3A = arith.constant 0.000000e+00 : f32
        %broadcast_in_dim3A_620 = vector.broadcast %broadcast_in_dim3A : f32 to vector<16xf32>
        %swap3A = arith.constant 0 : i32
        %swap3A_621 = arith.index_cast %swap3A : i32 to index
        %swap3A_622 = arith.index_cast %add3A_609 : i32 to index
        %swap3A_623 = arith.index_cast %add3A_619 : i32 to index
        %swap3A_624 = tpu.vector_load %arg8[%swap3A_621, %swap3A_622, %swap3A_623] {strides = array<i32>} : memref<2x128x128xf32, #tpu.memory_space<vmem>>, vector<16xf32>,
        tpu.vector_store %arg8[%swap3A_621, %swap3A_622, %swap3A_623], %broadcast_in_dim3A_620 {strides = array<i32>} : memref<2x128x128xf32, #tpu.memory_space<vmem>>, vector<16xf32>,
      }
      %scan3A_614 = arith.constant 8 : i32
    }
    %scan3A_13 = arith.constant 32 : i32
    %scan3A_14 = arith.constant 0 : i32
    %scan3A_15 = arith.constant 20 : i32
    %scan3A_16 = arith.addi %scan3A_14, %scan3A_15 : i32
    %scan3A_17 = arith.constant 1 : i32
    scf.for %scan3A_605 = %scan3A_14 to %scan3A_16 step %scan3A_17  : i32 {
      %mul3A_606 = arith.constant 32 : i32
      %mul3A_607 = arith.muli %scan3A_605, %mul3A_606 : i32
      %add3A_608 = arith.constant 0 : i32
      %add3A_609 = arith.addi %add3A_608, %mul3A_607 : i32
      %mul3A_610 = arith.constant 640 : i32
      %mul3A_611 = arith.muli %arg1, %mul3A_610 : i32
      %add3A_612 = arith.addi %mul3A_611, %add3A_609 : i32
      %dma_start3A_613 = arith.constant 0 : i32
      %dma_start3A_614 = arith.constant 0 : i32
      %dma_start3A_615 = arith.constant 0 : i32
      %dma_start3A_616 = tpu.memref_slice %arg8[%dma_start3A_613, %dma_start3A_614, %dma_start3A_615] : memref<2x128x128xf32, #tpu.memory_space<vmem>> -> memref<1x32x128xf32, #tpu.memory_space<vmem>>
      %dma_start3A_617 = tpu.memref_squeeze %dma_start3A_616 : memref<1x32x128xf32, #tpu.memory_space<vmem>> -> memref<32x128xf32, #tpu.memory_space<vmem>>
      %dma_start3A_618 = arith.constant 0 : i32
      %dma_start3A_619 = tpu.memref_slice %arg9[%add3A_612, %dma_start3A_618] : memref<10240x128xf32, #tpu.memory_space<vmem_shared>> -> memref<32x128xf32, #tpu.memory_space<vmem_shared>>
      %dma_start3A_620 = arith.constant 0 : i32
      %dma_start3A_621 = tpu.memref_slice %arg9[%add3A_612, %dma_start3A_620] : memref<10240x128xf32, #tpu.memory_space<vmem_shared>> -> memref<32x128xf32, #tpu.memory_space<vmem_shared>>
      %dma_start3A_622 = arith.constant 0 : i32
      %dma_start3A_623 = arith.constant 0 : i32
      %dma_start3A_624 = tpu.memref_slice %arg8[%dma_start3A_613, %dma_start3A_622, %dma_start3A_623] : memref<2x128x128xf32, #tpu.memory_space<vmem>> -> memref<1x32x128xf32, #tpu.memory_space<vmem>>
      %dma_start3A_625 = tpu.memref_squeeze %dma_start3A_624 : memref<1x32x128xf32, #tpu.memory_space<vmem>> -> memref<32x128xf32, #tpu.memory_space<vmem>>
      tpu.enqueue_dma source(%dma_start3A_625 : memref<32x128xf32, #tpu.memory_space<vmem>>) target(%dma_start3A_621 : memref<32x128xf32, #tpu.memory_space<vmem_shared>>) target_semaphore(%arg15 : memref<!tpu.dma_semaphore, #tpu.memory_space<semaphore_mem>>)
    }
    %scan3A_18 = arith.constant 20 : i32
    %scan3A_19 = arith.constant 0 : i32
    %scan3A_20 = arith.constant 20 : i32
    %scan3A_21 = arith.addi %scan3A_19, %scan3A_20 : i32
    %scan3A_22 = arith.constant 1 : i32
    scf.for %scan3A_605 = %scan3A_19 to %scan3A_21 step %scan3A_22  : i32 {
      %mul3A_606 = arith.constant 32 : i32
      %mul3A_607 = arith.muli %scan3A_605, %mul3A_606 : i32
      %add3A_608 = arith.constant 0 : i32
      %add3A_609 = arith.addi %add3A_608, %mul3A_607 : i32
      %dma_wait3A_610 = arith.constant 0 : i32
      %dma_wait3A_611 = arith.constant 0 : i32
      %dma_wait3A_612 = arith.constant 0 : i32
      %dma_wait3A_613 = tpu.memref_slice %arg8[%dma_wait3A_610, %dma_wait3A_611, %dma_wait3A_612] : memref<2x128x128xf32, #tpu.memory_space<vmem>> -> memref<1x32x128xf32, #tpu.memory_space<vmem>>
      %dma_wait3A_614 = tpu.memref_squeeze %dma_wait3A_613 : memref<1x32x128xf32, #tpu.memory_space<vmem>> -> memref<32x128xf32, #tpu.memory_space<vmem>>
      %dma_wait3A_615 = arith.constant 0 : i32
      %dma_wait3A_616 = arith.constant 0 : i32
      %dma_wait3A_617 = tpu.memref_slice %arg9[%dma_wait3A_615, %dma_wait3A_616] : memref<10240x128xf32, #tpu.memory_space<vmem_shared>> -> memref<32x128xf32, #tpu.memory_space<vmem_shared>>
      %dma_wait3A_618 = arith.constant 0 : i32
      %dma_wait3A_619 = arith.constant 0 : i32
      %dma_wait3A_620 = tpu.memref_slice %arg9[%dma_wait3A_618, %dma_wait3A_619] : memref<10240x128xf32, #tpu.memory_space<vmem_shared>> -> memref<32x128xf32, #tpu.memory_space<vmem_shared>>
      %dma_wait3A_621 = arith.constant 0 : i32
      %dma_wait3A_622 = arith.constant 0 : i32
      %dma_wait3A_623 = tpu.memref_slice %arg8[%dma_wait3A_610, %dma_wait3A_621, %dma_wait3A_622] : memref<2x128x128xf32, #tpu.memory_space<vmem>> -> memref<1x32x128xf32, #tpu.memory_space<vmem>>
      %dma_wait3A_624 = tpu.memref_squeeze %dma_wait3A_623 : memref<1x32x128xf32, #tpu.memory_space<vmem>> -> memref<32x128xf32, #tpu.memory_space<vmem>>
      tpu.wait_dma2 semaphore(%arg15 : memref<!tpu.dma_semaphore, #tpu.memory_space<semaphore_mem>>) src(%dma_wait3A_624 : memref<32x128xf32, #tpu.memory_space<vmem>>) dst(%dma_wait3A_620 : memref<32x128xf32, #tpu.memory_space<vmem_shared>>)
    }
    %scan3A_23 = arith.constant 20 : i32
    %dma_wait3A = arith.constant 0 : i32
    %dma_wait3A_24 = arith.constant 0 : i32
    %dma_wait3A_25 = tpu.memref_slice %arg4[%dma_wait3A, %dma_wait3A_24] : memref<2560x128xi32, #tpu.memory_space<hbm>> -> memref<80x128xi32, #tpu.memory_space<hbm>>
    %dma_wait3A_26 = arith.constant 0 : i32
    %dma_wait3A_27 = arith.constant 0 : i32
    %dma_wait3A_28 = tpu.memref_slice %arg4[%dma_wait3A_26, %dma_wait3A_27] : memref<2560x128xi32, #tpu.memory_space<hbm>> -> memref<80x128xi32, #tpu.memory_space<hbm>>
    tpu.wait_dma2 semaphore(%arg14 : memref<!tpu.dma_semaphore, #tpu.memory_space<semaphore_mem>>) src(%dma_wait3A_28 : memref<80x128xi32, #tpu.memory_space<hbm>>) dst(%arg7 : memref<80x128xi32, #tpu.memory_space<vmem>>)
    %barrier3A = arith.constant 0 : index
    tpu.barrier barrier_id(%barrier3A)
    %add3A_29 = arith.constant 0 : i32
    %add3A_30 = arith.addi %mul3A_4, %add3A_29 : i32
    %dma_start3A_31 = arith.constant 0 : i32
    %dma_start3A_32 = arith.constant 0 : i32
    %dma_start3A_33 = tpu.memref_slice %arg6[%dma_start3A_31, %dma_start3A_32] : memref<4x128xi32, #tpu.memory_space<vmem>> -> memref<1x128xi32, #tpu.memory_space<vmem>>
    %dma_start3A_34 = tpu.memref_squeeze %dma_start3A_33 : memref<1x128xi32, #tpu.memory_space<vmem>> -> memref<128xi32, #tpu.memory_space<vmem>>
    %dma_start3A_35 = tpu.memref_slice %arg3[%add3A_30] : memref<327680xi32, #tpu.memory_space<hbm>> -> memref<128xi32, #tpu.memory_space<hbm>>
    %dma_start3A_36 = arith.constant 0 : i32
    %dma_start3A_37 = tpu.memref_slice %arg6[%dma_start3A_31, %dma_start3A_36] : memref<4x128xi32, #tpu.memory_space<vmem>> -> memref<1x128xi32, #tpu.memory_space<vmem>>
    %dma_start3A_38 = tpu.memref_squeeze %dma_start3A_37 : memref<1x128xi32, #tpu.memory_space<vmem>> -> memref<128xi32, #tpu.memory_space<vmem>>
    %dma_start3A_39 = tpu.memref_slice %arg3[%add3A_30] : memref<327680xi32, #tpu.memory_space<hbm>> -> memref<128xi32, #tpu.memory_space<hbm>>
    tpu.enqueue_dma source(%dma_start3A_39 : memref<128xi32, #tpu.memory_space<hbm>>) target(%dma_start3A_38 : memref<128xi32, #tpu.memory_space<vmem>>) target_semaphore(%arg10 : memref<!tpu.dma_semaphore, #tpu.memory_space<semaphore_mem>>)
    %add3A_40 = arith.constant 128 : i32
    %add3A_41 = arith.addi %mul3A_4, %add3A_40 : i32
    %dma_start3A_42 = arith.constant 1 : i32
    %dma_start3A_43 = arith.constant 0 : i32
    %dma_start3A_44 = tpu.memref_slice %arg6[%dma_start3A_42, %dma_start3A_43] : memref<4x128xi32, #tpu.memory_space<vmem>> -> memref<1x128xi32, #tpu.memory_space<vmem>>
    %dma_start3A_45 = tpu.memref_squeeze %dma_start3A_44 : memref<1x128xi32, #tpu.memory_space<vmem>> -> memref<128xi32, #tpu.memory_space<vmem>>
    %dma_start3A_46 = tpu.memref_slice %arg3[%add3A_41] : memref<327680xi32, #tpu.memory_space<hbm>> -> memref<128xi32, #tpu.memory_space<hbm>>
    %dma_start3A_47 = arith.constant 0 : i32
    %dma_start3A_48 = tpu.memref_slice %arg6[%dma_start3A_42, %dma_start3A_47] : memref<4x128xi32, #tpu.memory_space<vmem>> -> memref<1x128xi32, #tpu.memory_space<vmem>>
    %dma_start3A_49 = tpu.memref_squeeze %dma_start3A_48 : memref<1x128xi32, #tpu.memory_space<vmem>> -> memref<128xi32, #tpu.memory_space<vmem>>
    %dma_start3A_50 = tpu.memref_slice %arg3[%add3A_41] : memref<327680xi32, #tpu.memory_space<hbm>> -> memref<128xi32, #tpu.memory_space<hbm>>
    tpu.enqueue_dma source(%dma_start3A_50 : memref<128xi32, #tpu.memory_space<hbm>>) target(%dma_start3A_49 : memref<128xi32, #tpu.memory_space<vmem>>) target_semaphore(%arg11 : memref<!tpu.dma_semaphore, #tpu.memory_space<semaphore_mem>>)
    %dma_wait3A_51 = arith.constant 0 : i32
    %dma_wait3A_52 = arith.constant 0 : i32
    %dma_wait3A_53 = tpu.memref_slice %arg6[%dma_wait3A_51, %dma_wait3A_52] : memref<4x128xi32, #tpu.memory_space<vmem>> -> memref<1x128xi32, #tpu.memory_space<vmem>>
    %dma_wait3A_54 = tpu.memref_squeeze %dma_wait3A_53 : memref<1x128xi32, #tpu.memory_space<vmem>> -> memref<128xi32, #tpu.memory_space<vmem>>
    %dma_wait3A_55 = arith.constant 0 : i32
    %dma_wait3A_56 = tpu.memref_slice %arg3[%dma_wait3A_55] : memref<327680xi32, #tpu.memory_space<hbm>> -> memref<128xi32, #tpu.memory_space<hbm>>
    %dma_wait3A_57 = arith.constant 0 : i32
    %dma_wait3A_58 = tpu.memref_slice %arg6[%dma_wait3A_51, %dma_wait3A_57] : memref<4x128xi32, #tpu.memory_space<vmem>> -> memref<1x128xi32, #tpu.memory_space<vmem>>
    %dma_wait3A_59 = tpu.memref_squeeze %dma_wait3A_58 : memref<1x128xi32, #tpu.memory_space<vmem>> -> memref<128xi32, #tpu.memory_space<vmem>>
    %dma_wait3A_60 = arith.constant 0 : i32
    %dma_wait3A_61 = tpu.memref_slice %arg3[%dma_wait3A_60] : memref<327680xi32, #tpu.memory_space<hbm>> -> memref<128xi32, #tpu.memory_space<hbm>>
    tpu.wait_dma2 semaphore(%arg10 : memref<!tpu.dma_semaphore, #tpu.memory_space<semaphore_mem>>) src(%dma_wait3A_61 : memref<128xi32, #tpu.memory_space<hbm>>) dst(%dma_wait3A_59 : memref<128xi32, #tpu.memory_space<vmem>>)
    %dma_start3A_62 = arith.constant 0 : i32
    %dma_start3A_63 = arith.constant 0 : i32
    %dma_start3A_64 = arith.constant 0 : i32
    %dma_start3A_65 = arith.constant 0 : i32
    %dma_start3A_66 = tpu.memref_slice %arg8[%dma_start3A_63, %dma_start3A_64, %dma_start3A_65] : memref<2x128x128xf32, #tpu.memory_space<vmem>> -> memref<1x128x128xf32, #tpu.memory_space<vmem>>
    %dma_start3A_67 = tpu.memref_squeeze %dma_start3A_66 : memref<1x128x128xf32, #tpu.memory_space<vmem>> -> memref<128x128xf32, #tpu.memory_space<vmem>>
    %dma_start3A_68 = arith.constant 0 : i32
    %dma_start3A_69 = tpu.memref_slice %arg6[%dma_start3A_62, %dma_start3A_68] : memref<4x128xi32, #tpu.memory_space<vmem>> -> memref<1x128xi32, #tpu.memory_space<vmem>>
    %dma_start3A_70 = tpu.memref_squeeze %dma_start3A_69 : memref<1x128xi32, #tpu.memory_space<vmem>> -> memref<128xi32, #tpu.memory_space<vmem>>
    %dma_start3A_71 = arith.constant 0 : i32
    %dma_start3A_72 = arith.constant 0 : i32
    %dma_start3A_73 = tpu.memref_slice %arg2[%dma_start3A_71, %dma_start3A_72] : memref<10000x128xf32, #tpu.memory_space<hbm>> -> memref<10000x128xf32, #tpu.memory_space<hbm>>
    tpu.enqueue_indirect_dma source(%dma_start3A_73 : memref<10000x128xf32, #tpu.memory_space<hbm>>) target(%dma_start3A_67 : memref<128x128xf32, #tpu.memory_space<vmem>>) offsets(%dma_start3A_70 : memref<128xi32, #tpu.memory_space<vmem>>) semaphore(%arg14 : memref<!tpu.dma_semaphore, #tpu.memory_space<semaphore_mem>>)
    %add3A_74 = arith.constant 256 : i32
    %add3A_75 = arith.addi %mul3A_4, %add3A_74 : i32
    %dma_start3A_76 = arith.constant 2 : i32
    %dma_start3A_77 = arith.constant 0 : i32
    %dma_start3A_78 = tpu.memref_slice %arg6[%dma_start3A_76, %dma_start3A_77] : memref<4x128xi32, #tpu.memory_space<vmem>> -> memref<1x128xi32, #tpu.memory_space<vmem>>
    %dma_start3A_79 = tpu.memref_squeeze %dma_start3A_78 : memref<1x128xi32, #tpu.memory_space<vmem>> -> memref<128xi32, #tpu.memory_space<vmem>>
    %dma_start3A_80 = tpu.memref_slice %arg3[%add3A_75] : memref<327680xi32, #tpu.memory_space<hbm>> -> memref<128xi32, #tpu.memory_space<hbm>>
    %dma_start3A_81 = arith.constant 0 : i32
    %dma_start3A_82 = tpu.memref_slice %arg6[%dma_start3A_76, %dma_start3A_81] : memref<4x128xi32, #tpu.memory_space<vmem>> -> memref<1x128xi32, #tpu.memory_space<vmem>>
    %dma_start3A_83 = tpu.memref_squeeze %dma_start3A_82 : memref<1x128xi32, #tpu.memory_space<vmem>> -> memref<128xi32, #tpu.memory_space<vmem>>
    %dma_start3A_84 = tpu.memref_slice %arg3[%add3A_75] : memref<327680xi32, #tpu.memory_space<hbm>> -> memref<128xi32, #tpu.memory_space<hbm>>
    tpu.enqueue_dma source(%dma_start3A_84 : memref<128xi32, #tpu.memory_space<hbm>>) target(%dma_start3A_83 : memref<128xi32, #tpu.memory_space<vmem>>) target_semaphore(%arg12 : memref<!tpu.dma_semaphore, #tpu.memory_space<semaphore_mem>>)
    %dma_wait3A_85 = arith.constant 1 : i32
    %dma_wait3A_86 = arith.constant 0 : i32
    %dma_wait3A_87 = tpu.memref_slice %arg6[%dma_wait3A_85, %dma_wait3A_86] : memref<4x128xi32, #tpu.memory_space<vmem>> -> memref<1x128xi32, #tpu.memory_space<vmem>>
    %dma_wait3A_88 = tpu.memref_squeeze %dma_wait3A_87 : memref<1x128xi32, #tpu.memory_space<vmem>> -> memref<128xi32, #tpu.memory_space<vmem>>
    %dma_wait3A_89 = arith.constant 0 : i32
    %dma_wait3A_90 = tpu.memref_slice %arg3[%dma_wait3A_89] : memref<327680xi32, #tpu.memory_space<hbm>> -> memref<128xi32, #tpu.memory_space<hbm>>
    %dma_wait3A_91 = arith.constant 0 : i32
    %dma_wait3A_92 = tpu.memref_slice %arg6[%dma_wait3A_85, %dma_wait3A_91] : memref<4x128xi32, #tpu.memory_space<vmem>> -> memref<1x128xi32, #tpu.memory_space<vmem>>
    %dma_wait3A_93 = tpu.memref_squeeze %dma_wait3A_92 : memref<1x128xi32, #tpu.memory_space<vmem>> -> memref<128xi32, #tpu.memory_space<vmem>>
    %dma_wait3A_94 = arith.constant 0 : i32
    %dma_wait3A_95 = tpu.memref_slice %arg3[%dma_wait3A_94] : memref<327680xi32, #tpu.memory_space<hbm>> -> memref<128xi32, #tpu.memory_space<hbm>>
    tpu.wait_dma2 semaphore(%arg11 : memref<!tpu.dma_semaphore, #tpu.memory_space<semaphore_mem>>) src(%dma_wait3A_95 : memref<128xi32, #tpu.memory_space<hbm>>) dst(%dma_wait3A_93 : memref<128xi32, #tpu.memory_space<vmem>>)
    %dma_wait3A_96 = arith.constant 0 : i32
    %dma_wait3A_97 = arith.constant 0 : i32
    %dma_wait3A_98 = arith.constant 0 : i32
    %dma_wait3A_99 = arith.constant 0 : i32
    %dma_wait3A_100 = tpu.memref_slice %arg8[%dma_wait3A_97, %dma_wait3A_98, %dma_wait3A_99] : memref<2x128x128xf32, #tpu.memory_space<vmem>> -> memref<1x128x128xf32, #tpu.memory_space<vmem>>
    %dma_wait3A_101 = tpu.memref_squeeze %dma_wait3A_100 : memref<1x128x128xf32, #tpu.memory_space<vmem>> -> memref<128x128xf32, #tpu.memory_space<vmem>>
    %dma_wait3A_102 = arith.constant 0 : i32
    %dma_wait3A_103 = tpu.memref_slice %arg6[%dma_wait3A_96, %dma_wait3A_102] : memref<4x128xi32, #tpu.memory_space<vmem>> -> memref<1x128xi32, #tpu.memory_space<vmem>>
    %dma_wait3A_104 = tpu.memref_squeeze %dma_wait3A_103 : memref<1x128xi32, #tpu.memory_space<vmem>> -> memref<128xi32, #tpu.memory_space<vmem>>
    %dma_wait3A_105 = arith.constant 0 : i32
    %dma_wait3A_106 = arith.constant 0 : i32
    %dma_wait3A_107 = tpu.memref_slice %arg2[%dma_wait3A_105, %dma_wait3A_106] : memref<10000x128xf32, #tpu.memory_space<hbm>> -> memref<10000x128xf32, #tpu.memory_space<hbm>>
    tpu.wait_indirect_dma semaphore(%arg14 : memref<!tpu.dma_semaphore, #tpu.memory_space<semaphore_mem>>) src(%dma_wait3A_107 : memref<10000x128xf32, #tpu.memory_space<hbm>>) dst(%dma_wait3A_101 : memref<128x128xf32, #tpu.memory_space<vmem>>)
    %dma_start3A_108 = arith.constant 0 : i32
    %dma_start3A_109 = arith.constant 0 : i32
    %dma_start3A_110 = arith.constant 0 : i32
    %dma_start3A_111 = arith.constant 0 : i32
    %dma_start3A_112 = tpu.memref_slice %arg8[%dma_start3A_108, %dma_start3A_110, %dma_start3A_111] : memref<2x128x128xf32, #tpu.memory_space<vmem>> -> memref<1x128x128xf32, #tpu.memory_space<vmem>>
    %dma_start3A_113 = tpu.memref_squeeze %dma_start3A_112 : memref<1x128x128xf32, #tpu.memory_space<vmem>> -> memref<128x128xf32, #tpu.memory_space<vmem>>
    %dma_start3A_114 = arith.constant 0 : i32
    %dma_start3A_115 = tpu.memref_slice %arg7[%dma_start3A_109, %dma_start3A_114] : memref<80x128xi32, #tpu.memory_space<vmem>> -> memref<1x128xi32, #tpu.memory_space<vmem>>
    %dma_start3A_116 = tpu.memref_squeeze %dma_start3A_115 : memref<1x128xi32, #tpu.memory_space<vmem>> -> memref<128xi32, #tpu.memory_space<vmem>>
    %dma_start3A_117 = arith.constant 0 : i32
    %dma_start3A_118 = arith.constant 0 : i32
    %dma_start3A_119 = tpu.memref_slice %arg9[%dma_start3A_117, %dma_start3A_118] : memref<10240x128xf32, #tpu.memory_space<vmem_shared>> -> memref<10240x128xf32, #tpu.memory_space<vmem_shared>>
    tpu.enqueue_indirect_dma source(%dma_start3A_113 : memref<128x128xf32, #tpu.memory_space<vmem>>) target(%dma_start3A_119 : memref<10240x128xf32, #tpu.memory_space<vmem_shared>>) offsets(%dma_start3A_116 : memref<128xi32, #tpu.memory_space<vmem>>) semaphore(%arg16 : memref<!tpu.dma_semaphore, #tpu.memory_space<semaphore_mem>>) {add = true}
    %dma_start3A_120 = arith.constant 1 : i32
    %dma_start3A_121 = arith.constant 1 : i32
    %dma_start3A_122 = arith.constant 0 : i32
    %dma_start3A_123 = arith.constant 0 : i32
    %dma_start3A_124 = tpu.memref_slice %arg8[%dma_start3A_121, %dma_start3A_122, %dma_start3A_123] : memref<2x128x128xf32, #tpu.memory_space<vmem>> -> memref<1x128x128xf32, #tpu.memory_space<vmem>>
    %dma_start3A_125 = tpu.memref_squeeze %dma_start3A_124 : memref<1x128x128xf32, #tpu.memory_space<vmem>> -> memref<128x128xf32, #tpu.memory_space<vmem>>
    %dma_start3A_126 = arith.constant 0 : i32
    %dma_start3A_127 = tpu.memref_slice %arg6[%dma_start3A_120, %dma_start3A_126] : memref<4x128xi32, #tpu.memory_space<vmem>> -> memref<1x128xi32, #tpu.memory_space<vmem>>
    %dma_start3A_128 = tpu.memref_squeeze %dma_start3A_127 : memref<1x128xi32, #tpu.memory_space<vmem>> -> memref<128xi32, #tpu.memory_space<vmem>>
    %dma_start3A_129 = arith.constant 0 : i32
    %dma_start3A_130 = arith.constant 0 : i32
    %dma_start3A_131 = tpu.memref_slice %arg2[%dma_start3A_129, %dma_start3A_130] : memref<10000x128xf32, #tpu.memory_space<hbm>> -> memref<10000x128xf32, #tpu.memory_space<hbm>>
    tpu.enqueue_indirect_dma source(%dma_start3A_131 : memref<10000x128xf32, #tpu.memory_space<hbm>>) target(%dma_start3A_125 : memref<128x128xf32, #tpu.memory_space<vmem>>) offsets(%dma_start3A_128 : memref<128xi32, #tpu.memory_space<vmem>>) semaphore(%arg15 : memref<!tpu.dma_semaphore, #tpu.memory_space<semaphore_mem>>)
    %add3A_132 = arith.constant 384 : i32
    %add3A_133 = arith.addi %mul3A_4, %add3A_132 : i32
    %dma_start3A_134 = arith.constant 3 : i32
    %dma_start3A_135 = arith.constant 0 : i32
    %dma_start3A_136 = tpu.memref_slice %arg6[%dma_start3A_134, %dma_start3A_135] : memref<4x128xi32, #tpu.memory_space<vmem>> -> memref<1x128xi32, #tpu.memory_space<vmem>>
    %dma_start3A_137 = tpu.memref_squeeze %dma_start3A_136 : memref<1x128xi32, #tpu.memory_space<vmem>> -> memref<128xi32, #tpu.memory_space<vmem>>
    %dma_start3A_138 = tpu.memref_slice %arg3[%add3A_133] : memref<327680xi32, #tpu.memory_space<hbm>> -> memref<128xi32, #tpu.memory_space<hbm>>
    %dma_start3A_139 = arith.constant 0 : i32
    %dma_start3A_140 = tpu.memref_slice %arg6[%dma_start3A_134, %dma_start3A_139] : memref<4x128xi32, #tpu.memory_space<vmem>> -> memref<1x128xi32, #tpu.memory_space<vmem>>
    %dma_start3A_141 = tpu.memref_squeeze %dma_start3A_140 : memref<1x128xi32, #tpu.memory_space<vmem>> -> memref<128xi32, #tpu.memory_space<vmem>>
    %dma_start3A_142 = tpu.memref_slice %arg3[%add3A_133] : memref<327680xi32, #tpu.memory_space<hbm>> -> memref<128xi32, #tpu.memory_space<hbm>>
    tpu.enqueue_dma source(%dma_start3A_142 : memref<128xi32, #tpu.memory_space<hbm>>) target(%dma_start3A_141 : memref<128xi32, #tpu.memory_space<vmem>>) target_semaphore(%arg13 : memref<!tpu.dma_semaphore, #tpu.memory_space<semaphore_mem>>)
    %dma_wait3A_143 = arith.constant 0 : i32
    %dma_wait3A_144 = arith.constant 0 : i32
    %dma_wait3A_145 = arith.constant 0 : i32
    %dma_wait3A_146 = arith.constant 0 : i32
    %dma_wait3A_147 = tpu.memref_slice %arg8[%dma_wait3A_143, %dma_wait3A_145, %dma_wait3A_146] : memref<2x128x128xf32, #tpu.memory_space<vmem>> -> memref<1x128x128xf32, #tpu.memory_space<vmem>>
    %dma_wait3A_148 = tpu.memref_squeeze %dma_wait3A_147 : memref<1x128x128xf32, #tpu.memory_space<vmem>> -> memref<128x128xf32, #tpu.memory_space<vmem>>
    %dma_wait3A_149 = arith.constant 0 : i32
    %dma_wait3A_150 = tpu.memref_slice %arg7[%dma_wait3A_144, %dma_wait3A_149] : memref<80x128xi32, #tpu.memory_space<vmem>> -> memref<1x128xi32, #tpu.memory_space<vmem>>
    %dma_wait3A_151 = tpu.memref_squeeze %dma_wait3A_150 : memref<1x128xi32, #tpu.memory_space<vmem>> -> memref<128xi32, #tpu.memory_space<vmem>>
    %dma_wait3A_152 = arith.constant 0 : i32
    %dma_wait3A_153 = arith.constant 0 : i32
    %dma_wait3A_154 = tpu.memref_slice %arg9[%dma_wait3A_152, %dma_wait3A_153] : memref<10240x128xf32, #tpu.memory_space<vmem_shared>> -> memref<10240x128xf32, #tpu.memory_space<vmem_shared>>
    tpu.wait_indirect_dma semaphore(%arg16 : memref<!tpu.dma_semaphore, #tpu.memory_space<semaphore_mem>>) src(%dma_wait3A_148 : memref<128x128xf32, #tpu.memory_space<vmem>>) dst(%dma_wait3A_154 : memref<10240x128xf32, #tpu.memory_space<vmem_shared>>)
    %dma_wait3A_155 = arith.constant 2 : i32
    %dma_wait3A_156 = arith.constant 0 : i32
    %dma_wait3A_157 = tpu.memref_slice %arg6[%dma_wait3A_155, %dma_wait3A_156] : memref<4x128xi32, #tpu.memory_space<vmem>> -> memref<1x128xi32, #tpu.memory_space<vmem>>
    %dma_wait3A_158 = tpu.memref_squeeze %dma_wait3A_157 : memref<1x128xi32, #tpu.memory_space<vmem>> -> memref<128xi32, #tpu.memory_space<vmem>>
    %dma_wait3A_159 = arith.constant 0 : i32
    %dma_wait3A_160 = tpu.memref_slice %arg3[%dma_wait3A_159] : memref<327680xi32, #tpu.memory_space<hbm>> -> memref<128xi32, #tpu.memory_space<hbm>>
    %dma_wait3A_161 = arith.constant 0 : i32
    %dma_wait3A_162 = tpu.memref_slice %arg6[%dma_wait3A_155, %dma_wait3A_161] : memref<4x128xi32, #tpu.memory_space<vmem>> -> memref<1x128xi32, #tpu.memory_space<vmem>>
    %dma_wait3A_163 = tpu.memref_squeeze %dma_wait3A_162 : memref<1x128xi32, #tpu.memory_space<vmem>> -> memref<128xi32, #tpu.memory_space<vmem>>
    %dma_wait3A_164 = arith.constant 0 : i32
    %dma_wait3A_165 = tpu.memref_slice %arg3[%dma_wait3A_164] : memref<327680xi32, #tpu.memory_space<hbm>> -> memref<128xi32, #tpu.memory_space<hbm>>
    tpu.wait_dma2 semaphore(%arg12 : memref<!tpu.dma_semaphore, #tpu.memory_space<semaphore_mem>>) src(%dma_wait3A_165 : memref<128xi32, #tpu.memory_space<hbm>>) dst(%dma_wait3A_163 : memref<128xi32, #tpu.memory_space<vmem>>)
    %dma_wait3A_166 = arith.constant 0 : i32
    %dma_wait3A_167 = arith.constant 1 : i32
    %dma_wait3A_168 = arith.constant 0 : i32
    %dma_wait3A_169 = arith.constant 0 : i32
    %dma_wait3A_170 = tpu.memref_slice %arg8[%dma_wait3A_167, %dma_wait3A_168, %dma_wait3A_169] : memref<2x128x128xf32, #tpu.memory_space<vmem>> -> memref<1x128x128xf32, #tpu.memory_space<vmem>>
    %dma_wait3A_171 = tpu.memref_squeeze %dma_wait3A_170 : memref<1x128x128xf32, #tpu.memory_space<vmem>> -> memref<128x128xf32, #tpu.memory_space<vmem>>
    %dma_wait3A_172 = arith.constant 0 : i32
    %dma_wait3A_173 = tpu.memref_slice %arg6[%dma_wait3A_166, %dma_wait3A_172] : memref<4x128xi32, #tpu.memory_space<vmem>> -> memref<1x128xi32, #tpu.memory_space<vmem>>
    %dma_wait3A_174 = tpu.memref_squeeze %dma_wait3A_173 : memref<1x128xi32, #tpu.memory_space<vmem>> -> memref<128xi32, #tpu.memory_space<vmem>>
    %dma_wait3A_175 = arith.constant 0 : i32
    %dma_wait3A_176 = arith.constant 0 : i32
    %dma_wait3A_177 = tpu.memref_slice %arg2[%dma_wait3A_175, %dma_wait3A_176] : memref<10000x128xf32, #tpu.memory_space<hbm>> -> memref<10000x128xf32, #tpu.memory_space<hbm>>
    tpu.wait_indirect_dma semaphore(%arg15 : memref<!tpu.dma_semaphore, #tpu.memory_space<semaphore_mem>>) src(%dma_wait3A_177 : memref<10000x128xf32, #tpu.memory_space<hbm>>) dst(%dma_wait3A_171 : memref<128x128xf32, #tpu.memory_space<vmem>>)
    %dma_start3A_178 = arith.constant 1 : i32
    %dma_start3A_179 = arith.constant 1 : i32
    %dma_start3A_180 = arith.constant 0 : i32
    %dma_start3A_181 = arith.constant 0 : i32
    %dma_start3A_182 = tpu.memref_slice %arg8[%dma_start3A_178, %dma_start3A_180, %dma_start3A_181] : memref<2x128x128xf32, #tpu.memory_space<vmem>> -> memref<1x128x128xf32, #tpu.memory_space<vmem>>
    %dma_start3A_183 = tpu.memref_squeeze %dma_start3A_182 : memref<1x128x128xf32, #tpu.memory_space<vmem>> -> memref<128x128xf32, #tpu.memory_space<vmem>>
    %dma_start3A_184 = arith.constant 0 : i32
    %dma_start3A_185 = tpu.memref_slice %arg7[%dma_start3A_179, %dma_start3A_184] : memref<80x128xi32, #tpu.memory_space<vmem>> -> memref<1x128xi32, #tpu.memory_space<vmem>>
    %dma_start3A_186 = tpu.memref_squeeze %dma_start3A_185 : memref<1x128xi32, #tpu.memory_space<vmem>> -> memref<128xi32, #tpu.memory_space<vmem>>
    %dma_start3A_187 = arith.constant 0 : i32
    %dma_start3A_188 = arith.constant 0 : i32
    %dma_start3A_189 = tpu.memref_slice %arg9[%dma_start3A_187, %dma_start3A_188] : memref<10240x128xf32, #tpu.memory_space<vmem_shared>> -> memref<10240x128xf32, #tpu.memory_space<vmem_shared>>
    tpu.enqueue_indirect_dma source(%dma_start3A_183 : memref<128x128xf32, #tpu.memory_space<vmem>>) target(%dma_start3A_189 : memref<10240x128xf32, #tpu.memory_space<vmem_shared>>) offsets(%dma_start3A_186 : memref<128xi32, #tpu.memory_space<vmem>>) semaphore(%arg17 : memref<!tpu.dma_semaphore, #tpu.memory_space<semaphore_mem>>) {add = true}
    %dma_start3A_190 = arith.constant 2 : i32
    %dma_start3A_191 = arith.constant 0 : i32
    %dma_start3A_192 = arith.constant 0 : i32
    %dma_start3A_193 = arith.constant 0 : i32
    %dma_start3A_194 = tpu.memref_slice %arg8[%dma_start3A_191, %dma_start3A_192, %dma_start3A_193] : memref<2x128x128xf32, #tpu.memory_space<vmem>> -> memref<1x128x128xf32, #tpu.memory_space<vmem>>
    %dma_start3A_195 = tpu.memref_squeeze %dma_start3A_194 : memref<1x128x128xf32, #tpu.memory_space<vmem>> -> memref<128x128xf32, #tpu.memory_space<vmem>>
    %dma_start3A_196 = arith.constant 0 : i32
    %dma_start3A_197 = tpu.memref_slice %arg6[%dma_start3A_190, %dma_start3A_196] : memref<4x128xi32, #tpu.memory_space<vmem>> -> memref<1x128xi32, #tpu.memory_space<vmem>>
    %dma_start3A_198 = tpu.memref_squeeze %dma_start3A_197 : memref<1x128xi32, #tpu.memory_space<vmem>> -> memref<128xi32, #tpu.memory_space<vmem>>
    %dma_start3A_199 = arith.constant 0 : i32
    %dma_start3A_200 = arith.constant 0 : i32
    %dma_start3A_201 = tpu.memref_slice %arg2[%dma_start3A_199, %dma_start3A_200] : memref<10000x128xf32, #tpu.memory_space<hbm>> -> memref<10000x128xf32, #tpu.memory_space<hbm>>
    tpu.enqueue_indirect_dma source(%dma_start3A_201 : memref<10000x128xf32, #tpu.memory_space<hbm>>) target(%dma_start3A_195 : memref<128x128xf32, #tpu.memory_space<vmem>>) offsets(%dma_start3A_198 : memref<128xi32, #tpu.memory_space<vmem>>) semaphore(%arg14 : memref<!tpu.dma_semaphore, #tpu.memory_space<semaphore_mem>>)
    %add3A_202 = arith.constant 512 : i32
    %add3A_203 = arith.addi %mul3A_4, %add3A_202 : i32
    %dma_start3A_204 = arith.constant 0 : i32
    %dma_start3A_205 = arith.constant 0 : i32
    %dma_start3A_206 = tpu.memref_slice %arg6[%dma_start3A_204, %dma_start3A_205] : memref<4x128xi32, #tpu.memory_space<vmem>> -> memref<1x128xi32, #tpu.memory_space<vmem>>
    %dma_start3A_207 = tpu.memref_squeeze %dma_start3A_206 : memref<1x128xi32, #tpu.memory_space<vmem>> -> memref<128xi32, #tpu.memory_space<vmem>>
    %dma_start3A_208 = tpu.memref_slice %arg3[%add3A_203] : memref<327680xi32, #tpu.memory_space<hbm>> -> memref<128xi32, #tpu.memory_space<hbm>>
    %dma_start3A_209 = arith.constant 0 : i32
    %dma_start3A_210 = tpu.memref_slice %arg6[%dma_start3A_204, %dma_start3A_209] : memref<4x128xi32, #tpu.memory_space<vmem>> -> memref<1x128xi32, #tpu.memory_space<vmem>>
    %dma_start3A_211 = tpu.memref_squeeze %dma_start3A_210 : memref<1x128xi32, #tpu.memory_space<vmem>> -> memref<128xi32, #tpu.memory_space<vmem>>
    %dma_start3A_212 = tpu.memref_slice %arg3[%add3A_203] : memref<327680xi32, #tpu.memory_space<hbm>> -> memref<128xi32, #tpu.memory_space<hbm>>
    tpu.enqueue_dma source(%dma_start3A_212 : memref<128xi32, #tpu.memory_space<hbm>>) target(%dma_start3A_211 : memref<128xi32, #tpu.memory_space<vmem>>) target_semaphore(%arg10 : memref<!tpu.dma_semaphore, #tpu.memory_space<semaphore_mem>>)
    %dma_wait3A_213 = arith.constant 1 : i32
    %dma_wait3A_214 = arith.constant 0 : i32
    %dma_wait3A_215 = arith.constant 0 : i32
    %dma_wait3A_216 = arith.constant 0 : i32
    %dma_wait3A_217 = tpu.memref_slice %arg8[%dma_wait3A_213, %dma_wait3A_215, %dma_wait3A_216] : memref<2x128x128xf32, #tpu.memory_space<vmem>> -> memref<1x128x128xf32, #tpu.memory_space<vmem>>
    %dma_wait3A_218 = tpu.memref_squeeze %dma_wait3A_217 : memref<1x128x128xf32, #tpu.memory_space<vmem>> -> memref<128x128xf32, #tpu.memory_space<vmem>>
    %dma_wait3A_219 = arith.constant 0 : i32
    %dma_wait3A_220 = tpu.memref_slice %arg7[%dma_wait3A_214, %dma_wait3A_219] : memref<80x128xi32, #tpu.memory_space<vmem>> -> memref<1x128xi32, #tpu.memory_space<vmem>>
    %dma_wait3A_221 = tpu.memref_squeeze %dma_wait3A_220 : memref<1x128xi32, #tpu.memory_space<vmem>> -> memref<128xi32, #tpu.memory_space<vmem>>
    %dma_wait3A_222 = arith.constant 0 : i32
    %dma_wait3A_223 = arith.constant 0 : i32
    %dma_wait3A_224 = tpu.memref_slice %arg9[%dma_wait3A_222, %dma_wait3A_223] : memref<10240x128xf32, #tpu.memory_space<vmem_shared>> -> memref<10240x128xf32, #tpu.memory_space<vmem_shared>>
    tpu.wait_indirect_dma semaphore(%arg17 : memref<!tpu.dma_semaphore, #tpu.memory_space<semaphore_mem>>) src(%dma_wait3A_218 : memref<128x128xf32, #tpu.memory_space<vmem>>) dst(%dma_wait3A_224 : memref<10240x128xf32, #tpu.memory_space<vmem_shared>>)
    %dma_wait3A_225 = arith.constant 3 : i32
    %dma_wait3A_226 = arith.constant 0 : i32
    %dma_wait3A_227 = tpu.memref_slice %arg6[%dma_wait3A_225, %dma_wait3A_226] : memref<4x128xi32, #tpu.memory_space<vmem>> -> memref<1x128xi32, #tpu.memory_space<vmem>>
    %dma_wait3A_228 = tpu.memref_squeeze %dma_wait3A_227 : memref<1x128xi32, #tpu.memory_space<vmem>> -> memref<128xi32, #tpu.memory_space<vmem>>
    %dma_wait3A_229 = arith.constant 0 : i32
    %dma_wait3A_230 = tpu.memref_slice %arg3[%dma_wait3A_229] : memref<327680xi32, #tpu.memory_space<hbm>> -> memref<128xi32, #tpu.memory_space<hbm>>
    %dma_wait3A_231 = arith.constant 0 : i32
    %dma_wait3A_232 = tpu.memref_slice %arg6[%dma_wait3A_225, %dma_wait3A_231] : memref<4x128xi32, #tpu.memory_space<vmem>> -> memref<1x128xi32, #tpu.memory_space<vmem>>
    %dma_wait3A_233 = tpu.memref_squeeze %dma_wait3A_232 : memref<1x128xi32, #tpu.memory_space<vmem>> -> memref<128xi32, #tpu.memory_space<vmem>>
    %dma_wait3A_234 = arith.constant 0 : i32
    %dma_wait3A_235 = tpu.memref_slice %arg3[%dma_wait3A_234] : memref<327680xi32, #tpu.memory_space<hbm>> -> memref<128xi32, #tpu.memory_space<hbm>>
    tpu.wait_dma2 semaphore(%arg13 : memref<!tpu.dma_semaphore, #tpu.memory_space<semaphore_mem>>) src(%dma_wait3A_235 : memref<128xi32, #tpu.memory_space<hbm>>) dst(%dma_wait3A_233 : memref<128xi32, #tpu.memory_space<vmem>>)
    %dma_wait3A_236 = arith.constant 0 : i32
    %dma_wait3A_237 = arith.constant 0 : i32
    %dma_wait3A_238 = arith.constant 0 : i32
    %dma_wait3A_239 = arith.constant 0 : i32
    %dma_wait3A_240 = tpu.memref_slice %arg8[%dma_wait3A_237, %dma_wait3A_238, %dma_wait3A_239] : memref<2x128x128xf32, #tpu.memory_space<vmem>> -> memref<1x128x128xf32, #tpu.memory_space<vmem>>
    %dma_wait3A_241 = tpu.memref_squeeze %dma_wait3A_240 : memref<1x128x128xf32, #tpu.memory_space<vmem>> -> memref<128x128xf32, #tpu.memory_space<vmem>>
    %dma_wait3A_242 = arith.constant 0 : i32
    %dma_wait3A_243 = tpu.memref_slice %arg6[%dma_wait3A_236, %dma_wait3A_242] : memref<4x128xi32, #tpu.memory_space<vmem>> -> memref<1x128xi32, #tpu.memory_space<vmem>>
    %dma_wait3A_244 = tpu.memref_squeeze %dma_wait3A_243 : memref<1x128xi32, #tpu.memory_space<vmem>> -> memref<128xi32, #tpu.memory_space<vmem>>
    %dma_wait3A_245 = arith.constant 0 : i32
    %dma_wait3A_246 = arith.constant 0 : i32
    %dma_wait3A_247 = tpu.memref_slice %arg2[%dma_wait3A_245, %dma_wait3A_246] : memref<10000x128xf32, #tpu.memory_space<hbm>> -> memref<10000x128xf32, #tpu.memory_space<hbm>>
    tpu.wait_indirect_dma semaphore(%arg14 : memref<!tpu.dma_semaphore, #tpu.memory_space<semaphore_mem>>) src(%dma_wait3A_247 : memref<10000x128xf32, #tpu.memory_space<hbm>>) dst(%dma_wait3A_241 : memref<128x128xf32, #tpu.memory_space<vmem>>)
    %dma_start3A_248 = arith.constant 0 : i32
    %dma_start3A_249 = arith.constant 2 : i32
    %dma_start3A_250 = arith.constant 0 : i32
    %dma_start3A_251 = arith.constant 0 : i32
    %dma_start3A_252 = tpu.memref_slice %arg8[%dma_start3A_248, %dma_start3A_250, %dma_start3A_251] : memref<2x128x128xf32, #tpu.memory_space<vmem>> -> memref<1x128x128xf32, #tpu.memory_space<vmem>>
    %dma_start3A_253 = tpu.memref_squeeze %dma_start3A_252 : memref<1x128x128xf32, #tpu.memory_space<vmem>> -> memref<128x128xf32, #tpu.memory_space<vmem>>
    %dma_start3A_254 = arith.constant 0 : i32
    %dma_start3A_255 = tpu.memref_slice %arg7[%dma_start3A_249, %dma_start3A_254] : memref<80x128xi32, #tpu.memory_space<vmem>> -> memref<1x128xi32, #tpu.memory_space<vmem>>
    %dma_start3A_256 = tpu.memref_squeeze %dma_start3A_255 : memref<1x128xi32, #tpu.memory_space<vmem>> -> memref<128xi32, #tpu.memory_space<vmem>>
    %dma_start3A_257 = arith.constant 0 : i32
    %dma_start3A_258 = arith.constant 0 : i32
    %dma_start3A_259 = tpu.memref_slice %arg9[%dma_start3A_257, %dma_start3A_258] : memref<10240x128xf32, #tpu.memory_space<vmem_shared>> -> memref<10240x128xf32, #tpu.memory_space<vmem_shared>>
    tpu.enqueue_indirect_dma source(%dma_start3A_253 : memref<128x128xf32, #tpu.memory_space<vmem>>) target(%dma_start3A_259 : memref<10240x128xf32, #tpu.memory_space<vmem_shared>>) offsets(%dma_start3A_256 : memref<128xi32, #tpu.memory_space<vmem>>) semaphore(%arg16 : memref<!tpu.dma_semaphore, #tpu.memory_space<semaphore_mem>>) {add = true}
    %dma_start3A_260 = arith.constant 3 : i32
    %dma_start3A_261 = arith.constant 1 : i32
    %dma_start3A_262 = arith.constant 0 : i32
    %dma_start3A_263 = arith.constant 0 : i32
    %dma_start3A_264 = tpu.memref_slice %arg8[%dma_start3A_261, %dma_start3A_262, %dma_start3A_263] : memref<2x128x128xf32, #tpu.memory_space<vmem>> -> memref<1x128x128xf32, #tpu.memory_space<vmem>>
    %dma_start3A_265 = tpu.memref_squeeze %dma_start3A_264 : memref<1x128x128xf32, #tpu.memory_space<vmem>> -> memref<128x128xf32, #tpu.memory_space<vmem>>
    %dma_start3A_266 = arith.constant 0 : i32
    %dma_start3A_267 = tpu.memref_slice %arg6[%dma_start3A_260, %dma_start3A_266] : memref<4x128xi32, #tpu.memory_space<vmem>> -> memref<1x128xi32, #tpu.memory_space<vmem>>
    %dma_start3A_268 = tpu.memref_squeeze %dma_start3A_267 : memref<1x128xi32, #tpu.memory_space<vmem>> -> memref<128xi32, #tpu.memory_space<vmem>>
    %dma_start3A_269 = arith.constant 0 : i32
    %dma_start3A_270 = arith.constant 0 : i32
    %dma_start3A_271 = tpu.memref_slice %arg2[%dma_start3A_269, %dma_start3A_270] : memref<10000x128xf32, #tpu.memory_space<hbm>> -> memref<10000x128xf32, #tpu.memory_space<hbm>>
    tpu.enqueue_indirect_dma source(%dma_start3A_271 : memref<10000x128xf32, #tpu.memory_space<hbm>>) target(%dma_start3A_265 : memref<128x128xf32, #tpu.memory_space<vmem>>) offsets(%dma_start3A_268 : memref<128xi32, #tpu.memory_space<vmem>>) semaphore(%arg15 : memref<!tpu.dma_semaphore, #tpu.memory_space<semaphore_mem>>)
    %add3A_272 = arith.constant 640 : i32
    %add3A_273 = arith.addi %mul3A_4, %add3A_272 : i32
    %dma_start3A_274 = arith.constant 1 : i32
    %dma_start3A_275 = arith.constant 0 : i32
    %dma_start3A_276 = tpu.memref_slice %arg6[%dma_start3A_274, %dma_start3A_275] : memref<4x128xi32, #tpu.memory_space<vmem>> -> memref<1x128xi32, #tpu.memory_space<vmem>>
    %dma_start3A_277 = tpu.memref_squeeze %dma_start3A_276 : memref<1x128xi32, #tpu.memory_space<vmem>> -> memref<128xi32, #tpu.memory_space<vmem>>
    %dma_start3A_278 = tpu.memref_slice %arg3[%add3A_273] : memref<327680xi32, #tpu.memory_space<hbm>> -> memref<128xi32, #tpu.memory_space<hbm>>
    %dma_start3A_279 = arith.constant 0 : i32
    %dma_start3A_280 = tpu.memref_slice %arg6[%dma_start3A_274, %dma_start3A_279] : memref<4x128xi32, #tpu.memory_space<vmem>> -> memref<1x128xi32, #tpu.memory_space<vmem>>
    %dma_start3A_281 = tpu.memref_squeeze %dma_start3A_280 : memref<1x128xi32, #tpu.memory_space<vmem>> -> memref<128xi32, #tpu.memory_space<vmem>>
    %dma_start3A_282 = tpu.memref_slice %arg3[%add3A_273] : memref<327680xi32, #tpu.memory_space<hbm>> -> memref<128xi32, #tpu.memory_space<hbm>>
    tpu.enqueue_dma source(%dma_start3A_282 : memref<128xi32, #tpu.memory_space<hbm>>) target(%dma_start3A_281 : memref<128xi32, #tpu.memory_space<vmem>>) target_semaphore(%arg11 : memref<!tpu.dma_semaphore, #tpu.memory_space<semaphore_mem>>)
    %scan3A_283 = arith.constant 0 : i32
    %scan3A_284 = arith.constant 18 : i32
    %scan3A_285 = arith.addi %scan3A_283, %scan3A_284 : i32
    %scan3A_286 = arith.constant 1 : i32
    scf.for %scan3A_605 = %scan3A_283 to %scan3A_285 step %scan3A_286  : i32 {
      %mul3A_606 = arith.constant 4 : i32
      %mul3A_607 = arith.muli %scan3A_605, %mul3A_606 : i32
      %add3A_608 = arith.constant 4 : i32
      %add3A_609 = arith.addi %add3A_608, %mul3A_607 : i32
      %add3A_610 = arith.constant 0 : i32
      %add3A_611 = arith.addi %add3A_609, %add3A_610 : i32
      %dma_wait3A_612 = arith.constant 0 : i32
      %dma_wait3A_613 = arith.constant 0 : i32
      %dma_wait3A_614 = arith.constant 0 : i32
      %dma_wait3A_615 = arith.constant 0 : i32
      %dma_wait3A_616 = tpu.memref_slice %arg8[%dma_wait3A_612, %dma_wait3A_614, %dma_wait3A_615] : memref<2x128x128xf32, #tpu.memory_space<vmem>> -> memref<1x128x128xf32, #tpu.memory_space<vmem>>
      %dma_wait3A_617 = tpu.memref_squeeze %dma_wait3A_616 : memref<1x128x128xf32, #tpu.memory_space<vmem>> -> memref<128x128xf32, #tpu.memory_space<vmem>>
      %dma_wait3A_618 = arith.constant 0 : i32
      %dma_wait3A_619 = tpu.memref_slice %arg7[%dma_wait3A_613, %dma_wait3A_618] : memref<80x128xi32, #tpu.memory_space<vmem>> -> memref<1x128xi32, #tpu.memory_space<vmem>>
      %dma_wait3A_620 = tpu.memref_squeeze %dma_wait3A_619 : memref<1x128xi32, #tpu.memory_space<vmem>> -> memref<128xi32, #tpu.memory_space<vmem>>
      %dma_wait3A_621 = arith.constant 0 : i32
      %dma_wait3A_622 = arith.constant 0 : i32
      %dma_wait3A_623 = tpu.memref_slice %arg9[%dma_wait3A_621, %dma_wait3A_622] : memref<10240x128xf32, #tpu.memory_space<vmem_shared>> -> memref<10240x128xf32, #tpu.memory_space<vmem_shared>>
      tpu.wait_indirect_dma semaphore(%arg16 : memref<!tpu.dma_semaphore, #tpu.memory_space<semaphore_mem>>) src(%dma_wait3A_617 : memref<128x128xf32, #tpu.memory_space<vmem>>) dst(%dma_wait3A_623 : memref<10240x128xf32, #tpu.memory_space<vmem_shared>>)
      %dma_wait3A_624 = arith.constant 0 : i32
      %dma_wait3A_625 = arith.constant 0 : i32
      %dma_wait3A_626 = tpu.memref_slice %arg6[%dma_wait3A_624, %dma_wait3A_625] : memref<4x128xi32, #tpu.memory_space<vmem>> -> memref<1x128xi32, #tpu.memory_space<vmem>>
      %dma_wait3A_627 = tpu.memref_squeeze %dma_wait3A_626 : memref<1x128xi32, #tpu.memory_space<vmem>> -> memref<128xi32, #tpu.memory_space<vmem>>
      %dma_wait3A_628 = arith.constant 0 : i32
      %dma_wait3A_629 = tpu.memref_slice %arg3[%dma_wait3A_628] : memref<327680xi32, #tpu.memory_space<hbm>> -> memref<128xi32, #tpu.memory_space<hbm>>
      %dma_wait3A_630 = arith.constant 0 : i32
      %dma_wait3A_631 = tpu.memref_slice %arg6[%dma_wait3A_624, %dma_wait3A_630] : memref<4x128xi32, #tpu.memory_space<vmem>> -> memref<1x128xi32, #tpu.memory_space<vmem>>
      %dma_wait3A_632 = tpu.memref_squeeze %dma_wait3A_631 : memref<1x128xi32, #tpu.memory_space<vmem>> -> memref<128xi32, #tpu.memory_space<vmem>>
      %dma_wait3A_633 = arith.constant 0 : i32
      %dma_wait3A_634 = tpu.memref_slice %arg3[%dma_wait3A_633] : memref<327680xi32, #tpu.memory_space<hbm>> -> memref<128xi32, #tpu.memory_space<hbm>>
      tpu.wait_dma2 semaphore(%arg10 : memref<!tpu.dma_semaphore, #tpu.memory_space<semaphore_mem>>) src(%dma_wait3A_634 : memref<128xi32, #tpu.memory_space<hbm>>) dst(%dma_wait3A_632 : memref<128xi32, #tpu.memory_space<vmem>>)
      %dma_wait3A_635 = arith.constant 0 : i32
      %dma_wait3A_636 = arith.constant 1 : i32
      %dma_wait3A_637 = arith.constant 0 : i32
      %dma_wait3A_638 = arith.constant 0 : i32
      %dma_wait3A_639 = tpu.memref_slice %arg8[%dma_wait3A_636, %dma_wait3A_637, %dma_wait3A_638] : memref<2x128x128xf32, #tpu.memory_space<vmem>> -> memref<1x128x128xf32, #tpu.memory_space<vmem>>
      %dma_wait3A_640 = tpu.memref_squeeze %dma_wait3A_639 : memref<1x128x128xf32, #tpu.memory_space<vmem>> -> memref<128x128xf32, #tpu.memory_space<vmem>>
      %dma_wait3A_641 = arith.constant 0 : i32
      %dma_wait3A_642 = tpu.memref_slice %arg6[%dma_wait3A_635, %dma_wait3A_641] : memref<4x128xi32, #tpu.memory_space<vmem>> -> memref<1x128xi32, #tpu.memory_space<vmem>>
      %dma_wait3A_643 = tpu.memref_squeeze %dma_wait3A_642 : memref<1x128xi32, #tpu.memory_space<vmem>> -> memref<128xi32, #tpu.memory_space<vmem>>
      %dma_wait3A_644 = arith.constant 0 : i32
      %dma_wait3A_645 = arith.constant 0 : i32
      %dma_wait3A_646 = tpu.memref_slice %arg2[%dma_wait3A_644, %dma_wait3A_645] : memref<10000x128xf32, #tpu.memory_space<hbm>> -> memref<10000x128xf32, #tpu.memory_space<hbm>>
      tpu.wait_indirect_dma semaphore(%arg15 : memref<!tpu.dma_semaphore, #tpu.memory_space<semaphore_mem>>) src(%dma_wait3A_646 : memref<10000x128xf32, #tpu.memory_space<hbm>>) dst(%dma_wait3A_640 : memref<128x128xf32, #tpu.memory_space<vmem>>)
      %sub3A = arith.constant 1 : i32
      %sub3A_647 = arith.subi %add3A_611, %sub3A : i32
      %dma_start3A_648 = arith.constant 1 : i32
      %dma_start3A_649 = arith.constant 0 : i32
      %dma_start3A_650 = arith.constant 0 : i32
      %dma_start3A_651 = tpu.memref_slice %arg8[%dma_start3A_648, %dma_start3A_649, %dma_start3A_650] : memref<2x128x128xf32, #tpu.memory_space<vmem>> -> memref<1x128x128xf32, #tpu.memory_space<vmem>>
      %dma_start3A_652 = tpu.memref_squeeze %dma_start3A_651 : memref<1x128x128xf32, #tpu.memory_space<vmem>> -> memref<128x128xf32, #tpu.memory_space<vmem>>
      %dma_start3A_653 = arith.constant 0 : i32
      %dma_start3A_654 = tpu.memref_slice %arg7[%sub3A_647, %dma_start3A_653] : memref<80x128xi32, #tpu.memory_space<vmem>> -> memref<1x128xi32, #tpu.memory_space<vmem>>
      %dma_start3A_655 = tpu.memref_squeeze %dma_start3A_654 : memref<1x128xi32, #tpu.memory_space<vmem>> -> memref<128xi32, #tpu.memory_space<vmem>>
      %dma_start3A_656 = arith.constant 0 : i32
      %dma_start3A_657 = arith.constant 0 : i32
      %dma_start3A_658 = tpu.memref_slice %arg9[%dma_start3A_656, %dma_start3A_657] : memref<10240x128xf32, #tpu.memory_space<vmem_shared>> -> memref<10240x128xf32, #tpu.memory_space<vmem_shared>>
      tpu.enqueue_indirect_dma source(%dma_start3A_652 : memref<128x128xf32, #tpu.memory_space<vmem>>) target(%dma_start3A_658 : memref<10240x128xf32, #tpu.memory_space<vmem_shared>>) offsets(%dma_start3A_655 : memref<128xi32, #tpu.memory_space<vmem>>) semaphore(%arg17 : memref<!tpu.dma_semaphore, #tpu.memory_space<semaphore_mem>>) {add = true}
      %dma_start3A_659 = arith.constant 0 : i32
      %dma_start3A_660 = arith.constant 0 : i32
      %dma_start3A_661 = arith.constant 0 : i32
      %dma_start3A_662 = arith.constant 0 : i32
      %dma_start3A_663 = tpu.memref_slice %arg8[%dma_start3A_660, %dma_start3A_661, %dma_start3A_662] : memref<2x128x128xf32, #tpu.memory_space<vmem>> -> memref<1x128x128xf32, #tpu.memory_space<vmem>>
      %dma_start3A_664 = tpu.memref_squeeze %dma_start3A_663 : memref<1x128x128xf32, #tpu.memory_space<vmem>> -> memref<128x128xf32, #tpu.memory_space<vmem>>
      %dma_start3A_665 = arith.constant 0 : i32
      %dma_start3A_666 = tpu.memref_slice %arg6[%dma_start3A_659, %dma_start3A_665] : memref<4x128xi32, #tpu.memory_space<vmem>> -> memref<1x128xi32, #tpu.memory_space<vmem>>
      %dma_start3A_667 = tpu.memref_squeeze %dma_start3A_666 : memref<1x128xi32, #tpu.memory_space<vmem>> -> memref<128xi32, #tpu.memory_space<vmem>>
      %dma_start3A_668 = arith.constant 0 : i32
      %dma_start3A_669 = arith.constant 0 : i32
      %dma_start3A_670 = tpu.memref_slice %arg2[%dma_start3A_668, %dma_start3A_669] : memref<10000x128xf32, #tpu.memory_space<hbm>> -> memref<10000x128xf32, #tpu.memory_space<hbm>>
      tpu.enqueue_indirect_dma source(%dma_start3A_670 : memref<10000x128xf32, #tpu.memory_space<hbm>>) target(%dma_start3A_664 : memref<128x128xf32, #tpu.memory_space<vmem>>) offsets(%dma_start3A_667 : memref<128xi32, #tpu.memory_space<vmem>>) semaphore(%arg14 : memref<!tpu.dma_semaphore, #tpu.memory_space<semaphore_mem>>)
      %add3A_671 = arith.constant 2 : i32
      %add3A_672 = arith.addi %add3A_611, %add3A_671 : i32
      %mul3A_673 = arith.constant 128 : i32
      %mul3A_674 = arith.muli %add3A_672, %mul3A_673 : i32
      %add3A_675 = arith.addi %mul3A_4, %mul3A_674 : i32
      %dma_start3A_676 = arith.constant 2 : i32
      %dma_start3A_677 = arith.constant 0 : i32
      %dma_start3A_678 = tpu.memref_slice %arg6[%dma_start3A_676, %dma_start3A_677] : memref<4x128xi32, #tpu.memory_space<vmem>> -> memref<1x128xi32, #tpu.memory_space<vmem>>
      %dma_start3A_679 = tpu.memref_squeeze %dma_start3A_678 : memref<1x128xi32, #tpu.memory_space<vmem>> -> memref<128xi32, #tpu.memory_space<vmem>>
      %dma_start3A_680 = tpu.memref_slice %arg3[%add3A_675] : memref<327680xi32, #tpu.memory_space<hbm>> -> memref<128xi32, #tpu.memory_space<hbm>>
      %dma_start3A_681 = arith.constant 0 : i32
      %dma_start3A_682 = tpu.memref_slice %arg6[%dma_start3A_676, %dma_start3A_681] : memref<4x128xi32, #tpu.memory_space<vmem>> -> memref<1x128xi32, #tpu.memory_space<vmem>>
      %dma_start3A_683 = tpu.memref_squeeze %dma_start3A_682 : memref<1x128xi32, #tpu.memory_space<vmem>> -> memref<128xi32, #tpu.memory_space<vmem>>
      %dma_start3A_684 = tpu.memref_slice %arg3[%add3A_675] : memref<327680xi32, #tpu.memory_space<hbm>> -> memref<128xi32, #tpu.memory_space<hbm>>
      tpu.enqueue_dma source(%dma_start3A_684 : memref<128xi32, #tpu.memory_space<hbm>>) target(%dma_start3A_683 : memref<128xi32, #tpu.memory_space<vmem>>) target_semaphore(%arg12 : memref<!tpu.dma_semaphore, #tpu.memory_space<semaphore_mem>>)
      %add3A_685 = arith.constant 1 : i32
      %add3A_686 = arith.addi %add3A_609, %add3A_685 : i32
      %dma_wait3A_687 = arith.constant 1 : i32
      %dma_wait3A_688 = arith.constant 0 : i32
      %dma_wait3A_689 = arith.constant 0 : i32
      %dma_wait3A_690 = arith.constant 0 : i32
      %dma_wait3A_691 = tpu.memref_slice %arg8[%dma_wait3A_687, %dma_wait3A_689, %dma_wait3A_690] : memref<2x128x128xf32, #tpu.memory_space<vmem>> -> memref<1x128x128xf32, #tpu.memory_space<vmem>>
      %dma_wait3A_692 = tpu.memref_squeeze %dma_wait3A_691 : memref<1x128x128xf32, #tpu.memory_space<vmem>> -> memref<128x128xf32, #tpu.memory_space<vmem>>
      %dma_wait3A_693 = arith.constant 0 : i32
      %dma_wait3A_694 = tpu.memref_slice %arg7[%dma_wait3A_688, %dma_wait3A_693] : memref<80x128xi32, #tpu.memory_space<vmem>> -> memref<1x128xi32, #tpu.memory_space<vmem>>
      %dma_wait3A_695 = tpu.memref_squeeze %dma_wait3A_694 : memref<1x128xi32, #tpu.memory_space<vmem>> -> memref<128xi32, #tpu.memory_space<vmem>>
      %dma_wait3A_696 = arith.constant 0 : i32
      %dma_wait3A_697 = arith.constant 0 : i32
      %dma_wait3A_698 = tpu.memref_slice %arg9[%dma_wait3A_696, %dma_wait3A_697] : memref<10240x128xf32, #tpu.memory_space<vmem_shared>> -> memref<10240x128xf32, #tpu.memory_space<vmem_shared>>
      tpu.wait_indirect_dma semaphore(%arg17 : memref<!tpu.dma_semaphore, #tpu.memory_space<semaphore_mem>>) src(%dma_wait3A_692 : memref<128x128xf32, #tpu.memory_space<vmem>>) dst(%dma_wait3A_698 : memref<10240x128xf32, #tpu.memory_space<vmem_shared>>)
      %dma_wait3A_699 = arith.constant 1 : i32
      %dma_wait3A_700 = arith.constant 0 : i32
      %dma_wait3A_701 = tpu.memref_slice %arg6[%dma_wait3A_699, %dma_wait3A_700] : memref<4x128xi32, #tpu.memory_space<vmem>> -> memref<1x128xi32, #tpu.memory_space<vmem>>
      %dma_wait3A_702 = tpu.memref_squeeze %dma_wait3A_701 : memref<1x128xi32, #tpu.memory_space<vmem>> -> memref<128xi32, #tpu.memory_space<vmem>>
      %dma_wait3A_703 = arith.constant 0 : i32
      %dma_wait3A_704 = tpu.memref_slice %arg3[%dma_wait3A_703] : memref<327680xi32, #tpu.memory_space<hbm>> -> memref<128xi32, #tpu.memory_space<hbm>>
      %dma_wait3A_705 = arith.constant 0 : i32
      %dma_wait3A_706 = tpu.memref_slice %arg6[%dma_wait3A_699, %dma_wait3A_705] : memref<4x128xi32, #tpu.memory_space<vmem>> -> memref<1x128xi32, #tpu.memory_space<vmem>>
      %dma_wait3A_707 = tpu.memref_squeeze %dma_wait3A_706 : memref<1x128xi32, #tpu.memory_space<vmem>> -> memref<128xi32, #tpu.memory_space<vmem>>
      %dma_wait3A_708 = arith.constant 0 : i32
      %dma_wait3A_709 = tpu.memref_slice %arg3[%dma_wait3A_708] : memref<327680xi32, #tpu.memory_space<hbm>> -> memref<128xi32, #tpu.memory_space<hbm>>
      tpu.wait_dma2 semaphore(%arg11 : memref<!tpu.dma_semaphore, #tpu.memory_space<semaphore_mem>>) src(%dma_wait3A_709 : memref<128xi32, #tpu.memory_space<hbm>>) dst(%dma_wait3A_707 : memref<128xi32, #tpu.memory_space<vmem>>)
      %dma_wait3A_710 = arith.constant 0 : i32
      %dma_wait3A_711 = arith.constant 0 : i32
      %dma_wait3A_712 = arith.constant 0 : i32
      %dma_wait3A_713 = arith.constant 0 : i32
      %dma_wait3A_714 = tpu.memref_slice %arg8[%dma_wait3A_711, %dma_wait3A_712, %dma_wait3A_713] : memref<2x128x128xf32, #tpu.memory_space<vmem>> -> memref<1x128x128xf32, #tpu.memory_space<vmem>>
      %dma_wait3A_715 = tpu.memref_squeeze %dma_wait3A_714 : memref<1x128x128xf32, #tpu.memory_space<vmem>> -> memref<128x128xf32, #tpu.memory_space<vmem>>
      %dma_wait3A_716 = arith.constant 0 : i32
      %dma_wait3A_717 = tpu.memref_slice %arg6[%dma_wait3A_710, %dma_wait3A_716] : memref<4x128xi32, #tpu.memory_space<vmem>> -> memref<1x128xi32, #tpu.memory_space<vmem>>
      %dma_wait3A_718 = tpu.memref_squeeze %dma_wait3A_717 : memref<1x128xi32, #tpu.memory_space<vmem>> -> memref<128xi32, #tpu.memory_space<vmem>>
      %dma_wait3A_719 = arith.constant 0 : i32
      %dma_wait3A_720 = arith.constant 0 : i32
      %dma_wait3A_721 = tpu.memref_slice %arg2[%dma_wait3A_719, %dma_wait3A_720] : memref<10000x128xf32, #tpu.memory_space<hbm>> -> memref<10000x128xf32, #tpu.memory_space<hbm>>
      tpu.wait_indirect_dma semaphore(%arg14 : memref<!tpu.dma_semaphore, #tpu.memory_space<semaphore_mem>>) src(%dma_wait3A_721 : memref<10000x128xf32, #tpu.memory_space<hbm>>) dst(%dma_wait3A_715 : memref<128x128xf32, #tpu.memory_space<vmem>>)
      %sub3A_722 = arith.constant 1 : i32
      %sub3A_723 = arith.subi %add3A_686, %sub3A_722 : i32
      %dma_start3A_724 = arith.constant 0 : i32
      %dma_start3A_725 = arith.constant 0 : i32
      %dma_start3A_726 = arith.constant 0 : i32
      %dma_start3A_727 = tpu.memref_slice %arg8[%dma_start3A_724, %dma_start3A_725, %dma_start3A_726] : memref<2x128x128xf32, #tpu.memory_space<vmem>> -> memref<1x128x128xf32, #tpu.memory_space<vmem>>
      %dma_start3A_728 = tpu.memref_squeeze %dma_start3A_727 : memref<1x128x128xf32, #tpu.memory_space<vmem>> -> memref<128x128xf32, #tpu.memory_space<vmem>>
      %dma_start3A_729 = arith.constant 0 : i32
      %dma_start3A_730 = tpu.memref_slice %arg7[%sub3A_723, %dma_start3A_729] : memref<80x128xi32, #tpu.memory_space<vmem>> -> memref<1x128xi32, #tpu.memory_space<vmem>>
      %dma_start3A_731 = tpu.memref_squeeze %dma_start3A_730 : memref<1x128xi32, #tpu.memory_space<vmem>> -> memref<128xi32, #tpu.memory_space<vmem>>
      %dma_start3A_732 = arith.constant 0 : i32
      %dma_start3A_733 = arith.constant 0 : i32
      %dma_start3A_734 = tpu.memref_slice %arg9[%dma_start3A_732, %dma_start3A_733] : memref<10240x128xf32, #tpu.memory_space<vmem_shared>> -> memref<10240x128xf32, #tpu.memory_space<vmem_shared>>
      tpu.enqueue_indirect_dma source(%dma_start3A_728 : memref<128x128xf32, #tpu.memory_space<vmem>>) target(%dma_start3A_734 : memref<10240x128xf32, #tpu.memory_space<vmem_shared>>) offsets(%dma_start3A_731 : memref<128xi32, #tpu.memory_space<vmem>>) semaphore(%arg16 : memref<!tpu.dma_semaphore, #tpu.memory_space<semaphore_mem>>) {add = true}
      %dma_start3A_735 = arith.constant 1 : i32
      %dma_start3A_736 = arith.constant 1 : i32
      %dma_start3A_737 = arith.constant 0 : i32
      %dma_start3A_738 = arith.constant 0 : i32
      %dma_start3A_739 = tpu.memref_slice %arg8[%dma_start3A_736, %dma_start3A_737, %dma_start3A_738] : memref<2x128x128xf32, #tpu.memory_space<vmem>> -> memref<1x128x128xf32, #tpu.memory_space<vmem>>
      %dma_start3A_740 = tpu.memref_squeeze %dma_start3A_739 : memref<1x128x128xf32, #tpu.memory_space<vmem>> -> memref<128x128xf32, #tpu.memory_space<vmem>>
      %dma_start3A_741 = arith.constant 0 : i32
      %dma_start3A_742 = tpu.memref_slice %arg6[%dma_start3A_735, %dma_start3A_741] : memref<4x128xi32, #tpu.memory_space<vmem>> -> memref<1x128xi32, #tpu.memory_space<vmem>>
      %dma_start3A_743 = tpu.memref_squeeze %dma_start3A_742 : memref<1x128xi32, #tpu.memory_space<vmem>> -> memref<128xi32, #tpu.memory_space<vmem>>
      %dma_start3A_744 = arith.constant 0 : i32
      %dma_start3A_745 = arith.constant 0 : i32
      %dma_start3A_746 = tpu.memref_slice %arg2[%dma_start3A_744, %dma_start3A_745] : memref<10000x128xf32, #tpu.memory_space<hbm>> -> memref<10000x128xf32, #tpu.memory_space<hbm>>
      tpu.enqueue_indirect_dma source(%dma_start3A_746 : memref<10000x128xf32, #tpu.memory_space<hbm>>) target(%dma_start3A_740 : memref<128x128xf32, #tpu.memory_space<vmem>>) offsets(%dma_start3A_743 : memref<128xi32, #tpu.memory_space<vmem>>) semaphore(%arg15 : memref<!tpu.dma_semaphore, #tpu.memory_space<semaphore_mem>>)
      %add3A_747 = arith.constant 2 : i32
      %add3A_748 = arith.addi %add3A_686, %add3A_747 : i32
      %mul3A_749 = arith.constant 128 : i32
      %mul3A_750 = arith.muli %add3A_748, %mul3A_749 : i32
      %add3A_751 = arith.addi %mul3A_4, %mul3A_750 : i32
      %dma_start3A_752 = arith.constant 3 : i32
      %dma_start3A_753 = arith.constant 0 : i32
      %dma_start3A_754 = tpu.memref_slice %arg6[%dma_start3A_752, %dma_start3A_753] : memref<4x128xi32, #tpu.memory_space<vmem>> -> memref<1x128xi32, #tpu.memory_space<vmem>>
      %dma_start3A_755 = tpu.memref_squeeze %dma_start3A_754 : memref<1x128xi32, #tpu.memory_space<vmem>> -> memref<128xi32, #tpu.memory_space<vmem>>
      %dma_start3A_756 = tpu.memref_slice %arg3[%add3A_751] : memref<327680xi32, #tpu.memory_space<hbm>> -> memref<128xi32, #tpu.memory_space<hbm>>
      %dma_start3A_757 = arith.constant 0 : i32
      %dma_start3A_758 = tpu.memref_slice %arg6[%dma_start3A_752, %dma_start3A_757] : memref<4x128xi32, #tpu.memory_space<vmem>> -> memref<1x128xi32, #tpu.memory_space<vmem>>
      %dma_start3A_759 = tpu.memref_squeeze %dma_start3A_758 : memref<1x128xi32, #tpu.memory_space<vmem>> -> memref<128xi32, #tpu.memory_space<vmem>>
      %dma_start3A_760 = tpu.memref_slice %arg3[%add3A_751] : memref<327680xi32, #tpu.memory_space<hbm>> -> memref<128xi32, #tpu.memory_space<hbm>>
      tpu.enqueue_dma source(%dma_start3A_760 : memref<128xi32, #tpu.memory_space<hbm>>) target(%dma_start3A_759 : memref<128xi32, #tpu.memory_space<vmem>>) target_semaphore(%arg13 : memref<!tpu.dma_semaphore, #tpu.memory_space<semaphore_mem>>)
      %add3A_761 = arith.constant 2 : i32
      %add3A_762 = arith.addi %add3A_609, %add3A_761 : i32
      %dma_wait3A_763 = arith.constant 0 : i32
      %dma_wait3A_764 = arith.constant 0 : i32
      %dma_wait3A_765 = arith.constant 0 : i32
      %dma_wait3A_766 = arith.constant 0 : i32
      %dma_wait3A_767 = tpu.memref_slice %arg8[%dma_wait3A_763, %dma_wait3A_765, %dma_wait3A_766] : memref<2x128x128xf32, #tpu.memory_space<vmem>> -> memref<1x128x128xf32, #tpu.memory_space<vmem>>
      %dma_wait3A_768 = tpu.memref_squeeze %dma_wait3A_767 : memref<1x128x128xf32, #tpu.memory_space<vmem>> -> memref<128x128xf32, #tpu.memory_space<vmem>>
      %dma_wait3A_769 = arith.constant 0 : i32
      %dma_wait3A_770 = tpu.memref_slice %arg7[%dma_wait3A_764, %dma_wait3A_769] : memref<80x128xi32, #tpu.memory_space<vmem>> -> memref<1x128xi32, #tpu.memory_space<vmem>>
      %dma_wait3A_771 = tpu.memref_squeeze %dma_wait3A_770 : memref<1x128xi32, #tpu.memory_space<vmem>> -> memref<128xi32, #tpu.memory_space<vmem>>
      %dma_wait3A_772 = arith.constant 0 : i32
      %dma_wait3A_773 = arith.constant 0 : i32
      %dma_wait3A_774 = tpu.memref_slice %arg9[%dma_wait3A_772, %dma_wait3A_773] : memref<10240x128xf32, #tpu.memory_space<vmem_shared>> -> memref<10240x128xf32, #tpu.memory_space<vmem_shared>>
      tpu.wait_indirect_dma semaphore(%arg16 : memref<!tpu.dma_semaphore, #tpu.memory_space<semaphore_mem>>) src(%dma_wait3A_768 : memref<128x128xf32, #tpu.memory_space<vmem>>) dst(%dma_wait3A_774 : memref<10240x128xf32, #tpu.memory_space<vmem_shared>>)
      %dma_wait3A_775 = arith.constant 2 : i32
      %dma_wait3A_776 = arith.constant 0 : i32
      %dma_wait3A_777 = tpu.memref_slice %arg6[%dma_wait3A_775, %dma_wait3A_776] : memref<4x128xi32, #tpu.memory_space<vmem>> -> memref<1x128xi32, #tpu.memory_space<vmem>>
      %dma_wait3A_778 = tpu.memref_squeeze %dma_wait3A_777 : memref<1x128xi32, #tpu.memory_space<vmem>> -> memref<128xi32, #tpu.memory_space<vmem>>
      %dma_wait3A_779 = arith.constant 0 : i32
      %dma_wait3A_780 = tpu.memref_slice %arg3[%dma_wait3A_779] : memref<327680xi32, #tpu.memory_space<hbm>> -> memref<128xi32, #tpu.memory_space<hbm>>
      %dma_wait3A_781 = arith.constant 0 : i32
      %dma_wait3A_782 = tpu.memref_slice %arg6[%dma_wait3A_775, %dma_wait3A_781] : memref<4x128xi32, #tpu.memory_space<vmem>> -> memref<1x128xi32, #tpu.memory_space<vmem>>
      %dma_wait3A_783 = tpu.memref_squeeze %dma_wait3A_782 : memref<1x128xi32, #tpu.memory_space<vmem>> -> memref<128xi32, #tpu.memory_space<vmem>>
      %dma_wait3A_784 = arith.constant 0 : i32
      %dma_wait3A_785 = tpu.memref_slice %arg3[%dma_wait3A_784] : memref<327680xi32, #tpu.memory_space<hbm>> -> memref<128xi32, #tpu.memory_space<hbm>>
      tpu.wait_dma2 semaphore(%arg12 : memref<!tpu.dma_semaphore, #tpu.memory_space<semaphore_mem>>) src(%dma_wait3A_785 : memref<128xi32, #tpu.memory_space<hbm>>) dst(%dma_wait3A_783 : memref<128xi32, #tpu.memory_space<vmem>>)
      %dma_wait3A_786 = arith.constant 0 : i32
      %dma_wait3A_787 = arith.constant 1 : i32
      %dma_wait3A_788 = arith.constant 0 : i32
      %dma_wait3A_789 = arith.constant 0 : i32
      %dma_wait3A_790 = tpu.memref_slice %arg8[%dma_wait3A_787, %dma_wait3A_788, %dma_wait3A_789] : memref<2x128x128xf32, #tpu.memory_space<vmem>> -> memref<1x128x128xf32, #tpu.memory_space<vmem>>
      %dma_wait3A_791 = tpu.memref_squeeze %dma_wait3A_790 : memref<1x128x128xf32, #tpu.memory_space<vmem>> -> memref<128x128xf32, #tpu.memory_space<vmem>>
      %dma_wait3A_792 = arith.constant 0 : i32
      %dma_wait3A_793 = tpu.memref_slice %arg6[%dma_wait3A_786, %dma_wait3A_792] : memref<4x128xi32, #tpu.memory_space<vmem>> -> memref<1x128xi32, #tpu.memory_space<vmem>>
      %dma_wait3A_794 = tpu.memref_squeeze %dma_wait3A_793 : memref<1x128xi32, #tpu.memory_space<vmem>> -> memref<128xi32, #tpu.memory_space<vmem>>
      %dma_wait3A_795 = arith.constant 0 : i32
      %dma_wait3A_796 = arith.constant 0 : i32
      %dma_wait3A_797 = tpu.memref_slice %arg2[%dma_wait3A_795, %dma_wait3A_796] : memref<10000x128xf32, #tpu.memory_space<hbm>> -> memref<10000x128xf32, #tpu.memory_space<hbm>>
      tpu.wait_indirect_dma semaphore(%arg15 : memref<!tpu.dma_semaphore, #tpu.memory_space<semaphore_mem>>) src(%dma_wait3A_797 : memref<10000x128xf32, #tpu.memory_space<hbm>>) dst(%dma_wait3A_791 : memref<128x128xf32, #tpu.memory_space<vmem>>)
      %sub3A_798 = arith.constant 1 : i32
      %sub3A_799 = arith.subi %add3A_762, %sub3A_798 : i32
      %dma_start3A_800 = arith.constant 1 : i32
      %dma_start3A_801 = arith.constant 0 : i32
      %dma_start3A_802 = arith.constant 0 : i32
      %dma_start3A_803 = tpu.memref_slice %arg8[%dma_start3A_800, %dma_start3A_801, %dma_start3A_802] : memref<2x128x128xf32, #tpu.memory_space<vmem>> -> memref<1x128x128xf32, #tpu.memory_space<vmem>>
      %dma_start3A_804 = tpu.memref_squeeze %dma_start3A_803 : memref<1x128x128xf32, #tpu.memory_space<vmem>> -> memref<128x128xf32, #tpu.memory_space<vmem>>
      %dma_start3A_805 = arith.constant 0 : i32
      %dma_start3A_806 = tpu.memref_slice %arg7[%sub3A_799, %dma_start3A_805] : memref<80x128xi32, #tpu.memory_space<vmem>> -> memref<1x128xi32, #tpu.memory_space<vmem>>
      %dma_start3A_807 = tpu.memref_squeeze %dma_start3A_806 : memref<1x128xi32, #tpu.memory_space<vmem>> -> memref<128xi32, #tpu.memory_space<vmem>>
      %dma_start3A_808 = arith.constant 0 : i32
      %dma_start3A_809 = arith.constant 0 : i32
      %dma_start3A_810 = tpu.memref_slice %arg9[%dma_start3A_808, %dma_start3A_809] : memref<10240x128xf32, #tpu.memory_space<vmem_shared>> -> memref<10240x128xf32, #tpu.memory_space<vmem_shared>>
      tpu.enqueue_indirect_dma source(%dma_start3A_804 : memref<128x128xf32, #tpu.memory_space<vmem>>) target(%dma_start3A_810 : memref<10240x128xf32, #tpu.memory_space<vmem_shared>>) offsets(%dma_start3A_807 : memref<128xi32, #tpu.memory_space<vmem>>) semaphore(%arg17 : memref<!tpu.dma_semaphore, #tpu.memory_space<semaphore_mem>>) {add = true}
      %dma_start3A_811 = arith.constant 2 : i32
      %dma_start3A_812 = arith.constant 0 : i32
      %dma_start3A_813 = arith.constant 0 : i32
      %dma_start3A_814 = arith.constant 0 : i32
      %dma_start3A_815 = tpu.memref_slice %arg8[%dma_start3A_812, %dma_start3A_813, %dma_start3A_814] : memref<2x128x128xf32, #tpu.memory_space<vmem>> -> memref<1x128x128xf32, #tpu.memory_space<vmem>>
      %dma_start3A_816 = tpu.memref_squeeze %dma_start3A_815 : memref<1x128x128xf32, #tpu.memory_space<vmem>> -> memref<128x128xf32, #tpu.memory_space<vmem>>
      %dma_start3A_817 = arith.constant 0 : i32
      %dma_start3A_818 = tpu.memref_slice %arg6[%dma_start3A_811, %dma_start3A_817] : memref<4x128xi32, #tpu.memory_space<vmem>> -> memref<1x128xi32, #tpu.memory_space<vmem>>
      %dma_start3A_819 = tpu.memref_squeeze %dma_start3A_818 : memref<1x128xi32, #tpu.memory_space<vmem>> -> memref<128xi32, #tpu.memory_space<vmem>>
      %dma_start3A_820 = arith.constant 0 : i32
      %dma_start3A_821 = arith.constant 0 : i32
      %dma_start3A_822 = tpu.memref_slice %arg2[%dma_start3A_820, %dma_start3A_821] : memref<10000x128xf32, #tpu.memory_space<hbm>> -> memref<10000x128xf32, #tpu.memory_space<hbm>>
      tpu.enqueue_indirect_dma source(%dma_start3A_822 : memref<10000x128xf32, #tpu.memory_space<hbm>>) target(%dma_start3A_816 : memref<128x128xf32, #tpu.memory_space<vmem>>) offsets(%dma_start3A_819 : memref<128xi32, #tpu.memory_space<vmem>>) semaphore(%arg14 : memref<!tpu.dma_semaphore, #tpu.memory_space<semaphore_mem>>)
      %add3A_823 = arith.constant 2 : i32
      %add3A_824 = arith.addi %add3A_762, %add3A_823 : i32
      %mul3A_825 = arith.constant 128 : i32
      %mul3A_826 = arith.muli %add3A_824, %mul3A_825 : i32
      %add3A_827 = arith.addi %mul3A_4, %mul3A_826 : i32
      %dma_start3A_828 = arith.constant 0 : i32
      %dma_start3A_829 = arith.constant 0 : i32
      %dma_start3A_830 = tpu.memref_slice %arg6[%dma_start3A_828, %dma_start3A_829] : memref<4x128xi32, #tpu.memory_space<vmem>> -> memref<1x128xi32, #tpu.memory_space<vmem>>
      %dma_start3A_831 = tpu.memref_squeeze %dma_start3A_830 : memref<1x128xi32, #tpu.memory_space<vmem>> -> memref<128xi32, #tpu.memory_space<vmem>>
      %dma_start3A_832 = tpu.memref_slice %arg3[%add3A_827] : memref<327680xi32, #tpu.memory_space<hbm>> -> memref<128xi32, #tpu.memory_space<hbm>>
      %dma_start3A_833 = arith.constant 0 : i32
      %dma_start3A_834 = tpu.memref_slice %arg6[%dma_start3A_828, %dma_start3A_833] : memref<4x128xi32, #tpu.memory_space<vmem>> -> memref<1x128xi32, #tpu.memory_space<vmem>>
      %dma_start3A_835 = tpu.memref_squeeze %dma_start3A_834 : memref<1x128xi32, #tpu.memory_space<vmem>> -> memref<128xi32, #tpu.memory_space<vmem>>
      %dma_start3A_836 = tpu.memref_slice %arg3[%add3A_827] : memref<327680xi32, #tpu.memory_space<hbm>> -> memref<128xi32, #tpu.memory_space<hbm>>
      tpu.enqueue_dma source(%dma_start3A_836 : memref<128xi32, #tpu.memory_space<hbm>>) target(%dma_start3A_835 : memref<128xi32, #tpu.memory_space<vmem>>) target_semaphore(%arg10 : memref<!tpu.dma_semaphore, #tpu.memory_space<semaphore_mem>>)
      %add3A_837 = arith.constant 3 : i32
      %add3A_838 = arith.addi %add3A_609, %add3A_837 : i32
      %dma_wait3A_839 = arith.constant 1 : i32
      %dma_wait3A_840 = arith.constant 0 : i32
      %dma_wait3A_841 = arith.constant 0 : i32
      %dma_wait3A_842 = arith.constant 0 : i32
      %dma_wait3A_843 = tpu.memref_slice %arg8[%dma_wait3A_839, %dma_wait3A_841, %dma_wait3A_842] : memref<2x128x128xf32, #tpu.memory_space<vmem>> -> memref<1x128x128xf32, #tpu.memory_space<vmem>>
      %dma_wait3A_844 = tpu.memref_squeeze %dma_wait3A_843 : memref<1x128x128xf32, #tpu.memory_space<vmem>> -> memref<128x128xf32, #tpu.memory_space<vmem>>
      %dma_wait3A_845 = arith.constant 0 : i32
      %dma_wait3A_846 = tpu.memref_slice %arg7[%dma_wait3A_840, %dma_wait3A_845] : memref<80x128xi32, #tpu.memory_space<vmem>> -> memref<1x128xi32, #tpu.memory_space<vmem>>
      %dma_wait3A_847 = tpu.memref_squeeze %dma_wait3A_846 : memref<1x128xi32, #tpu.memory_space<vmem>> -> memref<128xi32, #tpu.memory_space<vmem>>
      %dma_wait3A_848 = arith.constant 0 : i32
      %dma_wait3A_849 = arith.constant 0 : i32
      %dma_wait3A_850 = tpu.memref_slice %arg9[%dma_wait3A_848, %dma_wait3A_849] : memref<10240x128xf32, #tpu.memory_space<vmem_shared>> -> memref<10240x128xf32, #tpu.memory_space<vmem_shared>>
      tpu.wait_indirect_dma semaphore(%arg17 : memref<!tpu.dma_semaphore, #tpu.memory_space<semaphore_mem>>) src(%dma_wait3A_844 : memref<128x128xf32, #tpu.memory_space<vmem>>) dst(%dma_wait3A_850 : memref<10240x128xf32, #tpu.memory_space<vmem_shared>>)
      %dma_wait3A_851 = arith.constant 3 : i32
      %dma_wait3A_852 = arith.constant 0 : i32
      %dma_wait3A_853 = tpu.memref_slice %arg6[%dma_wait3A_851, %dma_wait3A_852] : memref<4x128xi32, #tpu.memory_space<vmem>> -> memref<1x128xi32, #tpu.memory_space<vmem>>
      %dma_wait3A_854 = tpu.memref_squeeze %dma_wait3A_853 : memref<1x128xi32, #tpu.memory_space<vmem>> -> memref<128xi32, #tpu.memory_space<vmem>>
      %dma_wait3A_855 = arith.constant 0 : i32
      %dma_wait3A_856 = tpu.memref_slice %arg3[%dma_wait3A_855] : memref<327680xi32, #tpu.memory_space<hbm>> -> memref<128xi32, #tpu.memory_space<hbm>>
      %dma_wait3A_857 = arith.constant 0 : i32
      %dma_wait3A_858 = tpu.memref_slice %arg6[%dma_wait3A_851, %dma_wait3A_857] : memref<4x128xi32, #tpu.memory_space<vmem>> -> memref<1x128xi32, #tpu.memory_space<vmem>>
      %dma_wait3A_859 = tpu.memref_squeeze %dma_wait3A_858 : memref<1x128xi32, #tpu.memory_space<vmem>> -> memref<128xi32, #tpu.memory_space<vmem>>
      %dma_wait3A_860 = arith.constant 0 : i32
      %dma_wait3A_861 = tpu.memref_slice %arg3[%dma_wait3A_860] : memref<327680xi32, #tpu.memory_space<hbm>> -> memref<128xi32, #tpu.memory_space<hbm>>
      tpu.wait_dma2 semaphore(%arg13 : memref<!tpu.dma_semaphore, #tpu.memory_space<semaphore_mem>>) src(%dma_wait3A_861 : memref<128xi32, #tpu.memory_space<hbm>>) dst(%dma_wait3A_859 : memref<128xi32, #tpu.memory_space<vmem>>)
      %dma_wait3A_862 = arith.constant 0 : i32
      %dma_wait3A_863 = arith.constant 0 : i32
      %dma_wait3A_864 = arith.constant 0 : i32
      %dma_wait3A_865 = arith.constant 0 : i32
      %dma_wait3A_866 = tpu.memref_slice %arg8[%dma_wait3A_863, %dma_wait3A_864, %dma_wait3A_865] : memref<2x128x128xf32, #tpu.memory_space<vmem>> -> memref<1x128x128xf32, #tpu.memory_space<vmem>>
      %dma_wait3A_867 = tpu.memref_squeeze %dma_wait3A_866 : memref<1x128x128xf32, #tpu.memory_space<vmem>> -> memref<128x128xf32, #tpu.memory_space<vmem>>
      %dma_wait3A_868 = arith.constant 0 : i32
      %dma_wait3A_869 = tpu.memref_slice %arg6[%dma_wait3A_862, %dma_wait3A_868] : memref<4x128xi32, #tpu.memory_space<vmem>> -> memref<1x128xi32, #tpu.memory_space<vmem>>
      %dma_wait3A_870 = tpu.memref_squeeze %dma_wait3A_869 : memref<1x128xi32, #tpu.memory_space<vmem>> -> memref<128xi32, #tpu.memory_space<vmem>>
      %dma_wait3A_871 = arith.constant 0 : i32
      %dma_wait3A_872 = arith.constant 0 : i32
      %dma_wait3A_873 = tpu.memref_slice %arg2[%dma_wait3A_871, %dma_wait3A_872] : memref<10000x128xf32, #tpu.memory_space<hbm>> -> memref<10000x128xf32, #tpu.memory_space<hbm>>
      tpu.wait_indirect_dma semaphore(%arg14 : memref<!tpu.dma_semaphore, #tpu.memory_space<semaphore_mem>>) src(%dma_wait3A_873 : memref<10000x128xf32, #tpu.memory_space<hbm>>) dst(%dma_wait3A_867 : memref<128x128xf32, #tpu.memory_space<vmem>>)
      %sub3A_874 = arith.constant 1 : i32
      %sub3A_875 = arith.subi %add3A_838, %sub3A_874 : i32
      %dma_start3A_876 = arith.constant 0 : i32
      %dma_start3A_877 = arith.constant 0 : i32
      %dma_start3A_878 = arith.constant 0 : i32
      %dma_start3A_879 = tpu.memref_slice %arg8[%dma_start3A_876, %dma_start3A_877, %dma_start3A_878] : memref<2x128x128xf32, #tpu.memory_space<vmem>> -> memref<1x128x128xf32, #tpu.memory_space<vmem>>
      %dma_start3A_880 = tpu.memref_squeeze %dma_start3A_879 : memref<1x128x128xf32, #tpu.memory_space<vmem>> -> memref<128x128xf32, #tpu.memory_space<vmem>>
      %dma_start3A_881 = arith.constant 0 : i32
      %dma_start3A_882 = tpu.memref_slice %arg7[%sub3A_875, %dma_start3A_881] : memref<80x128xi32, #tpu.memory_space<vmem>> -> memref<1x128xi32, #tpu.memory_space<vmem>>
      %dma_start3A_883 = tpu.memref_squeeze %dma_start3A_882 : memref<1x128xi32, #tpu.memory_space<vmem>> -> memref<128xi32, #tpu.memory_space<vmem>>
      %dma_start3A_884 = arith.constant 0 : i32
      %dma_start3A_885 = arith.constant 0 : i32
      %dma_start3A_886 = tpu.memref_slice %arg9[%dma_start3A_884, %dma_start3A_885] : memref<10240x128xf32, #tpu.memory_space<vmem_shared>> -> memref<10240x128xf32, #tpu.memory_space<vmem_shared>>
      tpu.enqueue_indirect_dma source(%dma_start3A_880 : memref<128x128xf32, #tpu.memory_space<vmem>>) target(%dma_start3A_886 : memref<10240x128xf32, #tpu.memory_space<vmem_shared>>) offsets(%dma_start3A_883 : memref<128xi32, #tpu.memory_space<vmem>>) semaphore(%arg16 : memref<!tpu.dma_semaphore, #tpu.memory_space<semaphore_mem>>) {add = true}
      %dma_start3A_887 = arith.constant 3 : i32
      %dma_start3A_888 = arith.constant 1 : i32
      %dma_start3A_889 = arith.constant 0 : i32
      %dma_start3A_890 = arith.constant 0 : i32
      %dma_start3A_891 = tpu.memref_slice %arg8[%dma_start3A_888, %dma_start3A_889, %dma_start3A_890] : memref<2x128x128xf32, #tpu.memory_space<vmem>> -> memref<1x128x128xf32, #tpu.memory_space<vmem>>
      %dma_start3A_892 = tpu.memref_squeeze %dma_start3A_891 : memref<1x128x128xf32, #tpu.memory_space<vmem>> -> memref<128x128xf32, #tpu.memory_space<vmem>>
      %dma_start3A_893 = arith.constant 0 : i32
      %dma_start3A_894 = tpu.memref_slice %arg6[%dma_start3A_887, %dma_start3A_893] : memref<4x128xi32, #tpu.memory_space<vmem>> -> memref<1x128xi32, #tpu.memory_space<vmem>>
      %dma_start3A_895 = tpu.memref_squeeze %dma_start3A_894 : memref<1x128xi32, #tpu.memory_space<vmem>> -> memref<128xi32, #tpu.memory_space<vmem>>
      %dma_start3A_896 = arith.constant 0 : i32
      %dma_start3A_897 = arith.constant 0 : i32
      %dma_start3A_898 = tpu.memref_slice %arg2[%dma_start3A_896, %dma_start3A_897] : memref<10000x128xf32, #tpu.memory_space<hbm>> -> memref<10000x128xf32, #tpu.memory_space<hbm>>
      tpu.enqueue_indirect_dma source(%dma_start3A_898 : memref<10000x128xf32, #tpu.memory_space<hbm>>) target(%dma_start3A_892 : memref<128x128xf32, #tpu.memory_space<vmem>>) offsets(%dma_start3A_895 : memref<128xi32, #tpu.memory_space<vmem>>) semaphore(%arg15 : memref<!tpu.dma_semaphore, #tpu.memory_space<semaphore_mem>>)
      %add3A_899 = arith.constant 2 : i32
      %add3A_900 = arith.addi %add3A_838, %add3A_899 : i32
      %mul3A_901 = arith.constant 128 : i32
      %mul3A_902 = arith.muli %add3A_900, %mul3A_901 : i32
      %add3A_903 = arith.addi %mul3A_4, %mul3A_902 : i32
      %dma_start3A_904 = arith.constant 1 : i32
      %dma_start3A_905 = arith.constant 0 : i32
      %dma_start3A_906 = tpu.memref_slice %arg6[%dma_start3A_904, %dma_start3A_905] : memref<4x128xi32, #tpu.memory_space<vmem>> -> memref<1x128xi32, #tpu.memory_space<vmem>>
      %dma_start3A_907 = tpu.memref_squeeze %dma_start3A_906 : memref<1x128xi32, #tpu.memory_space<vmem>> -> memref<128xi32, #tpu.memory_space<vmem>>
      %dma_start3A_908 = tpu.memref_slice %arg3[%add3A_903] : memref<327680xi32, #tpu.memory_space<hbm>> -> memref<128xi32, #tpu.memory_space<hbm>>
      %dma_start3A_909 = arith.constant 0 : i32
      %dma_start3A_910 = tpu.memref_slice %arg6[%dma_start3A_904, %dma_start3A_909] : memref<4x128xi32, #tpu.memory_space<vmem>> -> memref<1x128xi32, #tpu.memory_space<vmem>>
      %dma_start3A_911 = tpu.memref_squeeze %dma_start3A_910 : memref<1x128xi32, #tpu.memory_space<vmem>> -> memref<128xi32, #tpu.memory_space<vmem>>
      %dma_start3A_912 = tpu.memref_slice %arg3[%add3A_903] : memref<327680xi32, #tpu.memory_space<hbm>> -> memref<128xi32, #tpu.memory_space<hbm>>
      tpu.enqueue_dma source(%dma_start3A_912 : memref<128xi32, #tpu.memory_space<hbm>>) target(%dma_start3A_911 : memref<128xi32, #tpu.memory_space<vmem>>) target_semaphore(%arg11 : memref<!tpu.dma_semaphore, #tpu.memory_space<semaphore_mem>>)
    }
    %scan3A_287 = arith.constant 18 : i32
    %dma_wait3A_288 = arith.constant 0 : i32
    %dma_wait3A_289 = arith.constant 0 : i32
    %dma_wait3A_290 = arith.constant 0 : i32
    %dma_wait3A_291 = arith.constant 0 : i32
    %dma_wait3A_292 = tpu.memref_slice %arg8[%dma_wait3A_288, %dma_wait3A_290, %dma_wait3A_291] : memref<2x128x128xf32, #tpu.memory_space<vmem>> -> memref<1x128x128xf32, #tpu.memory_space<vmem>>
    %dma_wait3A_293 = tpu.memref_squeeze %dma_wait3A_292 : memref<1x128x128xf32, #tpu.memory_space<vmem>> -> memref<128x128xf32, #tpu.memory_space<vmem>>
    %dma_wait3A_294 = arith.constant 0 : i32
    %dma_wait3A_295 = tpu.memref_slice %arg7[%dma_wait3A_289, %dma_wait3A_294] : memref<80x128xi32, #tpu.memory_space<vmem>> -> memref<1x128xi32, #tpu.memory_space<vmem>>
    %dma_wait3A_296 = tpu.memref_squeeze %dma_wait3A_295 : memref<1x128xi32, #tpu.memory_space<vmem>> -> memref<128xi32, #tpu.memory_space<vmem>>
    %dma_wait3A_297 = arith.constant 0 : i32
    %dma_wait3A_298 = arith.constant 0 : i32
    %dma_wait3A_299 = tpu.memref_slice %arg9[%dma_wait3A_297, %dma_wait3A_298] : memref<10240x128xf32, #tpu.memory_space<vmem_shared>> -> memref<10240x128xf32, #tpu.memory_space<vmem_shared>>
    tpu.wait_indirect_dma semaphore(%arg16 : memref<!tpu.dma_semaphore, #tpu.memory_space<semaphore_mem>>) src(%dma_wait3A_293 : memref<128x128xf32, #tpu.memory_space<vmem>>) dst(%dma_wait3A_299 : memref<10240x128xf32, #tpu.memory_space<vmem_shared>>)
    %dma_wait3A_300 = arith.constant 0 : i32
    %dma_wait3A_301 = arith.constant 0 : i32
    %dma_wait3A_302 = tpu.memref_slice %arg6[%dma_wait3A_300, %dma_wait3A_301] : memref<4x128xi32, #tpu.memory_space<vmem>> -> memref<1x128xi32, #tpu.memory_space<vmem>>
    %dma_wait3A_303 = tpu.memref_squeeze %dma_wait3A_302 : memref<1x128xi32, #tpu.memory_space<vmem>> -> memref<128xi32, #tpu.memory_space<vmem>>
    %dma_wait3A_304 = arith.constant 0 : i32
    %dma_wait3A_305 = tpu.memref_slice %arg3[%dma_wait3A_304] : memref<327680xi32, #tpu.memory_space<hbm>> -> memref<128xi32, #tpu.memory_space<hbm>>
    %dma_wait3A_306 = arith.constant 0 : i32
    %dma_wait3A_307 = tpu.memref_slice %arg6[%dma_wait3A_300, %dma_wait3A_306] : memref<4x128xi32, #tpu.memory_space<vmem>> -> memref<1x128xi32, #tpu.memory_space<vmem>>
    %dma_wait3A_308 = tpu.memref_squeeze %dma_wait3A_307 : memref<1x128xi32, #tpu.memory_space<vmem>> -> memref<128xi32, #tpu.memory_space<vmem>>
    %dma_wait3A_309 = arith.constant 0 : i32
    %dma_wait3A_310 = tpu.memref_slice %arg3[%dma_wait3A_309] : memref<327680xi32, #tpu.memory_space<hbm>> -> memref<128xi32, #tpu.memory_space<hbm>>
    tpu.wait_dma2 semaphore(%arg10 : memref<!tpu.dma_semaphore, #tpu.memory_space<semaphore_mem>>) src(%dma_wait3A_310 : memref<128xi32, #tpu.memory_space<hbm>>) dst(%dma_wait3A_308 : memref<128xi32, #tpu.memory_space<vmem>>)
    %dma_wait3A_311 = arith.constant 0 : i32
    %dma_wait3A_312 = arith.constant 1 : i32
    %dma_wait3A_313 = arith.constant 0 : i32
    %dma_wait3A_314 = arith.constant 0 : i32
    %dma_wait3A_315 = tpu.memref_slice %arg8[%dma_wait3A_312, %dma_wait3A_313, %dma_wait3A_314] : memref<2x128x128xf32, #tpu.memory_space<vmem>> -> memref<1x128x128xf32, #tpu.memory_space<vmem>>
    %dma_wait3A_316 = tpu.memref_squeeze %dma_wait3A_315 : memref<1x128x128xf32, #tpu.memory_space<vmem>> -> memref<128x128xf32, #tpu.memory_space<vmem>>
    %dma_wait3A_317 = arith.constant 0 : i32
    %dma_wait3A_318 = tpu.memref_slice %arg6[%dma_wait3A_311, %dma_wait3A_317] : memref<4x128xi32, #tpu.memory_space<vmem>> -> memref<1x128xi32, #tpu.memory_space<vmem>>
    %dma_wait3A_319 = tpu.memref_squeeze %dma_wait3A_318 : memref<1x128xi32, #tpu.memory_space<vmem>> -> memref<128xi32, #tpu.memory_space<vmem>>
    %dma_wait3A_320 = arith.constant 0 : i32
    %dma_wait3A_321 = arith.constant 0 : i32
    %dma_wait3A_322 = tpu.memref_slice %arg2[%dma_wait3A_320, %dma_wait3A_321] : memref<10000x128xf32, #tpu.memory_space<hbm>> -> memref<10000x128xf32, #tpu.memory_space<hbm>>
    tpu.wait_indirect_dma semaphore(%arg15 : memref<!tpu.dma_semaphore, #tpu.memory_space<semaphore_mem>>) src(%dma_wait3A_322 : memref<10000x128xf32, #tpu.memory_space<hbm>>) dst(%dma_wait3A_316 : memref<128x128xf32, #tpu.memory_space<vmem>>)
    %dma_start3A_323 = arith.constant 1 : i32
    %dma_start3A_324 = arith.constant 75 : i32
    %dma_start3A_325 = arith.constant 0 : i32
    %dma_start3A_326 = arith.constant 0 : i32
    %dma_start3A_327 = tpu.memref_slice %arg8[%dma_start3A_323, %dma_start3A_325, %dma_start3A_326] : memref<2x128x128xf32, #tpu.memory_space<vmem>> -> memref<1x128x128xf32, #tpu.memory_space<vmem>>
    %dma_start3A_328 = tpu.memref_squeeze %dma_start3A_327 : memref<1x128x128xf32, #tpu.memory_space<vmem>> -> memref<128x128xf32, #tpu.memory_space<vmem>>
    %dma_start3A_329 = arith.constant 0 : i32
    %dma_start3A_330 = tpu.memref_slice %arg7[%dma_start3A_324, %dma_start3A_329] : memref<80x128xi32, #tpu.memory_space<vmem>> -> memref<1x128xi32, #tpu.memory_space<vmem>>
    %dma_start3A_331 = tpu.memref_squeeze %dma_start3A_330 : memref<1x128xi32, #tpu.memory_space<vmem>> -> memref<128xi32, #tpu.memory_space<vmem>>
    %dma_start3A_332 = arith.constant 0 : i32
    %dma_start3A_333 = arith.constant 0 : i32
    %dma_start3A_334 = tpu.memref_slice %arg9[%dma_start3A_332, %dma_start3A_333] : memref<10240x128xf32, #tpu.memory_space<vmem_shared>> -> memref<10240x128xf32, #tpu.memory_space<vmem_shared>>
    tpu.enqueue_indirect_dma source(%dma_start3A_328 : memref<128x128xf32, #tpu.memory_space<vmem>>) target(%dma_start3A_334 : memref<10240x128xf32, #tpu.memory_space<vmem_shared>>) offsets(%dma_start3A_331 : memref<128xi32, #tpu.memory_space<vmem>>) semaphore(%arg17 : memref<!tpu.dma_semaphore, #tpu.memory_space<semaphore_mem>>) {add = true}
    %dma_start3A_335 = arith.constant 0 : i32
    %dma_start3A_336 = arith.constant 0 : i32
    %dma_start3A_337 = arith.constant 0 : i32
    %dma_start3A_338 = arith.constant 0 : i32
    %dma_start3A_339 = tpu.memref_slice %arg8[%dma_start3A_336, %dma_start3A_337, %dma_start3A_338] : memref<2x128x128xf32, #tpu.memory_space<vmem>> -> memref<1x128x128xf32, #tpu.memory_space<vmem>>
    %dma_start3A_340 = tpu.memref_squeeze %dma_start3A_339 : memref<1x128x128xf32, #tpu.memory_space<vmem>> -> memref<128x128xf32, #tpu.memory_space<vmem>>
    %dma_start3A_341 = arith.constant 0 : i32
    %dma_start3A_342 = tpu.memref_slice %arg6[%dma_start3A_335, %dma_start3A_341] : memref<4x128xi32, #tpu.memory_space<vmem>> -> memref<1x128xi32, #tpu.memory_space<vmem>>
    %dma_start3A_343 = tpu.memref_squeeze %dma_start3A_342 : memref<1x128xi32, #tpu.memory_space<vmem>> -> memref<128xi32, #tpu.memory_space<vmem>>
    %dma_start3A_344 = arith.constant 0 : i32
    %dma_start3A_345 = arith.constant 0 : i32
    %dma_start3A_346 = tpu.memref_slice %arg2[%dma_start3A_344, %dma_start3A_345] : memref<10000x128xf32, #tpu.memory_space<hbm>> -> memref<10000x128xf32, #tpu.memory_space<hbm>>
    tpu.enqueue_indirect_dma source(%dma_start3A_346 : memref<10000x128xf32, #tpu.memory_space<hbm>>) target(%dma_start3A_340 : memref<128x128xf32, #tpu.memory_space<vmem>>) offsets(%dma_start3A_343 : memref<128xi32, #tpu.memory_space<vmem>>) semaphore(%arg14 : memref<!tpu.dma_semaphore, #tpu.memory_space<semaphore_mem>>)
    %add3A_347 = arith.constant 9984 : i32
    %add3A_348 = arith.addi %mul3A_4, %add3A_347 : i32
    %dma_start3A_349 = arith.constant 2 : i32
    %dma_start3A_350 = arith.constant 0 : i32
    %dma_start3A_351 = tpu.memref_slice %arg6[%dma_start3A_349, %dma_start3A_350] : memref<4x128xi32, #tpu.memory_space<vmem>> -> memref<1x128xi32, #tpu.memory_space<vmem>>
    %dma_start3A_352 = tpu.memref_squeeze %dma_start3A_351 : memref<1x128xi32, #tpu.memory_space<vmem>> -> memref<128xi32, #tpu.memory_space<vmem>>
    %dma_start3A_353 = tpu.memref_slice %arg3[%add3A_348] : memref<327680xi32, #tpu.memory_space<hbm>> -> memref<128xi32, #tpu.memory_space<hbm>>
    %dma_start3A_354 = arith.constant 0 : i32
    %dma_start3A_355 = tpu.memref_slice %arg6[%dma_start3A_349, %dma_start3A_354] : memref<4x128xi32, #tpu.memory_space<vmem>> -> memref<1x128xi32, #tpu.memory_space<vmem>>
    %dma_start3A_356 = tpu.memref_squeeze %dma_start3A_355 : memref<1x128xi32, #tpu.memory_space<vmem>> -> memref<128xi32, #tpu.memory_space<vmem>>
    %dma_start3A_357 = tpu.memref_slice %arg3[%add3A_348] : memref<327680xi32, #tpu.memory_space<hbm>> -> memref<128xi32, #tpu.memory_space<hbm>>
    tpu.enqueue_dma source(%dma_start3A_357 : memref<128xi32, #tpu.memory_space<hbm>>) target(%dma_start3A_356 : memref<128xi32, #tpu.memory_space<vmem>>) target_semaphore(%arg12 : memref<!tpu.dma_semaphore, #tpu.memory_space<semaphore_mem>>)
    %dma_wait3A_358 = arith.constant 1 : i32
    %dma_wait3A_359 = arith.constant 0 : i32
    %dma_wait3A_360 = arith.constant 0 : i32
    %dma_wait3A_361 = arith.constant 0 : i32
    %dma_wait3A_362 = tpu.memref_slice %arg8[%dma_wait3A_358, %dma_wait3A_360, %dma_wait3A_361] : memref<2x128x128xf32, #tpu.memory_space<vmem>> -> memref<1x128x128xf32, #tpu.memory_space<vmem>>
    %dma_wait3A_363 = tpu.memref_squeeze %dma_wait3A_362 : memref<1x128x128xf32, #tpu.memory_space<vmem>> -> memref<128x128xf32, #tpu.memory_space<vmem>>
    %dma_wait3A_364 = arith.constant 0 : i32
    %dma_wait3A_365 = tpu.memref_slice %arg7[%dma_wait3A_359, %dma_wait3A_364] : memref<80x128xi32, #tpu.memory_space<vmem>> -> memref<1x128xi32, #tpu.memory_space<vmem>>
    %dma_wait3A_366 = tpu.memref_squeeze %dma_wait3A_365 : memref<1x128xi32, #tpu.memory_space<vmem>> -> memref<128xi32, #tpu.memory_space<vmem>>
    %dma_wait3A_367 = arith.constant 0 : i32
    %dma_wait3A_368 = arith.constant 0 : i32
    %dma_wait3A_369 = tpu.memref_slice %arg9[%dma_wait3A_367, %dma_wait3A_368] : memref<10240x128xf32, #tpu.memory_space<vmem_shared>> -> memref<10240x128xf32, #tpu.memory_space<vmem_shared>>
    tpu.wait_indirect_dma semaphore(%arg17 : memref<!tpu.dma_semaphore, #tpu.memory_space<semaphore_mem>>) src(%dma_wait3A_363 : memref<128x128xf32, #tpu.memory_space<vmem>>) dst(%dma_wait3A_369 : memref<10240x128xf32, #tpu.memory_space<vmem_shared>>)
    %dma_wait3A_370 = arith.constant 1 : i32
    %dma_wait3A_371 = arith.constant 0 : i32
    %dma_wait3A_372 = tpu.memref_slice %arg6[%dma_wait3A_370, %dma_wait3A_371] : memref<4x128xi32, #tpu.memory_space<vmem>> -> memref<1x128xi32, #tpu.memory_space<vmem>>
    %dma_wait3A_373 = tpu.memref_squeeze %dma_wait3A_372 : memref<1x128xi32, #tpu.memory_space<vmem>> -> memref<128xi32, #tpu.memory_space<vmem>>
    %dma_wait3A_374 = arith.constant 0 : i32
    %dma_wait3A_375 = tpu.memref_slice %arg3[%dma_wait3A_374] : memref<327680xi32, #tpu.memory_space<hbm>> -> memref<128xi32, #tpu.memory_space<hbm>>
    %dma_wait3A_376 = arith.constant 0 : i32
    %dma_wait3A_377 = tpu.memref_slice %arg6[%dma_wait3A_370, %dma_wait3A_376] : memref<4x128xi32, #tpu.memory_space<vmem>> -> memref<1x128xi32, #tpu.memory_space<vmem>>
    %dma_wait3A_378 = tpu.memref_squeeze %dma_wait3A_377 : memref<1x128xi32, #tpu.memory_space<vmem>> -> memref<128xi32, #tpu.memory_space<vmem>>
    %dma_wait3A_379 = arith.constant 0 : i32
    %dma_wait3A_380 = tpu.memref_slice %arg3[%dma_wait3A_379] : memref<327680xi32, #tpu.memory_space<hbm>> -> memref<128xi32, #tpu.memory_space<hbm>>
    tpu.wait_dma2 semaphore(%arg11 : memref<!tpu.dma_semaphore, #tpu.memory_space<semaphore_mem>>) src(%dma_wait3A_380 : memref<128xi32, #tpu.memory_space<hbm>>) dst(%dma_wait3A_378 : memref<128xi32, #tpu.memory_space<vmem>>)
    %dma_wait3A_381 = arith.constant 0 : i32
    %dma_wait3A_382 = arith.constant 0 : i32
    %dma_wait3A_383 = arith.constant 0 : i32
    %dma_wait3A_384 = arith.constant 0 : i32
    %dma_wait3A_385 = tpu.memref_slice %arg8[%dma_wait3A_382, %dma_wait3A_383, %dma_wait3A_384] : memref<2x128x128xf32, #tpu.memory_space<vmem>> -> memref<1x128x128xf32, #tpu.memory_space<vmem>>
    %dma_wait3A_386 = tpu.memref_squeeze %dma_wait3A_385 : memref<1x128x128xf32, #tpu.memory_space<vmem>> -> memref<128x128xf32, #tpu.memory_space<vmem>>
    %dma_wait3A_387 = arith.constant 0 : i32
    %dma_wait3A_388 = tpu.memref_slice %arg6[%dma_wait3A_381, %dma_wait3A_387] : memref<4x128xi32, #tpu.memory_space<vmem>> -> memref<1x128xi32, #tpu.memory_space<vmem>>
    %dma_wait3A_389 = tpu.memref_squeeze %dma_wait3A_388 : memref<1x128xi32, #tpu.memory_space<vmem>> -> memref<128xi32, #tpu.memory_space<vmem>>
    %dma_wait3A_390 = arith.constant 0 : i32
    %dma_wait3A_391 = arith.constant 0 : i32
    %dma_wait3A_392 = tpu.memref_slice %arg2[%dma_wait3A_390, %dma_wait3A_391] : memref<10000x128xf32, #tpu.memory_space<hbm>> -> memref<10000x128xf32, #tpu.memory_space<hbm>>
    tpu.wait_indirect_dma semaphore(%arg14 : memref<!tpu.dma_semaphore, #tpu.memory_space<semaphore_mem>>) src(%dma_wait3A_392 : memref<10000x128xf32, #tpu.memory_space<hbm>>) dst(%dma_wait3A_386 : memref<128x128xf32, #tpu.memory_space<vmem>>)
    %dma_start3A_393 = arith.constant 0 : i32
    %dma_start3A_394 = arith.constant 76 : i32
    %dma_start3A_395 = arith.constant 0 : i32
    %dma_start3A_396 = arith.constant 0 : i32
    %dma_start3A_397 = tpu.memref_slice %arg8[%dma_start3A_393, %dma_start3A_395, %dma_start3A_396] : memref<2x128x128xf32, #tpu.memory_space<vmem>> -> memref<1x128x128xf32, #tpu.memory_space<vmem>>
    %dma_start3A_398 = tpu.memref_squeeze %dma_start3A_397 : memref<1x128x128xf32, #tpu.memory_space<vmem>> -> memref<128x128xf32, #tpu.memory_space<vmem>>
    %dma_start3A_399 = arith.constant 0 : i32
    %dma_start3A_400 = tpu.memref_slice %arg7[%dma_start3A_394, %dma_start3A_399] : memref<80x128xi32, #tpu.memory_space<vmem>> -> memref<1x128xi32, #tpu.memory_space<vmem>>
    %dma_start3A_401 = tpu.memref_squeeze %dma_start3A_400 : memref<1x128xi32, #tpu.memory_space<vmem>> -> memref<128xi32, #tpu.memory_space<vmem>>
    %dma_start3A_402 = arith.constant 0 : i32
    %dma_start3A_403 = arith.constant 0 : i32
    %dma_start3A_404 = tpu.memref_slice %arg9[%dma_start3A_402, %dma_start3A_403] : memref<10240x128xf32, #tpu.memory_space<vmem_shared>> -> memref<10240x128xf32, #tpu.memory_space<vmem_shared>>
    tpu.enqueue_indirect_dma source(%dma_start3A_398 : memref<128x128xf32, #tpu.memory_space<vmem>>) target(%dma_start3A_404 : memref<10240x128xf32, #tpu.memory_space<vmem_shared>>) offsets(%dma_start3A_401 : memref<128xi32, #tpu.memory_space<vmem>>) semaphore(%arg16 : memref<!tpu.dma_semaphore, #tpu.memory_space<semaphore_mem>>) {add = true}
    %dma_start3A_405 = arith.constant 1 : i32
    %dma_start3A_406 = arith.constant 1 : i32
    %dma_start3A_407 = arith.constant 0 : i32
    %dma_start3A_408 = arith.constant 0 : i32
    %dma_start3A_409 = tpu.memref_slice %arg8[%dma_start3A_406, %dma_start3A_407, %dma_start3A_408] : memref<2x128x128xf32, #tpu.memory_space<vmem>> -> memref<1x128x128xf32, #tpu.memory_space<vmem>>
    %dma_start3A_410 = tpu.memref_squeeze %dma_start3A_409 : memref<1x128x128xf32, #tpu.memory_space<vmem>> -> memref<128x128xf32, #tpu.memory_space<vmem>>
    %dma_start3A_411 = arith.constant 0 : i32
    %dma_start3A_412 = tpu.memref_slice %arg6[%dma_start3A_405, %dma_start3A_411] : memref<4x128xi32, #tpu.memory_space<vmem>> -> memref<1x128xi32, #tpu.memory_space<vmem>>
    %dma_start3A_413 = tpu.memref_squeeze %dma_start3A_412 : memref<1x128xi32, #tpu.memory_space<vmem>> -> memref<128xi32, #tpu.memory_space<vmem>>
    %dma_start3A_414 = arith.constant 0 : i32
    %dma_start3A_415 = arith.constant 0 : i32
    %dma_start3A_416 = tpu.memref_slice %arg2[%dma_start3A_414, %dma_start3A_415] : memref<10000x128xf32, #tpu.memory_space<hbm>> -> memref<10000x128xf32, #tpu.memory_space<hbm>>
    tpu.enqueue_indirect_dma source(%dma_start3A_416 : memref<10000x128xf32, #tpu.memory_space<hbm>>) target(%dma_start3A_410 : memref<128x128xf32, #tpu.memory_space<vmem>>) offsets(%dma_start3A_413 : memref<128xi32, #tpu.memory_space<vmem>>) semaphore(%arg15 : memref<!tpu.dma_semaphore, #tpu.memory_space<semaphore_mem>>)
    %add3A_417 = arith.constant 10112 : i32
    %add3A_418 = arith.addi %mul3A_4, %add3A_417 : i32
    %dma_start3A_419 = arith.constant 3 : i32
    %dma_start3A_420 = arith.constant 0 : i32
    %dma_start3A_421 = tpu.memref_slice %arg6[%dma_start3A_419, %dma_start3A_420] : memref<4x128xi32, #tpu.memory_space<vmem>> -> memref<1x128xi32, #tpu.memory_space<vmem>>
    %dma_start3A_422 = tpu.memref_squeeze %dma_start3A_421 : memref<1x128xi32, #tpu.memory_space<vmem>> -> memref<128xi32, #tpu.memory_space<vmem>>
    %dma_start3A_423 = tpu.memref_slice %arg3[%add3A_418] : memref<327680xi32, #tpu.memory_space<hbm>> -> memref<128xi32, #tpu.memory_space<hbm>>
    %dma_start3A_424 = arith.constant 0 : i32
    %dma_start3A_425 = tpu.memref_slice %arg6[%dma_start3A_419, %dma_start3A_424] : memref<4x128xi32, #tpu.memory_space<vmem>> -> memref<1x128xi32, #tpu.memory_space<vmem>>
    %dma_start3A_426 = tpu.memref_squeeze %dma_start3A_425 : memref<1x128xi32, #tpu.memory_space<vmem>> -> memref<128xi32, #tpu.memory_space<vmem>>
    %dma_start3A_427 = tpu.memref_slice %arg3[%add3A_418] : memref<327680xi32, #tpu.memory_space<hbm>> -> memref<128xi32, #tpu.memory_space<hbm>>
    tpu.enqueue_dma source(%dma_start3A_427 : memref<128xi32, #tpu.memory_space<hbm>>) target(%dma_start3A_426 : memref<128xi32, #tpu.memory_space<vmem>>) target_semaphore(%arg13 : memref<!tpu.dma_semaphore, #tpu.memory_space<semaphore_mem>>)
    %dma_wait3A_428 = arith.constant 0 : i32
    %dma_wait3A_429 = arith.constant 0 : i32
    %dma_wait3A_430 = arith.constant 0 : i32
    %dma_wait3A_431 = arith.constant 0 : i32
    %dma_wait3A_432 = tpu.memref_slice %arg8[%dma_wait3A_428, %dma_wait3A_430, %dma_wait3A_431] : memref<2x128x128xf32, #tpu.memory_space<vmem>> -> memref<1x128x128xf32, #tpu.memory_space<vmem>>
    %dma_wait3A_433 = tpu.memref_squeeze %dma_wait3A_432 : memref<1x128x128xf32, #tpu.memory_space<vmem>> -> memref<128x128xf32, #tpu.memory_space<vmem>>
    %dma_wait3A_434 = arith.constant 0 : i32
    %dma_wait3A_435 = tpu.memref_slice %arg7[%dma_wait3A_429, %dma_wait3A_434] : memref<80x128xi32, #tpu.memory_space<vmem>> -> memref<1x128xi32, #tpu.memory_space<vmem>>
    %dma_wait3A_436 = tpu.memref_squeeze %dma_wait3A_435 : memref<1x128xi32, #tpu.memory_space<vmem>> -> memref<128xi32, #tpu.memory_space<vmem>>
    %dma_wait3A_437 = arith.constant 0 : i32
    %dma_wait3A_438 = arith.constant 0 : i32
    %dma_wait3A_439 = tpu.memref_slice %arg9[%dma_wait3A_437, %dma_wait3A_438] : memref<10240x128xf32, #tpu.memory_space<vmem_shared>> -> memref<10240x128xf32, #tpu.memory_space<vmem_shared>>
    tpu.wait_indirect_dma semaphore(%arg16 : memref<!tpu.dma_semaphore, #tpu.memory_space<semaphore_mem>>) src(%dma_wait3A_433 : memref<128x128xf32, #tpu.memory_space<vmem>>) dst(%dma_wait3A_439 : memref<10240x128xf32, #tpu.memory_space<vmem_shared>>)
    %dma_wait3A_440 = arith.constant 2 : i32
    %dma_wait3A_441 = arith.constant 0 : i32
    %dma_wait3A_442 = tpu.memref_slice %arg6[%dma_wait3A_440, %dma_wait3A_441] : memref<4x128xi32, #tpu.memory_space<vmem>> -> memref<1x128xi32, #tpu.memory_space<vmem>>
    %dma_wait3A_443 = tpu.memref_squeeze %dma_wait3A_442 : memref<1x128xi32, #tpu.memory_space<vmem>> -> memref<128xi32, #tpu.memory_space<vmem>>
    %dma_wait3A_444 = arith.constant 0 : i32
    %dma_wait3A_445 = tpu.memref_slice %arg3[%dma_wait3A_444] : memref<327680xi32, #tpu.memory_space<hbm>> -> memref<128xi32, #tpu.memory_space<hbm>>
    %dma_wait3A_446 = arith.constant 0 : i32
    %dma_wait3A_447 = tpu.memref_slice %arg6[%dma_wait3A_440, %dma_wait3A_446] : memref<4x128xi32, #tpu.memory_space<vmem>> -> memref<1x128xi32, #tpu.memory_space<vmem>>
    %dma_wait3A_448 = tpu.memref_squeeze %dma_wait3A_447 : memref<1x128xi32, #tpu.memory_space<vmem>> -> memref<128xi32, #tpu.memory_space<vmem>>
    %dma_wait3A_449 = arith.constant 0 : i32
    %dma_wait3A_450 = tpu.memref_slice %arg3[%dma_wait3A_449] : memref<327680xi32, #tpu.memory_space<hbm>> -> memref<128xi32, #tpu.memory_space<hbm>>
    tpu.wait_dma2 semaphore(%arg12 : memref<!tpu.dma_semaphore, #tpu.memory_space<semaphore_mem>>) src(%dma_wait3A_450 : memref<128xi32, #tpu.memory_space<hbm>>) dst(%dma_wait3A_448 : memref<128xi32, #tpu.memory_space<vmem>>)
    %dma_wait3A_451 = arith.constant 0 : i32
    %dma_wait3A_452 = arith.constant 1 : i32
    %dma_wait3A_453 = arith.constant 0 : i32
    %dma_wait3A_454 = arith.constant 0 : i32
    %dma_wait3A_455 = tpu.memref_slice %arg8[%dma_wait3A_452, %dma_wait3A_453, %dma_wait3A_454] : memref<2x128x128xf32, #tpu.memory_space<vmem>> -> memref<1x128x128xf32, #tpu.memory_space<vmem>>
    %dma_wait3A_456 = tpu.memref_squeeze %dma_wait3A_455 : memref<1x128x128xf32, #tpu.memory_space<vmem>> -> memref<128x128xf32, #tpu.memory_space<vmem>>
    %dma_wait3A_457 = arith.constant 0 : i32
    %dma_wait3A_458 = tpu.memref_slice %arg6[%dma_wait3A_451, %dma_wait3A_457] : memref<4x128xi32, #tpu.memory_space<vmem>> -> memref<1x128xi32, #tpu.memory_space<vmem>>
    %dma_wait3A_459 = tpu.memref_squeeze %dma_wait3A_458 : memref<1x128xi32, #tpu.memory_space<vmem>> -> memref<128xi32, #tpu.memory_space<vmem>>
    %dma_wait3A_460 = arith.constant 0 : i32
    %dma_wait3A_461 = arith.constant 0 : i32
    %dma_wait3A_462 = tpu.memref_slice %arg2[%dma_wait3A_460, %dma_wait3A_461] : memref<10000x128xf32, #tpu.memory_space<hbm>> -> memref<10000x128xf32, #tpu.memory_space<hbm>>
    tpu.wait_indirect_dma semaphore(%arg15 : memref<!tpu.dma_semaphore, #tpu.memory_space<semaphore_mem>>) src(%dma_wait3A_462 : memref<10000x128xf32, #tpu.memory_space<hbm>>) dst(%dma_wait3A_456 : memref<128x128xf32, #tpu.memory_space<vmem>>)
    %dma_start3A_463 = arith.constant 1 : i32
    %dma_start3A_464 = arith.constant 77 : i32
    %dma_start3A_465 = arith.constant 0 : i32
    %dma_start3A_466 = arith.constant 0 : i32
    %dma_start3A_467 = tpu.memref_slice %arg8[%dma_start3A_463, %dma_start3A_465, %dma_start3A_466] : memref<2x128x128xf32, #tpu.memory_space<vmem>> -> memref<1x128x128xf32, #tpu.memory_space<vmem>>
    %dma_start3A_468 = tpu.memref_squeeze %dma_start3A_467 : memref<1x128x128xf32, #tpu.memory_space<vmem>> -> memref<128x128xf32, #tpu.memory_space<vmem>>
    %dma_start3A_469 = arith.constant 0 : i32
    %dma_start3A_470 = tpu.memref_slice %arg7[%dma_start3A_464, %dma_start3A_469] : memref<80x128xi32, #tpu.memory_space<vmem>> -> memref<1x128xi32, #tpu.memory_space<vmem>>
    %dma_start3A_471 = tpu.memref_squeeze %dma_start3A_470 : memref<1x128xi32, #tpu.memory_space<vmem>> -> memref<128xi32, #tpu.memory_space<vmem>>
    %dma_start3A_472 = arith.constant 0 : i32
    %dma_start3A_473 = arith.constant 0 : i32
    %dma_start3A_474 = tpu.memref_slice %arg9[%dma_start3A_472, %dma_start3A_473] : memref<10240x128xf32, #tpu.memory_space<vmem_shared>> -> memref<10240x128xf32, #tpu.memory_space<vmem_shared>>
    tpu.enqueue_indirect_dma source(%dma_start3A_468 : memref<128x128xf32, #tpu.memory_space<vmem>>) target(%dma_start3A_474 : memref<10240x128xf32, #tpu.memory_space<vmem_shared>>) offsets(%dma_start3A_471 : memref<128xi32, #tpu.memory_space<vmem>>) semaphore(%arg17 : memref<!tpu.dma_semaphore, #tpu.memory_space<semaphore_mem>>) {add = true}
    %dma_start3A_475 = arith.constant 2 : i32
    %dma_start3A_476 = arith.constant 0 : i32
    %dma_start3A_477 = arith.constant 0 : i32
    %dma_start3A_478 = arith.constant 0 : i32
    %dma_start3A_479 = tpu.memref_slice %arg8[%dma_start3A_476, %dma_start3A_477, %dma_start3A_478] : memref<2x128x128xf32, #tpu.memory_space<vmem>> -> memref<1x128x128xf32, #tpu.memory_space<vmem>>
    %dma_start3A_480 = tpu.memref_squeeze %dma_start3A_479 : memref<1x128x128xf32, #tpu.memory_space<vmem>> -> memref<128x128xf32, #tpu.memory_space<vmem>>
    %dma_start3A_481 = arith.constant 0 : i32
    %dma_start3A_482 = tpu.memref_slice %arg6[%dma_start3A_475, %dma_start3A_481] : memref<4x128xi32, #tpu.memory_space<vmem>> -> memref<1x128xi32, #tpu.memory_space<vmem>>
    %dma_start3A_483 = tpu.memref_squeeze %dma_start3A_482 : memref<1x128xi32, #tpu.memory_space<vmem>> -> memref<128xi32, #tpu.memory_space<vmem>>
    %dma_start3A_484 = arith.constant 0 : i32
    %dma_start3A_485 = arith.constant 0 : i32
    %dma_start3A_486 = tpu.memref_slice %arg2[%dma_start3A_484, %dma_start3A_485] : memref<10000x128xf32, #tpu.memory_space<hbm>> -> memref<10000x128xf32, #tpu.memory_space<hbm>>
    tpu.enqueue_indirect_dma source(%dma_start3A_486 : memref<10000x128xf32, #tpu.memory_space<hbm>>) target(%dma_start3A_480 : memref<128x128xf32, #tpu.memory_space<vmem>>) offsets(%dma_start3A_483 : memref<128xi32, #tpu.memory_space<vmem>>) semaphore(%arg14 : memref<!tpu.dma_semaphore, #tpu.memory_space<semaphore_mem>>)
    %dma_wait3A_487 = arith.constant 1 : i32
    %dma_wait3A_488 = arith.constant 0 : i32
    %dma_wait3A_489 = arith.constant 0 : i32
    %dma_wait3A_490 = arith.constant 0 : i32
    %dma_wait3A_491 = tpu.memref_slice %arg8[%dma_wait3A_487, %dma_wait3A_489, %dma_wait3A_490] : memref<2x128x128xf32, #tpu.memory_space<vmem>> -> memref<1x128x128xf32, #tpu.memory_space<vmem>>
    %dma_wait3A_492 = tpu.memref_squeeze %dma_wait3A_491 : memref<1x128x128xf32, #tpu.memory_space<vmem>> -> memref<128x128xf32, #tpu.memory_space<vmem>>
    %dma_wait3A_493 = arith.constant 0 : i32
    %dma_wait3A_494 = tpu.memref_slice %arg7[%dma_wait3A_488, %dma_wait3A_493] : memref<80x128xi32, #tpu.memory_space<vmem>> -> memref<1x128xi32, #tpu.memory_space<vmem>>
    %dma_wait3A_495 = tpu.memref_squeeze %dma_wait3A_494 : memref<1x128xi32, #tpu.memory_space<vmem>> -> memref<128xi32, #tpu.memory_space<vmem>>
    %dma_wait3A_496 = arith.constant 0 : i32
    %dma_wait3A_497 = arith.constant 0 : i32
    %dma_wait3A_498 = tpu.memref_slice %arg9[%dma_wait3A_496, %dma_wait3A_497] : memref<10240x128xf32, #tpu.memory_space<vmem_shared>> -> memref<10240x128xf32, #tpu.memory_space<vmem_shared>>
    tpu.wait_indirect_dma semaphore(%arg17 : memref<!tpu.dma_semaphore, #tpu.memory_space<semaphore_mem>>) src(%dma_wait3A_492 : memref<128x128xf32, #tpu.memory_space<vmem>>) dst(%dma_wait3A_498 : memref<10240x128xf32, #tpu.memory_space<vmem_shared>>)
    %dma_wait3A_499 = arith.constant 3 : i32
    %dma_wait3A_500 = arith.constant 0 : i32
    %dma_wait3A_501 = tpu.memref_slice %arg6[%dma_wait3A_499, %dma_wait3A_500] : memref<4x128xi32, #tpu.memory_space<vmem>> -> memref<1x128xi32, #tpu.memory_space<vmem>>
    %dma_wait3A_502 = tpu.memref_squeeze %dma_wait3A_501 : memref<1x128xi32, #tpu.memory_space<vmem>> -> memref<128xi32, #tpu.memory_space<vmem>>
    %dma_wait3A_503 = arith.constant 0 : i32
    %dma_wait3A_504 = tpu.memref_slice %arg3[%dma_wait3A_503] : memref<327680xi32, #tpu.memory_space<hbm>> -> memref<128xi32, #tpu.memory_space<hbm>>
    %dma_wait3A_505 = arith.constant 0 : i32
    %dma_wait3A_506 = tpu.memref_slice %arg6[%dma_wait3A_499, %dma_wait3A_505] : memref<4x128xi32, #tpu.memory_space<vmem>> -> memref<1x128xi32, #tpu.memory_space<vmem>>
    %dma_wait3A_507 = tpu.memref_squeeze %dma_wait3A_506 : memref<1x128xi32, #tpu.memory_space<vmem>> -> memref<128xi32, #tpu.memory_space<vmem>>
    %dma_wait3A_508 = arith.constant 0 : i32
    %dma_wait3A_509 = tpu.memref_slice %arg3[%dma_wait3A_508] : memref<327680xi32, #tpu.memory_space<hbm>> -> memref<128xi32, #tpu.memory_space<hbm>>
    tpu.wait_dma2 semaphore(%arg13 : memref<!tpu.dma_semaphore, #tpu.memory_space<semaphore_mem>>) src(%dma_wait3A_509 : memref<128xi32, #tpu.memory_space<hbm>>) dst(%dma_wait3A_507 : memref<128xi32, #tpu.memory_space<vmem>>)
    %dma_wait3A_510 = arith.constant 0 : i32
    %dma_wait3A_511 = arith.constant 0 : i32
    %dma_wait3A_512 = arith.constant 0 : i32
    %dma_wait3A_513 = arith.constant 0 : i32
    %dma_wait3A_514 = tpu.memref_slice %arg8[%dma_wait3A_511, %dma_wait3A_512, %dma_wait3A_513] : memref<2x128x128xf32, #tpu.memory_space<vmem>> -> memref<1x128x128xf32, #tpu.memory_space<vmem>>
    %dma_wait3A_515 = tpu.memref_squeeze %dma_wait3A_514 : memref<1x128x128xf32, #tpu.memory_space<vmem>> -> memref<128x128xf32, #tpu.memory_space<vmem>>
    %dma_wait3A_516 = arith.constant 0 : i32
    %dma_wait3A_517 = tpu.memref_slice %arg6[%dma_wait3A_510, %dma_wait3A_516] : memref<4x128xi32, #tpu.memory_space<vmem>> -> memref<1x128xi32, #tpu.memory_space<vmem>>
    %dma_wait3A_518 = tpu.memref_squeeze %dma_wait3A_517 : memref<1x128xi32, #tpu.memory_space<vmem>> -> memref<128xi32, #tpu.memory_space<vmem>>
    %dma_wait3A_519 = arith.constant 0 : i32
    %dma_wait3A_520 = arith.constant 0 : i32
    %dma_wait3A_521 = tpu.memref_slice %arg2[%dma_wait3A_519, %dma_wait3A_520] : memref<10000x128xf32, #tpu.memory_space<hbm>> -> memref<10000x128xf32, #tpu.memory_space<hbm>>
    tpu.wait_indirect_dma semaphore(%arg14 : memref<!tpu.dma_semaphore, #tpu.memory_space<semaphore_mem>>) src(%dma_wait3A_521 : memref<10000x128xf32, #tpu.memory_space<hbm>>) dst(%dma_wait3A_515 : memref<128x128xf32, #tpu.memory_space<vmem>>)
    %dma_start3A_522 = arith.constant 0 : i32
    %dma_start3A_523 = arith.constant 78 : i32
    %dma_start3A_524 = arith.constant 0 : i32
    %dma_start3A_525 = arith.constant 0 : i32
    %dma_start3A_526 = tpu.memref_slice %arg8[%dma_start3A_522, %dma_start3A_524, %dma_start3A_525] : memref<2x128x128xf32, #tpu.memory_space<vmem>> -> memref<1x128x128xf32, #tpu.memory_space<vmem>>
    %dma_start3A_527 = tpu.memref_squeeze %dma_start3A_526 : memref<1x128x128xf32, #tpu.memory_space<vmem>> -> memref<128x128xf32, #tpu.memory_space<vmem>>
    %dma_start3A_528 = arith.constant 0 : i32
    %dma_start3A_529 = tpu.memref_slice %arg7[%dma_start3A_523, %dma_start3A_528] : memref<80x128xi32, #tpu.memory_space<vmem>> -> memref<1x128xi32, #tpu.memory_space<vmem>>
    %dma_start3A_530 = tpu.memref_squeeze %dma_start3A_529 : memref<1x128xi32, #tpu.memory_space<vmem>> -> memref<128xi32, #tpu.memory_space<vmem>>
    %dma_start3A_531 = arith.constant 0 : i32
    %dma_start3A_532 = arith.constant 0 : i32
    %dma_start3A_533 = tpu.memref_slice %arg9[%dma_start3A_531, %dma_start3A_532] : memref<10240x128xf32, #tpu.memory_space<vmem_shared>> -> memref<10240x128xf32, #tpu.memory_space<vmem_shared>>
    tpu.enqueue_indirect_dma source(%dma_start3A_527 : memref<128x128xf32, #tpu.memory_space<vmem>>) target(%dma_start3A_533 : memref<10240x128xf32, #tpu.memory_space<vmem_shared>>) offsets(%dma_start3A_530 : memref<128xi32, #tpu.memory_space<vmem>>) semaphore(%arg16 : memref<!tpu.dma_semaphore, #tpu.memory_space<semaphore_mem>>) {add = true}
    %dma_start3A_534 = arith.constant 3 : i32
    %dma_start3A_535 = arith.constant 1 : i32
    %dma_start3A_536 = arith.constant 0 : i32
    %dma_start3A_537 = arith.constant 0 : i32
    %dma_start3A_538 = tpu.memref_slice %arg8[%dma_start3A_535, %dma_start3A_536, %dma_start3A_537] : memref<2x128x128xf32, #tpu.memory_space<vmem>> -> memref<1x128x128xf32, #tpu.memory_space<vmem>>
    %dma_start3A_539 = tpu.memref_squeeze %dma_start3A_538 : memref<1x128x128xf32, #tpu.memory_space<vmem>> -> memref<128x128xf32, #tpu.memory_space<vmem>>
    %dma_start3A_540 = arith.constant 0 : i32
    %dma_start3A_541 = tpu.memref_slice %arg6[%dma_start3A_534, %dma_start3A_540] : memref<4x128xi32, #tpu.memory_space<vmem>> -> memref<1x128xi32, #tpu.memory_space<vmem>>
    %dma_start3A_542 = tpu.memref_squeeze %dma_start3A_541 : memref<1x128xi32, #tpu.memory_space<vmem>> -> memref<128xi32, #tpu.memory_space<vmem>>
    %dma_start3A_543 = arith.constant 0 : i32
    %dma_start3A_544 = arith.constant 0 : i32
    %dma_start3A_545 = tpu.memref_slice %arg2[%dma_start3A_543, %dma_start3A_544] : memref<10000x128xf32, #tpu.memory_space<hbm>> -> memref<10000x128xf32, #tpu.memory_space<hbm>>
    tpu.enqueue_indirect_dma source(%dma_start3A_545 : memref<10000x128xf32, #tpu.memory_space<hbm>>) target(%dma_start3A_539 : memref<128x128xf32, #tpu.memory_space<vmem>>) offsets(%dma_start3A_542 : memref<128xi32, #tpu.memory_space<vmem>>) semaphore(%arg15 : memref<!tpu.dma_semaphore, #tpu.memory_space<semaphore_mem>>)
    %dma_wait3A_546 = arith.constant 0 : i32
    %dma_wait3A_547 = arith.constant 1 : i32
    %dma_wait3A_548 = arith.constant 0 : i32
    %dma_wait3A_549 = arith.constant 0 : i32
    %dma_wait3A_550 = tpu.memref_slice %arg8[%dma_wait3A_547, %dma_wait3A_548, %dma_wait3A_549] : memref<2x128x128xf32, #tpu.memory_space<vmem>> -> memref<1x128x128xf32, #tpu.memory_space<vmem>>
    %dma_wait3A_551 = tpu.memref_squeeze %dma_wait3A_550 : memref<1x128x128xf32, #tpu.memory_space<vmem>> -> memref<128x128xf32, #tpu.memory_space<vmem>>
    %dma_wait3A_552 = arith.constant 0 : i32
    %dma_wait3A_553 = tpu.memref_slice %arg6[%dma_wait3A_546, %dma_wait3A_552] : memref<4x128xi32, #tpu.memory_space<vmem>> -> memref<1x128xi32, #tpu.memory_space<vmem>>
    %dma_wait3A_554 = tpu.memref_squeeze %dma_wait3A_553 : memref<1x128xi32, #tpu.memory_space<vmem>> -> memref<128xi32, #tpu.memory_space<vmem>>
    %dma_wait3A_555 = arith.constant 0 : i32
    %dma_wait3A_556 = arith.constant 0 : i32
    %dma_wait3A_557 = tpu.memref_slice %arg2[%dma_wait3A_555, %dma_wait3A_556] : memref<10000x128xf32, #tpu.memory_space<hbm>> -> memref<10000x128xf32, #tpu.memory_space<hbm>>
    tpu.wait_indirect_dma semaphore(%arg15 : memref<!tpu.dma_semaphore, #tpu.memory_space<semaphore_mem>>) src(%dma_wait3A_557 : memref<10000x128xf32, #tpu.memory_space<hbm>>) dst(%dma_wait3A_551 : memref<128x128xf32, #tpu.memory_space<vmem>>)
    %dma_start3A_558 = arith.constant 1 : i32
    %dma_start3A_559 = arith.constant 79 : i32
    %dma_start3A_560 = arith.constant 0 : i32
    %dma_start3A_561 = arith.constant 0 : i32
    %dma_start3A_562 = tpu.memref_slice %arg8[%dma_start3A_558, %dma_start3A_560, %dma_start3A_561] : memref<2x128x128xf32, #tpu.memory_space<vmem>> -> memref<1x128x128xf32, #tpu.memory_space<vmem>>
    %dma_start3A_563 = tpu.memref_squeeze %dma_start3A_562 : memref<1x128x128xf32, #tpu.memory_space<vmem>> -> memref<128x128xf32, #tpu.memory_space<vmem>>
    %dma_start3A_564 = arith.constant 0 : i32
    %dma_start3A_565 = tpu.memref_slice %arg7[%dma_start3A_559, %dma_start3A_564] : memref<80x128xi32, #tpu.memory_space<vmem>> -> memref<1x128xi32, #tpu.memory_space<vmem>>
    %dma_start3A_566 = tpu.memref_squeeze %dma_start3A_565 : memref<1x128xi32, #tpu.memory_space<vmem>> -> memref<128xi32, #tpu.memory_space<vmem>>
    %dma_start3A_567 = arith.constant 0 : i32
    %dma_start3A_568 = arith.constant 0 : i32
    %dma_start3A_569 = tpu.memref_slice %arg9[%dma_start3A_567, %dma_start3A_568] : memref<10240x128xf32, #tpu.memory_space<vmem_shared>> -> memref<10240x128xf32, #tpu.memory_space<vmem_shared>>
    tpu.enqueue_indirect_dma source(%dma_start3A_563 : memref<128x128xf32, #tpu.memory_space<vmem>>) target(%dma_start3A_569 : memref<10240x128xf32, #tpu.memory_space<vmem_shared>>) offsets(%dma_start3A_566 : memref<128xi32, #tpu.memory_space<vmem>>) semaphore(%arg17 : memref<!tpu.dma_semaphore, #tpu.memory_space<semaphore_mem>>) {add = true}
    %dma_wait3A_570 = arith.constant 0 : i32
    %dma_wait3A_571 = arith.constant 0 : i32
    %dma_wait3A_572 = arith.constant 0 : i32
    %dma_wait3A_573 = arith.constant 0 : i32
    %dma_wait3A_574 = tpu.memref_slice %arg8[%dma_wait3A_570, %dma_wait3A_572, %dma_wait3A_573] : memref<2x128x128xf32, #tpu.memory_space<vmem>> -> memref<1x128x128xf32, #tpu.memory_space<vmem>>
    %dma_wait3A_575 = tpu.memref_squeeze %dma_wait3A_574 : memref<1x128x128xf32, #tpu.memory_space<vmem>> -> memref<128x128xf32, #tpu.memory_space<vmem>>
    %dma_wait3A_576 = arith.constant 0 : i32
    %dma_wait3A_577 = tpu.memref_slice %arg7[%dma_wait3A_571, %dma_wait3A_576] : memref<80x128xi32, #tpu.memory_space<vmem>> -> memref<1x128xi32, #tpu.memory_space<vmem>>
    %dma_wait3A_578 = tpu.memref_squeeze %dma_wait3A_577 : memref<1x128xi32, #tpu.memory_space<vmem>> -> memref<128xi32, #tpu.memory_space<vmem>>
    %dma_wait3A_579 = arith.constant 0 : i32
    %dma_wait3A_580 = arith.constant 0 : i32
    %dma_wait3A_581 = tpu.memref_slice %arg9[%dma_wait3A_579, %dma_wait3A_580] : memref<10240x128xf32, #tpu.memory_space<vmem_shared>> -> memref<10240x128xf32, #tpu.memory_space<vmem_shared>>
    tpu.wait_indirect_dma semaphore(%arg16 : memref<!tpu.dma_semaphore, #tpu.memory_space<semaphore_mem>>) src(%dma_wait3A_575 : memref<128x128xf32, #tpu.memory_space<vmem>>) dst(%dma_wait3A_581 : memref<10240x128xf32, #tpu.memory_space<vmem_shared>>)
    %dma_wait3A_582 = arith.constant 1 : i32
    %dma_wait3A_583 = arith.constant 0 : i32
    %dma_wait3A_584 = arith.constant 0 : i32
    %dma_wait3A_585 = arith.constant 0 : i32
    %dma_wait3A_586 = tpu.memref_slice %arg8[%dma_wait3A_582, %dma_wait3A_584, %dma_wait3A_585] : memref<2x128x128xf32, #tpu.memory_space<vmem>> -> memref<1x128x128xf32, #tpu.memory_space<vmem>>
    %dma_wait3A_587 = tpu.memref_squeeze %dma_wait3A_586 : memref<1x128x128xf32, #tpu.memory_space<vmem>> -> memref<128x128xf32, #tpu.memory_space<vmem>>
    %dma_wait3A_588 = arith.constant 0 : i32
    %dma_wait3A_589 = tpu.memref_slice %arg7[%dma_wait3A_583, %dma_wait3A_588] : memref<80x128xi32, #tpu.memory_space<vmem>> -> memref<1x128xi32, #tpu.memory_space<vmem>>
    %dma_wait3A_590 = tpu.memref_squeeze %dma_wait3A_589 : memref<1x128xi32, #tpu.memory_space<vmem>> -> memref<128xi32, #tpu.memory_space<vmem>>
    %dma_wait3A_591 = arith.constant 0 : i32
    %dma_wait3A_592 = arith.constant 0 : i32
    %dma_wait3A_593 = tpu.memref_slice %arg9[%dma_wait3A_591, %dma_wait3A_592] : memref<10240x128xf32, #tpu.memory_space<vmem_shared>> -> memref<10240x128xf32, #tpu.memory_space<vmem_shared>>
    tpu.wait_indirect_dma semaphore(%arg17 : memref<!tpu.dma_semaphore, #tpu.memory_space<semaphore_mem>>) src(%dma_wait3A_587 : memref<128x128xf32, #tpu.memory_space<vmem>>) dst(%dma_wait3A_593 : memref<10240x128xf32, #tpu.memory_space<vmem_shared>>)
    %barrier3A_594 = arith.constant 0 : index
    tpu.barrier barrier_id(%barrier3A_594)
    %scan3A_595 = arith.constant 0 : i32
    %scan3A_596 = arith.constant 20 : i32
    %scan3A_597 = arith.addi %scan3A_595, %scan3A_596 : i32
    %scan3A_598 = arith.constant 1 : i32
    scf.for %scan3A_605 = %scan3A_595 to %scan3A_597 step %scan3A_598  : i32 {
      %mul3A_606 = arith.constant 32 : i32
      %mul3A_607 = arith.muli %scan3A_605, %mul3A_606 : i32
      %add3A_608 = arith.constant 0 : i32
      %add3A_609 = arith.addi %add3A_608, %mul3A_607 : i32
      %mul3A_610 = arith.constant 640 : i32
      %mul3A_611 = arith.muli %arg1, %mul3A_610 : i32
      %add3A_612 = arith.addi %mul3A_611, %add3A_609 : i32
      %mul3A_613 = arith.constant 640 : i32
      %mul3A_614 = arith.muli %arg1, %mul3A_613 : i32
      %add3A_615 = arith.addi %mul3A_614, %add3A_609 : i32
      %dma_start3A_616 = arith.constant 0 : i32
      %dma_start3A_617 = tpu.memref_slice %arg5[%arg0, %add3A_615, %dma_start3A_616] : memref<2x10240x128xf32, #tpu.memory_space<hbm>> -> memref<1x32x128xf32, #tpu.memory_space<hbm>>
      %dma_start3A_618 = tpu.memref_squeeze %dma_start3A_617 : memref<1x32x128xf32, #tpu.memory_space<hbm>> -> memref<32x128xf32, #tpu.memory_space<hbm>>
      %dma_start3A_619 = arith.constant 0 : i32
      %dma_start3A_620 = tpu.memref_slice %arg9[%add3A_612, %dma_start3A_619] : memref<10240x128xf32, #tpu.memory_space<vmem_shared>> -> memref<32x128xf32, #tpu.memory_space<vmem_shared>>
      tpu.enqueue_dma source(%dma_start3A_620 : memref<32x128xf32, #tpu.memory_space<vmem_shared>>) target(%dma_start3A_618 : memref<32x128xf32, #tpu.memory_space<hbm>>) target_semaphore(%arg14 : memref<!tpu.dma_semaphore, #tpu.memory_space<semaphore_mem>>)
    }
    %scan3A_599 = arith.constant 20 : i32
    %scan3A_600 = arith.constant 0 : i32
    %scan3A_601 = arith.constant 20 : i32
    %scan3A_602 = arith.addi %scan3A_600, %scan3A_601 : i32
    %scan3A_603 = arith.constant 1 : i32
    scf.for %scan3A_605 = %scan3A_600 to %scan3A_602 step %scan3A_603  : i32 {
      %mul3A_606 = arith.constant 32 : i32
      %mul3A_607 = arith.muli %scan3A_605, %mul3A_606 : i32
      %add3A_608 = arith.constant 0 : i32
      %add3A_609 = arith.addi %add3A_608, %mul3A_607 : i32
      %dma_wait3A_610 = arith.constant 0 : i32
      %dma_wait3A_611 = arith.constant 0 : i32
      %dma_wait3A_612 = tpu.memref_slice %arg5[%arg0, %dma_wait3A_610, %dma_wait3A_611] : memref<2x10240x128xf32, #tpu.memory_space<hbm>> -> memref<1x32x128xf32, #tpu.memory_space<hbm>>
      %dma_wait3A_613 = tpu.memref_squeeze %dma_wait3A_612 : memref<1x32x128xf32, #tpu.memory_space<hbm>> -> memref<32x128xf32, #tpu.memory_space<hbm>>
      %dma_wait3A_614 = arith.constant 0 : i32
      %dma_wait3A_615 = arith.constant 0 : i32
      %dma_wait3A_616 = tpu.memref_slice %arg9[%dma_wait3A_614, %dma_wait3A_615] : memref<10240x128xf32, #tpu.memory_space<vmem_shared>> -> memref<32x128xf32, #tpu.memory_space<vmem_shared>>
      tpu.wait_dma2 semaphore(%arg14 : memref<!tpu.dma_semaphore, #tpu.memory_space<semaphore_mem>>) src(%dma_wait3A_616 : memref<32x128xf32, #tpu.memory_space<vmem_shared>>) dst(%dma_wait3A_613 : memref<32x128xf32, #tpu.memory_space<hbm>>)
    }
    %scan3A_604 = arith.constant 20 : i32
    return
  }
}

module attributes {stable_mosaic.version = 14 : i64} {
  func.func @body(%arg0: memref<32x10240xf32, #tpu.memory_space<vmem>>, %arg1: memref<10000x128xf32, #tpu.memory_space<vmem>>, %arg2: memref<128x128xf32, #tpu.memory_space<vmem>>, %arg3: memref<1x128xf32, #tpu.memory_space<vmem>>, %arg4: memref<10000x128xf32, #tpu.memory_space<vmem>>, %arg5: memref<10240x1xf32, #tpu.memory_space<vmem>>, %arg6: memref<1x10240xf32, #tpu.memory_space<vmem>>) attributes {dimension_semantics = [], scalar_prefetch = 0 : i64, scratch_operands = 0 : i64, tpu.core_type = #tpu.core_type<tc>} {
    %get3A = arith.constant 0 : index
    %get3A_0 = arith.constant 0 : index
    %get3A_1 = vector.load %arg0[%get3A, %get3A_0] : memref<32x10240xf32, #tpu.memory_space<vmem>>, vector<32x10240xf32>
    %reduce_sum3A = arith.constant dense<0.000000e+00> : vector<10240xf32>
    %reduce_sum3A_2 = vector.multi_reduction <add>, %get3A_1, %reduce_sum3A [0] : vector<32x10240xf32> to vector<10240xf32>
    %broadcast_in_dim3A = vector.shape_cast %reduce_sum3A_2 : vector<10240xf32> to vector<1x10240xf32>
    %max3A = arith.constant 1.000000e+00 : f32
    %max3A_3 = vector.broadcast %max3A : f32 to vector<1x10240xf32>
    %max3A_4 = arith.maximumf %broadcast_in_dim3A, %max3A_3 : vector<1x10240xf32>
    %rsqrt3A = math.rsqrt %max3A_4 : vector<1x10240xf32>
    %swap3A = arith.constant 0 : index
    %swap3A_5 = arith.constant 0 : index
    %swap3A_6 = vector.load %arg6[%swap3A, %swap3A_5] : memref<1x10240xf32, #tpu.memory_space<vmem>>, vector<1x10240xf32>
    tpu.vector_store %arg6[%swap3A, %swap3A_5], %rsqrt3A {strides = array<i32>} : memref<1x10240xf32, #tpu.memory_space<vmem>>, vector<1x10240xf32>,
    %transpose3A = tpu.transpose %rsqrt3A, [1, 0] : vector<1x10240xf32> -> vector<10240x1xf32>
    %swap3A_7 = arith.constant 0 : index
    %swap3A_8 = arith.constant 0 : index
    %swap3A_9 = vector.load %arg5[%swap3A_7, %swap3A_8] : memref<10240x1xf32, #tpu.memory_space<vmem>>, vector<10240x1xf32>
    tpu.vector_store %arg5[%swap3A_7, %swap3A_8], %transpose3A {strides = array<i32>} : memref<10240x1xf32, #tpu.memory_space<vmem>>, vector<10240x1xf32>,
    %get3A_10 = arith.constant 0 : index
    %get3A_11 = arith.constant 0 : index
    %get3A_12 = vector.load %arg1[%get3A_10, %get3A_11] : memref<10000x128xf32, #tpu.memory_space<vmem>>, vector<10000x128xf32>
    %get3A_13 = arith.constant 0 : index
    %get3A_14 = arith.constant 0 : index
    %get3A_15 = vector.load %arg2[%get3A_13, %get3A_14] : memref<128x128xf32, #tpu.memory_space<vmem>>, vector<128x128xf32>
    %dot_general3A = arith.constant dense<0.000000e+00> : vector<10000x128xf32>
    %dot_general3A_16 = tpu.matmul %get3A_12, %get3A_15, %dot_general3A {dimension_numbers = #tpu.dot_dimension_numbers<[1], [0], [0], [1], [0, 0, 1, 1], [], []>, precision = #tpu.contract_precision<fp32>, transpose_lhs_hint = false} : vector<10000x128xf32>, vector<128x128xf32>, vector<10000x128xf32> -> vector<10000x128xf32>
    %get3A_17 = arith.constant 0 : index
    %get3A_18 = arith.constant 0 : index
    %get3A_19 = vector.load %arg3[%get3A_17, %get3A_18] : memref<1x128xf32, #tpu.memory_space<vmem>>, vector<1x128xf32>
    %add3A = vector.broadcast %get3A_19 : vector<1x128xf32> to vector<10000x128xf32>
    %add3A_20 = arith.addf %dot_general3A_16, %add3A : vector<10000x128xf32>
    %slice3A = vector.extract_strided_slice %transpose3A {offsets = [0, 0], sizes = [10000, 1], strides = [1, 1]} : vector<10240x1xf32> to vector<10000x1xf32>
    %mul3A = vector.broadcast %slice3A : vector<10000x1xf32> to vector<10000x128xf32>
    %mul3A_21 = arith.mulf %add3A_20, %mul3A : vector<10000x128xf32>
    %swap3A_22 = arith.constant 0 : index
    %swap3A_23 = arith.constant 0 : index
    %swap3A_24 = vector.load %arg4[%swap3A_22, %swap3A_23] : memref<10000x128xf32, #tpu.memory_space<vmem>>, vector<10000x128xf32>
    tpu.vector_store %arg4[%swap3A_22, %swap3A_23], %mul3A_21 {strides = array<i32>} : memref<10000x128xf32, #tpu.memory_space<vmem>>, vector<10000x128xf32>,
    return
  }
}

module attributes {stable_mosaic.version = 14 : i64} {
  func.func @body(%arg0: memref<2x10240x128xf32, #tpu.memory_space<vmem>>, %arg1: memref<10240x1xf32, #tpu.memory_space<vmem>>, %arg2: memref<128x128xf32, #tpu.memory_space<vmem>>, %arg3: memref<1x128xf32, #tpu.memory_space<vmem>>, %arg4: memref<10000x128xf32, #tpu.memory_space<vmem>>) attributes {dimension_semantics = [], scalar_prefetch = 0 : i64, scratch_operands = 0 : i64, tpu.core_type = #tpu.core_type<tc>} {
    %get3A = arith.constant 0 : index
    %get3A_0 = arith.constant 0 : index
    %get3A_1 = vector.load %arg1[%get3A, %get3A_0] : memref<10240x1xf32, #tpu.memory_space<vmem>>, vector<10240x1xf32>
    %slice3A = vector.extract_strided_slice %get3A_1 {offsets = [0, 0], sizes = [10000, 1], strides = [1, 1]} : vector<10240x1xf32> to vector<10000x1xf32>
    %get3A_2 = arith.constant 0 : index
    %get3A_3 = arith.constant 0 : index
    %get3A_4 = arith.constant 0 : index
    %get3A_5 = vector.load %arg0[%get3A_2, %get3A_3, %get3A_4] : memref<2x10240x128xf32, #tpu.memory_space<vmem>>, vector<2x10240x128xf32>
    %slice3A_6 = vector.extract_strided_slice %get3A_5 {offsets = [0, 0, 0], sizes = [1, 10000, 128], strides = [1, 1, 1]} : vector<2x10240x128xf32> to vector<1x10000x128xf32>
    %squeeze3A = vector.shape_cast %slice3A_6 : vector<1x10000x128xf32> to vector<10000x128xf32>
    %slice3A_7 = vector.extract_strided_slice %get3A_5 {offsets = [1, 0, 0], sizes = [1, 10000, 128], strides = [1, 1, 1]} : vector<2x10240x128xf32> to vector<1x10000x128xf32>
    %squeeze3A_8 = vector.shape_cast %slice3A_7 : vector<1x10000x128xf32> to vector<10000x128xf32>
    %add3A = arith.addf %squeeze3A, %squeeze3A_8 : vector<10000x128xf32>
    %mul3A = vector.broadcast %slice3A : vector<10000x1xf32> to vector<10000x128xf32>
    %mul3A_9 = arith.mulf %add3A, %mul3A : vector<10000x128xf32>
    %get3A_10 = arith.constant 0 : index
    %get3A_11 = arith.constant 0 : index
    %get3A_12 = vector.load %arg2[%get3A_10, %get3A_11] : memref<128x128xf32, #tpu.memory_space<vmem>>, vector<128x128xf32>
    %dot_general3A = arith.constant dense<0.000000e+00> : vector<10000x128xf32>
    %dot_general3A_13 = tpu.matmul %mul3A_9, %get3A_12, %dot_general3A {dimension_numbers = #tpu.dot_dimension_numbers<[1], [0], [0], [1], [0, 0, 1, 1], [], []>, precision = #tpu.contract_precision<fp32>, transpose_lhs_hint = false} : vector<10000x128xf32>, vector<128x128xf32>, vector<10000x128xf32> -> vector<10000x128xf32>
    %get3A_14 = arith.constant 0 : index
    %get3A_15 = arith.constant 0 : index
    %get3A_16 = vector.load %arg3[%get3A_14, %get3A_15] : memref<1x128xf32, #tpu.memory_space<vmem>>, vector<1x128xf32>
    %add3A_17 = vector.broadcast %get3A_16 : vector<1x128xf32> to vector<10000x128xf32>
    %add3A_18 = arith.addf %dot_general3A_13, %add3A_17 : vector<10000x128xf32>
    %max3A = arith.constant 0.000000e+00 : f32
    %max3A_19 = vector.broadcast %max3A : f32 to vector<10000x128xf32>
    %max3A_20 = arith.maximumf %add3A_18, %max3A_19 : vector<10000x128xf32>
    %mul3A_21 = vector.broadcast %slice3A : vector<10000x1xf32> to vector<10000x128xf32>
    %mul3A_22 = arith.mulf %max3A_20, %mul3A_21 : vector<10000x128xf32>
    %swap3A = arith.constant 0 : index
    %swap3A_23 = arith.constant 0 : index
    %swap3A_24 = vector.load %arg4[%swap3A, %swap3A_23] : memref<10000x128xf32, #tpu.memory_space<vmem>>, vector<10000x128xf32>
    tpu.vector_store %arg4[%swap3A, %swap3A_23], %mul3A_22 {strides = array<i32>} : memref<10000x128xf32, #tpu.memory_space<vmem>>, vector<10000x128xf32>,
    return
  }
}

module attributes {stable_mosaic.version = 14 : i64} {
  func.func @body(%arg0: memref<2x10240x128xf32, #tpu.memory_space<vmem>>, %arg1: memref<10240x1xf32, #tpu.memory_space<vmem>>, %arg2: memref<1x10240xf32, #tpu.memory_space<vmem>>, %arg3: memref<32x10240xf32, #tpu.memory_space<vmem>>, %arg4: memref<128x128xf32, #tpu.memory_space<vmem>>, %arg5: memref<1x128xf32, #tpu.memory_space<vmem>>, %arg6: memref<128x128xf32, #tpu.memory_space<vmem>>, %arg7: memref<1x128xf32, #tpu.memory_space<vmem>>, %arg8: memref<128x128xf32, #tpu.memory_space<vmem>>, %arg9: memref<1x128xf32, #tpu.memory_space<vmem>>, %arg10: memref<1x128xf32, #tpu.memory_space<vmem>>) attributes {dimension_semantics = [], scalar_prefetch = 0 : i64, scratch_operands = 0 : i64, tpu.core_type = #tpu.core_type<tc>} {
    %get3A = arith.constant 0 : index
    %get3A_0 = arith.constant 0 : index
    %get3A_1 = vector.load %arg1[%get3A, %get3A_0] : memref<10240x1xf32, #tpu.memory_space<vmem>>, vector<10240x1xf32>
    %slice3A = vector.extract_strided_slice %get3A_1 {offsets = [0, 0], sizes = [10000, 1], strides = [1, 1]} : vector<10240x1xf32> to vector<10000x1xf32>
    %get3A_2 = arith.constant 0 : index
    %get3A_3 = arith.constant 0 : index
    %get3A_4 = arith.constant 0 : index
    %get3A_5 = vector.load %arg0[%get3A_2, %get3A_3, %get3A_4] : memref<2x10240x128xf32, #tpu.memory_space<vmem>>, vector<2x10240x128xf32>
    %slice3A_6 = vector.extract_strided_slice %get3A_5 {offsets = [0, 0, 0], sizes = [1, 10000, 128], strides = [1, 1, 1]} : vector<2x10240x128xf32> to vector<1x10000x128xf32>
    %squeeze3A = vector.shape_cast %slice3A_6 : vector<1x10000x128xf32> to vector<10000x128xf32>
    %slice3A_7 = vector.extract_strided_slice %get3A_5 {offsets = [1, 0, 0], sizes = [1, 10000, 128], strides = [1, 1, 1]} : vector<2x10240x128xf32> to vector<1x10000x128xf32>
    %squeeze3A_8 = vector.shape_cast %slice3A_7 : vector<1x10000x128xf32> to vector<10000x128xf32>
    %add3A = arith.addf %squeeze3A, %squeeze3A_8 : vector<10000x128xf32>
    %mul3A = vector.broadcast %slice3A : vector<10000x1xf32> to vector<10000x128xf32>
    %mul3A_9 = arith.mulf %add3A, %mul3A : vector<10000x128xf32>
    %get3A_10 = arith.constant 0 : index
    %get3A_11 = arith.constant 0 : index
    %get3A_12 = vector.load %arg4[%get3A_10, %get3A_11] : memref<128x128xf32, #tpu.memory_space<vmem>>, vector<128x128xf32>
    %dot_general3A = arith.constant dense<0.000000e+00> : vector<10000x128xf32>
    %dot_general3A_13 = tpu.matmul %mul3A_9, %get3A_12, %dot_general3A {dimension_numbers = #tpu.dot_dimension_numbers<[1], [0], [0], [1], [0, 0, 1, 1], [], []>, precision = #tpu.contract_precision<fp32>, transpose_lhs_hint = false} : vector<10000x128xf32>, vector<128x128xf32>, vector<10000x128xf32> -> vector<10000x128xf32>
    %get3A_14 = arith.constant 0 : index
    %get3A_15 = arith.constant 0 : index
    %get3A_16 = vector.load %arg5[%get3A_14, %get3A_15] : memref<1x128xf32, #tpu.memory_space<vmem>>, vector<1x128xf32>
    %add3A_17 = vector.broadcast %get3A_16 : vector<1x128xf32> to vector<10000x128xf32>
    %add3A_18 = arith.addf %dot_general3A_13, %add3A_17 : vector<10000x128xf32>
    %max3A = arith.constant 0.000000e+00 : f32
    %max3A_19 = vector.broadcast %max3A : f32 to vector<10000x128xf32>
    %max3A_20 = arith.maximumf %add3A_18, %max3A_19 : vector<10000x128xf32>
    %get3A_21 = arith.constant 0 : index
    %get3A_22 = arith.constant 0 : index
    %get3A_23 = vector.load %arg3[%get3A_21, %get3A_22] : memref<32x10240xf32, #tpu.memory_space<vmem>>, vector<32x10240xf32>
    %reduce_sum3A = arith.constant dense<0.000000e+00> : vector<10240xf32>
    %reduce_sum3A_24 = vector.multi_reduction <add>, %get3A_23, %reduce_sum3A [0] : vector<32x10240xf32> to vector<10240xf32>
    %broadcast_in_dim3A = vector.shape_cast %reduce_sum3A_24 : vector<10240xf32> to vector<1x10240xf32>
    %get3A_25 = arith.constant 0 : index
    %get3A_26 = arith.constant 0 : index
    %get3A_27 = vector.load %arg2[%get3A_25, %get3A_26] : memref<1x10240xf32, #tpu.memory_space<vmem>>, vector<1x10240xf32>
    %mul3A_28 = arith.mulf %broadcast_in_dim3A, %get3A_27 : vector<1x10240xf32>
    %transpose3A = tpu.transpose %mul3A_28, [1, 0] : vector<1x10240xf32> -> vector<10240x1xf32>
    %slice3A_29 = vector.extract_strided_slice %transpose3A {offsets = [0, 0], sizes = [10000, 1], strides = [1, 1]} : vector<10240x1xf32> to vector<10000x1xf32>
    %mul3A_30 = vector.broadcast %slice3A_29 : vector<10000x1xf32> to vector<10000x128xf32>
    %mul3A_31 = arith.mulf %max3A_20, %mul3A_30 : vector<10000x128xf32>
    %reduce_sum3A_32 = arith.constant dense<0.000000e+00> : vector<128xf32>
    %reduce_sum3A_33 = vector.multi_reduction <add>, %mul3A_31, %reduce_sum3A_32 [0] : vector<10000x128xf32> to vector<128xf32>
    %broadcast_in_dim3A_34 = vector.shape_cast %reduce_sum3A_33 : vector<128xf32> to vector<1x128xf32>
    %get3A_35 = arith.constant 0 : index
    %get3A_36 = arith.constant 0 : index
    %get3A_37 = vector.load %arg6[%get3A_35, %get3A_36] : memref<128x128xf32, #tpu.memory_space<vmem>>, vector<128x128xf32>
    %dot_general3A_38 = arith.constant dense<0.000000e+00> : vector<1x128xf32>
    %dot_general3A_39 = tpu.matmul %broadcast_in_dim3A_34, %get3A_37, %dot_general3A_38 {dimension_numbers = #tpu.dot_dimension_numbers<[1], [0], [0], [1], [0, 0, 1, 1], [], []>, precision = #tpu.contract_precision<fp32>, transpose_lhs_hint = false} : vector<1x128xf32>, vector<128x128xf32>, vector<1x128xf32> -> vector<1x128xf32>
    %get3A_40 = arith.constant 0 : index
    %get3A_41 = arith.constant 0 : index
    %get3A_42 = vector.load %arg7[%get3A_40, %get3A_41] : memref<1x128xf32, #tpu.memory_space<vmem>>, vector<1x128xf32>
    %mul3A_43 = arith.constant 1.000000e+04 : f32
    %mul3A_44 = vector.broadcast %mul3A_43 : f32 to vector<1x128xf32>
    %mul3A_45 = arith.mulf %mul3A_44, %get3A_42 : vector<1x128xf32>
    %add3A_46 = arith.addf %dot_general3A_39, %mul3A_45 : vector<1x128xf32>
    %get3A_47 = arith.constant 0 : index
    %get3A_48 = arith.constant 0 : index
    %get3A_49 = vector.load %arg8[%get3A_47, %get3A_48] : memref<128x128xf32, #tpu.memory_space<vmem>>, vector<128x128xf32>
    %dot_general3A_50 = arith.constant dense<0.000000e+00> : vector<1x128xf32>
    %dot_general3A_51 = tpu.matmul %add3A_46, %get3A_49, %dot_general3A_50 {dimension_numbers = #tpu.dot_dimension_numbers<[1], [0], [0], [1], [0, 0, 1, 1], [], []>, precision = #tpu.contract_precision<fp32>, transpose_lhs_hint = false} : vector<1x128xf32>, vector<128x128xf32>, vector<1x128xf32> -> vector<1x128xf32>
    %get3A_52 = arith.constant 0 : index
    %get3A_53 = arith.constant 0 : index
    %get3A_54 = vector.load %arg9[%get3A_52, %get3A_53] : memref<1x128xf32, #tpu.memory_space<vmem>>, vector<1x128xf32>
    %add3A_55 = arith.addf %dot_general3A_51, %get3A_54 : vector<1x128xf32>
    %swap3A = arith.constant 0 : index
    %swap3A_56 = arith.constant 0 : index
    %swap3A_57 = vector.load %arg10[%swap3A, %swap3A_56] : memref<1x128xf32, #tpu.memory_space<vmem>>, vector<1x128xf32>
    tpu.vector_store %arg10[%swap3A, %swap3A_56], %add3A_55 {strides = array<i32>} : memref<1x128xf32, #tpu.memory_space<vmem>>, vector<1x128xf32>,
    return
  }
}

</mosaic_0001>

<sc_bundles>
// kernel: kernel.12.cloned.1.call-start
scs
__scs_entry_jumppad:
0x0: {  	(pc) =	sbr.rel $0x88, $3  }
0x1: {  	(tag) =	ssettag $0x0;
	lr =	simm.s32 $0x1  }
0x2: {  	[smem:$0x3F95] =	sst lr;
	_ =	strace $0xD0000000  }
0x3: {  	_ = 	snop  }
0x4: {  	_ = 	snop  }
0x5: {  	_ = 	snop  }
0x6: {  	_ = 	snop  }
0x7: {  	_ = 	snop  }
__scs_overlays_trampoline_lowered:
0x8: {  	[smem:$0x3FA4] =	sst s0  }
0x9: {  	[smem:$0x3FA5] =	sst s1  }
0xa: {  	[smem:$0x3FA6] =	sst s2  }
0xb: {  	[smem:$0x3FA7] =	sst s3  }
0xc: {  	[smem:$0x3FA8] =	sst s4  }
0xd: {  	[smem:$0x3FA9] =	sst s5  }
0xe: {  	[smem:$0x3FAA] =	sst s6  }
0xf: {  	[smem:$0x3FAB] =	sst s7  }
0x10: {  	[smem:$0x3FAC] =	sst s8  }
0x11: {  	[smem:$0x3FAD] =	sst s9;
	s0 =	simm.s32 @!p0 $0x0  }
0x12: {  	s1 =	sld [smem:$0x3F93];
	s0 =	simm.s32 @p0 $0x1  }
0x13: {  	[smem:$0x3FAE] =	sst s0;
	s0 =	simm.s32 @!p1 $0x0  }
0x14: {  	s2 =	sld [smem:$0x3F92];
	s0 =	simm.s32 @p1 $0x1  }
0x15: {  	[smem:$0x3FAF] =	sst s0;
	s0 =	simm.s32 @!p2 $0x0  }
0x16: {  	s3 =	sld [smem:$0x3FDB];
	s0 =	simm.s32 @p2 $0x1  }
0x17: {  	s4 =	simm.s32 $0x1BF5;
	[smem:$0x3FB1] =	sst s0  }
0x18: {  	s0 =	sld [smem:$0x3F94];
	_ =	swait.ge [sflag:s4], $0x0  }
0x19: {  	s7 =	sld [smem:$0x3F95]  }
0x1a: {  	s8 =	sadd.s32 $0xFFFFE003, lr  }
0x1b: {  	s9 =	sadd.s32 $0xFFFFFEF7, lr;
	s5 =	simm.s32 $0xFFFFFFFF;
	p2 =	slt.u32 s8, $0xFFFFF086  }
0x1c: {  	p1 =	slt.u32 s9, $0xF7A;
	s5 =	simm.s32 @!p2 $0x0  }
0x1d: {  	s5 =	simm.s32 @p1 $0x1;
	p0 =	seq.s32 s7, s2  }
0x1e: {  	s7 =	smul.u32 @!p0 $0xF7A, s2;
	p2 =	seq.s32 @!p0 s5, $0x0  }
0x1f: {  	s9 =	smul.u32 $0xF7A, s1;
	s8 =	simm.s32 @!p0 $0x1BF5;
	p2 =	por !p2, p0  }
0x20: {  	[sflag:s8] =	ssyncset.s32 @!p0 $0xFFFFF086;
	s6 =	sadd.s32 @!p0 s3, s7;
	s7 =	simm.s32 @!p0 $0x108  }
0x21: {  	s3 =	sadd.s32 s3, s9;
	s6 =	sadd.s32 @!p0 $0x88, s6;
	s7 =	simm.s32 @p2 $0x1082  }
0x22: {  	[simem:s7], [sflag:s8] =	dma.local @!p0 [hbm:s6], $0xF7A  }
0x23: {  	s9 =	sor.u32 $0xD0000000, s2;
	s6 =	simm.s32 $0x108;
	_ =	swait.ge @!p0 [sflag:s8], $0x0  }
0x24: {  	s3 =	sadd.s32 $0x88, s3;
	s6 =	simm.s32 @!p1 $0x1082;
	[sflag:s4] =	ssyncset.s32 $0xFFFFF086  }
0x25: {  	[simem:s6], [sflag:s4] =	dma.local [hbm:s3], $0xF7A  }
0x26: {  	[smem:$0x3F95] =	sst s1;
	(tag) =	ssettag s2;
	_ =	strace s9  }
0x27: {  	s1 =	sld [smem:$0x3FA5]  }
0x28: {  	s2 =	sld [smem:$0x3FA6]  }
0x29: {  	s4 =	sld [smem:$0x3FA8]  }
0x2a: {  	p0 =	seq.s32 s5, $0x0;
	s5 =	sld [smem:$0x3FA9]  }
0x2b: {  	s6 =	sld [smem:$0x3FAA]  }
0x2c: {  	s7 =	sld [smem:$0x3FAB]  }
0x2d: {  	s3 =	simm.s32 $0x108;
	s8 =	sld [smem:$0x3FAC]  }
0x2e: {  	s3 =	simm.s32 @!p0 $0x1082;
	s9 =	sld [smem:$0x3FAD]  }
0x2f: {  	lr =	sadd.s32 s0, s3;
	s0 =	sld [smem:$0x3FA4]  }
0x30: {  	s3 =	sld [smem:$0x3FA7]  }
0x31: {  	[smem:$0x3FB0] =	sst s10  }
0x32: {  	s10 =	sld [smem:$0x3FAE];
	_ =	sdelay $0x3  }
0x33: {  	p0 =	seq.s32 s10, $0x1;
	s10 =	sld [smem:$0x3FB0];
	_ =	sdelay $0x3  }
0x34: {  	[smem:$0x3FB0] =	sst s10  }
0x35: {  	s10 =	sld [smem:$0x3FAF];
	_ =	sdelay $0x3  }
0x36: {  	p1 =	seq.s32 s10, $0x1;
	s10 =	sld [smem:$0x3FB0];
	_ =	sdelay $0x3  }
0x37: {  	[smem:$0x3FB0] =	sst s10  }
0x38: {  	s10 =	sld [smem:$0x3FB1]  }
0x39: {  	_ = 	snop;
	(pc) =	sbr.ind lr, $3  }
0x3a: {  	_ = 	snop  }
0x3b: {  	_ = 	snop  }
0x3c: {  	p2 =	seq.s32 s10, $0x1;
	s10 =	sld [smem:$0x3FB0]  }
0x3d: {  	_ =	shalt  }
0x3e: {  	_ =	shalt  }
0x3f: {  	_ =	shalt  }
0x40: {  	_ =	shalt  }
0x41: {  	_ =	shalt  }
0x42: {  	_ =	shalt  }
0x43: {  	_ =	shalt  }
0x44: {  	_ =	shalt  }
0x45: {  	_ =	shalt  }
0x46: {  	_ =	shalt  }
0x47: {  	_ =	shalt  }
0x48: {  	_ =	shalt  }
0x49: {  	_ =	shalt  }
0x4a: {  	_ =	shalt  }
0x4b: {  	_ =	shalt  }
0x4c: {  	_ =	shalt  }
0x4d: {  	_ =	shalt  }
0x4e: {  	_ =	shalt  }
0x4f: {  	_ =	shalt  }
0x50: {  	_ =	shalt  }
0x51: {  	_ =	shalt  }
0x52: {  	_ =	shalt  }
0x53: {  	_ =	shalt  }
0x54: {  	_ =	shalt  }
0x55: {  	_ =	shalt  }
0x56: {  	_ =	shalt  }
0x57: {  	_ =	shalt  }
0x58: {  	_ =	shalt  }
0x59: {  	_ =	shalt  }
0x5a: {  	_ =	shalt  }
0x5b: {  	_ =	shalt  }
0x5c: {  	_ =	shalt  }
0x5d: {  	_ =	shalt  }
0x5e: {  	_ =	shalt  }
0x5f: {  	_ =	shalt  }
0x60: {  	_ =	shalt  }
0x61: {  	_ =	shalt  }
0x62: {  	_ =	shalt  }
0x63: {  	_ =	shalt  }
0x64: {  	_ =	shalt  }
0x65: {  	_ =	shalt  }
0x66: {  	_ =	shalt  }
0x67: {  	_ =	shalt  }
0x68: {  	_ =	shalt  }
0x69: {  	_ =	shalt  }
0x6a: {  	_ =	shalt  }
0x6b: {  	_ =	shalt  }
0x6c: {  	_ =	shalt  }
0x6d: {  	_ =	shalt  }
0x6e: {  	_ =	shalt  }
0x6f: {  	_ =	shalt  }
0x70: {  	_ =	shalt  }
0x71: {  	_ =	shalt  }
0x72: {  	_ =	shalt  }
0x73: {  	_ =	shalt  }
0x74: {  	_ =	shalt  }
0x75: {  	_ =	shalt  }
0x76: {  	_ =	shalt  }
0x77: {  	_ =	shalt  }
0x78: {  	_ =	shalt  }
0x79: {  	_ =	shalt  }
0x7a: {  	_ =	shalt  }
0x7b: {  	_ =	shalt  }
0x7c: {  	_ =	shalt  }
0x7d: {  	_ =	shalt  }
0x7e: {  	_ =	shalt  }
0x7f: {  	_ =	shalt  }
0x80: {  	_ =	shalt  }
0x81: {  	_ =	shalt  }
0x82: {  	_ =	shalt  }
0x83: {  	_ =	shalt  }
0x84: {  	_ =	shalt  }
0x85: {  	_ =	shalt  }
0x86: {  	_ =	shalt  }
0x87: {  	_ =	shalt  }
.Lfunc_end0:
.L_simem_size_0:
called_computation.1_lowered:
.L_overlay_start_0:
0x88: {  	s2 =	sld [smem:$0x3FD9]  }
0x89: {  	s3 =	sld [smem:$0x3FFE];
	_ =	sdelay $0x1  }
0x8a: {  	s1 =	srdreg.scid  }
0x8b: {  	s0 =	sand.u32 $0x1, s1  }
0x8c: {  	s17 =	sshll.u32 s0, $0xA;
	s2 =	sadd.s32 s3, s2  }
0x8d: {  	s2 =	sadd.s32 s2, s17  }
0x8e: {  	[smem:$0x3FBC] =	sst s2  }
0x8f: {  	_ = 	snop  }
0x90: {  	(tm) =	ssettm $0x1  }
0x91: {  	s18 =	sld [smem:$0x3FFB];
	_ =	sdelay $0x3  }
0x92: {  	_ =	strace s18  }
0x93: {  	s2 =	sld [smem:$0x3FFC];
	_ =	sdelay $0x3  }
0x94: {  	_ =	strace s2  }
0x95: {  	s2 =	sld [smem:$0x3FFD];
	_ =	sdelay $0x3  }
0x96: {  	_ =	strace s2  }
0x97: {  	_ =	strace $0x8FFFFFFF  }
0x98: {  	s19 =	sld [smem:$0x3FDB];
	_ =	sdelay $0x1  }
0x99: {  	s20 =	simm.s32 $_scs_section_size  }
0x9a: {  	s4 =	simm.s32 $_size__tile_overlayer_lowered;
	s5 =	simm.s32 $_tile_overlayer_lowered  }
0x9b: {  	s6 =	simm.s32 $0x1BFF;
	s21 =	sshll.u32 s5, $0x1;
	s3 =	sadd.s32 s20, s19  }
0x9c: {  	s22 =	simm.s32 $0x0;
	s4 =	sshll.u32 s4, $0x1;
	s5 =	sadd.s32 s21, s3  }
0x9d: {  	[timem:s22], [sflag:s6] =	dma.local [hbm:s5], s4  }
0x9e: {  	_ =	swait.ge [sflag:s6], s4  }
0x9f: {  	s4 =	ssub.s32 $0x0, s4;
	[sflag:s6] =	ssyncset.done $0x0  }
0xa0: {  	[sflag:s6] =	ssyncadd.s32 s4;
	_ =	sdelay $0x1  }
0xa1: {  	s23 =	simm.s32 $0x1B8B  }
0xa2: {  	_ =	swait.ge [sflag:s23], $0x1  }
0xa3: {  	[sflag:s23] =	ssyncset.done $0x0  }
0xa4: {  	[sflag:s23] =	ssyncadd.s32 $0xFFFFFFFF  }
0xa5: {  	s4 =	sld [smem:$0x0]  }
0xa6: {  	s5 =	sand.u32 $0xFFFFFFFE, s1  }
0xa7: {  	p0 =	sne.s32 s1, s5  }
0xa8: {  	s5 =	sshll.u32 @p0 s5, $0xE  }
0xa9: {  	s5 =	sadd.s32 @p0 $0x11B8D, s5;
	s6 =	sshll.u32 @p0 s4, $0x11  }
0xaa: {  	s5 =	sor.u32 @p0 s6, s5  }
0xab: {  	[sflag:s5] =	ssyncadd.remote.s32 @p0 $0x1;
	_ =	sdelay $0x1  }
0xac: {  	s5 =	simm.s32 @p0 $0x1B8D  }
0xad: {  	_ =	swait.eq @p0 [sflag:s5], $0x1  }
0xae: {  	[sflag:s5] =	ssyncadd.s32 @p0 $0xFFFFFFFF  }
0xaf: {  	s6 =	sshll.u32 @!p0 s1, $0xE  }
0xb0: {  	s6 =	sor.u32 @!p0 $0x4000, s6;
	s5 =	simm.s32 @!p0 $0x1B8D  }
0xb1: {  	s4 =	sshll.u32 @!p0 s4, $0x11;
	s6 =	sadd.s32 @!p0 $0x11B8D, s6;
	_ =	swait.eq @!p0 [sflag:s5], $0x1  }
0xb2: {  	s4 =	sor.u32 @!p0 s4, s6;
	[sflag:s5] =	ssyncadd.s32 @!p0 $0xFFFFFFFF  }
0xb3: {  	s25 =	simm.s32 $0x1B8E;
	s24 =	sld [smem:$0x3FFE];
	[sflag:s4] =	ssyncadd.remote.s32 @!p0 $0x1  }
0xb4: {  	s26 =	simm.s32 $execute0_lowered;
	[smem:$0x3FD2] =	sst s25  }
0xb5: {  	s5 =	sshll.u32 s26, $0x1;
	_ =	strace $0x8000004C;
	[dreg:$0x1] =	wrdreg $0xFFFFFFFF  }
0xb6: {  	s28 =	simm.s32 $_size_execute0_lowered;
	s3 =	sadd.s32 s3, s5;
	[dreg:$0x0] =	wrdreg $0x0  }
0xb7: {  	s5 =	sshll.u32 s28, $0x1;
	[dreg:$0x2] =	wrdreg s3  }
0xb8: {  	[dreg:$0x3] =	wrdreg s5  }
0xb9: {  	[dreg:$0x4] =	wrdreg $0xC0  }
0xba: {  	_ =	task [dreg:s22], $0x5FFFF  }
0xbb: {  	[dreg:$0x1] =	wrdreg $0xFFFFFFFF  }
0xbc: {  	[dreg:$0x0] =	wrdreg $0x60  }
0xbd: {  	[dreg:$0x2] =	wrdreg s24  }
0xbe: {  	[dreg:$0x3] =	wrdreg $0x9  }
0xbf: {  	_ =	task.clear_ibuf [dreg:s22], $0x4FFFF;
	_ =	strace $0x9000004C  }
0xc0: {  	s29 =	simm.s32 $0x9;
	_ =	strace $0x8000004E  }
0xc1: {  	_ =	swait.ge [sflag:s29], $0x1  }
0xc2: {  	[sflag:s29] =	ssyncadd.s32 $0xFFFFFFFF  }
0xc3: {  	_ =	strace $0x9000004E  }
0xc4: {  	_ =	sfence  }
0xc5: {  	s30 =	sld [smem:$0x0];
	_ =	sdelay $0x2  }
0xc6: {  	s31 =	sshll.u32 s1, $0xD;
	s1 =	sshrl.u32 s1, $0x2  }
0xc7: {  	s4 =	sand.u32 $0x4000, s31;
	s1 =	sadd.s32 s1, s30  }
0xc8: {  	s0 =	sor.u32 s4, s0;
	s1 =	sshll.u32 s1, $0x11  }
0xc9: {  	s0 =	sor.u32 s1, s0  }
0xca: {  	s0 =	sadd.s32 $0x8F2B, s0  }
0xcb: {  	[sflag:s0] =	ssyncadd.remote.s32 $0x1  }
0xcc: {  	_ =	sfence.sel $0xFFFF  }
0xcd: {  	[dreg:$0x0] =	wrdreg $0xFFFFFFFF;
	(pc) =	sbr.abs _section_cstart, $3  }
0xce: {  	[dreg:$0x1] =	wrdreg $0xFFFFFFFF  }
0xcf: {  	_ =	task.clear_ibuf [dreg:s22], $0x2FFFF;
	_ =	strace $0x9FFFFFFF  }
0xd0: {  	(tm) =	ssettm $0x7FFFFFFF  }
0xd1: {  	_ =	shalt  }
tec
execute0_lowered:
.L_overlay_start_1:
0x0: {  	(tag) =	ssettag $0x1  }
0x1: {  	s1 =	srdreg.scid  }
0x2: {  	s0 =	stileid.u32;
	s4 =	rddreg [dreg:$0x0];
	s2 =	simm.s32 $0x0  }
0x3: {  	s10 =	simm.s32 $0x1;
	s11 =	simm.s32 $0x7700;
	s12 =	simm.s32 $0x2  }
0x4: {  	s3 =	sand.u32 $0x1, s1;
	s5 =	sshll.u32 s0, $0x1;
	s1 =	rddreg [dreg:$0x1]  }
0x5: {  	s13 =	simm.s32 $0x0;
	[smem:$0x7FF] =	sst s2;
	s5 =	sor.u32 s3, s5  }
0x6: {  	_ =	strace $0x8000004D;
	s7 =	ssub.s32 $0x2, s3;
	s6 =	smul.u32 $0x4E2, s5  }
0x7: {  	s3 =	sadd.s32 $0x17200, s4;
	s5 =	smul.u32 $0x500, s5;
	s8 =	sshrl.u32 s7, $0x1  }
0x8: {  	s7 =	ssub.s32 s7, s8;
	s8 =	simm.s32 $0x2780;
	s6 =	sadd.s32 s6, s4  }
0x9: {  	s9 =	sadd.s32 s5, s4;
	s7 =	smax.u32 s7, $0x1;
	s4 =	sadd.s32 $0xD400, s6  }
0xa: {  	v0 =	vimm.f32 $0.0e+00;
	s5 =	sadd.s32 $0x3600, s6;
	s6 =	sadd.s32 $0xAC400, s9;
	s9 =	simm.s32 $0x4F00  }
.LBB2_1:
0xb: {  	[tilespmem:s2], [sflag:$0x1] =	stream.linear.gather [hbm4b:s4+s2], $0x2710, $0x38;
	[tilespmem:$0x9F00] =	vst v63  }
0xc: {  	_ = 	snop  }
0xd: {  	[tilespmem:s8], [sflag:$0x1] =	stream.linear.gather [hbm4b:s5+s2], $0x2710, $0x38;
	[tilespmem:$0x9F00] =	vst v63  }
0xe: {  	s14 =	simm.s32 $0x40;
	s15 =	simm.s32 $0x0  }
0xf: {  	[tilespmem:s9], [sflag:$0x1] =	stream.linear.gather [hbm4b:s3+s2], $0x2800, $0x38;
	[tilespmem:$0x9F00] =	vst v63  }
.LBB2_2:
0x10: {  	p0 =	sne.s32 s14, $0x9FC0;
	[tilespmem:s15+$0x7700] =	vst v0;
	s15 =	smov.u32 s14;
	s14 =	sadd.s32 $0x40, s14  }
.Ltmp0:
0x11: {  	(pc) =	sbr.rel @p0 .LBB2_2-.Ltmp0, $2  }
0x12: {  	_ =	sdelay $0x2  }
0x13: {  	s15 =	sshra.s32 s15, $0x2  }
0x14: {  	[tilespmem:s15+$0x7700] =	vst v0  }
0x15: {  	_ =	swait.ge [sflag:s10], $0x2710  }
0x16: {  	[sflag:s10] =	ssyncset.done $0x0  }
0x17: {  	[sflag:s10] =	ssyncadd.s32 $0xFFFFD8F0  }
0x18: {  	_ =	swait.ge [sflag:s10], $0x2710  }
0x19: {  	[sflag:s10] =	ssyncset.done $0x0  }
0x1a: {  	[sflag:s10] =	ssyncadd.s32 $0xFFFFD8F0  }
0x1b: {  	_ =	swait.ge [sflag:s10], $0x2800  }
0x1c: {  	[sflag:s10] =	ssyncset.done $0x0  }
0x1d: {  	s15 =	simm.s32 $0x0;
	s14 =	simm.s32 $0x40;
	[sflag:s10] =	ssyncadd.s32 $0xFFFFD800  }
.LBB2_4:
0x1e: {  	p0 =	sne.s32 s14, $0x9C00;
	v1 =	vld [tilespmem:s15+$0x2780];
	_ =	sdelay $0x5  }
0x1f: {  	v2 =	vld [tilespmem:s15+$0x0];
	_ =	sdelay $0x1  }
0x20: {  	v1 =	vld.idx.msk [tilespmem:v1+s9+$0x0], $0xffff;
	_ =	sdelay $0x1  }
.Ltmp1:
0x21: {  	(pc) =	sbr.rel @p0 .LBB2_4-.Ltmp1, $2  }
0x22: {  	_ =	sdelay $0x2  }
0x23: {  	s15 =	sshra.s32 s14, $0x2;
	s14 =	sadd.s32 $0x40, s14;
	[tilespmem:v2+s11+$0x0] =	vst.idx.add.f32.msk $0xffff, v1  }
0x24: {  	v1 =	vld [tilespmem:s15+$0x2780];
	_ =	sdelay $0x4  }
0x25: {  	v2 =	vld [tilespmem:s15+$0x0];
	_ =	sdelay $0x2  }
0x26: {  	v1 =	vld.idx.msk [tilespmem:v1+s9+$0x0], $0xffff;
	_ =	sdelay $0x2  }
0x27: {  	s13 =	sadd.s32 $0x1, s13  }
0x28: {  	p0 =	sne.s32 s13, s7  }
.Ltmp2:
0x29: {  	[tilespmem:v2+s11+$0x0] =	vst.idx.add.f32.msk $0xffff, v1;
	(pc) =	sbr.rel @p0 .LBB2_1-.Ltmp2, $4  }
0x2a: {  	[hbm4b:s6+s2] =	stream.linear.scatter [tilespmem:s11], [sflag:$0x2], $0x2800, $0x38;
	[tilespmem:$0x9F00] =	vst v63  }
0x2b: {  	_ =	swait.ge [sflag:s12], $0x2800  }
0x2c: {  	[sflag:s12] =	ssyncset.done $0x0  }
0x2d: {  	[sflag:s12] =	ssyncadd.s32 $0xFFFFD800  }
0x2e: {  	_ =	sfence.sel $0x180000  }
0x2f: {  	[bflag:$0x0] =	sbarrier.arrive $0xFFFF  }
0x30: {  	p0 =	sne.s32 s0, $0x0;
	_ =	strace $0x9000004D  }
0x31: {  	s0 =	sadd.s32 @!p0 $0x100000, s1;
	[bflag:$0x2] =	sbarrier.arrive $0xFFFF  }
0x32: {  	[sflag:s0] =	ssyncadd.tile.s32 @!p0 $0x1;
	_ =	shalt  }
.Lfunc_end2:
_tile_overlayer_lowered:
.L_overlay_start_2:
0x33: {  	(tag) =	ssettag $0x2  }
0x34: {  	s0 =	rddreg [dreg:$0x0];
	s2 =	stileid.u32  }
0x35: {  	s1 =	rddreg [dreg:$0x1];
	p0 =	sne.s32 s2, $0x0  }
0x36: {  	s3 =	rddreg [dreg:$0x2];
	[bflag:$0x3] =	sbarrier.arrive $0xFFFF;
	s2 =	simm.s32 @!p0 $0x1C02  }
0x37: {  	[timem:s3], [sflag:s2] =	dma.local @!p0 [hbm:s0], s1  }
0x38: {  	s0 =	simm.s32 @!p0 $0x2  }
0x39: {  	_ =	swait.ge @!p0 [sflag:s0], s1  }
0x3a: {  	s1 =	ssub.s32 @!p0 $0x0, s1;
	[sflag:s0] =	ssyncset.done @!p0 $0x0  }
0x3b: {  	[sflag:s0] =	ssyncadd.s32 @!p0 s1  }
0x3c: {  	[bflag:$0x3] =	sbarrier.arrive $0xFFFF  }
0x3d: {  	_ =	shalt  }

// kernel: kernel.15.cloned.1.call-start
scs
__scs_entry_jumppad:
0x0: {  	(pc) =	sbr.rel $0x88, $3  }
0x1: {  	(tag) =	ssettag $0x0;
	lr =	simm.s32 $0x1  }
0x2: {  	[smem:$0x3F95] =	sst lr;
	_ =	strace $0xD0000000  }
0x3: {  	_ = 	snop  }
0x4: {  	_ = 	snop  }
0x5: {  	_ = 	snop  }
0x6: {  	_ = 	snop  }
0x7: {  	_ = 	snop  }
__scs_overlays_trampoline_lowered:
0x8: {  	[smem:$0x3FA4] =	sst s0  }
0x9: {  	[smem:$0x3FA5] =	sst s1  }
0xa: {  	[smem:$0x3FA6] =	sst s2  }
0xb: {  	[smem:$0x3FA7] =	sst s3  }
0xc: {  	[smem:$0x3FA8] =	sst s4  }
0xd: {  	[smem:$0x3FA9] =	sst s5  }
0xe: {  	[smem:$0x3FAA] =	sst s6  }
0xf: {  	[smem:$0x3FAB] =	sst s7  }
0x10: {  	[smem:$0x3FAC] =	sst s8  }
0x11: {  	[smem:$0x3FAD] =	sst s9;
	s0 =	simm.s32 @!p0 $0x0  }
0x12: {  	s1 =	sld [smem:$0x3F93];
	s0 =	simm.s32 @p0 $0x1  }
0x13: {  	[smem:$0x3FAE] =	sst s0;
	s0 =	simm.s32 @!p1 $0x0  }
0x14: {  	s2 =	sld [smem:$0x3F92];
	s0 =	simm.s32 @p1 $0x1  }
0x15: {  	[smem:$0x3FAF] =	sst s0;
	s0 =	simm.s32 @!p2 $0x0  }
0x16: {  	s3 =	sld [smem:$0x3FDB];
	s0 =	simm.s32 @p2 $0x1  }
0x17: {  	s4 =	simm.s32 $0x1BF5;
	[smem:$0x3FB1] =	sst s0  }
0x18: {  	s0 =	sld [smem:$0x3F94];
	_ =	swait.ge [sflag:s4], $0x0  }
0x19: {  	s7 =	sld [smem:$0x3F95]  }
0x1a: {  	s8 =	sadd.s32 $0xFFFFE003, lr  }
0x1b: {  	s9 =	sadd.s32 $0xFFFFFEF7, lr;
	s5 =	simm.s32 $0xFFFFFFFF;
	p2 =	slt.u32 s8, $0xFFFFF086  }
0x1c: {  	p1 =	slt.u32 s9, $0xF7A;
	s5 =	simm.s32 @!p2 $0x0  }
0x1d: {  	s5 =	simm.s32 @p1 $0x1;
	p0 =	seq.s32 s7, s2  }
0x1e: {  	s7 =	smul.u32 @!p0 $0xF7A, s2;
	p2 =	seq.s32 @!p0 s5, $0x0  }
0x1f: {  	s9 =	smul.u32 $0xF7A, s1;
	s8 =	simm.s32 @!p0 $0x1BF5;
	p2 =	por !p2, p0  }
0x20: {  	[sflag:s8] =	ssyncset.s32 @!p0 $0xFFFFF086;
	s6 =	sadd.s32 @!p0 s3, s7;
	s7 =	simm.s32 @!p0 $0x108  }
0x21: {  	s3 =	sadd.s32 s3, s9;
	s6 =	sadd.s32 @!p0 $0x88, s6;
	s7 =	simm.s32 @p2 $0x1082  }
0x22: {  	[simem:s7], [sflag:s8] =	dma.local @!p0 [hbm:s6], $0xF7A  }
0x23: {  	s9 =	sor.u32 $0xD0000000, s2;
	s6 =	simm.s32 $0x108;
	_ =	swait.ge @!p0 [sflag:s8], $0x0  }
0x24: {  	s3 =	sadd.s32 $0x88, s3;
	s6 =	simm.s32 @!p1 $0x1082;
	[sflag:s4] =	ssyncset.s32 $0xFFFFF086  }
0x25: {  	[simem:s6], [sflag:s4] =	dma.local [hbm:s3], $0xF7A  }
0x26: {  	[smem:$0x3F95] =	sst s1;
	(tag) =	ssettag s2;
	_ =	strace s9  }
0x27: {  	s1 =	sld [smem:$0x3FA5]  }
0x28: {  	s2 =	sld [smem:$0x3FA6]  }
0x29: {  	s4 =	sld [smem:$0x3FA8]  }
0x2a: {  	p0 =	seq.s32 s5, $0x0;
	s5 =	sld [smem:$0x3FA9]  }
0x2b: {  	s6 =	sld [smem:$0x3FAA]  }
0x2c: {  	s7 =	sld [smem:$0x3FAB]  }
0x2d: {  	s3 =	simm.s32 $0x108;
	s8 =	sld [smem:$0x3FAC]  }
0x2e: {  	s3 =	simm.s32 @!p0 $0x1082;
	s9 =	sld [smem:$0x3FAD]  }
0x2f: {  	lr =	sadd.s32 s0, s3;
	s0 =	sld [smem:$0x3FA4]  }
0x30: {  	s3 =	sld [smem:$0x3FA7]  }
0x31: {  	[smem:$0x3FB0] =	sst s10  }
0x32: {  	s10 =	sld [smem:$0x3FAE];
	_ =	sdelay $0x3  }
0x33: {  	p0 =	seq.s32 s10, $0x1;
	s10 =	sld [smem:$0x3FB0];
	_ =	sdelay $0x3  }
0x34: {  	[smem:$0x3FB0] =	sst s10  }
0x35: {  	s10 =	sld [smem:$0x3FAF];
	_ =	sdelay $0x3  }
0x36: {  	p1 =	seq.s32 s10, $0x1;
	s10 =	sld [smem:$0x3FB0];
	_ =	sdelay $0x3  }
0x37: {  	[smem:$0x3FB0] =	sst s10  }
0x38: {  	s10 =	sld [smem:$0x3FB1]  }
0x39: {  	_ = 	snop;
	(pc) =	sbr.ind lr, $3  }
0x3a: {  	_ = 	snop  }
0x3b: {  	_ = 	snop  }
0x3c: {  	p2 =	seq.s32 s10, $0x1;
	s10 =	sld [smem:$0x3FB0]  }
0x3d: {  	_ =	shalt  }
0x3e: {  	_ =	shalt  }
0x3f: {  	_ =	shalt  }
0x40: {  	_ =	shalt  }
0x41: {  	_ =	shalt  }
0x42: {  	_ =	shalt  }
0x43: {  	_ =	shalt  }
0x44: {  	_ =	shalt  }
0x45: {  	_ =	shalt  }
0x46: {  	_ =	shalt  }
0x47: {  	_ =	shalt  }
0x48: {  	_ =	shalt  }
0x49: {  	_ =	shalt  }
0x4a: {  	_ =	shalt  }
0x4b: {  	_ =	shalt  }
0x4c: {  	_ =	shalt  }
0x4d: {  	_ =	shalt  }
0x4e: {  	_ =	shalt  }
0x4f: {  	_ =	shalt  }
0x50: {  	_ =	shalt  }
0x51: {  	_ =	shalt  }
0x52: {  	_ =	shalt  }
0x53: {  	_ =	shalt  }
0x54: {  	_ =	shalt  }
0x55: {  	_ =	shalt  }
0x56: {  	_ =	shalt  }
0x57: {  	_ =	shalt  }
0x58: {  	_ =	shalt  }
0x59: {  	_ =	shalt  }
0x5a: {  	_ =	shalt  }
0x5b: {  	_ =	shalt  }
0x5c: {  	_ =	shalt  }
0x5d: {  	_ =	shalt  }
0x5e: {  	_ =	shalt  }
0x5f: {  	_ =	shalt  }
0x60: {  	_ =	shalt  }
0x61: {  	_ =	shalt  }
0x62: {  	_ =	shalt  }
0x63: {  	_ =	shalt  }
0x64: {  	_ =	shalt  }
0x65: {  	_ =	shalt  }
0x66: {  	_ =	shalt  }
0x67: {  	_ =	shalt  }
0x68: {  	_ =	shalt  }
0x69: {  	_ =	shalt  }
0x6a: {  	_ =	shalt  }
0x6b: {  	_ =	shalt  }
0x6c: {  	_ =	shalt  }
0x6d: {  	_ =	shalt  }
0x6e: {  	_ =	shalt  }
0x6f: {  	_ =	shalt  }
0x70: {  	_ =	shalt  }
0x71: {  	_ =	shalt  }
0x72: {  	_ =	shalt  }
0x73: {  	_ =	shalt  }
0x74: {  	_ =	shalt  }
0x75: {  	_ =	shalt  }
0x76: {  	_ =	shalt  }
0x77: {  	_ =	shalt  }
0x78: {  	_ =	shalt  }
0x79: {  	_ =	shalt  }
0x7a: {  	_ =	shalt  }
0x7b: {  	_ =	shalt  }
0x7c: {  	_ =	shalt  }
0x7d: {  	_ =	shalt  }
0x7e: {  	_ =	shalt  }
0x7f: {  	_ =	shalt  }
0x80: {  	_ =	shalt  }
0x81: {  	_ =	shalt  }
0x82: {  	_ =	shalt  }
0x83: {  	_ =	shalt  }
0x84: {  	_ =	shalt  }
0x85: {  	_ =	shalt  }
0x86: {  	_ =	shalt  }
0x87: {  	_ =	shalt  }
.Lfunc_end0:
.L_simem_size_0:
called_computation.2_lowered:
.L_overlay_start_0:
0x88: {  	s2 =	sld [smem:$0x3FD9]  }
0x89: {  	s3 =	sld [smem:$0x3FFE];
	_ =	sdelay $0x1  }
0x8a: {  	s1 =	srdreg.scid  }
0x8b: {  	s0 =	sand.u32 $0x1, s1  }
0x8c: {  	s16 =	sshll.u32 s0, $0xA;
	s2 =	sadd.s32 s3, s2  }
0x8d: {  	s2 =	sadd.s32 s2, s16  }
0x8e: {  	[smem:$0x3FBC] =	sst s2  }
0x8f: {  	_ = 	snop  }
0x90: {  	(tm) =	ssettm $0x1  }
0x91: {  	s17 =	sld [smem:$0x3FFB];
	_ =	sdelay $0x3  }
0x92: {  	_ =	strace s17  }
0x93: {  	s2 =	sld [smem:$0x3FFC];
	_ =	sdelay $0x3  }
0x94: {  	_ =	strace s2  }
0x95: {  	s2 =	sld [smem:$0x3FFD];
	_ =	sdelay $0x3  }
0x96: {  	_ =	strace s2  }
0x97: {  	_ =	strace $0x8FFFFFFF  }
0x98: {  	s18 =	sld [smem:$0x3FDB];
	_ =	sdelay $0x1  }
0x99: {  	s19 =	simm.s32 $_scs_section_size  }
0x9a: {  	s4 =	simm.s32 $_size__tile_overlayer_lowered;
	s5 =	simm.s32 $_tile_overlayer_lowered  }
0x9b: {  	s22 =	simm.s32 $0x1BFF;
	s21 =	sshll.u32 s5, $0x1;
	s2 =	sadd.s32 s19, s18  }
0x9c: {  	s6 =	simm.s32 $0x0;
	s20 =	sshll.u32 s4, $0x1;
	s4 =	sadd.s32 s21, s2  }
0x9d: {  	[timem:s6], [sflag:s22] =	dma.local [hbm:s4], s20  }
0x9e: {  	_ =	swait.ge [sflag:s22], s20  }
0x9f: {  	s3 =	ssub.s32 $0x0, s20;
	[sflag:s22] =	ssyncset.done $0x0  }
0xa0: {  	[sflag:s22] =	ssyncadd.s32 s3;
	_ =	sdelay $0x1  }
0xa1: {  	s23 =	simm.s32 $0x1B8B  }
0xa2: {  	_ =	swait.ge [sflag:s23], $0x1  }
0xa3: {  	[sflag:s23] =	ssyncset.done $0x0  }
0xa4: {  	s25 =	simm.s32 $0x1B8E;
	s24 =	sld [smem:$0x3FFE];
	[sflag:s23] =	ssyncadd.s32 $0xFFFFFFFF  }
0xa5: {  	s26 =	simm.s32 $execute0_lowered;
	[smem:$0x3FD2] =	sst s25  }
0xa6: {  	s4 =	sshll.u32 s26, $0x1;
	_ =	strace $0x80000049;
	[dreg:$0x1] =	wrdreg $0xFFFFFFFF  }
0xa7: {  	s28 =	simm.s32 $_size_execute0_lowered;
	s2 =	sadd.s32 s2, s4;
	[dreg:$0x0] =	wrdreg $0x0  }
0xa8: {  	s4 =	sshll.u32 s28, $0x1;
	[dreg:$0x2] =	wrdreg s2  }
0xa9: {  	[dreg:$0x3] =	wrdreg s4  }
0xaa: {  	[dreg:$0x4] =	wrdreg $0xC0  }
0xab: {  	_ =	task [dreg:s6], $0x5FFFF  }
0xac: {  	[dreg:$0x1] =	wrdreg $0xFFFFFFFF  }
0xad: {  	[dreg:$0x0] =	wrdreg $0x60  }
0xae: {  	[dreg:$0x2] =	wrdreg s24  }
0xaf: {  	[dreg:$0x3] =	wrdreg $0xAA000  }
0xb0: {  	[dreg:$0x4] =	wrdreg $0xA  }
0xb1: {  	_ =	task.clear_ibuf [dreg:s6], $0x5FFFF;
	_ =	strace $0x90000049  }
0xb2: {  	s29 =	simm.s32 $0xA;
	_ =	strace $0x8000004B  }
0xb3: {  	_ =	swait.ge [sflag:s29], $0x1  }
0xb4: {  	[sflag:s29] =	ssyncadd.s32 $0xFFFFFFFF  }
0xb5: {  	_ =	strace $0x9000004B  }
0xb6: {  	_ =	sfence  }
0xb7: {  	s30 =	sld [smem:$0x0];
	_ =	sdelay $0x2  }
0xb8: {  	s31 =	sshll.u32 s1, $0xD;
	s1 =	sshrl.u32 s1, $0x2  }
0xb9: {  	s3 =	sand.u32 $0x4000, s31;
	s1 =	sadd.s32 s1, s30  }
0xba: {  	s0 =	sor.u32 s3, s0;
	s1 =	sshll.u32 s1, $0x11  }
0xbb: {  	s0 =	sor.u32 s1, s0  }
0xbc: {  	s0 =	sadd.s32 $0x8F2B, s0  }
0xbd: {  	[sflag:s0] =	ssyncadd.remote.s32 $0x1  }
0xbe: {  	_ =	sfence.sel $0xFFFF  }
0xbf: {  	[dreg:$0x0] =	wrdreg $0xFFFFFFFF;
	(pc) =	sbr.abs _section_cstart, $3  }
0xc0: {  	[dreg:$0x1] =	wrdreg $0xFFFFFFFF  }
0xc1: {  	_ =	task.clear_ibuf [dreg:s6], $0x2FFFF;
	_ =	strace $0x9FFFFFFF  }
0xc2: {  	(tm) =	ssettm $0x7FFFFFFF  }
0xc3: {  	_ =	shalt  }
tec
execute0_lowered:
.L_overlay_start_1:
0x0: {  	(tag) =	ssettag $0x1  }
0x1: {  	s0 =	srdreg.scid;
	s1 =	rddreg [dreg:$0x0]  }
0x2: {  	s12 =	stileid.u32;
	s2 =	rddreg [dreg:$0x1]  }
0x3: {  	s0 =	sand.u32 $0x1, s0;
	s3 =	sshll.u32 s12, $0x1;
	s8 =	smul.u32 $0x14000, s12  }
0x4: {  	s9 =	sadd.s32 $0x21200, s1;
	s11 =	smul.u32 $0x50000, s12;
	s5 =	sor.u32 s0, s3  }
0x5: {  	s3 =	simm.s32 $0x0;
	s7 =	smul.u32 $0x140000, s0;
	s26 =	ssub.s32 $0x2, s0  }
0x6: {  	s6 =	smul.u32 $0x500, s5;
	[smem:$0x7FF] =	sst s3;
	s10 =	sshrl.u32 s26, $0x1  }
0x7: {  	s5 =	smul.u32 $0x2800, s5;
	s7 =	sadd.s32 s8, s7;
	s8 =	ssub.s32 s26, s10  }
0x8: {  	_ =	strace $0x8000004A;
	s6 =	sadd.s32 s6, s1;
	s20 =	smax.u32 s8, $0x1  }
0x9: {  	s5 =	sshrl.u32 s5, $0x3;
	s6 =	sadd.s32 $0x2B200, s6;
	[dreg:$0xc] =	wrdreg s20  }
0xa: {  	s10 =	sshrl.u32 s11, $0x2;
	s11 =	sadd.s32 s9, s5;
	[dreg:$0x3] =	wrdreg s6  }
0xb: {  	s5 =	sadd.s32 $0x10, s11;
	[dreg:$0x4] =	wrdreg s11  }
0xc: {  	s14 =	sadd.s32 $0x20, s11;
	[dreg:$0x5] =	wrdreg s5  }
0xd: {  	s28 =	simm.s32 $0x2;
	s15 =	sadd.s32 $0x30, s11;
	[dreg:$0x6] =	wrdreg s14  }
0xe: {  	s4 =	sadd.s32 $0x35200, s1;
	s16 =	sadd.s32 $0x40, s11;
	[dreg:$0x7] =	wrdreg s15  }
0xf: {  	s7 =	sshrl.u32 s7, $0x3;
	s17 =	sadd.s32 $0x50, s11;
	[dreg:$0x8] =	wrdreg s16  }
0x10: {  	s1 =	sadd.s32 s7, s1;
	s18 =	sadd.s32 $0x4E0, s11;
	[dreg:$0x9] =	wrdreg s17  }
0x11: {  	s7 =	sadd.s32 s10, s2;
	s19 =	sadd.s32 $0x4F0, s11;
	[dreg:$0xa] =	wrdreg s18  }
0x12: {  	s29 =	simm.s32 $0x6A00;
	s21 =	sadd.s32 $0x2000, s7;
	[dreg:$0xb] =	wrdreg s19  }
0x13: {  	s13 =	smul.u32 $0x5000, s12;
	s23 =	sadd.s32 $0x3000, s7;
	[dreg:$0xd] =	wrdreg s21  }
0x14: {  	s0 =	smul.u32 $0x2800, s0;
	s24 =	sadd.s32 $0x4000, s7;
	[dreg:$0xe] =	wrdreg s23  }
0x15: {  	s30 =	simm.s32 $0x180;
	s8 =	sadd.s32 $0x6000, s7;
	[dreg:$0xf] =	wrdreg s24  }
0x16: {  	s0 =	sadd.s32 s0, s13;
	s10 =	sadd.s32 $0x8000, s7;
	[dreg:$0x12] =	wrdreg s8  }
0x17: {  	s22 =	sor.u32 $0x480, s0;
	s11 =	sadd.s32 $0x9000, s7;
	[dreg:$0x14] =	wrdreg s10  }
0x18: {  	s26 =	sor.u32 $0x380, s0;
	s13 =	sadd.s32 $0xA000, s7;
	[dreg:$0x15] =	wrdreg s11  }
0x19: {  	s6 =	sshrl.u32 s26, $0x3;
	s20 =	sadd.s32 $0x11000, s7;
	[dreg:$0x16] =	wrdreg s13  }
0x1a: {  	s26 =	sadd.s32 $0x13000, s7;
	s5 =	sshrl.u32 s22, $0x3;
	[dreg:$0x1d] =	wrdreg s20  }
0x1b: {  	s22 =	sadd.s32 s6, s9;
	s6 =	sadd.s32 $0x5000, s7;
	[dreg:$0x1f] =	wrdreg s26  }
0x1c: {  	s31 =	simm.s32 $0x7;
	s14 =	sadd.s32 $0xB000, s7;
	[dreg:$0x11] =	wrdreg s6  }
0x1d: {  	s25 =	sor.u32 $0x400, s0;
	s15 =	sadd.s32 $0xC000, s7;
	[dreg:$0x17] =	wrdreg s14  }
0x1e: {  	s0 =	sor.u32 $0x300, s0;
	s16 =	sadd.s32 $0xD000, s7;
	[dreg:$0x18] =	wrdreg s15  }
0x1f: {  	s0 =	sshrl.u32 s0, $0x3;
	s17 =	sadd.s32 $0xE000, s7;
	[dreg:$0x19] =	wrdreg s16  }
0x20: {  	s12 =	sadd.s32 $0x1000, s7;
	s18 =	sadd.s32 $0xF000, s7;
	[dreg:$0x1a] =	wrdreg s17  }
0x21: {  	s23 =	sadd.s32 s0, s9;
	s19 =	sadd.s32 $0x10000, s7;
	[dreg:$0x1b] =	wrdreg s18  }
0x22: {  	s24 =	sadd.s32 $0x12000, s7;
	s26 =	simm.s32 $0x100;
	[dreg:$0x1c] =	wrdreg s19  }
0x23: {  	s0 =	simm.s32 $0x4;
	s5 =	sadd.s32 s5, s9;
	[dreg:$0x1e] =	wrdreg s24  }
0x24: {  	s15 =	simm.s32 $0x2A00;
	s17 =	simm.s32 $0x6;
	s18 =	simm.s32 $0x5  }
0x25: {  	s19 =	simm.s32 $0x80;
	s24 =	simm.s32 $0x1;
	s14 =	simm.s32 $0x8  }
0x26: {  	[dreg:$0x10] =	wrdreg s5;
	s5 =	sshrl.u32 s25, $0x3;
	s25 =	sadd.s32 $0x5C400, s1  }
0x27: {  	s1 =	simm.s32 $0x3;
	s21 =	sadd.s32 s5, s9;
	s9 =	sadd.s32 $0x7000, s7  }
0x28: {  	v0 =	vimm.f32 $0.0e+00;
	s5 =	simm.s32 $0x0;
	[dreg:$0x13] =	wrdreg s9;
	s9 =	simm.s32 $0x200  }
.LBB2_1:
0x29: {  	s6 =	rddreg [dreg:$0x3]  }
0x2a: {  	[tilespmem:s9], [sflag:$0x5] =	stream.linear.gather [hbm4b:s6+s3], $0x2800, $0x38;
	[tilespmem:$0x1EA00] =	vst v63  }
0x2b: {  	s8 =	simm.s32 $0x200;
	s6 =	simm.s32 $0x0  }
.LBB2_2:
0x2c: {  	p0 =	sne.s32 s8, $0x3E00;
	[tilespmem:s6+$0x2A70] =	vst v0  }
0x2d: {  	[tilespmem:s6+$0x2A00] =	vst v0  }
0x2e: {  	[tilespmem:s6+$0x2A10] =	vst v0  }
.Ltmp0:
0x2f: {  	[tilespmem:s6+$0x2A20] =	vst v0;
	(pc) =	sbr.rel @p0 .LBB2_2-.Ltmp0, $4  }
0x30: {  	[tilespmem:s6+$0x2A30] =	vst v0  }
0x31: {  	[tilespmem:s6+$0x2A40] =	vst v0  }
0x32: {  	[tilespmem:s6+$0x2A50] =	vst v0  }
0x33: {  	[tilespmem:s6+$0x2A60] =	vst v0;
	s6 =	sshra.s32 s8, $0x2;
	s8 =	sadd.s32 $0x200, s8  }
0x34: {  	[tilespmem:s6+$0x2A70] =	vst v0  }
0x35: {  	[tilespmem:s6+$0x2A00] =	vst v0  }
0x36: {  	[tilespmem:s6+$0x2A10] =	vst v0  }
0x37: {  	[tilespmem:s6+$0x2A20] =	vst v0  }
0x38: {  	[tilespmem:s6+$0x2A30] =	vst v0  }
0x39: {  	[tilespmem:s6+$0x2A40] =	vst v0  }
0x3a: {  	[tilespmem:s6+$0x2A50] =	vst v0  }
0x3b: {  	[tilespmem:s6+$0x2A60] =	vst v0  }
0x3c: {  	[spmem:s7] =	stream.linear.scatter [tilespmem:s15], [sflag:$0x6], $0x1000, $0x38;
	[tilespmem:$0x1EA00] =	vst v63  }
0x3d: {  	_ = 	snop  }
0x3e: {  	[spmem:s12] =	stream.linear.scatter [tilespmem:s15], [sflag:$0x6], $0x1000, $0x38;
	[tilespmem:$0x1EA00] =	vst v63  }
0x3f: {  	s10 =	rddreg [dreg:$0xd]  }
0x40: {  	[spmem:s10] =	stream.linear.scatter [tilespmem:s15], [sflag:$0x6], $0x1000, $0x38;
	[tilespmem:$0x1EA00] =	vst v63  }
0x41: {  	s11 =	rddreg [dreg:$0xe]  }
0x42: {  	[spmem:s11] =	stream.linear.scatter [tilespmem:s15], [sflag:$0x6], $0x1000, $0x38;
	[tilespmem:$0x1EA00] =	vst v63  }
0x43: {  	s13 =	smov.u32 s12;
	s12 =	rddreg [dreg:$0xf]  }
0x44: {  	[spmem:s12] =	stream.linear.scatter [tilespmem:s15], [sflag:$0x6], $0x1000, $0x38;
	[tilespmem:$0x1EA00] =	vst v63  }
0x45: {  	s16 =	rddreg [dreg:$0x11]  }
0x46: {  	[spmem:s16] =	stream.linear.scatter [tilespmem:s15], [sflag:$0x6], $0x1000, $0x38;
	[tilespmem:$0x1EA00] =	vst v63  }
0x47: {  	s20 =	rddreg [dreg:$0x12]  }
0x48: {  	[spmem:s20] =	stream.linear.scatter [tilespmem:s15], [sflag:$0x6], $0x1000, $0x38;
	[tilespmem:$0x1EA00] =	vst v63  }
0x49: {  	s8 =	rddreg [dreg:$0x13]  }
0x4a: {  	[spmem:s8] =	stream.linear.scatter [tilespmem:s15], [sflag:$0x6], $0x1000, $0x38;
	[tilespmem:$0x1EA00] =	vst v63  }
0x4b: {  	s10 =	rddreg [dreg:$0x14]  }
0x4c: {  	[spmem:s10] =	stream.linear.scatter [tilespmem:s15], [sflag:$0x6], $0x1000, $0x38;
	[tilespmem:$0x1EA00] =	vst v63  }
0x4d: {  	s11 =	rddreg [dreg:$0x15]  }
0x4e: {  	[spmem:s11] =	stream.linear.scatter [tilespmem:s15], [sflag:$0x6], $0x1000, $0x38;
	[tilespmem:$0x1EA00] =	vst v63  }
0x4f: {  	s12 =	rddreg [dreg:$0x16]  }
0x50: {  	[spmem:s12] =	stream.linear.scatter [tilespmem:s15], [sflag:$0x6], $0x1000, $0x38;
	[tilespmem:$0x1EA00] =	vst v63  }
0x51: {  	s16 =	rddreg [dreg:$0x17]  }
0x52: {  	[spmem:s16] =	stream.linear.scatter [tilespmem:s15], [sflag:$0x6], $0x1000, $0x38;
	[tilespmem:$0x1EA00] =	vst v63  }
0x53: {  	s20 =	rddreg [dreg:$0x18]  }
0x54: {  	[spmem:s20] =	stream.linear.scatter [tilespmem:s15], [sflag:$0x6], $0x1000, $0x38;
	[tilespmem:$0x1EA00] =	vst v63  }
0x55: {  	s8 =	rddreg [dreg:$0x19]  }
0x56: {  	[spmem:s8] =	stream.linear.scatter [tilespmem:s15], [sflag:$0x6], $0x1000, $0x38;
	[tilespmem:$0x1EA00] =	vst v63  }
0x57: {  	s10 =	rddreg [dreg:$0x1a]  }
0x58: {  	[spmem:s10] =	stream.linear.scatter [tilespmem:s15], [sflag:$0x6], $0x1000, $0x38;
	[tilespmem:$0x1EA00] =	vst v63  }
0x59: {  	s11 =	rddreg [dreg:$0x1b]  }
0x5a: {  	[spmem:s11] =	stream.linear.scatter [tilespmem:s15], [sflag:$0x6], $0x1000, $0x38;
	[tilespmem:$0x1EA00] =	vst v63  }
0x5b: {  	s12 =	rddreg [dreg:$0x1c]  }
0x5c: {  	[spmem:s12] =	stream.linear.scatter [tilespmem:s15], [sflag:$0x6], $0x1000, $0x38;
	[tilespmem:$0x1EA00] =	vst v63  }
0x5d: {  	s16 =	rddreg [dreg:$0x1d]  }
0x5e: {  	[spmem:s16] =	stream.linear.scatter [tilespmem:s15], [sflag:$0x6], $0x1000, $0x38;
	[tilespmem:$0x1EA00] =	vst v63  }
0x5f: {  	s20 =	rddreg [dreg:$0x1e]  }
0x60: {  	[spmem:s20] =	stream.linear.scatter [tilespmem:s15], [sflag:$0x6], $0x1000, $0x38;
	[tilespmem:$0x1EA00] =	vst v63  }
0x61: {  	s8 =	rddreg [dreg:$0x1f]  }
0x62: {  	[spmem:s8] =	stream.linear.scatter [tilespmem:s15], [sflag:$0x6], $0x1000, $0x38;
	[tilespmem:$0x1EA00] =	vst v63  }
0x63: {  	_ =	swait.ge [sflag:s17], $0x1000  }
0x64: {  	[sflag:s17] =	ssyncset.done $0x0  }
0x65: {  	[sflag:s17] =	ssyncadd.s32 $0xFFFFF000  }
0x66: {  	_ =	swait.ge [sflag:s17], $0x1000  }
0x67: {  	[sflag:s17] =	ssyncset.done $0x0  }
0x68: {  	[sflag:s17] =	ssyncadd.s32 $0xFFFFF000  }
0x69: {  	_ =	swait.ge [sflag:s17], $0x1000  }
0x6a: {  	[sflag:s17] =	ssyncset.done $0x0  }
0x6b: {  	[sflag:s17] =	ssyncadd.s32 $0xFFFFF000  }
0x6c: {  	_ =	swait.ge [sflag:s17], $0x1000  }
0x6d: {  	[sflag:s17] =	ssyncset.done $0x0  }
0x6e: {  	[sflag:s17] =	ssyncadd.s32 $0xFFFFF000  }
0x6f: {  	_ =	swait.ge [sflag:s17], $0x1000  }
0x70: {  	[sflag:s17] =	ssyncset.done $0x0  }
0x71: {  	[sflag:s17] =	ssyncadd.s32 $0xFFFFF000  }
0x72: {  	_ =	swait.ge [sflag:s17], $0x1000  }
0x73: {  	[sflag:s17] =	ssyncset.done $0x0  }
0x74: {  	[sflag:s17] =	ssyncadd.s32 $0xFFFFF000  }
0x75: {  	_ =	swait.ge [sflag:s17], $0x1000  }
0x76: {  	[sflag:s17] =	ssyncset.done $0x0  }
0x77: {  	[sflag:s17] =	ssyncadd.s32 $0xFFFFF000  }
0x78: {  	_ =	swait.ge [sflag:s17], $0x1000  }
0x79: {  	[sflag:s17] =	ssyncset.done $0x0  }
0x7a: {  	[sflag:s17] =	ssyncadd.s32 $0xFFFFF000  }
0x7b: {  	_ =	swait.ge [sflag:s17], $0x1000  }
0x7c: {  	[sflag:s17] =	ssyncset.done $0x0  }
0x7d: {  	[sflag:s17] =	ssyncadd.s32 $0xFFFFF000  }
0x7e: {  	_ =	swait.ge [sflag:s17], $0x1000  }
0x7f: {  	[sflag:s17] =	ssyncset.done $0x0  }
0x80: {  	[sflag:s17] =	ssyncadd.s32 $0xFFFFF000  }
0x81: {  	_ =	swait.ge [sflag:s17], $0x1000  }
0x82: {  	[sflag:s17] =	ssyncset.done $0x0  }
0x83: {  	[sflag:s17] =	ssyncadd.s32 $0xFFFFF000  }
0x84: {  	_ =	swait.ge [sflag:s17], $0x1000  }
0x85: {  	[sflag:s17] =	ssyncset.done $0x0  }
0x86: {  	[sflag:s17] =	ssyncadd.s32 $0xFFFFF000  }
0x87: {  	_ =	swait.ge [sflag:s17], $0x1000  }
0x88: {  	[sflag:s17] =	ssyncset.done $0x0  }
0x89: {  	[sflag:s17] =	ssyncadd.s32 $0xFFFFF000  }
0x8a: {  	_ =	swait.ge [sflag:s17], $0x1000  }
0x8b: {  	[sflag:s17] =	ssyncset.done $0x0  }
0x8c: {  	[sflag:s17] =	ssyncadd.s32 $0xFFFFF000  }
0x8d: {  	_ =	swait.ge [sflag:s17], $0x1000  }
0x8e: {  	[sflag:s17] =	ssyncset.done $0x0  }
0x8f: {  	[sflag:s17] =	ssyncadd.s32 $0xFFFFF000  }
0x90: {  	_ =	swait.ge [sflag:s17], $0x1000  }
0x91: {  	[sflag:s17] =	ssyncset.done $0x0  }
0x92: {  	[sflag:s17] =	ssyncadd.s32 $0xFFFFF000  }
0x93: {  	_ =	swait.ge [sflag:s17], $0x1000  }
0x94: {  	[sflag:s17] =	ssyncset.done $0x0  }
0x95: {  	[sflag:s17] =	ssyncadd.s32 $0xFFFFF000  }
0x96: {  	_ =	swait.ge [sflag:s17], $0x1000  }
0x97: {  	[sflag:s17] =	ssyncset.done $0x0  }
0x98: {  	[sflag:s17] =	ssyncadd.s32 $0xFFFFF000  }
0x99: {  	_ =	swait.ge [sflag:s17], $0x1000  }
0x9a: {  	[sflag:s17] =	ssyncset.done $0x0  }
0x9b: {  	[sflag:s17] =	ssyncadd.s32 $0xFFFFF000  }
0x9c: {  	_ =	swait.ge [sflag:s17], $0x1000  }
0x9d: {  	[sflag:s17] =	ssyncset.done $0x0  }
0x9e: {  	[sflag:s17] =	ssyncadd.s32 $0xFFFFF000  }
0x9f: {  	_ =	swait.ge [sflag:s18], $0x2800  }
0xa0: {  	[sflag:s18] =	ssyncset.done $0x0  }
0xa1: {  	[sflag:s18] =	ssyncadd.s32 $0xFFFFD800  }
0xa2: {  	[bflag:$0x0] =	sbarrier.arrive $0xFFFF  }
0xa3: {  	s6 =	simm.s32 $0x0;
	s8 =	rddreg [dreg:$0x4]  }
0xa4: {  	[tilespmem:s6], [sflag:$0x1] =	stream.linear.gather [hbm4b:s8+s6], $0x80, $0x38;
	[tilespmem:$0x1EA00] =	vst v63  }
0xa5: {  	s10 =	rddreg [dreg:$0x5]  }
0xa6: {  	[tilespmem:s19], [sflag:$0x2] =	stream.linear.gather [hbm4b:s10+s6], $0x80, $0x38;
	[tilespmem:$0x1EA00] =	vst v63  }
0xa7: {  	_ =	swait.ge [sflag:s24], $0x80  }
0xa8: {  	[sflag:s24] =	ssyncset.done $0x0  }
0xa9: {  	[sflag:s24] =	ssyncadd.s32 $0xFFFFFF80  }
0xaa: {  	[tilespmem:s15], [sflag:$0x5] =	stream.indirect.gather [hbm4b:s4+s19], $0x80, s6, s19, $0xb8;
	[tilespmem:$0x1EA00] =	vst v63  }
0xab: {  	s11 =	rddreg [dreg:$0x6]  }
0xac: {  	[tilespmem:s26], [sflag:$0x3] =	stream.linear.gather [hbm4b:s11+s6], $0x80, $0x38;
	[tilespmem:$0x1EA00] =	vst v63  }
0xad: {  	_ =	swait.ge [sflag:s28], $0x80  }
0xae: {  	[sflag:s28] =	ssyncset.done $0x0  }
0xaf: {  	[sflag:s28] =	ssyncadd.s32 $0xFFFFFF80  }
0xb0: {  	_ =	swait.ge [sflag:s18], $0x4000  }
0xb1: {  	[sflag:s18] =	ssyncset.done $0x0  }
0xb2: {  	[sflag:s18] =	ssyncadd.s32 $0xFFFFC000  }
0xb3: {  	[spmem:s2] =	stream.indirect.scatter.add.f32 [tilespmem:s15], [sflag:$0x7], $0x80, s9, s19, $0xb8;
	[tilespmem:$0x1EA00] =	vst v63  }
0xb4: {  	_ = 	snop  }
0xb5: {  	[tilespmem:s29], [sflag:$0x6] =	stream.indirect.gather [hbm4b:s4+s19], $0x80, s19, s19, $0xb8;
	[tilespmem:$0x1EA00] =	vst v63  }
0xb6: {  	s12 =	rddreg [dreg:$0x7]  }
0xb7: {  	[tilespmem:s30], [sflag:$0x4] =	stream.linear.gather [hbm4b:s12+s6], $0x80, $0x38;
	[tilespmem:$0x1EA00] =	vst v63  }
0xb8: {  	_ =	swait.ge [sflag:s31], $0x4000  }
0xb9: {  	[sflag:s31] =	ssyncset.done $0x0  }
0xba: {  	[sflag:s31] =	ssyncadd.s32 $0xFFFFC000  }
0xbb: {  	_ =	swait.ge [sflag:s1], $0x80  }
0xbc: {  	[sflag:s1] =	ssyncset.done $0x0  }
0xbd: {  	[sflag:s1] =	ssyncadd.s32 $0xFFFFFF80  }
0xbe: {  	_ =	swait.ge [sflag:s17], $0x4000  }
0xbf: {  	[sflag:s17] =	ssyncset.done $0x0  }
0xc0: {  	s16 =	simm.s32 $0x280;
	[sflag:s17] =	ssyncadd.s32 $0xFFFFC000  }
0xc1: {  	[spmem:s2] =	stream.indirect.scatter.add.f32 [tilespmem:s29], [sflag:$0x8], $0x80, s16, s19, $0xb8;
	[tilespmem:$0x1EA00] =	vst v63  }
0xc2: {  	_ = 	snop  }
0xc3: {  	[tilespmem:s15], [sflag:$0x5] =	stream.indirect.gather [hbm4b:s4+s19], $0x80, s26, s19, $0xb8;
	[tilespmem:$0x1EA00] =	vst v63  }
0xc4: {  	s20 =	rddreg [dreg:$0x8]  }
0xc5: {  	[tilespmem:s6], [sflag:$0x1] =	stream.linear.gather [hbm4b:s20+s6], $0x80, $0x38;
	[tilespmem:$0x1EA00] =	vst v63  }
0xc6: {  	_ =	swait.ge [sflag:s14], $0x4000  }
0xc7: {  	[sflag:s14] =	ssyncset.done $0x0  }
0xc8: {  	[sflag:s14] =	ssyncadd.s32 $0xFFFFC000  }
0xc9: {  	_ =	swait.ge [sflag:s0], $0x80  }
0xca: {  	[sflag:s0] =	ssyncset.done $0x0  }
0xcb: {  	[sflag:s0] =	ssyncadd.s32 $0xFFFFFF80  }
0xcc: {  	_ =	swait.ge [sflag:s18], $0x4000  }
0xcd: {  	[sflag:s18] =	ssyncset.done $0x0  }
0xce: {  	s9 =	simm.s32 $0x300;
	[sflag:s18] =	ssyncadd.s32 $0xFFFFC000  }
0xcf: {  	[spmem:s2] =	stream.indirect.scatter.add.f32 [tilespmem:s15], [sflag:$0x7], $0x80, s9, s19, $0xb8;
	[tilespmem:$0x1EA00] =	vst v63  }
0xd0: {  	_ = 	snop  }
0xd1: {  	[tilespmem:s29], [sflag:$0x6] =	stream.indirect.gather [hbm4b:s4+s19], $0x80, s30, s19, $0xb8;
	[tilespmem:$0x1EA00] =	vst v63  }
0xd2: {  	s10 =	rddreg [dreg:$0x9]  }
0xd3: {  	[tilespmem:s19], [sflag:$0x2] =	stream.linear.gather [hbm4b:s10+s6], $0x80, $0x38;
	[tilespmem:$0x1EA00] =	vst v63  }
0xd4: {  	_ =	swait.ge [sflag:s31], $0x4000  }
0xd5: {  	[sflag:s31] =	ssyncset.done $0x0  }
0xd6: {  	[sflag:s31] =	ssyncadd.s32 $0xFFFFC000  }
0xd7: {  	_ =	swait.ge [sflag:s24], $0x80  }
0xd8: {  	[sflag:s24] =	ssyncset.done $0x0  }
0xd9: {  	[sflag:s24] =	ssyncadd.s32 $0xFFFFFF80  }
0xda: {  	_ =	swait.ge [sflag:s17], $0x4000  }
0xdb: {  	[sflag:s17] =	ssyncset.done $0x0  }
0xdc: {  	s11 =	simm.s32 $0x380;
	[sflag:s17] =	ssyncadd.s32 $0xFFFFC000  }
0xdd: {  	[spmem:s2] =	stream.indirect.scatter.add.f32 [tilespmem:s29], [sflag:$0x8], $0x80, s11, s19, $0xb8;
	[tilespmem:$0x1EA00] =	vst v63  }
0xde: {  	_ = 	snop  }
0xdf: {  	[tilespmem:s15], [sflag:$0x5] =	stream.indirect.gather [hbm4b:s4+s19], $0x80, s3, s19, $0xb8;
	[tilespmem:$0x1EA00] =	vst v63  }
0xe0: {  	_ = 	snop  }
0xe1: {  	[tilespmem:s26], [sflag:$0x3] =	stream.linear.gather [hbm4b:s23+s3], $0x80, $0x38;
	[tilespmem:$0x1EA00] =	vst v63  }
0xe2: {  	_ =	swait.ge [sflag:s14], $0x4000  }
0xe3: {  	[sflag:s14] =	ssyncset.done $0x0  }
0xe4: {  	[sflag:s14] =	ssyncadd.s32 $0xFFFFC000  }
0xe5: {  	_ =	swait.ge [sflag:s28], $0x80  }
0xe6: {  	[sflag:s28] =	ssyncset.done $0x0  }
0xe7: {  	[sflag:s28] =	ssyncadd.s32 $0xFFFFFF80  }
0xe8: {  	_ =	swait.ge [sflag:s18], $0x4000  }
0xe9: {  	[sflag:s18] =	ssyncset.done $0x0  }
0xea: {  	s12 =	simm.s32 $0x400;
	[sflag:s18] =	ssyncadd.s32 $0xFFFFC000  }
0xeb: {  	[spmem:s2] =	stream.indirect.scatter.add.f32 [tilespmem:s15], [sflag:$0x7], $0x80, s12, s19, $0xb8;
	[tilespmem:$0x1EA00] =	vst v63  }
0xec: {  	_ = 	snop  }
0xed: {  	[tilespmem:s29], [sflag:$0x6] =	stream.indirect.gather [hbm4b:s4+s19], $0x80, s19, s19, $0xb8;
	[tilespmem:$0x1EA00] =	vst v63  }
0xee: {  	_ = 	snop  }
0xef: {  	[tilespmem:s30], [sflag:$0x4] =	stream.linear.gather [hbm4b:s22+s3], $0x80, $0x38;
	[tilespmem:$0x1EA00] =	vst v63  }
0xf0: {  	_ =	swait.ge [sflag:s31], $0x4000  }
0xf1: {  	[sflag:s31] =	ssyncset.done $0x0  }
0xf2: {  	[sflag:s31] =	ssyncadd.s32 $0xFFFFC000  }
0xf3: {  	_ =	swait.ge [sflag:s1], $0x80  }
0xf4: {  	[sflag:s1] =	ssyncset.done $0x0  }
0xf5: {  	[sflag:s1] =	ssyncadd.s32 $0xFFFFFF80  }
0xf6: {  	_ =	swait.ge [sflag:s17], $0x4000  }
0xf7: {  	[sflag:s17] =	ssyncset.done $0x0  }
0xf8: {  	s16 =	simm.s32 $0x480;
	[sflag:s17] =	ssyncadd.s32 $0xFFFFC000  }
0xf9: {  	[spmem:s2] =	stream.indirect.scatter.add.f32 [tilespmem:s29], [sflag:$0x8], $0x80, s16, s19, $0xb8;
	[tilespmem:$0x1EA00] =	vst v63  }
0xfa: {  	_ = 	snop  }
0xfb: {  	[tilespmem:s15], [sflag:$0x5] =	stream.indirect.gather [hbm4b:s4+s19], $0x80, s26, s19, $0xb8;
	[tilespmem:$0x1EA00] =	vst v63  }
0xfc: {  	_ = 	snop  }
0xfd: {  	[tilespmem:s3], [sflag:$0x1] =	stream.linear.gather [hbm4b:s21+s3], $0x80, $0x38;
	[tilespmem:$0x1EA00] =	vst v63  }
0xfe: {  	_ =	swait.ge [sflag:s14], $0x4000  }
0xff: {  	[sflag:s14] =	ssyncset.done $0x0  }
0x100: {  	[sflag:s14] =	ssyncadd.s32 $0xFFFFC000  }
0x101: {  	_ =	swait.ge [sflag:s0], $0x80  }
0x102: {  	[sflag:s0] =	ssyncset.done $0x0  }
0x103: {  	[sflag:s0] =	ssyncadd.s32 $0xFFFFFF80  }
0x104: {  	_ =	swait.ge [sflag:s18], $0x4000  }
0x105: {  	[sflag:s18] =	ssyncset.done $0x0  }
0x106: {  	s20 =	simm.s32 $0x500;
	[sflag:s18] =	ssyncadd.s32 $0xFFFFC000  }
0x107: {  	[spmem:s2] =	stream.indirect.scatter.add.f32 [tilespmem:s15], [sflag:$0x7], $0x80, s20, s19, $0xb8;
	[tilespmem:$0x1EA00] =	vst v63  }
0x108: {  	s8 =	simm.s32 $0x800;
	s9 =	sadd.s32 $0x40, s23;
	s20 =	rddreg [dreg:$0x10]  }
0x109: {  	s11 =	sadd.s32 $0x40, s21;
	s12 =	sadd.s32 $0x40, s22;
	s10 =	sadd.s32 $0x40, s20  }
0x10a: {  	[tilespmem:s29], [sflag:$0x6] =	stream.indirect.gather [hbm4b:s4+s19], $0x80, s30, s19, $0xb8;
	[tilespmem:$0x1EA00] =	vst v63  }
.LBB2_4:
0x10b: {  	[tilespmem:s19], [sflag:$0x2] =	stream.linear.gather [hbm4b:s20+s3], $0x80, $0x38;
	[tilespmem:$0x1EA00] =	vst v63  }
0x10c: {  	s6 =	smov.u32 s8;
	s20 =	smov.u32 s10  }
0x10d: {  	p0 =	sne.s32 s8, $0x8800;
	s8 =	sadd.s32 $0x800, s8;
	_ =	swait.ge [sflag:s31], $0x4000  }
0x10e: {  	[sflag:s31] =	ssyncset.done $0x0  }
0x10f: {  	[sflag:s31] =	ssyncadd.s32 $0xFFFFC000  }
0x110: {  	_ =	swait.ge [sflag:s24], $0x80  }
0x111: {  	[sflag:s24] =	ssyncset.done $0x0  }
0x112: {  	[sflag:s24] =	ssyncadd.s32 $0xFFFFFF80  }
0x113: {  	_ =	swait.ge [sflag:s17], $0x4000  }
0x114: {  	s6 =	sshra.s32 s6, $0x2;
	[sflag:s17] =	ssyncset.done $0x0  }
0x115: {  	s16 =	sadd.s32 $0x380, s6;
	[sflag:s17] =	ssyncadd.s32 $0xFFFFC000  }
0x116: {  	[spmem:s2] =	stream.indirect.scatter.add.f32 [tilespmem:s29], [sflag:$0x8], $0x80, s16, s19, $0xb8;
	[tilespmem:$0x1EA00] =	vst v63  }
0x117: {  	_ = 	snop  }
0x118: {  	[tilespmem:s15], [sflag:$0x5] =	stream.indirect.gather [hbm4b:s4+s19], $0x80, s3, s19, $0xb8;
	[tilespmem:$0x1EA00] =	vst v63  }
0x119: {  	_ = 	snop  }
0x11a: {  	[tilespmem:s26], [sflag:$0x3] =	stream.linear.gather [hbm4b:s9+s3], $0x80, $0x38;
	[tilespmem:$0x1EA00] =	vst v63  }
0x11b: {  	_ =	swait.ge [sflag:s14], $0x4000  }
0x11c: {  	[sflag:s14] =	ssyncset.done $0x0  }
0x11d: {  	[sflag:s14] =	ssyncadd.s32 $0xFFFFC000  }
0x11e: {  	_ =	swait.ge [sflag:s28], $0x80  }
0x11f: {  	[sflag:s28] =	ssyncset.done $0x0  }
0x120: {  	[sflag:s28] =	ssyncadd.s32 $0xFFFFFF80  }
0x121: {  	_ =	swait.ge [sflag:s18], $0x4000  }
0x122: {  	[sflag:s18] =	ssyncset.done $0x0  }
0x123: {  	s16 =	sadd.s32 $0x400, s6;
	[sflag:s18] =	ssyncadd.s32 $0xFFFFC000  }
0x124: {  	[spmem:s2] =	stream.indirect.scatter.add.f32 [tilespmem:s15], [sflag:$0x7], $0x80, s16, s19, $0xb8;
	[tilespmem:$0x1EA00] =	vst v63  }
0x125: {  	_ = 	snop  }
0x126: {  	[tilespmem:s29], [sflag:$0x6] =	stream.indirect.gather [hbm4b:s4+s19], $0x80, s19, s19, $0xb8;
	[tilespmem:$0x1EA00] =	vst v63  }
0x127: {  	_ = 	snop  }
0x128: {  	[tilespmem:s30], [sflag:$0x4] =	stream.linear.gather [hbm4b:s12+s3], $0x80, $0x38;
	[tilespmem:$0x1EA00] =	vst v63  }
0x129: {  	_ =	swait.ge [sflag:s31], $0x4000  }
0x12a: {  	[sflag:s31] =	ssyncset.done $0x0  }
0x12b: {  	[sflag:s31] =	ssyncadd.s32 $0xFFFFC000  }
0x12c: {  	_ =	swait.ge [sflag:s1], $0x80  }
0x12d: {  	[sflag:s1] =	ssyncset.done $0x0  }
0x12e: {  	[sflag:s1] =	ssyncadd.s32 $0xFFFFFF80  }
0x12f: {  	_ =	swait.ge [sflag:s17], $0x4000  }
0x130: {  	[sflag:s17] =	ssyncset.done $0x0  }
0x131: {  	s16 =	sadd.s32 $0x480, s6;
	[sflag:s17] =	ssyncadd.s32 $0xFFFFC000  }
0x132: {  	[spmem:s2] =	stream.indirect.scatter.add.f32 [tilespmem:s29], [sflag:$0x8], $0x80, s16, s19, $0xb8;
	[tilespmem:$0x1EA00] =	vst v63  }
0x133: {  	_ = 	snop  }
0x134: {  	[tilespmem:s15], [sflag:$0x5] =	stream.indirect.gather [hbm4b:s4+s19], $0x80, s26, s19, $0xb8;
	[tilespmem:$0x1EA00] =	vst v63  }
0x135: {  	_ = 	snop  }
0x136: {  	[tilespmem:s3], [sflag:$0x1] =	stream.linear.gather [hbm4b:s11+s3], $0x80, $0x38;
	[tilespmem:$0x1EA00] =	vst v63  }
0x137: {  	_ =	swait.ge [sflag:s14], $0x4000  }
0x138: {  	[sflag:s14] =	ssyncset.done $0x0  }
0x139: {  	[sflag:s14] =	ssyncadd.s32 $0xFFFFC000  }
0x13a: {  	_ =	swait.ge [sflag:s0], $0x80  }
0x13b: {  	[sflag:s0] =	ssyncset.done $0x0  }
0x13c: {  	[sflag:s0] =	ssyncadd.s32 $0xFFFFFF80  }
0x13d: {  	_ =	swait.ge [sflag:s18], $0x4000  }
0x13e: {  	[sflag:s18] =	ssyncset.done $0x0  }
.Ltmp1:
0x13f: {  	s6 =	sadd.s32 $0x500, s6;
	[sflag:s18] =	ssyncadd.s32 $0xFFFFC000;
	(pc) =	sbr.rel @p0 .LBB2_4-.Ltmp1, $4  }
0x140: {  	[spmem:s2] =	stream.indirect.scatter.add.f32 [tilespmem:s15], [sflag:$0x7], $0x80, s6, s19, $0xb8;
	[tilespmem:$0x1EA00] =	vst v63  }
0x141: {  	s9 =	sadd.s32 $0x40, s9  }
0x142: {  	[tilespmem:s29], [sflag:$0x6] =	stream.indirect.gather [hbm4b:s4+s19], $0x80, s30, s19, $0xb8;
	[tilespmem:$0x1EA00] =	vst v63  }
0x143: {  	s10 =	sadd.s32 $0x40, s10;
	s12 =	sadd.s32 $0x40, s12;
	s11 =	sadd.s32 $0x40, s11  }
0x144: {  	[tilespmem:s19], [sflag:$0x2] =	stream.linear.gather [hbm4b:s20+s3], $0x80, $0x38;
	[tilespmem:$0x1EA00] =	vst v63  }
0x145: {  	_ =	swait.ge [sflag:s31], $0x4000  }
0x146: {  	[sflag:s31] =	ssyncset.done $0x0  }
0x147: {  	[sflag:s31] =	ssyncadd.s32 $0xFFFFC000  }
0x148: {  	_ =	swait.ge [sflag:s24], $0x80  }
0x149: {  	[sflag:s24] =	ssyncset.done $0x0  }
0x14a: {  	[sflag:s24] =	ssyncadd.s32 $0xFFFFFF80  }
0x14b: {  	_ =	swait.ge [sflag:s17], $0x4000  }
0x14c: {  	[sflag:s17] =	ssyncset.done $0x0  }
0x14d: {  	s6 =	simm.s32 $0x2780;
	[sflag:s17] =	ssyncadd.s32 $0xFFFFC000  }
0x14e: {  	[spmem:s2] =	stream.indirect.scatter.add.f32 [tilespmem:s29], [sflag:$0x8], $0x80, s6, s19, $0xb8;
	[tilespmem:$0x1EA00] =	vst v63  }
0x14f: {  	s20 =	simm.s32 $0x0  }
0x150: {  	[tilespmem:s15], [sflag:$0x5] =	stream.indirect.gather [hbm4b:s4+s19], $0x80, s20, s19, $0xb8;
	[tilespmem:$0x1EA00] =	vst v63  }
0x151: {  	s8 =	rddreg [dreg:$0xa]  }
0x152: {  	[tilespmem:s26], [sflag:$0x3] =	stream.linear.gather [hbm4b:s8+s20], $0x80, $0x38;
	[tilespmem:$0x1EA00] =	vst v63  }
0x153: {  	_ =	swait.ge [sflag:s14], $0x4000  }
0x154: {  	[sflag:s14] =	ssyncset.done $0x0  }
0x155: {  	[sflag:s14] =	ssyncadd.s32 $0xFFFFC000  }
0x156: {  	_ =	swait.ge [sflag:s28], $0x80  }
0x157: {  	[sflag:s28] =	ssyncset.done $0x0  }
0x158: {  	[sflag:s28] =	ssyncadd.s32 $0xFFFFFF80  }
0x159: {  	_ =	swait.ge [sflag:s18], $0x4000  }
0x15a: {  	[sflag:s18] =	ssyncset.done $0x0  }
0x15b: {  	s9 =	simm.s32 $0x2800;
	[sflag:s18] =	ssyncadd.s32 $0xFFFFC000  }
0x15c: {  	[spmem:s2] =	stream.indirect.scatter.add.f32 [tilespmem:s15], [sflag:$0x7], $0x80, s9, s19, $0xb8;
	[tilespmem:$0x1EA00] =	vst v63  }
0x15d: {  	_ = 	snop  }
0x15e: {  	[tilespmem:s29], [sflag:$0x6] =	stream.indirect.gather [hbm4b:s4+s19], $0x80, s19, s19, $0xb8;
	[tilespmem:$0x1EA00] =	vst v63  }
0x15f: {  	s10 =	rddreg [dreg:$0xb]  }
0x160: {  	[tilespmem:s30], [sflag:$0x4] =	stream.linear.gather [hbm4b:s10+s20], $0x80, $0x38;
	[tilespmem:$0x1EA00] =	vst v63  }
0x161: {  	_ =	swait.ge [sflag:s31], $0x4000  }
0x162: {  	[sflag:s31] =	ssyncset.done $0x0  }
0x163: {  	[sflag:s31] =	ssyncadd.s32 $0xFFFFC000  }
0x164: {  	_ =	swait.ge [sflag:s1], $0x80  }
0x165: {  	[sflag:s1] =	ssyncset.done $0x0  }
0x166: {  	[sflag:s1] =	ssyncadd.s32 $0xFFFFFF80  }
0x167: {  	_ =	swait.ge [sflag:s17], $0x4000  }
0x168: {  	[sflag:s17] =	ssyncset.done $0x0  }
0x169: {  	s11 =	simm.s32 $0x2880;
	[sflag:s17] =	ssyncadd.s32 $0xFFFFC000  }
0x16a: {  	[spmem:s2] =	stream.indirect.scatter.add.f32 [tilespmem:s29], [sflag:$0x8], $0x80, s11, s19, $0xb8;
	[tilespmem:$0x1EA00] =	vst v63  }
0x16b: {  	_ = 	snop  }
0x16c: {  	[tilespmem:s15], [sflag:$0x5] =	stream.indirect.gather [hbm4b:s4+s19], $0x80, s26, s19, $0xb8;
	[tilespmem:$0x1EA00] =	vst v63  }
0x16d: {  	_ =	swait.ge [sflag:s14], $0x4000  }
0x16e: {  	[sflag:s14] =	ssyncset.done $0x0  }
0x16f: {  	[sflag:s14] =	ssyncadd.s32 $0xFFFFC000  }
0x170: {  	_ =	swait.ge [sflag:s0], $0x80  }
0x171: {  	[sflag:s0] =	ssyncset.done $0x0  }
0x172: {  	[sflag:s0] =	ssyncadd.s32 $0xFFFFFF80  }
0x173: {  	_ =	swait.ge [sflag:s18], $0x4000  }
0x174: {  	[sflag:s18] =	ssyncset.done $0x0  }
0x175: {  	s12 =	simm.s32 $0x2900;
	[sflag:s18] =	ssyncadd.s32 $0xFFFFC000  }
0x176: {  	[spmem:s2] =	stream.indirect.scatter.add.f32 [tilespmem:s15], [sflag:$0x7], $0x80, s12, s19, $0xb8;
	[tilespmem:$0x1EA00] =	vst v63  }
0x177: {  	_ = 	snop  }
0x178: {  	[tilespmem:s29], [sflag:$0x6] =	stream.indirect.gather [hbm4b:s4+s19], $0x80, s30, s19, $0xb8;
	[tilespmem:$0x1EA00] =	vst v63  }
0x179: {  	_ =	swait.ge [sflag:s17], $0x4000  }
0x17a: {  	[sflag:s17] =	ssyncset.done $0x0  }
0x17b: {  	s16 =	simm.s32 $0x2980;
	[sflag:s17] =	ssyncadd.s32 $0xFFFFC000  }
0x17c: {  	[spmem:s2] =	stream.indirect.scatter.add.f32 [tilespmem:s29], [sflag:$0x8], $0x80, s16, s19, $0xb8;
	[tilespmem:$0x1EA00] =	vst v63  }
0x17d: {  	_ =	swait.ge [sflag:s31], $0x4000  }
0x17e: {  	[sflag:s31] =	ssyncset.done $0x0  }
0x17f: {  	[sflag:s31] =	ssyncadd.s32 $0xFFFFC000  }
0x180: {  	s6 =	simm.s32 $0x200;
	s20 =	stileid.u32;
	_ =	swait.ge [sflag:s14], $0x4000  }
0x181: {  	s9 =	smov.u32 s13;
	s8 =	sshll.u32 s20, $0x6;
	[sflag:s14] =	ssyncset.done $0x0  }
0x182: {  	s10 =	sadd.s32 $0x0, s25;
	s8 =	sor.u32 $0x1C05, s8;
	[sflag:s14] =	ssyncadd.s32 $0xFFFFC000  }
0x183: {  	s11 =	sshrl.u32 s7, $0x3;
	s12 =	smov.u32 s13;
	[bflag:$0x0] =	sbarrier.arrive $0xFFFF  }
.LBB2_6:
0x184: {  	[hbm:s10], [sflag:s8] =	dma.local [spmem:s11], $0x200  }
0x185: {  	s10 =	smov.u32 s6;
	s11 =	smov.u32 s9;
	p0 =	sne.s32 s6, $0x2600  }
.Ltmp2:
0x186: {  	s6 =	sadd.s32 $0x200, s6;
	(pc) =	sbr.rel @p0 .LBB2_6-.Ltmp2, $3  }
0x187: {  	_ =	sdelay $0x1  }
0x188: {  	s9 =	sadd.s32 $0x1000, s9  }
0x189: {  	s10 =	sadd.s32 s10, s25;
	s11 =	sshrl.u32 s11, $0x3  }
0x18a: {  	[hbm:s10], [sflag:s8] =	dma.local [spmem:s11], $0x200  }
0x18b: {  	_ =	swait.ge [sflag:s18], $0x200  }
0x18c: {  	[sflag:s18] =	ssyncset.done $0x0  }
0x18d: {  	[sflag:s18] =	ssyncadd.s32 $0xFFFFFE00  }
0x18e: {  	_ =	swait.ge [sflag:s18], $0x200  }
0x18f: {  	[sflag:s18] =	ssyncset.done $0x0  }
0x190: {  	[sflag:s18] =	ssyncadd.s32 $0xFFFFFE00  }
0x191: {  	_ =	swait.ge [sflag:s18], $0x200  }
0x192: {  	[sflag:s18] =	ssyncset.done $0x0  }
0x193: {  	[sflag:s18] =	ssyncadd.s32 $0xFFFFFE00  }
0x194: {  	_ =	swait.ge [sflag:s18], $0x200  }
0x195: {  	[sflag:s18] =	ssyncset.done $0x0  }
0x196: {  	[sflag:s18] =	ssyncadd.s32 $0xFFFFFE00  }
0x197: {  	_ =	swait.ge [sflag:s18], $0x200  }
0x198: {  	[sflag:s18] =	ssyncset.done $0x0  }
0x199: {  	[sflag:s18] =	ssyncadd.s32 $0xFFFFFE00  }
0x19a: {  	_ =	swait.ge [sflag:s18], $0x200  }
0x19b: {  	[sflag:s18] =	ssyncset.done $0x0  }
0x19c: {  	[sflag:s18] =	ssyncadd.s32 $0xFFFFFE00  }
0x19d: {  	_ =	swait.ge [sflag:s18], $0x200  }
0x19e: {  	[sflag:s18] =	ssyncset.done $0x0  }
0x19f: {  	[sflag:s18] =	ssyncadd.s32 $0xFFFFFE00  }
0x1a0: {  	_ =	swait.ge [sflag:s18], $0x200  }
0x1a1: {  	[sflag:s18] =	ssyncset.done $0x0  }
0x1a2: {  	[sflag:s18] =	ssyncadd.s32 $0xFFFFFE00  }
0x1a3: {  	_ =	swait.ge [sflag:s18], $0x200  }
0x1a4: {  	[sflag:s18] =	ssyncset.done $0x0  }
0x1a5: {  	[sflag:s18] =	ssyncadd.s32 $0xFFFFFE00  }
0x1a6: {  	_ =	swait.ge [sflag:s18], $0x200  }
0x1a7: {  	[sflag:s18] =	ssyncset.done $0x0  }
0x1a8: {  	[sflag:s18] =	ssyncadd.s32 $0xFFFFFE00  }
0x1a9: {  	_ =	swait.ge [sflag:s18], $0x200  }
0x1aa: {  	[sflag:s18] =	ssyncset.done $0x0  }
0x1ab: {  	[sflag:s18] =	ssyncadd.s32 $0xFFFFFE00  }
0x1ac: {  	_ =	swait.ge [sflag:s18], $0x200  }
0x1ad: {  	[sflag:s18] =	ssyncset.done $0x0  }
0x1ae: {  	[sflag:s18] =	ssyncadd.s32 $0xFFFFFE00  }
0x1af: {  	_ =	swait.ge [sflag:s18], $0x200  }
0x1b0: {  	[sflag:s18] =	ssyncset.done $0x0  }
0x1b1: {  	[sflag:s18] =	ssyncadd.s32 $0xFFFFFE00  }
0x1b2: {  	_ =	swait.ge [sflag:s18], $0x200  }
0x1b3: {  	[sflag:s18] =	ssyncset.done $0x0  }
0x1b4: {  	[sflag:s18] =	ssyncadd.s32 $0xFFFFFE00  }
0x1b5: {  	_ =	swait.ge [sflag:s18], $0x200  }
0x1b6: {  	[sflag:s18] =	ssyncset.done $0x0  }
0x1b7: {  	[sflag:s18] =	ssyncadd.s32 $0xFFFFFE00  }
0x1b8: {  	_ =	swait.ge [sflag:s18], $0x200  }
0x1b9: {  	[sflag:s18] =	ssyncset.done $0x0  }
0x1ba: {  	[sflag:s18] =	ssyncadd.s32 $0xFFFFFE00  }
0x1bb: {  	_ =	swait.ge [sflag:s18], $0x200  }
0x1bc: {  	[sflag:s18] =	ssyncset.done $0x0  }
0x1bd: {  	[sflag:s18] =	ssyncadd.s32 $0xFFFFFE00  }
0x1be: {  	_ =	swait.ge [sflag:s18], $0x200  }
0x1bf: {  	[sflag:s18] =	ssyncset.done $0x0  }
0x1c0: {  	[sflag:s18] =	ssyncadd.s32 $0xFFFFFE00  }
0x1c1: {  	_ =	swait.ge [sflag:s18], $0x200  }
0x1c2: {  	[sflag:s18] =	ssyncset.done $0x0  }
0x1c3: {  	[sflag:s18] =	ssyncadd.s32 $0xFFFFFE00  }
0x1c4: {  	_ =	swait.ge [sflag:s18], $0x200  }
0x1c5: {  	s5 =	sadd.s32 $0x1, s5;
	s6 =	rddreg [dreg:$0xc]  }
0x1c6: {  	p0 =	sne.s32 s5, s6  }
.Ltmp3:
0x1c7: {  	_ = 	snop;
	(pc) =	sbr.rel @p0 .LBB2_1-.Ltmp3, $3  }
0x1c8: {  	_ =	sdelay $0x1  }
0x1c9: {  	[sflag:s18] =	ssyncset.done $0x0  }
0x1ca: {  	s9 =	simm.s32 $0x200;
	[sflag:s18] =	ssyncadd.s32 $0xFFFFFE00  }
0x1cb: {  	_ =	sfence.sel $0x180000  }
0x1cc: {  	[bflag:$0x0] =	sbarrier.arrive $0xFFFF  }
0x1cd: {  	_ =	strace $0x9000004A  }
0x1ce: {  	s0 =	stileid.u32;
	[bflag:$0x2] =	sbarrier.arrive $0xFFFF  }
0x1cf: {  	p0 =	sne.s32 s0, $0x0;
	s0 =	rddreg [dreg:$0x2]  }
0x1d0: {  	s0 =	sadd.s32 @!p0 $0x100000, s0  }
0x1d1: {  	[sflag:s0] =	ssyncadd.tile.s32 @!p0 $0x1;
	_ =	shalt  }
.Lfunc_end2:
_tile_overlayer_lowered:
.L_overlay_start_2:
0x1d2: {  	(tag) =	ssettag $0x2  }
0x1d3: {  	s0 =	rddreg [dreg:$0x0];
	s2 =	stileid.u32  }
0x1d4: {  	s1 =	rddreg [dreg:$0x1];
	p0 =	sne.s32 s2, $0x0  }
0x1d5: {  	s3 =	rddreg [dreg:$0x2];
	[bflag:$0x3] =	sbarrier.arrive $0xFFFF;
	s2 =	simm.s32 @!p0 $0x1C09  }
0x1d6: {  	[timem:s3], [sflag:s2] =	dma.local @!p0 [hbm:s0], s1  }
0x1d7: {  	s0 =	simm.s32 @!p0 $0x9  }
0x1d8: {  	_ =	swait.ge @!p0 [sflag:s0], s1  }
0x1d9: {  	s1 =	ssub.s32 @!p0 $0x0, s1;
	[sflag:s0] =	ssyncset.done @!p0 $0x0  }
0x1da: {  	[sflag:s0] =	ssyncadd.s32 @!p0 s1  }
0x1db: {  	[bflag:$0x3] =	sbarrier.arrive $0xFFFF  }
0x1dc: {  	_ =	shalt  }

// kernel: kernel.18.cloned.1.call-start
scs
__scs_entry_jumppad:
0x0: {  	(pc) =	sbr.rel $0x88, $3  }
0x1: {  	(tag) =	ssettag $0x0;
	lr =	simm.s32 $0x1  }
0x2: {  	[smem:$0x3F95] =	sst lr;
	_ =	strace $0xD0000000  }
0x3: {  	_ = 	snop  }
0x4: {  	_ = 	snop  }
0x5: {  	_ = 	snop  }
0x6: {  	_ = 	snop  }
0x7: {  	_ = 	snop  }
__scs_overlays_trampoline_lowered:
0x8: {  	[smem:$0x3FA4] =	sst s0  }
0x9: {  	[smem:$0x3FA5] =	sst s1  }
0xa: {  	[smem:$0x3FA6] =	sst s2  }
0xb: {  	[smem:$0x3FA7] =	sst s3  }
0xc: {  	[smem:$0x3FA8] =	sst s4  }
0xd: {  	[smem:$0x3FA9] =	sst s5  }
0xe: {  	[smem:$0x3FAA] =	sst s6  }
0xf: {  	[smem:$0x3FAB] =	sst s7  }
0x10: {  	[smem:$0x3FAC] =	sst s8  }
0x11: {  	[smem:$0x3FAD] =	sst s9;
	s0 =	simm.s32 @!p0 $0x0  }
0x12: {  	s1 =	sld [smem:$0x3F93];
	s0 =	simm.s32 @p0 $0x1  }
0x13: {  	[smem:$0x3FAE] =	sst s0;
	s0 =	simm.s32 @!p1 $0x0  }
0x14: {  	s2 =	sld [smem:$0x3F92];
	s0 =	simm.s32 @p1 $0x1  }
0x15: {  	[smem:$0x3FAF] =	sst s0;
	s0 =	simm.s32 @!p2 $0x0  }
0x16: {  	s3 =	sld [smem:$0x3FDB];
	s0 =	simm.s32 @p2 $0x1  }
0x17: {  	s4 =	simm.s32 $0x1BF5;
	[smem:$0x3FB1] =	sst s0  }
0x18: {  	s0 =	sld [smem:$0x3F94];
	_ =	swait.ge [sflag:s4], $0x0  }
0x19: {  	s7 =	sld [smem:$0x3F95]  }
0x1a: {  	s8 =	sadd.s32 $0xFFFFE003, lr  }
0x1b: {  	s9 =	sadd.s32 $0xFFFFFEF7, lr;
	s5 =	simm.s32 $0xFFFFFFFF;
	p2 =	slt.u32 s8, $0xFFFFF086  }
0x1c: {  	p1 =	slt.u32 s9, $0xF7A;
	s5 =	simm.s32 @!p2 $0x0  }
0x1d: {  	s5 =	simm.s32 @p1 $0x1;
	p0 =	seq.s32 s7, s2  }
0x1e: {  	s7 =	smul.u32 @!p0 $0xF7A, s2;
	p2 =	seq.s32 @!p0 s5, $0x0  }
0x1f: {  	s9 =	smul.u32 $0xF7A, s1;
	s8 =	simm.s32 @!p0 $0x1BF5;
	p2 =	por !p2, p0  }
0x20: {  	[sflag:s8] =	ssyncset.s32 @!p0 $0xFFFFF086;
	s6 =	sadd.s32 @!p0 s3, s7;
	s7 =	simm.s32 @!p0 $0x108  }
0x21: {  	s3 =	sadd.s32 s3, s9;
	s6 =	sadd.s32 @!p0 $0x88, s6;
	s7 =	simm.s32 @p2 $0x1082  }
0x22: {  	[simem:s7], [sflag:s8] =	dma.local @!p0 [hbm:s6], $0xF7A  }
0x23: {  	s9 =	sor.u32 $0xD0000000, s2;
	s6 =	simm.s32 $0x108;
	_ =	swait.ge @!p0 [sflag:s8], $0x0  }
0x24: {  	s3 =	sadd.s32 $0x88, s3;
	s6 =	simm.s32 @!p1 $0x1082;
	[sflag:s4] =	ssyncset.s32 $0xFFFFF086  }
0x25: {  	[simem:s6], [sflag:s4] =	dma.local [hbm:s3], $0xF7A  }
0x26: {  	[smem:$0x3F95] =	sst s1;
	(tag) =	ssettag s2;
	_ =	strace s9  }
0x27: {  	s1 =	sld [smem:$0x3FA5]  }
0x28: {  	s2 =	sld [smem:$0x3FA6]  }
0x29: {  	s4 =	sld [smem:$0x3FA8]  }
0x2a: {  	p0 =	seq.s32 s5, $0x0;
	s5 =	sld [smem:$0x3FA9]  }
0x2b: {  	s6 =	sld [smem:$0x3FAA]  }
0x2c: {  	s7 =	sld [smem:$0x3FAB]  }
0x2d: {  	s3 =	simm.s32 $0x108;
	s8 =	sld [smem:$0x3FAC]  }
0x2e: {  	s3 =	simm.s32 @!p0 $0x1082;
	s9 =	sld [smem:$0x3FAD]  }
0x2f: {  	lr =	sadd.s32 s0, s3;
	s0 =	sld [smem:$0x3FA4]  }
0x30: {  	s3 =	sld [smem:$0x3FA7]  }
0x31: {  	[smem:$0x3FB0] =	sst s10  }
0x32: {  	s10 =	sld [smem:$0x3FAE];
	_ =	sdelay $0x3  }
0x33: {  	p0 =	seq.s32 s10, $0x1;
	s10 =	sld [smem:$0x3FB0];
	_ =	sdelay $0x3  }
0x34: {  	[smem:$0x3FB0] =	sst s10  }
0x35: {  	s10 =	sld [smem:$0x3FAF];
	_ =	sdelay $0x3  }
0x36: {  	p1 =	seq.s32 s10, $0x1;
	s10 =	sld [smem:$0x3FB0];
	_ =	sdelay $0x3  }
0x37: {  	[smem:$0x3FB0] =	sst s10  }
0x38: {  	s10 =	sld [smem:$0x3FB1]  }
0x39: {  	_ = 	snop;
	(pc) =	sbr.ind lr, $3  }
0x3a: {  	_ = 	snop  }
0x3b: {  	_ = 	snop  }
0x3c: {  	p2 =	seq.s32 s10, $0x1;
	s10 =	sld [smem:$0x3FB0]  }
0x3d: {  	_ =	shalt  }
0x3e: {  	_ =	shalt  }
0x3f: {  	_ =	shalt  }
0x40: {  	_ =	shalt  }
0x41: {  	_ =	shalt  }
0x42: {  	_ =	shalt  }
0x43: {  	_ =	shalt  }
0x44: {  	_ =	shalt  }
0x45: {  	_ =	shalt  }
0x46: {  	_ =	shalt  }
0x47: {  	_ =	shalt  }
0x48: {  	_ =	shalt  }
0x49: {  	_ =	shalt  }
0x4a: {  	_ =	shalt  }
0x4b: {  	_ =	shalt  }
0x4c: {  	_ =	shalt  }
0x4d: {  	_ =	shalt  }
0x4e: {  	_ =	shalt  }
0x4f: {  	_ =	shalt  }
0x50: {  	_ =	shalt  }
0x51: {  	_ =	shalt  }
0x52: {  	_ =	shalt  }
0x53: {  	_ =	shalt  }
0x54: {  	_ =	shalt  }
0x55: {  	_ =	shalt  }
0x56: {  	_ =	shalt  }
0x57: {  	_ =	shalt  }
0x58: {  	_ =	shalt  }
0x59: {  	_ =	shalt  }
0x5a: {  	_ =	shalt  }
0x5b: {  	_ =	shalt  }
0x5c: {  	_ =	shalt  }
0x5d: {  	_ =	shalt  }
0x5e: {  	_ =	shalt  }
0x5f: {  	_ =	shalt  }
0x60: {  	_ =	shalt  }
0x61: {  	_ =	shalt  }
0x62: {  	_ =	shalt  }
0x63: {  	_ =	shalt  }
0x64: {  	_ =	shalt  }
0x65: {  	_ =	shalt  }
0x66: {  	_ =	shalt  }
0x67: {  	_ =	shalt  }
0x68: {  	_ =	shalt  }
0x69: {  	_ =	shalt  }
0x6a: {  	_ =	shalt  }
0x6b: {  	_ =	shalt  }
0x6c: {  	_ =	shalt  }
0x6d: {  	_ =	shalt  }
0x6e: {  	_ =	shalt  }
0x6f: {  	_ =	shalt  }
0x70: {  	_ =	shalt  }
0x71: {  	_ =	shalt  }
0x72: {  	_ =	shalt  }
0x73: {  	_ =	shalt  }
0x74: {  	_ =	shalt  }
0x75: {  	_ =	shalt  }
0x76: {  	_ =	shalt  }
0x77: {  	_ =	shalt  }
0x78: {  	_ =	shalt  }
0x79: {  	_ =	shalt  }
0x7a: {  	_ =	shalt  }
0x7b: {  	_ =	shalt  }
0x7c: {  	_ =	shalt  }
0x7d: {  	_ =	shalt  }
0x7e: {  	_ =	shalt  }
0x7f: {  	_ =	shalt  }
0x80: {  	_ =	shalt  }
0x81: {  	_ =	shalt  }
0x82: {  	_ =	shalt  }
0x83: {  	_ =	shalt  }
0x84: {  	_ =	shalt  }
0x85: {  	_ =	shalt  }
0x86: {  	_ =	shalt  }
0x87: {  	_ =	shalt  }
.Lfunc_end0:
.L_simem_size_0:
called_computation.3_lowered:
.L_overlay_start_0:
0x88: {  	s2 =	sld [smem:$0x3FD9]  }
0x89: {  	s3 =	sld [smem:$0x3FFE];
	_ =	sdelay $0x1  }
0x8a: {  	s1 =	srdreg.scid  }
0x8b: {  	s0 =	sand.u32 $0x1, s1  }
0x8c: {  	s17 =	sshll.u32 s0, $0xA;
	s2 =	sadd.s32 s3, s2  }
0x8d: {  	s2 =	sadd.s32 s2, s17  }
0x8e: {  	[smem:$0x3FBC] =	sst s2  }
0x8f: {  	_ = 	snop  }
0x90: {  	(tm) =	ssettm $0x1  }
0x91: {  	s18 =	sld [smem:$0x3FFB];
	_ =	sdelay $0x3  }
0x92: {  	_ =	strace s18  }
0x93: {  	s2 =	sld [smem:$0x3FFC];
	_ =	sdelay $0x3  }
0x94: {  	_ =	strace s2  }
0x95: {  	s2 =	sld [smem:$0x3FFD];
	_ =	sdelay $0x3  }
0x96: {  	_ =	strace s2  }
0x97: {  	_ =	strace $0x8FFFFFFF  }
0x98: {  	s19 =	sld [smem:$0x3FDB];
	_ =	sdelay $0x1  }
0x99: {  	s20 =	simm.s32 $_scs_section_size  }
0x9a: {  	s4 =	simm.s32 $_size__tile_overlayer_lowered;
	s5 =	simm.s32 $_tile_overlayer_lowered  }
0x9b: {  	s6 =	simm.s32 $0x1BFF;
	s21 =	sshll.u32 s5, $0x1;
	s3 =	sadd.s32 s20, s19  }
0x9c: {  	s22 =	simm.s32 $0x0;
	s4 =	sshll.u32 s4, $0x1;
	s5 =	sadd.s32 s21, s3  }
0x9d: {  	[timem:s22], [sflag:s6] =	dma.local [hbm:s5], s4  }
0x9e: {  	_ =	swait.ge [sflag:s6], s4  }
0x9f: {  	s4 =	ssub.s32 $0x0, s4;
	[sflag:s6] =	ssyncset.done $0x0  }
0xa0: {  	[sflag:s6] =	ssyncadd.s32 s4;
	_ =	sdelay $0x1  }
0xa1: {  	s23 =	simm.s32 $0x1B8B  }
0xa2: {  	_ =	swait.ge [sflag:s23], $0x1  }
0xa3: {  	[sflag:s23] =	ssyncset.done $0x0  }
0xa4: {  	[sflag:s23] =	ssyncadd.s32 $0xFFFFFFFF  }
0xa5: {  	s4 =	sld [smem:$0x0]  }
0xa6: {  	s5 =	sand.u32 $0xFFFFFFFE, s1  }
0xa7: {  	p0 =	sne.s32 s1, s5  }
0xa8: {  	s5 =	sshll.u32 @p0 s5, $0xE  }
0xa9: {  	s5 =	sadd.s32 @p0 $0x11B8D, s5;
	s6 =	sshll.u32 @p0 s4, $0x11  }
0xaa: {  	s5 =	sor.u32 @p0 s6, s5  }
0xab: {  	[sflag:s5] =	ssyncadd.remote.s32 @p0 $0x1;
	_ =	sdelay $0x1  }
0xac: {  	s5 =	simm.s32 @p0 $0x1B8D  }
0xad: {  	_ =	swait.eq @p0 [sflag:s5], $0x1  }
0xae: {  	[sflag:s5] =	ssyncadd.s32 @p0 $0xFFFFFFFF  }
0xaf: {  	s6 =	sshll.u32 @!p0 s1, $0xE  }
0xb0: {  	s6 =	sor.u32 @!p0 $0x4000, s6;
	s5 =	simm.s32 @!p0 $0x1B8D  }
0xb1: {  	s4 =	sshll.u32 @!p0 s4, $0x11;
	s6 =	sadd.s32 @!p0 $0x11B8D, s6;
	_ =	swait.eq @!p0 [sflag:s5], $0x1  }
0xb2: {  	s4 =	sor.u32 @!p0 s4, s6;
	[sflag:s5] =	ssyncadd.s32 @!p0 $0xFFFFFFFF  }
0xb3: {  	s25 =	simm.s32 $0x1B8E;
	s24 =	sld [smem:$0x3FFE];
	[sflag:s4] =	ssyncadd.remote.s32 @!p0 $0x1  }
0xb4: {  	s26 =	simm.s32 $execute0_lowered;
	[smem:$0x3FD2] =	sst s25  }
0xb5: {  	s5 =	sshll.u32 s26, $0x1;
	_ =	strace $0x8000004F;
	[dreg:$0x1] =	wrdreg $0xFFFFFFFF  }
0xb6: {  	s28 =	simm.s32 $_size_execute0_lowered;
	s3 =	sadd.s32 s3, s5;
	[dreg:$0x0] =	wrdreg $0x0  }
0xb7: {  	s5 =	sshll.u32 s28, $0x1;
	[dreg:$0x2] =	wrdreg s3  }
0xb8: {  	[dreg:$0x3] =	wrdreg s5  }
0xb9: {  	[dreg:$0x4] =	wrdreg $0xC0  }
0xba: {  	_ =	task [dreg:s22], $0x5FFFF  }
0xbb: {  	[dreg:$0x1] =	wrdreg $0xFFFFFFFF  }
0xbc: {  	[dreg:$0x0] =	wrdreg $0x60  }
0xbd: {  	[dreg:$0x2] =	wrdreg s24  }
0xbe: {  	[dreg:$0x3] =	wrdreg $0xAA000  }
0xbf: {  	[dreg:$0x4] =	wrdreg $0xA  }
0xc0: {  	_ =	task.clear_ibuf [dreg:s22], $0x5FFFF;
	_ =	strace $0x9000004F  }
0xc1: {  	s29 =	simm.s32 $0xA;
	_ =	strace $0x80000051  }
0xc2: {  	_ =	swait.ge [sflag:s29], $0x1  }
0xc3: {  	[sflag:s29] =	ssyncadd.s32 $0xFFFFFFFF  }
0xc4: {  	_ =	strace $0x90000051  }
0xc5: {  	_ =	sfence  }
0xc6: {  	s30 =	sld [smem:$0x0];
	_ =	sdelay $0x2  }
0xc7: {  	s31 =	sshll.u32 s1, $0xD;
	s1 =	sshrl.u32 s1, $0x2  }
0xc8: {  	s4 =	sand.u32 $0x4000, s31;
	s1 =	sadd.s32 s1, s30  }
0xc9: {  	s0 =	sor.u32 s4, s0;
	s1 =	sshll.u32 s1, $0x11  }
0xca: {  	s0 =	sor.u32 s1, s0  }
0xcb: {  	s0 =	sadd.s32 $0x8F2B, s0  }
0xcc: {  	[sflag:s0] =	ssyncadd.remote.s32 $0x1  }
0xcd: {  	_ =	sfence.sel $0xFFFF  }
0xce: {  	[dreg:$0x0] =	wrdreg $0xFFFFFFFF;
	(pc) =	sbr.abs _section_cstart, $3  }
0xcf: {  	[dreg:$0x1] =	wrdreg $0xFFFFFFFF  }
0xd0: {  	_ =	task.clear_ibuf [dreg:s22], $0x2FFFF;
	_ =	strace $0x9FFFFFFF  }
0xd1: {  	(tm) =	ssettm $0x7FFFFFFF  }
tec
execute0_lowered:
.L_overlay_start_1:
0x0: {  	(tag) =	ssettag $0x1  }
0x1: {  	s0 =	srdreg.scid;
	s1 =	rddreg [dreg:$0x0]  }
0x2: {  	s12 =	stileid.u32;
	s2 =	rddreg [dreg:$0x1]  }
0x3: {  	s0 =	sand.u32 $0x1, s0;
	s3 =	sshll.u32 s12, $0x1;
	s8 =	smul.u32 $0x14000, s12  }
0x4: {  	s9 =	sadd.s32 $0x21200, s1;
	s11 =	smul.u32 $0x50000, s12;
	s5 =	sor.u32 s0, s3  }
0x5: {  	s3 =	simm.s32 $0x0;
	s7 =	smul.u32 $0x140000, s0;
	s26 =	ssub.s32 $0x2, s0  }
0x6: {  	s6 =	smul.u32 $0x500, s5;
	[smem:$0x7FF] =	sst s3;
	s10 =	sshrl.u32 s26, $0x1  }
0x7: {  	s5 =	smul.u32 $0x2800, s5;
	s7 =	sadd.s32 s8, s7;
	s8 =	ssub.s32 s26, s10  }
0x8: {  	_ =	strace $0x80000050;
	s6 =	sadd.s32 s6, s1;
	s20 =	smax.u32 s8, $0x1  }
0x9: {  	s5 =	sshrl.u32 s5, $0x3;
	s6 =	sadd.s32 $0x2B200, s6;
	[dreg:$0xc] =	wrdreg s20  }
0xa: {  	s10 =	sshrl.u32 s11, $0x2;
	s11 =	sadd.s32 s9, s5;
	[dreg:$0x3] =	wrdreg s6  }
0xb: {  	s5 =	sadd.s32 $0x10, s11;
	[dreg:$0x4] =	wrdreg s11  }
0xc: {  	s14 =	sadd.s32 $0x20, s11;
	[dreg:$0x5] =	wrdreg s5  }
0xd: {  	s28 =	simm.s32 $0x2;
	s15 =	sadd.s32 $0x30, s11;
	[dreg:$0x6] =	wrdreg s14  }
0xe: {  	s4 =	sadd.s32 $0x35200, s1;
	s16 =	sadd.s32 $0x40, s11;
	[dreg:$0x7] =	wrdreg s15  }
0xf: {  	s7 =	sshrl.u32 s7, $0x3;
	s17 =	sadd.s32 $0x50, s11;
	[dreg:$0x8] =	wrdreg s16  }
0x10: {  	s1 =	sadd.s32 s7, s1;
	s18 =	sadd.s32 $0x4E0, s11;
	[dreg:$0x9] =	wrdreg s17  }
0x11: {  	s7 =	sadd.s32 s10, s2;
	s19 =	sadd.s32 $0x4F0, s11;
	[dreg:$0xa] =	wrdreg s18  }
0x12: {  	s29 =	simm.s32 $0x6A00;
	s21 =	sadd.s32 $0x2000, s7;
	[dreg:$0xb] =	wrdreg s19  }
0x13: {  	s13 =	smul.u32 $0x5000, s12;
	s23 =	sadd.s32 $0x3000, s7;
	[dreg:$0xd] =	wrdreg s21  }
0x14: {  	s0 =	smul.u32 $0x2800, s0;
	s24 =	sadd.s32 $0x4000, s7;
	[dreg:$0xe] =	wrdreg s23  }
0x15: {  	s30 =	simm.s32 $0x180;
	s8 =	sadd.s32 $0x6000, s7;
	[dreg:$0xf] =	wrdreg s24  }
0x16: {  	s0 =	sadd.s32 s0, s13;
	s10 =	sadd.s32 $0x8000, s7;
	[dreg:$0x12] =	wrdreg s8  }
0x17: {  	s22 =	sor.u32 $0x480, s0;
	s11 =	sadd.s32 $0x9000, s7;
	[dreg:$0x14] =	wrdreg s10  }
0x18: {  	s26 =	sor.u32 $0x380, s0;
	s13 =	sadd.s32 $0xA000, s7;
	[dreg:$0x15] =	wrdreg s11  }
0x19: {  	s6 =	sshrl.u32 s26, $0x3;
	s20 =	sadd.s32 $0x11000, s7;
	[dreg:$0x16] =	wrdreg s13  }
0x1a: {  	s26 =	sadd.s32 $0x13000, s7;
	s5 =	sshrl.u32 s22, $0x3;
	[dreg:$0x1d] =	wrdreg s20  }
0x1b: {  	s22 =	sadd.s32 s6, s9;
	s6 =	sadd.s32 $0x5000, s7;
	[dreg:$0x1f] =	wrdreg s26  }
0x1c: {  	s31 =	simm.s32 $0x7;
	s14 =	sadd.s32 $0xB000, s7;
	[dreg:$0x11] =	wrdreg s6  }
0x1d: {  	s25 =	sor.u32 $0x400, s0;
	s15 =	sadd.s32 $0xC000, s7;
	[dreg:$0x17] =	wrdreg s14  }
0x1e: {  	s0 =	sor.u32 $0x300, s0;
	s16 =	sadd.s32 $0xD000, s7;
	[dreg:$0x18] =	wrdreg s15  }
0x1f: {  	s0 =	sshrl.u32 s0, $0x3;
	s17 =	sadd.s32 $0xE000, s7;
	[dreg:$0x19] =	wrdreg s16  }
0x20: {  	s12 =	sadd.s32 $0x1000, s7;
	s18 =	sadd.s32 $0xF000, s7;
	[dreg:$0x1a] =	wrdreg s17  }
0x21: {  	s23 =	sadd.s32 s0, s9;
	s19 =	sadd.s32 $0x10000, s7;
	[dreg:$0x1b] =	wrdreg s18  }
0x22: {  	s24 =	sadd.s32 $0x12000, s7;
	s26 =	simm.s32 $0x100;
	[dreg:$0x1c] =	wrdreg s19  }
0x23: {  	s0 =	simm.s32 $0x4;
	s5 =	sadd.s32 s5, s9;
	[dreg:$0x1e] =	wrdreg s24  }
0x24: {  	s15 =	simm.s32 $0x2A00;
	s17 =	simm.s32 $0x6;
	s18 =	simm.s32 $0x5  }
0x25: {  	s19 =	simm.s32 $0x80;
	s24 =	simm.s32 $0x1;
	s14 =	simm.s32 $0x8  }
0x26: {  	[dreg:$0x10] =	wrdreg s5;
	s5 =	sshrl.u32 s25, $0x3;
	s25 =	sadd.s32 $0x5C400, s1  }
0x27: {  	s1 =	simm.s32 $0x3;
	s21 =	sadd.s32 s5, s9;
	s9 =	sadd.s32 $0x7000, s7  }
0x28: {  	v0 =	vimm.f32 $0.0e+00;
	s5 =	simm.s32 $0x0;
	[dreg:$0x13] =	wrdreg s9;
	s9 =	simm.s32 $0x200  }
.LBB2_1:
0x29: {  	s6 =	rddreg [dreg:$0x3]  }
0x2a: {  	[tilespmem:s9], [sflag:$0x5] =	stream.linear.gather [hbm4b:s6+s3], $0x2800, $0x38;
	[tilespmem:$0x1EA00] =	vst v63  }
0x2b: {  	s8 =	simm.s32 $0x200;
	s6 =	simm.s32 $0x0  }
.LBB2_2:
0x2c: {  	p0 =	sne.s32 s8, $0x3E00;
	[tilespmem:s6+$0x2A70] =	vst v0  }
0x2d: {  	[tilespmem:s6+$0x2A00] =	vst v0  }
0x2e: {  	[tilespmem:s6+$0x2A10] =	vst v0  }
.Ltmp0:
0x2f: {  	[tilespmem:s6+$0x2A20] =	vst v0;
	(pc) =	sbr.rel @p0 .LBB2_2-.Ltmp0, $4  }
0x30: {  	[tilespmem:s6+$0x2A30] =	vst v0  }
0x31: {  	[tilespmem:s6+$0x2A40] =	vst v0  }
0x32: {  	[tilespmem:s6+$0x2A50] =	vst v0  }
0x33: {  	[tilespmem:s6+$0x2A60] =	vst v0;
	s6 =	sshra.s32 s8, $0x2;
	s8 =	sadd.s32 $0x200, s8  }
0x34: {  	[tilespmem:s6+$0x2A70] =	vst v0  }
0x35: {  	[tilespmem:s6+$0x2A00] =	vst v0  }
0x36: {  	[tilespmem:s6+$0x2A10] =	vst v0  }
0x37: {  	[tilespmem:s6+$0x2A20] =	vst v0  }
0x38: {  	[tilespmem:s6+$0x2A30] =	vst v0  }
0x39: {  	[tilespmem:s6+$0x2A40] =	vst v0  }
0x3a: {  	[tilespmem:s6+$0x2A50] =	vst v0  }
0x3b: {  	[tilespmem:s6+$0x2A60] =	vst v0  }
0x3c: {  	[spmem:s7] =	stream.linear.scatter [tilespmem:s15], [sflag:$0x6], $0x1000, $0x38;
	[tilespmem:$0x1EA00] =	vst v63  }
0x3d: {  	_ = 	snop  }
0x3e: {  	[spmem:s12] =	stream.linear.scatter [tilespmem:s15], [sflag:$0x6], $0x1000, $0x38;
	[tilespmem:$0x1EA00] =	vst v63  }
0x3f: {  	s10 =	rddreg [dreg:$0xd]  }
0x40: {  	[spmem:s10] =	stream.linear.scatter [tilespmem:s15], [sflag:$0x6], $0x1000, $0x38;
	[tilespmem:$0x1EA00] =	vst v63  }
0x41: {  	s11 =	rddreg [dreg:$0xe]  }
0x42: {  	[spmem:s11] =	stream.linear.scatter [tilespmem:s15], [sflag:$0x6], $0x1000, $0x38;
	[tilespmem:$0x1EA00] =	vst v63  }
0x43: {  	s13 =	smov.u32 s12;
	s12 =	rddreg [dreg:$0xf]  }
0x44: {  	[spmem:s12] =	stream.linear.scatter [tilespmem:s15], [sflag:$0x6], $0x1000, $0x38;
	[tilespmem:$0x1EA00] =	vst v63  }
0x45: {  	s16 =	rddreg [dreg:$0x11]  }
0x46: {  	[spmem:s16] =	stream.linear.scatter [tilespmem:s15], [sflag:$0x6], $0x1000, $0x38;
	[tilespmem:$0x1EA00] =	vst v63  }
0x47: {  	s20 =	rddreg [dreg:$0x12]  }
0x48: {  	[spmem:s20] =	stream.linear.scatter [tilespmem:s15], [sflag:$0x6], $0x1000, $0x38;
	[tilespmem:$0x1EA00] =	vst v63  }
0x49: {  	s8 =	rddreg [dreg:$0x13]  }
0x4a: {  	[spmem:s8] =	stream.linear.scatter [tilespmem:s15], [sflag:$0x6], $0x1000, $0x38;
	[tilespmem:$0x1EA00] =	vst v63  }
0x4b: {  	s10 =	rddreg [dreg:$0x14]  }
0x4c: {  	[spmem:s10] =	stream.linear.scatter [tilespmem:s15], [sflag:$0x6], $0x1000, $0x38;
	[tilespmem:$0x1EA00] =	vst v63  }
0x4d: {  	s11 =	rddreg [dreg:$0x15]  }
0x4e: {  	[spmem:s11] =	stream.linear.scatter [tilespmem:s15], [sflag:$0x6], $0x1000, $0x38;
	[tilespmem:$0x1EA00] =	vst v63  }
0x4f: {  	s12 =	rddreg [dreg:$0x16]  }
0x50: {  	[spmem:s12] =	stream.linear.scatter [tilespmem:s15], [sflag:$0x6], $0x1000, $0x38;
	[tilespmem:$0x1EA00] =	vst v63  }
0x51: {  	s16 =	rddreg [dreg:$0x17]  }
0x52: {  	[spmem:s16] =	stream.linear.scatter [tilespmem:s15], [sflag:$0x6], $0x1000, $0x38;
	[tilespmem:$0x1EA00] =	vst v63  }
0x53: {  	s20 =	rddreg [dreg:$0x18]  }
0x54: {  	[spmem:s20] =	stream.linear.scatter [tilespmem:s15], [sflag:$0x6], $0x1000, $0x38;
	[tilespmem:$0x1EA00] =	vst v63  }
0x55: {  	s8 =	rddreg [dreg:$0x19]  }
0x56: {  	[spmem:s8] =	stream.linear.scatter [tilespmem:s15], [sflag:$0x6], $0x1000, $0x38;
	[tilespmem:$0x1EA00] =	vst v63  }
0x57: {  	s10 =	rddreg [dreg:$0x1a]  }
0x58: {  	[spmem:s10] =	stream.linear.scatter [tilespmem:s15], [sflag:$0x6], $0x1000, $0x38;
	[tilespmem:$0x1EA00] =	vst v63  }
0x59: {  	s11 =	rddreg [dreg:$0x1b]  }
0x5a: {  	[spmem:s11] =	stream.linear.scatter [tilespmem:s15], [sflag:$0x6], $0x1000, $0x38;
	[tilespmem:$0x1EA00] =	vst v63  }
0x5b: {  	s12 =	rddreg [dreg:$0x1c]  }
0x5c: {  	[spmem:s12] =	stream.linear.scatter [tilespmem:s15], [sflag:$0x6], $0x1000, $0x38;
	[tilespmem:$0x1EA00] =	vst v63  }
0x5d: {  	s16 =	rddreg [dreg:$0x1d]  }
0x5e: {  	[spmem:s16] =	stream.linear.scatter [tilespmem:s15], [sflag:$0x6], $0x1000, $0x38;
	[tilespmem:$0x1EA00] =	vst v63  }
0x5f: {  	s20 =	rddreg [dreg:$0x1e]  }
0x60: {  	[spmem:s20] =	stream.linear.scatter [tilespmem:s15], [sflag:$0x6], $0x1000, $0x38;
	[tilespmem:$0x1EA00] =	vst v63  }
0x61: {  	s8 =	rddreg [dreg:$0x1f]  }
0x62: {  	[spmem:s8] =	stream.linear.scatter [tilespmem:s15], [sflag:$0x6], $0x1000, $0x38;
	[tilespmem:$0x1EA00] =	vst v63  }
0x63: {  	_ =	swait.ge [sflag:s17], $0x1000  }
0x64: {  	[sflag:s17] =	ssyncset.done $0x0  }
0x65: {  	[sflag:s17] =	ssyncadd.s32 $0xFFFFF000  }
0x66: {  	_ =	swait.ge [sflag:s17], $0x1000  }
0x67: {  	[sflag:s17] =	ssyncset.done $0x0  }
0x68: {  	[sflag:s17] =	ssyncadd.s32 $0xFFFFF000  }
0x69: {  	_ =	swait.ge [sflag:s17], $0x1000  }
0x6a: {  	[sflag:s17] =	ssyncset.done $0x0  }
0x6b: {  	[sflag:s17] =	ssyncadd.s32 $0xFFFFF000  }
0x6c: {  	_ =	swait.ge [sflag:s17], $0x1000  }
0x6d: {  	[sflag:s17] =	ssyncset.done $0x0  }
0x6e: {  	[sflag:s17] =	ssyncadd.s32 $0xFFFFF000  }
0x6f: {  	_ =	swait.ge [sflag:s17], $0x1000  }
0x70: {  	[sflag:s17] =	ssyncset.done $0x0  }
0x71: {  	[sflag:s17] =	ssyncadd.s32 $0xFFFFF000  }
0x72: {  	_ =	swait.ge [sflag:s17], $0x1000  }
0x73: {  	[sflag:s17] =	ssyncset.done $0x0  }
0x74: {  	[sflag:s17] =	ssyncadd.s32 $0xFFFFF000  }
0x75: {  	_ =	swait.ge [sflag:s17], $0x1000  }
0x76: {  	[sflag:s17] =	ssyncset.done $0x0  }
0x77: {  	[sflag:s17] =	ssyncadd.s32 $0xFFFFF000  }
0x78: {  	_ =	swait.ge [sflag:s17], $0x1000  }
0x79: {  	[sflag:s17] =	ssyncset.done $0x0  }
0x7a: {  	[sflag:s17] =	ssyncadd.s32 $0xFFFFF000  }
0x7b: {  	_ =	swait.ge [sflag:s17], $0x1000  }
0x7c: {  	[sflag:s17] =	ssyncset.done $0x0  }
0x7d: {  	[sflag:s17] =	ssyncadd.s32 $0xFFFFF000  }
0x7e: {  	_ =	swait.ge [sflag:s17], $0x1000  }
0x7f: {  	[sflag:s17] =	ssyncset.done $0x0  }
0x80: {  	[sflag:s17] =	ssyncadd.s32 $0xFFFFF000  }
0x81: {  	_ =	swait.ge [sflag:s17], $0x1000  }
0x82: {  	[sflag:s17] =	ssyncset.done $0x0  }
0x83: {  	[sflag:s17] =	ssyncadd.s32 $0xFFFFF000  }
0x84: {  	_ =	swait.ge [sflag:s17], $0x1000  }
0x85: {  	[sflag:s17] =	ssyncset.done $0x0  }
0x86: {  	[sflag:s17] =	ssyncadd.s32 $0xFFFFF000  }
0x87: {  	_ =	swait.ge [sflag:s17], $0x1000  }
0x88: {  	[sflag:s17] =	ssyncset.done $0x0  }
0x89: {  	[sflag:s17] =	ssyncadd.s32 $0xFFFFF000  }
0x8a: {  	_ =	swait.ge [sflag:s17], $0x1000  }
0x8b: {  	[sflag:s17] =	ssyncset.done $0x0  }
0x8c: {  	[sflag:s17] =	ssyncadd.s32 $0xFFFFF000  }
0x8d: {  	_ =	swait.ge [sflag:s17], $0x1000  }
0x8e: {  	[sflag:s17] =	ssyncset.done $0x0  }
0x8f: {  	[sflag:s17] =	ssyncadd.s32 $0xFFFFF000  }
0x90: {  	_ =	swait.ge [sflag:s17], $0x1000  }
0x91: {  	[sflag:s17] =	ssyncset.done $0x0  }
0x92: {  	[sflag:s17] =	ssyncadd.s32 $0xFFFFF000  }
0x93: {  	_ =	swait.ge [sflag:s17], $0x1000  }
0x94: {  	[sflag:s17] =	ssyncset.done $0x0  }
0x95: {  	[sflag:s17] =	ssyncadd.s32 $0xFFFFF000  }
0x96: {  	_ =	swait.ge [sflag:s17], $0x1000  }
0x97: {  	[sflag:s17] =	ssyncset.done $0x0  }
0x98: {  	[sflag:s17] =	ssyncadd.s32 $0xFFFFF000  }
0x99: {  	_ =	swait.ge [sflag:s17], $0x1000  }
0x9a: {  	[sflag:s17] =	ssyncset.done $0x0  }
0x9b: {  	[sflag:s17] =	ssyncadd.s32 $0xFFFFF000  }
0x9c: {  	_ =	swait.ge [sflag:s17], $0x1000  }
0x9d: {  	[sflag:s17] =	ssyncset.done $0x0  }
0x9e: {  	[sflag:s17] =	ssyncadd.s32 $0xFFFFF000  }
0x9f: {  	_ =	swait.ge [sflag:s18], $0x2800  }
0xa0: {  	[sflag:s18] =	ssyncset.done $0x0  }
0xa1: {  	[sflag:s18] =	ssyncadd.s32 $0xFFFFD800  }
0xa2: {  	[bflag:$0x0] =	sbarrier.arrive $0xFFFF  }
0xa3: {  	s6 =	simm.s32 $0x0;
	s8 =	rddreg [dreg:$0x4]  }
0xa4: {  	[tilespmem:s6], [sflag:$0x1] =	stream.linear.gather [hbm4b:s8+s6], $0x80, $0x38;
	[tilespmem:$0x1EA00] =	vst v63  }
0xa5: {  	s10 =	rddreg [dreg:$0x5]  }
0xa6: {  	[tilespmem:s19], [sflag:$0x2] =	stream.linear.gather [hbm4b:s10+s6], $0x80, $0x38;
	[tilespmem:$0x1EA00] =	vst v63  }
0xa7: {  	_ =	swait.ge [sflag:s24], $0x80  }
0xa8: {  	[sflag:s24] =	ssyncset.done $0x0  }
0xa9: {  	[sflag:s24] =	ssyncadd.s32 $0xFFFFFF80  }
0xaa: {  	[tilespmem:s15], [sflag:$0x5] =	stream.indirect.gather [hbm4b:s4+s19], $0x80, s6, s19, $0xb8;
	[tilespmem:$0x1EA00] =	vst v63  }
0xab: {  	s11 =	rddreg [dreg:$0x6]  }
0xac: {  	[tilespmem:s26], [sflag:$0x3] =	stream.linear.gather [hbm4b:s11+s6], $0x80, $0x38;
	[tilespmem:$0x1EA00] =	vst v63  }
0xad: {  	_ =	swait.ge [sflag:s28], $0x80  }
0xae: {  	[sflag:s28] =	ssyncset.done $0x0  }
0xaf: {  	[sflag:s28] =	ssyncadd.s32 $0xFFFFFF80  }
0xb0: {  	_ =	swait.ge [sflag:s18], $0x4000  }
0xb1: {  	[sflag:s18] =	ssyncset.done $0x0  }
0xb2: {  	[sflag:s18] =	ssyncadd.s32 $0xFFFFC000  }
0xb3: {  	[spmem:s2] =	stream.indirect.scatter.add.f32 [tilespmem:s15], [sflag:$0x7], $0x80, s9, s19, $0xb8;
	[tilespmem:$0x1EA00] =	vst v63  }
0xb4: {  	_ = 	snop  }
0xb5: {  	[tilespmem:s29], [sflag:$0x6] =	stream.indirect.gather [hbm4b:s4+s19], $0x80, s19, s19, $0xb8;
	[tilespmem:$0x1EA00] =	vst v63  }
0xb6: {  	s12 =	rddreg [dreg:$0x7]  }
0xb7: {  	[tilespmem:s30], [sflag:$0x4] =	stream.linear.gather [hbm4b:s12+s6], $0x80, $0x38;
	[tilespmem:$0x1EA00] =	vst v63  }
0xb8: {  	_ =	swait.ge [sflag:s31], $0x4000  }
0xb9: {  	[sflag:s31] =	ssyncset.done $0x0  }
0xba: {  	[sflag:s31] =	ssyncadd.s32 $0xFFFFC000  }
0xbb: {  	_ =	swait.ge [sflag:s1], $0x80  }
0xbc: {  	[sflag:s1] =	ssyncset.done $0x0  }
0xbd: {  	[sflag:s1] =	ssyncadd.s32 $0xFFFFFF80  }
0xbe: {  	_ =	swait.ge [sflag:s17], $0x4000  }
0xbf: {  	[sflag:s17] =	ssyncset.done $0x0  }
0xc0: {  	s16 =	simm.s32 $0x280;
	[sflag:s17] =	ssyncadd.s32 $0xFFFFC000  }
0xc1: {  	[spmem:s2] =	stream.indirect.scatter.add.f32 [tilespmem:s29], [sflag:$0x8], $0x80, s16, s19, $0xb8;
	[tilespmem:$0x1EA00] =	vst v63  }
0xc2: {  	_ = 	snop  }
0xc3: {  	[tilespmem:s15], [sflag:$0x5] =	stream.indirect.gather [hbm4b:s4+s19], $0x80, s26, s19, $0xb8;
	[tilespmem:$0x1EA00] =	vst v63  }
0xc4: {  	s20 =	rddreg [dreg:$0x8]  }
0xc5: {  	[tilespmem:s6], [sflag:$0x1] =	stream.linear.gather [hbm4b:s20+s6], $0x80, $0x38;
	[tilespmem:$0x1EA00] =	vst v63  }
0xc6: {  	_ =	swait.ge [sflag:s14], $0x4000  }
0xc7: {  	[sflag:s14] =	ssyncset.done $0x0  }
0xc8: {  	[sflag:s14] =	ssyncadd.s32 $0xFFFFC000  }
0xc9: {  	_ =	swait.ge [sflag:s0], $0x80  }
0xca: {  	[sflag:s0] =	ssyncset.done $0x0  }
0xcb: {  	[sflag:s0] =	ssyncadd.s32 $0xFFFFFF80  }
0xcc: {  	_ =	swait.ge [sflag:s18], $0x4000  }
0xcd: {  	[sflag:s18] =	ssyncset.done $0x0  }
0xce: {  	s9 =	simm.s32 $0x300;
	[sflag:s18] =	ssyncadd.s32 $0xFFFFC000  }
0xcf: {  	[spmem:s2] =	stream.indirect.scatter.add.f32 [tilespmem:s15], [sflag:$0x7], $0x80, s9, s19, $0xb8;
	[tilespmem:$0x1EA00] =	vst v63  }
0xd0: {  	_ = 	snop  }
0xd1: {  	[tilespmem:s29], [sflag:$0x6] =	stream.indirect.gather [hbm4b:s4+s19], $0x80, s30, s19, $0xb8;
	[tilespmem:$0x1EA00] =	vst v63  }
0xd2: {  	s10 =	rddreg [dreg:$0x9]  }
0xd3: {  	[tilespmem:s19], [sflag:$0x2] =	stream.linear.gather [hbm4b:s10+s6], $0x80, $0x38;
	[tilespmem:$0x1EA00] =	vst v63  }
0xd4: {  	_ =	swait.ge [sflag:s31], $0x4000  }
0xd5: {  	[sflag:s31] =	ssyncset.done $0x0  }
0xd6: {  	[sflag:s31] =	ssyncadd.s32 $0xFFFFC000  }
0xd7: {  	_ =	swait.ge [sflag:s24], $0x80  }
0xd8: {  	[sflag:s24] =	ssyncset.done $0x0  }
0xd9: {  	[sflag:s24] =	ssyncadd.s32 $0xFFFFFF80  }
0xda: {  	_ =	swait.ge [sflag:s17], $0x4000  }
0xdb: {  	[sflag:s17] =	ssyncset.done $0x0  }
0xdc: {  	s11 =	simm.s32 $0x380;
	[sflag:s17] =	ssyncadd.s32 $0xFFFFC000  }
0xdd: {  	[spmem:s2] =	stream.indirect.scatter.add.f32 [tilespmem:s29], [sflag:$0x8], $0x80, s11, s19, $0xb8;
	[tilespmem:$0x1EA00] =	vst v63  }
0xde: {  	_ = 	snop  }
0xdf: {  	[tilespmem:s15], [sflag:$0x5] =	stream.indirect.gather [hbm4b:s4+s19], $0x80, s3, s19, $0xb8;
	[tilespmem:$0x1EA00] =	vst v63  }
0xe0: {  	_ = 	snop  }
0xe1: {  	[tilespmem:s26], [sflag:$0x3] =	stream.linear.gather [hbm4b:s23+s3], $0x80, $0x38;
	[tilespmem:$0x1EA00] =	vst v63  }
0xe2: {  	_ =	swait.ge [sflag:s14], $0x4000  }
0xe3: {  	[sflag:s14] =	ssyncset.done $0x0  }
0xe4: {  	[sflag:s14] =	ssyncadd.s32 $0xFFFFC000  }
0xe5: {  	_ =	swait.ge [sflag:s28], $0x80  }
0xe6: {  	[sflag:s28] =	ssyncset.done $0x0  }
0xe7: {  	[sflag:s28] =	ssyncadd.s32 $0xFFFFFF80  }
0xe8: {  	_ =	swait.ge [sflag:s18], $0x4000  }
0xe9: {  	[sflag:s18] =	ssyncset.done $0x0  }
0xea: {  	s12 =	simm.s32 $0x400;
	[sflag:s18] =	ssyncadd.s32 $0xFFFFC000  }
0xeb: {  	[spmem:s2] =	stream.indirect.scatter.add.f32 [tilespmem:s15], [sflag:$0x7], $0x80, s12, s19, $0xb8;
	[tilespmem:$0x1EA00] =	vst v63  }
0xec: {  	_ = 	snop  }
0xed: {  	[tilespmem:s29], [sflag:$0x6] =	stream.indirect.gather [hbm4b:s4+s19], $0x80, s19, s19, $0xb8;
	[tilespmem:$0x1EA00] =	vst v63  }
0xee: {  	_ = 	snop  }
0xef: {  	[tilespmem:s30], [sflag:$0x4] =	stream.linear.gather [hbm4b:s22+s3], $0x80, $0x38;
	[tilespmem:$0x1EA00] =	vst v63  }
0xf0: {  	_ =	swait.ge [sflag:s31], $0x4000  }
0xf1: {  	[sflag:s31] =	ssyncset.done $0x0  }
0xf2: {  	[sflag:s31] =	ssyncadd.s32 $0xFFFFC000  }
0xf3: {  	_ =	swait.ge [sflag:s1], $0x80  }
0xf4: {  	[sflag:s1] =	ssyncset.done $0x0  }
0xf5: {  	[sflag:s1] =	ssyncadd.s32 $0xFFFFFF80  }
0xf6: {  	_ =	swait.ge [sflag:s17], $0x4000  }
0xf7: {  	[sflag:s17] =	ssyncset.done $0x0  }
0xf8: {  	s16 =	simm.s32 $0x480;
	[sflag:s17] =	ssyncadd.s32 $0xFFFFC000  }
0xf9: {  	[spmem:s2] =	stream.indirect.scatter.add.f32 [tilespmem:s29], [sflag:$0x8], $0x80, s16, s19, $0xb8;
	[tilespmem:$0x1EA00] =	vst v63  }
0xfa: {  	_ = 	snop  }
0xfb: {  	[tilespmem:s15], [sflag:$0x5] =	stream.indirect.gather [hbm4b:s4+s19], $0x80, s26, s19, $0xb8;
	[tilespmem:$0x1EA00] =	vst v63  }
0xfc: {  	_ = 	snop  }
0xfd: {  	[tilespmem:s3], [sflag:$0x1] =	stream.linear.gather [hbm4b:s21+s3], $0x80, $0x38;
	[tilespmem:$0x1EA00] =	vst v63  }
0xfe: {  	_ =	swait.ge [sflag:s14], $0x4000  }
0xff: {  	[sflag:s14] =	ssyncset.done $0x0  }
0x100: {  	[sflag:s14] =	ssyncadd.s32 $0xFFFFC000  }
0x101: {  	_ =	swait.ge [sflag:s0], $0x80  }
0x102: {  	[sflag:s0] =	ssyncset.done $0x0  }
0x103: {  	[sflag:s0] =	ssyncadd.s32 $0xFFFFFF80  }
0x104: {  	_ =	swait.ge [sflag:s18], $0x4000  }
0x105: {  	[sflag:s18] =	ssyncset.done $0x0  }
0x106: {  	s20 =	simm.s32 $0x500;
	[sflag:s18] =	ssyncadd.s32 $0xFFFFC000  }
0x107: {  	[spmem:s2] =	stream.indirect.scatter.add.f32 [tilespmem:s15], [sflag:$0x7], $0x80, s20, s19, $0xb8;
	[tilespmem:$0x1EA00] =	vst v63  }
0x108: {  	s8 =	simm.s32 $0x800;
	s9 =	sadd.s32 $0x40, s23;
	s20 =	rddreg [dreg:$0x10]  }
0x109: {  	s11 =	sadd.s32 $0x40, s21;
	s12 =	sadd.s32 $0x40, s22;
	s10 =	sadd.s32 $0x40, s20  }
0x10a: {  	[tilespmem:s29], [sflag:$0x6] =	stream.indirect.gather [hbm4b:s4+s19], $0x80, s30, s19, $0xb8;
	[tilespmem:$0x1EA00] =	vst v63  }
.LBB2_4:
0x10b: {  	[tilespmem:s19], [sflag:$0x2] =	stream.linear.gather [hbm4b:s20+s3], $0x80, $0x38;
	[tilespmem:$0x1EA00] =	vst v63  }
0x10c: {  	s6 =	smov.u32 s8;
	s20 =	smov.u32 s10  }
0x10d: {  	p0 =	sne.s32 s8, $0x8800;
	s8 =	sadd.s32 $0x800, s8;
	_ =	swait.ge [sflag:s31], $0x4000  }
0x10e: {  	[sflag:s31] =	ssyncset.done $0x0  }
0x10f: {  	[sflag:s31] =	ssyncadd.s32 $0xFFFFC000  }
0x110: {  	_ =	swait.ge [sflag:s24], $0x80  }
0x111: {  	[sflag:s24] =	ssyncset.done $0x0  }
0x112: {  	[sflag:s24] =	ssyncadd.s32 $0xFFFFFF80  }
0x113: {  	_ =	swait.ge [sflag:s17], $0x4000  }
0x114: {  	s6 =	sshra.s32 s6, $0x2;
	[sflag:s17] =	ssyncset.done $0x0  }
0x115: {  	s16 =	sadd.s32 $0x380, s6;
	[sflag:s17] =	ssyncadd.s32 $0xFFFFC000  }
0x116: {  	[spmem:s2] =	stream.indirect.scatter.add.f32 [tilespmem:s29], [sflag:$0x8], $0x80, s16, s19, $0xb8;
	[tilespmem:$0x1EA00] =	vst v63  }
0x117: {  	_ = 	snop  }
0x118: {  	[tilespmem:s15], [sflag:$0x5] =	stream.indirect.gather [hbm4b:s4+s19], $0x80, s3, s19, $0xb8;
	[tilespmem:$0x1EA00] =	vst v63  }
0x119: {  	_ = 	snop  }
0x11a: {  	[tilespmem:s26], [sflag:$0x3] =	stream.linear.gather [hbm4b:s9+s3], $0x80, $0x38;
	[tilespmem:$0x1EA00] =	vst v63  }
0x11b: {  	_ =	swait.ge [sflag:s14], $0x4000  }
0x11c: {  	[sflag:s14] =	ssyncset.done $0x0  }
0x11d: {  	[sflag:s14] =	ssyncadd.s32 $0xFFFFC000  }
0x11e: {  	_ =	swait.ge [sflag:s28], $0x80  }
0x11f: {  	[sflag:s28] =	ssyncset.done $0x0  }
0x120: {  	[sflag:s28] =	ssyncadd.s32 $0xFFFFFF80  }
0x121: {  	_ =	swait.ge [sflag:s18], $0x4000  }
0x122: {  	[sflag:s18] =	ssyncset.done $0x0  }
0x123: {  	s16 =	sadd.s32 $0x400, s6;
	[sflag:s18] =	ssyncadd.s32 $0xFFFFC000  }
0x124: {  	[spmem:s2] =	stream.indirect.scatter.add.f32 [tilespmem:s15], [sflag:$0x7], $0x80, s16, s19, $0xb8;
	[tilespmem:$0x1EA00] =	vst v63  }
0x125: {  	_ = 	snop  }
0x126: {  	[tilespmem:s29], [sflag:$0x6] =	stream.indirect.gather [hbm4b:s4+s19], $0x80, s19, s19, $0xb8;
	[tilespmem:$0x1EA00] =	vst v63  }
0x127: {  	_ = 	snop  }
0x128: {  	[tilespmem:s30], [sflag:$0x4] =	stream.linear.gather [hbm4b:s12+s3], $0x80, $0x38;
	[tilespmem:$0x1EA00] =	vst v63  }
0x129: {  	_ =	swait.ge [sflag:s31], $0x4000  }
0x12a: {  	[sflag:s31] =	ssyncset.done $0x0  }
0x12b: {  	[sflag:s31] =	ssyncadd.s32 $0xFFFFC000  }
0x12c: {  	_ =	swait.ge [sflag:s1], $0x80  }
0x12d: {  	[sflag:s1] =	ssyncset.done $0x0  }
0x12e: {  	[sflag:s1] =	ssyncadd.s32 $0xFFFFFF80  }
0x12f: {  	_ =	swait.ge [sflag:s17], $0x4000  }
0x130: {  	[sflag:s17] =	ssyncset.done $0x0  }
0x131: {  	s16 =	sadd.s32 $0x480, s6;
	[sflag:s17] =	ssyncadd.s32 $0xFFFFC000  }
0x132: {  	[spmem:s2] =	stream.indirect.scatter.add.f32 [tilespmem:s29], [sflag:$0x8], $0x80, s16, s19, $0xb8;
	[tilespmem:$0x1EA00] =	vst v63  }
0x133: {  	_ = 	snop  }
0x134: {  	[tilespmem:s15], [sflag:$0x5] =	stream.indirect.gather [hbm4b:s4+s19], $0x80, s26, s19, $0xb8;
	[tilespmem:$0x1EA00] =	vst v63  }
0x135: {  	_ = 	snop  }
0x136: {  	[tilespmem:s3], [sflag:$0x1] =	stream.linear.gather [hbm4b:s11+s3], $0x80, $0x38;
	[tilespmem:$0x1EA00] =	vst v63  }
0x137: {  	_ =	swait.ge [sflag:s14], $0x4000  }
0x138: {  	[sflag:s14] =	ssyncset.done $0x0  }
0x139: {  	[sflag:s14] =	ssyncadd.s32 $0xFFFFC000  }
0x13a: {  	_ =	swait.ge [sflag:s0], $0x80  }
0x13b: {  	[sflag:s0] =	ssyncset.done $0x0  }
0x13c: {  	[sflag:s0] =	ssyncadd.s32 $0xFFFFFF80  }
0x13d: {  	_ =	swait.ge [sflag:s18], $0x4000  }
0x13e: {  	[sflag:s18] =	ssyncset.done $0x0  }
.Ltmp1:
0x13f: {  	s6 =	sadd.s32 $0x500, s6;
	[sflag:s18] =	ssyncadd.s32 $0xFFFFC000;
	(pc) =	sbr.rel @p0 .LBB2_4-.Ltmp1, $4  }
0x140: {  	[spmem:s2] =	stream.indirect.scatter.add.f32 [tilespmem:s15], [sflag:$0x7], $0x80, s6, s19, $0xb8;
	[tilespmem:$0x1EA00] =	vst v63  }
0x141: {  	s9 =	sadd.s32 $0x40, s9  }
0x142: {  	[tilespmem:s29], [sflag:$0x6] =	stream.indirect.gather [hbm4b:s4+s19], $0x80, s30, s19, $0xb8;
	[tilespmem:$0x1EA00] =	vst v63  }
0x143: {  	s10 =	sadd.s32 $0x40, s10;
	s12 =	sadd.s32 $0x40, s12;
	s11 =	sadd.s32 $0x40, s11  }
0x144: {  	[tilespmem:s19], [sflag:$0x2] =	stream.linear.gather [hbm4b:s20+s3], $0x80, $0x38;
	[tilespmem:$0x1EA00] =	vst v63  }
0x145: {  	_ =	swait.ge [sflag:s31], $0x4000  }
0x146: {  	[sflag:s31] =	ssyncset.done $0x0  }
0x147: {  	[sflag:s31] =	ssyncadd.s32 $0xFFFFC000  }
0x148: {  	_ =	swait.ge [sflag:s24], $0x80  }
0x149: {  	[sflag:s24] =	ssyncset.done $0x0  }
0x14a: {  	[sflag:s24] =	ssyncadd.s32 $0xFFFFFF80  }
0x14b: {  	_ =	swait.ge [sflag:s17], $0x4000  }
0x14c: {  	[sflag:s17] =	ssyncset.done $0x0  }
0x14d: {  	s6 =	simm.s32 $0x2780;
	[sflag:s17] =	ssyncadd.s32 $0xFFFFC000  }
0x14e: {  	[spmem:s2] =	stream.indirect.scatter.add.f32 [tilespmem:s29], [sflag:$0x8], $0x80, s6, s19, $0xb8;
	[tilespmem:$0x1EA00] =	vst v63  }
0x14f: {  	s20 =	simm.s32 $0x0  }
0x150: {  	[tilespmem:s15], [sflag:$0x5] =	stream.indirect.gather [hbm4b:s4+s19], $0x80, s20, s19, $0xb8;
	[tilespmem:$0x1EA00] =	vst v63  }
0x151: {  	s8 =	rddreg [dreg:$0xa]  }
0x152: {  	[tilespmem:s26], [sflag:$0x3] =	stream.linear.gather [hbm4b:s8+s20], $0x80, $0x38;
	[tilespmem:$0x1EA00] =	vst v63  }
0x153: {  	_ =	swait.ge [sflag:s14], $0x4000  }
0x154: {  	[sflag:s14] =	ssyncset.done $0x0  }
0x155: {  	[sflag:s14] =	ssyncadd.s32 $0xFFFFC000  }
0x156: {  	_ =	swait.ge [sflag:s28], $0x80  }
0x157: {  	[sflag:s28] =	ssyncset.done $0x0  }
0x158: {  	[sflag:s28] =	ssyncadd.s32 $0xFFFFFF80  }
0x159: {  	_ =	swait.ge [sflag:s18], $0x4000  }
0x15a: {  	[sflag:s18] =	ssyncset.done $0x0  }
0x15b: {  	s9 =	simm.s32 $0x2800;
	[sflag:s18] =	ssyncadd.s32 $0xFFFFC000  }
0x15c: {  	[spmem:s2] =	stream.indirect.scatter.add.f32 [tilespmem:s15], [sflag:$0x7], $0x80, s9, s19, $0xb8;
	[tilespmem:$0x1EA00] =	vst v63  }
0x15d: {  	_ = 	snop  }
0x15e: {  	[tilespmem:s29], [sflag:$0x6] =	stream.indirect.gather [hbm4b:s4+s19], $0x80, s19, s19, $0xb8;
	[tilespmem:$0x1EA00] =	vst v63  }
0x15f: {  	s10 =	rddreg [dreg:$0xb]  }
0x160: {  	[tilespmem:s30], [sflag:$0x4] =	stream.linear.gather [hbm4b:s10+s20], $0x80, $0x38;
	[tilespmem:$0x1EA00] =	vst v63  }
0x161: {  	_ =	swait.ge [sflag:s31], $0x4000  }
0x162: {  	[sflag:s31] =	ssyncset.done $0x0  }
0x163: {  	[sflag:s31] =	ssyncadd.s32 $0xFFFFC000  }
0x164: {  	_ =	swait.ge [sflag:s1], $0x80  }
0x165: {  	[sflag:s1] =	ssyncset.done $0x0  }
0x166: {  	[sflag:s1] =	ssyncadd.s32 $0xFFFFFF80  }
0x167: {  	_ =	swait.ge [sflag:s17], $0x4000  }
0x168: {  	[sflag:s17] =	ssyncset.done $0x0  }
0x169: {  	s11 =	simm.s32 $0x2880;
	[sflag:s17] =	ssyncadd.s32 $0xFFFFC000  }
0x16a: {  	[spmem:s2] =	stream.indirect.scatter.add.f32 [tilespmem:s29], [sflag:$0x8], $0x80, s11, s19, $0xb8;
	[tilespmem:$0x1EA00] =	vst v63  }
0x16b: {  	_ = 	snop  }
0x16c: {  	[tilespmem:s15], [sflag:$0x5] =	stream.indirect.gather [hbm4b:s4+s19], $0x80, s26, s19, $0xb8;
	[tilespmem:$0x1EA00] =	vst v63  }
0x16d: {  	_ =	swait.ge [sflag:s14], $0x4000  }
0x16e: {  	[sflag:s14] =	ssyncset.done $0x0  }
0x16f: {  	[sflag:s14] =	ssyncadd.s32 $0xFFFFC000  }
0x170: {  	_ =	swait.ge [sflag:s0], $0x80  }
0x171: {  	[sflag:s0] =	ssyncset.done $0x0  }
0x172: {  	[sflag:s0] =	ssyncadd.s32 $0xFFFFFF80  }
0x173: {  	_ =	swait.ge [sflag:s18], $0x4000  }
0x174: {  	[sflag:s18] =	ssyncset.done $0x0  }
0x175: {  	s12 =	simm.s32 $0x2900;
	[sflag:s18] =	ssyncadd.s32 $0xFFFFC000  }
0x176: {  	[spmem:s2] =	stream.indirect.scatter.add.f32 [tilespmem:s15], [sflag:$0x7], $0x80, s12, s19, $0xb8;
	[tilespmem:$0x1EA00] =	vst v63  }
0x177: {  	_ = 	snop  }
0x178: {  	[tilespmem:s29], [sflag:$0x6] =	stream.indirect.gather [hbm4b:s4+s19], $0x80, s30, s19, $0xb8;
	[tilespmem:$0x1EA00] =	vst v63  }
0x179: {  	_ =	swait.ge [sflag:s17], $0x4000  }
0x17a: {  	[sflag:s17] =	ssyncset.done $0x0  }
0x17b: {  	s16 =	simm.s32 $0x2980;
	[sflag:s17] =	ssyncadd.s32 $0xFFFFC000  }
0x17c: {  	[spmem:s2] =	stream.indirect.scatter.add.f32 [tilespmem:s29], [sflag:$0x8], $0x80, s16, s19, $0xb8;
	[tilespmem:$0x1EA00] =	vst v63  }
0x17d: {  	_ =	swait.ge [sflag:s31], $0x4000  }
0x17e: {  	[sflag:s31] =	ssyncset.done $0x0  }
0x17f: {  	[sflag:s31] =	ssyncadd.s32 $0xFFFFC000  }
0x180: {  	s6 =	simm.s32 $0x200;
	s20 =	stileid.u32;
	_ =	swait.ge [sflag:s14], $0x4000  }
0x181: {  	s9 =	smov.u32 s13;
	s8 =	sshll.u32 s20, $0x6;
	[sflag:s14] =	ssyncset.done $0x0  }
0x182: {  	s10 =	sadd.s32 $0x0, s25;
	s8 =	sor.u32 $0x1C05, s8;
	[sflag:s14] =	ssyncadd.s32 $0xFFFFC000  }
0x183: {  	s11 =	sshrl.u32 s7, $0x3;
	s12 =	smov.u32 s13;
	[bflag:$0x0] =	sbarrier.arrive $0xFFFF  }
.LBB2_6:
0x184: {  	[hbm:s10], [sflag:s8] =	dma.local [spmem:s11], $0x200  }
0x185: {  	s10 =	smov.u32 s6;
	s11 =	smov.u32 s9;
	p0 =	sne.s32 s6, $0x2600  }
.Ltmp2:
0x186: {  	s6 =	sadd.s32 $0x200, s6;
	(pc) =	sbr.rel @p0 .LBB2_6-.Ltmp2, $3  }
0x187: {  	_ =	sdelay $0x1  }
0x188: {  	s9 =	sadd.s32 $0x1000, s9  }
0x189: {  	s10 =	sadd.s32 s10, s25;
	s11 =	sshrl.u32 s11, $0x3  }
0x18a: {  	[hbm:s10], [sflag:s8] =	dma.local [spmem:s11], $0x200  }
0x18b: {  	_ =	swait.ge [sflag:s18], $0x200  }
0x18c: {  	[sflag:s18] =	ssyncset.done $0x0  }
0x18d: {  	[sflag:s18] =	ssyncadd.s32 $0xFFFFFE00  }
0x18e: {  	_ =	swait.ge [sflag:s18], $0x200  }
0x18f: {  	[sflag:s18] =	ssyncset.done $0x0  }
0x190: {  	[sflag:s18] =	ssyncadd.s32 $0xFFFFFE00  }
0x191: {  	_ =	swait.ge [sflag:s18], $0x200  }
0x192: {  	[sflag:s18] =	ssyncset.done $0x0  }
0x193: {  	[sflag:s18] =	ssyncadd.s32 $0xFFFFFE00  }
0x194: {  	_ =	swait.ge [sflag:s18], $0x200  }
0x195: {  	[sflag:s18] =	ssyncset.done $0x0  }
0x196: {  	[sflag:s18] =	ssyncadd.s32 $0xFFFFFE00  }
0x197: {  	_ =	swait.ge [sflag:s18], $0x200  }
0x198: {  	[sflag:s18] =	ssyncset.done $0x0  }
0x199: {  	[sflag:s18] =	ssyncadd.s32 $0xFFFFFE00  }
0x19a: {  	_ =	swait.ge [sflag:s18], $0x200  }
0x19b: {  	[sflag:s18] =	ssyncset.done $0x0  }
0x19c: {  	[sflag:s18] =	ssyncadd.s32 $0xFFFFFE00  }
0x19d: {  	_ =	swait.ge [sflag:s18], $0x200  }
0x19e: {  	[sflag:s18] =	ssyncset.done $0x0  }
0x19f: {  	[sflag:s18] =	ssyncadd.s32 $0xFFFFFE00  }
0x1a0: {  	_ =	swait.ge [sflag:s18], $0x200  }
0x1a1: {  	[sflag:s18] =	ssyncset.done $0x0  }
0x1a2: {  	[sflag:s18] =	ssyncadd.s32 $0xFFFFFE00  }
0x1a3: {  	_ =	swait.ge [sflag:s18], $0x200  }
0x1a4: {  	[sflag:s18] =	ssyncset.done $0x0  }
0x1a5: {  	[sflag:s18] =	ssyncadd.s32 $0xFFFFFE00  }
0x1a6: {  	_ =	swait.ge [sflag:s18], $0x200  }
0x1a7: {  	[sflag:s18] =	ssyncset.done $0x0  }
0x1a8: {  	[sflag:s18] =	ssyncadd.s32 $0xFFFFFE00  }
0x1a9: {  	_ =	swait.ge [sflag:s18], $0x200  }
0x1aa: {  	[sflag:s18] =	ssyncset.done $0x0  }
0x1ab: {  	[sflag:s18] =	ssyncadd.s32 $0xFFFFFE00  }
0x1ac: {  	_ =	swait.ge [sflag:s18], $0x200  }
0x1ad: {  	[sflag:s18] =	ssyncset.done $0x0  }
0x1ae: {  	[sflag:s18] =	ssyncadd.s32 $0xFFFFFE00  }
0x1af: {  	_ =	swait.ge [sflag:s18], $0x200  }
0x1b0: {  	[sflag:s18] =	ssyncset.done $0x0  }
0x1b1: {  	[sflag:s18] =	ssyncadd.s32 $0xFFFFFE00  }
0x1b2: {  	_ =	swait.ge [sflag:s18], $0x200  }
0x1b3: {  	[sflag:s18] =	ssyncset.done $0x0  }
0x1b4: {  	[sflag:s18] =	ssyncadd.s32 $0xFFFFFE00  }
0x1b5: {  	_ =	swait.ge [sflag:s18], $0x200  }
0x1b6: {  	[sflag:s18] =	ssyncset.done $0x0  }
0x1b7: {  	[sflag:s18] =	ssyncadd.s32 $0xFFFFFE00  }
0x1b8: {  	_ =	swait.ge [sflag:s18], $0x200  }
0x1b9: {  	[sflag:s18] =	ssyncset.done $0x0  }
0x1ba: {  	[sflag:s18] =	ssyncadd.s32 $0xFFFFFE00  }
0x1bb: {  	_ =	swait.ge [sflag:s18], $0x200  }
0x1bc: {  	[sflag:s18] =	ssyncset.done $0x0  }
0x1bd: {  	[sflag:s18] =	ssyncadd.s32 $0xFFFFFE00  }
0x1be: {  	_ =	swait.ge [sflag:s18], $0x200  }
0x1bf: {  	[sflag:s18] =	ssyncset.done $0x0  }
0x1c0: {  	[sflag:s18] =	ssyncadd.s32 $0xFFFFFE00  }
0x1c1: {  	_ =	swait.ge [sflag:s18], $0x200  }
0x1c2: {  	[sflag:s18] =	ssyncset.done $0x0  }
0x1c3: {  	[sflag:s18] =	ssyncadd.s32 $0xFFFFFE00  }
0x1c4: {  	_ =	swait.ge [sflag:s18], $0x200  }
0x1c5: {  	s5 =	sadd.s32 $0x1, s5;
	s6 =	rddreg [dreg:$0xc]  }
0x1c6: {  	p0 =	sne.s32 s5, s6  }
.Ltmp3:
0x1c7: {  	_ = 	snop;
	(pc) =	sbr.rel @p0 .LBB2_1-.Ltmp3, $3  }
0x1c8: {  	_ =	sdelay $0x1  }
0x1c9: {  	[sflag:s18] =	ssyncset.done $0x0  }
0x1ca: {  	s9 =	simm.s32 $0x200;
	[sflag:s18] =	ssyncadd.s32 $0xFFFFFE00  }
0x1cb: {  	_ =	sfence.sel $0x180000  }
0x1cc: {  	[bflag:$0x0] =	sbarrier.arrive $0xFFFF  }
0x1cd: {  	_ =	strace $0x90000050  }
0x1ce: {  	s0 =	stileid.u32;
	[bflag:$0x2] =	sbarrier.arrive $0xFFFF  }
0x1cf: {  	p0 =	sne.s32 s0, $0x0;
	s0 =	rddreg [dreg:$0x2]  }
0x1d0: {  	s0 =	sadd.s32 @!p0 $0x100000, s0  }
0x1d1: {  	[sflag:s0] =	ssyncadd.tile.s32 @!p0 $0x1;
	_ =	shalt  }
.Lfunc_end2:
_tile_overlayer_lowered:
.L_overlay_start_2:
0x1d2: {  	(tag) =	ssettag $0x2  }
0x1d3: {  	s0 =	rddreg [dreg:$0x0];
	s2 =	stileid.u32  }
0x1d4: {  	s1 =	rddreg [dreg:$0x1];
	p0 =	sne.s32 s2, $0x0  }
0x1d5: {  	s3 =	rddreg [dreg:$0x2];
	[bflag:$0x3] =	sbarrier.arrive $0xFFFF;
	s2 =	simm.s32 @!p0 $0x1C09  }
0x1d6: {  	[timem:s3], [sflag:s2] =	dma.local @!p0 [hbm:s0], s1  }
0x1d7: {  	s0 =	simm.s32 @!p0 $0x9  }
0x1d8: {  	_ =	swait.ge @!p0 [sflag:s0], s1  }
0x1d9: {  	s1 =	ssub.s32 @!p0 $0x0, s1;
	[sflag:s0] =	ssyncset.done @!p0 $0x0  }
0x1da: {  	[sflag:s0] =	ssyncadd.s32 @!p0 s1  }
0x1db: {  	[bflag:$0x3] =	sbarrier.arrive $0xFFFF  }
0x1dc: {  	_ =	shalt  }

// kernel: kernel.9.cloned.1.call-start
scs
__scs_entry_jumppad:
0x0: {  	(pc) =	sbr.rel $0x88, $3  }
0x1: {  	(tag) =	ssettag $0x0;
	lr =	simm.s32 $0x1  }
0x2: {  	[smem:$0x3F95] =	sst lr;
	_ =	strace $0xD0000000  }
0x3: {  	_ = 	snop  }
0x4: {  	_ = 	snop  }
0x5: {  	_ = 	snop  }
0x6: {  	_ = 	snop  }
0x7: {  	_ = 	snop  }
__scs_overlays_trampoline_lowered:
0x8: {  	[smem:$0x3FA4] =	sst s0  }
0x9: {  	[smem:$0x3FA5] =	sst s1  }
0xa: {  	[smem:$0x3FA6] =	sst s2  }
0xb: {  	[smem:$0x3FA7] =	sst s3  }
0xc: {  	[smem:$0x3FA8] =	sst s4  }
0xd: {  	[smem:$0x3FA9] =	sst s5  }
0xe: {  	[smem:$0x3FAA] =	sst s6  }
0xf: {  	[smem:$0x3FAB] =	sst s7  }
0x10: {  	[smem:$0x3FAC] =	sst s8  }
0x11: {  	[smem:$0x3FAD] =	sst s9;
	s0 =	simm.s32 @!p0 $0x0  }
0x12: {  	s1 =	sld [smem:$0x3F93];
	s0 =	simm.s32 @p0 $0x1  }
0x13: {  	[smem:$0x3FAE] =	sst s0;
	s0 =	simm.s32 @!p1 $0x0  }
0x14: {  	s2 =	sld [smem:$0x3F92];
	s0 =	simm.s32 @p1 $0x1  }
0x15: {  	[smem:$0x3FAF] =	sst s0;
	s0 =	simm.s32 @!p2 $0x0  }
0x16: {  	s3 =	sld [smem:$0x3FDB];
	s0 =	simm.s32 @p2 $0x1  }
0x17: {  	s4 =	simm.s32 $0x1BF5;
	[smem:$0x3FB1] =	sst s0  }
0x18: {  	s0 =	sld [smem:$0x3F94];
	_ =	swait.ge [sflag:s4], $0x0  }
0x19: {  	s7 =	sld [smem:$0x3F95]  }
0x1a: {  	s8 =	sadd.s32 $0xFFFFE003, lr  }
0x1b: {  	s9 =	sadd.s32 $0xFFFFFEF7, lr;
	s5 =	simm.s32 $0xFFFFFFFF;
	p2 =	slt.u32 s8, $0xFFFFF086  }
0x1c: {  	p1 =	slt.u32 s9, $0xF7A;
	s5 =	simm.s32 @!p2 $0x0  }
0x1d: {  	s5 =	simm.s32 @p1 $0x1;
	p0 =	seq.s32 s7, s2  }
0x1e: {  	s7 =	smul.u32 @!p0 $0xF7A, s2;
	p2 =	seq.s32 @!p0 s5, $0x0  }
0x1f: {  	s9 =	smul.u32 $0xF7A, s1;
	s8 =	simm.s32 @!p0 $0x1BF5;
	p2 =	por !p2, p0  }
0x20: {  	[sflag:s8] =	ssyncset.s32 @!p0 $0xFFFFF086;
	s6 =	sadd.s32 @!p0 s3, s7;
	s7 =	simm.s32 @!p0 $0x108  }
0x21: {  	s3 =	sadd.s32 s3, s9;
	s6 =	sadd.s32 @!p0 $0x88, s6;
	s7 =	simm.s32 @p2 $0x1082  }
0x22: {  	[simem:s7], [sflag:s8] =	dma.local @!p0 [hbm:s6], $0xF7A  }
0x23: {  	s9 =	sor.u32 $0xD0000000, s2;
	s6 =	simm.s32 $0x108;
	_ =	swait.ge @!p0 [sflag:s8], $0x0  }
0x24: {  	s3 =	sadd.s32 $0x88, s3;
	s6 =	simm.s32 @!p1 $0x1082;
	[sflag:s4] =	ssyncset.s32 $0xFFFFF086  }
0x25: {  	[simem:s6], [sflag:s4] =	dma.local [hbm:s3], $0xF7A  }
0x26: {  	[smem:$0x3F95] =	sst s1;
	(tag) =	ssettag s2;
	_ =	strace s9  }
0x27: {  	s1 =	sld [smem:$0x3FA5]  }
0x28: {  	s2 =	sld [smem:$0x3FA6]  }
0x29: {  	s4 =	sld [smem:$0x3FA8]  }
0x2a: {  	p0 =	seq.s32 s5, $0x0;
	s5 =	sld [smem:$0x3FA9]  }
0x2b: {  	s6 =	sld [smem:$0x3FAA]  }
0x2c: {  	s7 =	sld [smem:$0x3FAB]  }
0x2d: {  	s3 =	simm.s32 $0x108;
	s8 =	sld [smem:$0x3FAC]  }
0x2e: {  	s3 =	simm.s32 @!p0 $0x1082;
	s9 =	sld [smem:$0x3FAD]  }
0x2f: {  	lr =	sadd.s32 s0, s3;
	s0 =	sld [smem:$0x3FA4]  }
0x30: {  	s3 =	sld [smem:$0x3FA7]  }
0x31: {  	[smem:$0x3FB0] =	sst s10  }
0x32: {  	s10 =	sld [smem:$0x3FAE];
	_ =	sdelay $0x3  }
0x33: {  	p0 =	seq.s32 s10, $0x1;
	s10 =	sld [smem:$0x3FB0];
	_ =	sdelay $0x3  }
0x34: {  	[smem:$0x3FB0] =	sst s10  }
0x35: {  	s10 =	sld [smem:$0x3FAF];
	_ =	sdelay $0x3  }
0x36: {  	p1 =	seq.s32 s10, $0x1;
	s10 =	sld [smem:$0x3FB0];
	_ =	sdelay $0x3  }
0x37: {  	[smem:$0x3FB0] =	sst s10  }
0x38: {  	s10 =	sld [smem:$0x3FB1]  }
0x39: {  	_ = 	snop;
	(pc) =	sbr.ind lr, $3  }
0x3a: {  	_ = 	snop  }
0x3b: {  	_ = 	snop  }
0x3c: {  	p2 =	seq.s32 s10, $0x1;
	s10 =	sld [smem:$0x3FB0]  }
0x3d: {  	_ =	shalt  }
0x3e: {  	_ =	shalt  }
0x3f: {  	_ =	shalt  }
0x40: {  	_ =	shalt  }
0x41: {  	_ =	shalt  }
0x42: {  	_ =	shalt  }
0x43: {  	_ =	shalt  }
0x44: {  	_ =	shalt  }
0x45: {  	_ =	shalt  }
0x46: {  	_ =	shalt  }
0x47: {  	_ =	shalt  }
0x48: {  	_ =	shalt  }
0x49: {  	_ =	shalt  }
0x4a: {  	_ =	shalt  }
0x4b: {  	_ =	shalt  }
0x4c: {  	_ =	shalt  }
0x4d: {  	_ =	shalt  }
0x4e: {  	_ =	shalt  }
0x4f: {  	_ =	shalt  }
0x50: {  	_ =	shalt  }
0x51: {  	_ =	shalt  }
0x52: {  	_ =	shalt  }
0x53: {  	_ =	shalt  }
0x54: {  	_ =	shalt  }
0x55: {  	_ =	shalt  }
0x56: {  	_ =	shalt  }
0x57: {  	_ =	shalt  }
0x58: {  	_ =	shalt  }
0x59: {  	_ =	shalt  }
0x5a: {  	_ =	shalt  }
0x5b: {  	_ =	shalt  }
0x5c: {  	_ =	shalt  }
0x5d: {  	_ =	shalt  }
0x5e: {  	_ =	shalt  }
0x5f: {  	_ =	shalt  }
0x60: {  	_ =	shalt  }
0x61: {  	_ =	shalt  }
0x62: {  	_ =	shalt  }
0x63: {  	_ =	shalt  }
0x64: {  	_ =	shalt  }
0x65: {  	_ =	shalt  }
0x66: {  	_ =	shalt  }
0x67: {  	_ =	shalt  }
0x68: {  	_ =	shalt  }
0x69: {  	_ =	shalt  }
0x6a: {  	_ =	shalt  }
0x6b: {  	_ =	shalt  }
0x6c: {  	_ =	shalt  }
0x6d: {  	_ =	shalt  }
0x6e: {  	_ =	shalt  }
0x6f: {  	_ =	shalt  }
0x70: {  	_ =	shalt  }
0x71: {  	_ =	shalt  }
0x72: {  	_ =	shalt  }
0x73: {  	_ =	shalt  }
0x74: {  	_ =	shalt  }
0x75: {  	_ =	shalt  }
0x76: {  	_ =	shalt  }
0x77: {  	_ =	shalt  }
0x78: {  	_ =	shalt  }
0x79: {  	_ =	shalt  }
0x7a: {  	_ =	shalt  }
0x7b: {  	_ =	shalt  }
0x7c: {  	_ =	shalt  }
0x7d: {  	_ =	shalt  }
0x7e: {  	_ =	shalt  }
0x7f: {  	_ =	shalt  }
0x80: {  	_ =	shalt  }
0x81: {  	_ =	shalt  }
0x82: {  	_ =	shalt  }
0x83: {  	_ =	shalt  }
0x84: {  	_ =	shalt  }
0x85: {  	_ =	shalt  }
0x86: {  	_ =	shalt  }
0x87: {  	_ =	shalt  }
.Lfunc_end0:
.L_simem_size_0:
called_computation_lowered:
.L_overlay_start_0:
0x88: {  	s2 =	sld [smem:$0x3FD9]  }
0x89: {  	s3 =	sld [smem:$0x3FFE];
	_ =	sdelay $0x1  }
0x8a: {  	s1 =	srdreg.scid  }
0x8b: {  	s0 =	sand.u32 $0x1, s1  }
0x8c: {  	s16 =	sshll.u32 s0, $0xA;
	s2 =	sadd.s32 s3, s2  }
0x8d: {  	s2 =	sadd.s32 s2, s16  }
0x8e: {  	[smem:$0x3FBC] =	sst s2  }
0x8f: {  	_ = 	snop  }
0x90: {  	(tm) =	ssettm $0x1  }
0x91: {  	s17 =	sld [smem:$0x3FFB];
	_ =	sdelay $0x3  }
0x92: {  	_ =	strace s17  }
0x93: {  	s2 =	sld [smem:$0x3FFC];
	_ =	sdelay $0x3  }
0x94: {  	_ =	strace s2  }
0x95: {  	s2 =	sld [smem:$0x3FFD];
	_ =	sdelay $0x3  }
0x96: {  	_ =	strace s2  }
0x97: {  	_ =	strace $0x8FFFFFFF  }
0x98: {  	s18 =	sld [smem:$0x3FDB];
	_ =	sdelay $0x1  }
0x99: {  	s19 =	simm.s32 $_scs_section_size  }
0x9a: {  	s4 =	simm.s32 $_size__tile_overlayer_lowered;
	s5 =	simm.s32 $_tile_overlayer_lowered  }
0x9b: {  	s22 =	simm.s32 $0x1BFF;
	s21 =	sshll.u32 s5, $0x1;
	s2 =	sadd.s32 s19, s18  }
0x9c: {  	s6 =	simm.s32 $0x0;
	s20 =	sshll.u32 s4, $0x1;
	s4 =	sadd.s32 s21, s2  }
0x9d: {  	[timem:s6], [sflag:s22] =	dma.local [hbm:s4], s20  }
0x9e: {  	_ =	swait.ge [sflag:s22], s20  }
0x9f: {  	s3 =	ssub.s32 $0x0, s20;
	[sflag:s22] =	ssyncset.done $0x0  }
0xa0: {  	[sflag:s22] =	ssyncadd.s32 s3;
	_ =	sdelay $0x1  }
0xa1: {  	s23 =	simm.s32 $0x1B8B  }
0xa2: {  	_ =	swait.ge [sflag:s23], $0x1  }
0xa3: {  	[sflag:s23] =	ssyncset.done $0x0  }
0xa4: {  	s25 =	simm.s32 $0x1B8E;
	s24 =	sld [smem:$0x3FFE];
	[sflag:s23] =	ssyncadd.s32 $0xFFFFFFFF  }
0xa5: {  	s26 =	simm.s32 $execute0_lowered;
	[smem:$0x3FD2] =	sst s25  }
0xa6: {  	s4 =	sshll.u32 s26, $0x1;
	_ =	strace $0x80000046;
	[dreg:$0x1] =	wrdreg $0xFFFFFFFF  }
0xa7: {  	s28 =	simm.s32 $_size_execute0_lowered;
	s2 =	sadd.s32 s2, s4;
	[dreg:$0x0] =	wrdreg $0x0  }
0xa8: {  	s4 =	sshll.u32 s28, $0x1;
	[dreg:$0x2] =	wrdreg s2  }
0xa9: {  	[dreg:$0x3] =	wrdreg s4  }
0xaa: {  	[dreg:$0x4] =	wrdreg $0xC0  }
0xab: {  	_ =	task [dreg:s6], $0x5FFFF  }
0xac: {  	[dreg:$0x1] =	wrdreg $0xFFFFFFFF  }
0xad: {  	[dreg:$0x0] =	wrdreg $0x60  }
0xae: {  	[dreg:$0x2] =	wrdreg s24  }
0xaf: {  	[dreg:$0x3] =	wrdreg $0x9  }
0xb0: {  	_ =	task.clear_ibuf [dreg:s6], $0x4FFFF;
	_ =	strace $0x90000046  }
0xb1: {  	s29 =	simm.s32 $0x9;
	_ =	strace $0x80000048  }
0xb2: {  	_ =	swait.ge [sflag:s29], $0x1  }
0xb3: {  	[sflag:s29] =	ssyncadd.s32 $0xFFFFFFFF  }
0xb4: {  	_ =	strace $0x90000048  }
0xb5: {  	_ =	sfence  }
0xb6: {  	s30 =	sld [smem:$0x0];
	_ =	sdelay $0x2  }
0xb7: {  	s31 =	sshll.u32 s1, $0xD;
	s1 =	sshrl.u32 s1, $0x2  }
0xb8: {  	s3 =	sand.u32 $0x4000, s31;
	s1 =	sadd.s32 s1, s30  }
0xb9: {  	s0 =	sor.u32 s3, s0;
	s1 =	sshll.u32 s1, $0x11  }
0xba: {  	s0 =	sor.u32 s1, s0  }
0xbb: {  	s0 =	sadd.s32 $0x8F2B, s0  }
0xbc: {  	[sflag:s0] =	ssyncadd.remote.s32 $0x1  }
0xbd: {  	_ =	sfence.sel $0xFFFF  }
0xbe: {  	[dreg:$0x0] =	wrdreg $0xFFFFFFFF;
	(pc) =	sbr.abs _section_cstart, $3  }
0xbf: {  	[dreg:$0x1] =	wrdreg $0xFFFFFFFF  }
0xc0: {  	_ =	task.clear_ibuf [dreg:s6], $0x2FFFF;
	_ =	strace $0x9FFFFFFF  }
0xc1: {  	(tm) =	ssettm $0x7FFFFFFF  }
tec
execute0_lowered:
.L_overlay_start_1:
0x0: {  	(tag) =	ssettag $0x1  }
0x1: {  	s1 =	srdreg.scid;
	s0 =	stileid.u32  }
0x2: {  	s4 =	rddreg [dreg:$0x0];
	s3 =	sand.u32 $0x1, s1;
	s30 =	sshll.u32 s0, $0x1  }
0x3: {  	s2 =	simm.s32 $0x0;
	s8 =	simm.s32 $0x0;
	s5 =	sor.u32 s3, s30  }
0x4: {  	s1 =	rddreg [dreg:$0x1];
	s3 =	ssub.s32 $0x2, s3;
	s6 =	smul.u32 $0x4E2, s5  }
0x5: {  	[smem:$0x7FF] =	sst s2;
	s5 =	smul.u32 $0x500, s5;
	s7 =	sshrl.u32 s3, $0x1  }
0x6: {  	_ =	strace $0x80000047;
	s31 =	ssub.s32 s3, s7;
	s7 =	simm.s32 $0x2780  }
0x7: {  	s6 =	sadd.s32 s6, s4;
	s4 =	sadd.s32 s5, s4;
	s5 =	smax.u32 s31, $0x1  }
0x8: {  	v0 =	vimm.f32 $0.0e+00;
	v1 =	vimm.f32 $1.000000000e+00;
	s3 =	sadd.s32 $0x3600, s6;
	s4 =	sadd.s32 $0x17200, s4;
	s6 =	simm.s32 $0x1  }
.LBB2_1:
0x9: {  	[tilespmem:s2], [sflag:$0x1] =	stream.linear.gather [hbm4b:s3+s2], $0x2710, $0x38;
	[tilespmem:$0x4F80] =	vst v63  }
0xa: {  	_ =	swait.ge [sflag:s6], $0x2710  }
0xb: {  	[sflag:s6] =	ssyncset.done $0x0  }
0xc: {  	s9 =	simm.s32 $0x0;
	[sflag:s6] =	ssyncadd.s32 $0xFFFFD8F0  }
.LBB2_2:
0xd: {  	p0 =	sne.s32 s9, $0x9FC0  }
.Ltmp0:
0xe: {  	_ = 	snop;
	(pc) =	sbr.rel @p0 .LBB2_2-.Ltmp0, $3  }
0xf: {  	_ =	sdelay $0x1  }
0x10: {  	s10 =	sshra.s32 s9, $0x2  }
0x11: {  	s9 =	sadd.s32 $0x40, s9;
	[tilespmem:s10+$0x2780] =	vst v0  }
0x12: {  	s10 =	simm.s32 $0x0;
	s9 =	simm.s32 $0x40  }
.LBB2_4:
0x13: {  	p0 =	sne.s32 s9, $0x9C00;
	v2 =	vld [tilespmem:s10+$0x0];
	_ =	sdelay $0x3  }
.Ltmp1:
0x14: {  	(pc) =	sbr.rel @p0 .LBB2_4-.Ltmp1, $2  }
0x15: {  	_ =	sdelay $0x2  }
0x16: {  	s10 =	sshra.s32 s9, $0x2;
	s9 =	sadd.s32 $0x40, s9;
	[tilespmem:v2+s7+$0x0] =	vst.idx.add.f32.msk $0xffff, v1  }
0x17: {  	v2 =	vld [tilespmem:s10+$0x0];
	_ =	sdelay $0x5  }
0x18: {  	s8 =	sadd.s32 $0x1, s8  }
0x19: {  	p0 =	sne.s32 s8, s5  }
.Ltmp2:
0x1a: {  	[tilespmem:v2+s7+$0x0] =	vst.idx.add.f32.msk $0xffff, v1;
	(pc) =	sbr.rel @p0 .LBB2_1-.Ltmp2, $4  }
0x1b: {  	[hbm4b:s4+s2] =	stream.linear.scatter [tilespmem:s7], [sflag:$0x1], $0x2800, $0x38;
	[tilespmem:$0x4F80] =	vst v63  }
0x1c: {  	_ =	swait.ge [sflag:s6], $0x2800  }
0x1d: {  	[sflag:s6] =	ssyncset.done $0x0  }
0x1e: {  	[sflag:s6] =	ssyncadd.s32 $0xFFFFD800  }
0x1f: {  	_ =	sfence.sel $0x180000  }
0x20: {  	[bflag:$0x0] =	sbarrier.arrive $0xFFFF  }
0x21: {  	p0 =	sne.s32 s0, $0x0;
	_ =	strace $0x90000047  }
0x22: {  	s0 =	sadd.s32 @!p0 $0x100000, s1;
	[bflag:$0x2] =	sbarrier.arrive $0xFFFF  }
0x23: {  	[sflag:s0] =	ssyncadd.tile.s32 @!p0 $0x1;
	_ =	shalt  }
.Lfunc_end2:
_tile_overlayer_lowered:
.L_overlay_start_2:
0x24: {  	(tag) =	ssettag $0x2  }
0x25: {  	s0 =	rddreg [dreg:$0x0];
	s2 =	stileid.u32  }
0x26: {  	s1 =	rddreg [dreg:$0x1];
	p0 =	sne.s32 s2, $0x0  }
0x27: {  	s3 =	rddreg [dreg:$0x2];
	[bflag:$0x3] =	sbarrier.arrive $0xFFFF;
	s2 =	simm.s32 @!p0 $0x1C01  }
0x28: {  	[timem:s3], [sflag:s2] =	dma.local @!p0 [hbm:s0], s1  }
0x29: {  	s0 =	simm.s32 @!p0 $0x1  }
0x2a: {  	_ =	swait.ge @!p0 [sflag:s0], s1  }
0x2b: {  	s1 =	ssub.s32 @!p0 $0x0, s1;
	[sflag:s0] =	ssyncset.done @!p0 $0x0  }
0x2c: {  	[sflag:s0] =	ssyncadd.s32 @!p0 s1  }
0x2d: {  	[bflag:$0x3] =	sbarrier.arrive $0xFFFF  }
0x2e: {  	_ =	shalt  }

</sc_bundles>
